<compile_context>
chip_gen: v7x
topology: tpu7x:2x2x1
jax: 0.10.2.dev20260603
libtpu: 0.0.44.dev20260713+nightly
codegen_flags: <defaults>
</compile_context>

<pallas_src>
import functools

import jax
import jax.numpy as jnp
from jax import lax
from jax.experimental import pallas as pl
from jax.experimental.pallas import tpu as pltpu
from jax.experimental.pallas import tpu_sc as plsc

NUM_USERS = 100000
NUM_ITEMS = 1000000
D = 64
B = 16384

NC = 2
NS = 16
NW = NC * NS
BPW = B // NW
CHUNK = 128
RANGE = NUM_ITEMS // NW
OCAP = 640
CW = 12
DEPTH = 4
WIN = CW * 128
NWIN = 21
CTILES = NUM_ITEMS // 128
LASTWINSTART = (CTILES - CW) * 128
TAILSTART = CTILES * 128
TAILW = NUM_ITEMS - TAILSTART
BLK = 512


def _body_item(uidx_hbm, iidx_hbm, itabT, utab2, part_out,
               win_v, tail_v, uch_v, uall_v, zb_v, acc_v,
               ii_v, uo_v, bo_v, ko_v, ord_v, blki_v, blku_v,
               offs_s, shared_v, sem, semw):
    core = lax.axis_index("c")
    sid = lax.axis_index("s")
    wid = sid * NC + core
    lo = wid * RANGE
    hi = lo + RANGE
    lo_c = lo // 128
    iota = lax.iota(jnp.int32, 16)
    zero = jnp.zeros((16,), jnp.float32)
    zeroi = jnp.zeros((16,), jnp.int32)

    def zout(g, carry):
        zb_v[pl.ds(g * 16, 16)] = zero
        return carry

    lax.fori_loop(0, (B // NS) // 16, zout, 0)
    pltpu.sync_copy(zb_v, shared_v.at[pl.ds(sid * (B // NS), B // NS)])
    plsc.subcore_barrier()

    def win_params(rw):
        w = lax.rem(rw, NWIN)
        r8 = (rw // NWIN) * 8
        serve = (lo_c + w * CW) * 128
        cst = pl.multiple_of(jnp.minimum(serve, LASTWINSTART), 128)
        return w, r8, serve, cst

    def start_win(rw):
        w, r8, serve, cst = win_params(rw)
        pltpu.async_copy(
            itabT.at[pl.ds(r8, 8), pl.ds(cst, WIN)],
            win_v.at[lax.rem(rw, DEPTH)], semw)

    def scan_fill(rnd):
        rlo = rnd * OCAP

        def zlists(g, carry):
            ii_v[pl.ds(g * 16, 16)] = zeroi
            uo_v[pl.ds(g * 16, 16)] = zeroi
            bo_v[g // 8, pl.ds((g % 8) * 16, 16)] = zeroi
            ko_v[g // 8, pl.ds((g % 8) * 16, 16)] = zeroi
            ord_v[pl.ds(g * 16, 16)] = zeroi
            return carry

        lax.fori_loop(0, OCAP // 16, zlists, 0)

        def start_blk(blk):
            pltpu.async_copy(
                iidx_hbm.at[pl.ds(blk * BLK, BLK)],
                blki_v.at[lax.rem(blk, 2)], sem)
            pltpu.async_copy(
                uidx_hbm.at[pl.ds(blk * BLK, BLK)],
                blku_v.at[lax.rem(blk, 2)], sem)

        start_blk(0)

        def blk_body(blk, tot):
            pltpu.make_async_copy(
                iidx_hbm.at[pl.ds(0, BLK)], blki_v.at[0], sem).wait()
            pltpu.make_async_copy(
                uidx_hbm.at[pl.ds(0, BLK)], blku_v.at[0], sem).wait()

            @pl.when(blk + 1 < B // BLK)
            def _():
                start_blk(blk + 1)

            bbuf = lax.rem(blk, 2)

            def step(s, tot):
                iv = blki_v[bbuf, pl.ds(s * 16, 16)]
                uv = blku_v[bbuf, pl.ds(s * 16, 16)]
                m = jnp.logical_and(iv >= lo, iv < hi)
                mi = m.astype(jnp.int32)
                rank = tot + plsc.cumsum(mi) - mi
                slot = rank - rlo
                keep = jnp.logical_and(
                    m, jnp.logical_and(slot >= 0, slot < OCAP))
                slot_c = jnp.clip(slot, 0, OCAP - 1)
                bvec = blk * BLK + s * 16 + iota
                plsc.store_scatter(ii_v, [slot_c], iv, mask=keep)
                plsc.store_scatter(uo_v, [slot_c], uv, mask=keep)
                plsc.store_scatter(
                    bo_v,
                    [jnp.right_shift(slot_c, 7),
                     jnp.bitwise_and(slot_c, 127)],
                    bvec, mask=keep)
                cnt = plsc.all_reduce_population_count(m)
                return tot + cnt

            return lax.fori_loop(0, BLK // 16, step, tot)

        tot = lax.fori_loop(0, B // BLK, blk_body, zeroi)
        return lax.reduce_max(tot, (0,))

    def process(total, rnd):
        cround = jnp.clip(total - rnd * OCAP, 0, OCAP)
        nch = (cround + CHUNK - 1) // CHUNK
        ngrp = (cround + 15) // 16
        cround_v = jnp.full((16,), cround, jnp.int32)

        def zacc(g, carry):
            acc_v[pl.ds(g * 16, 16)] = zero
            return carry

        lax.fori_loop(0, OCAP // 16, zacc, 0)

        def kg(g, carry):
            ko_v[g // 8, pl.ds((g % 8) * 16, 16)] = jnp.right_shift(
                uo_v[pl.ds(g * 16, 16)], 1)
            return carry

        lax.fori_loop(0, OCAP // 16, kg, 0)

        def chb(ch, carry):
            pltpu.async_copy(utab2.at[ko_v.at[ch]], uch_v, sem).wait()

            def grp(g, carry2):
                rows = g * 16 + iota
                uo = uo_v[pl.ds(ch * CHUNK + g * 16, 16)]
                uoff = jnp.left_shift(jnp.bitwise_and(uo, 1), 6)
                for d in range(D):
                    u = plsc.load_gather(uch_v, [rows, uoff + d])
                    plsc.store_scatter(
                        uall_v, [jnp.full((16,), d, jnp.int32),
                                 ch * CHUNK + rows],
                        jnp.maximum(u, 0.0))
                return carry2

            lax.fori_loop(0, 8, grp, 0)
            return carry

        lax.fori_loop(0, nch, chb, 0)

        def bktw(w, off_splat):
            offs_s[w] = lax.reduce_max(off_splat, (0,))
            clo = jnp.full((16,), w * CW, jnp.int32)
            chi = jnp.full((16,), (w + 1) * CW, jnp.int32)

            def bkt(g, tot):
                slots = g * 16 + iota
                iv = ii_v[pl.ds(g * 16, 16)]
                c_rel = jnp.right_shift(iv, 7) - lo_c
                m = jnp.logical_and(
                    jnp.logical_and(c_rel >= clo, c_rel < chi),
                    g * 16 + iota < cround_v)
                mi = m.astype(jnp.int32)
                rank = tot + plsc.cumsum(mi) - mi
                plsc.store_scatter(
                    ord_v, [jnp.clip(rank, 0, OCAP - 1)], slots, mask=m)
                return tot + plsc.all_reduce_population_count(m)

            return lax.fori_loop(0, ngrp, bkt, off_splat)

        off_splat = lax.fori_loop(0, NWIN, bktw, zeroi)
        offs_s[NWIN] = lax.reduce_max(off_splat, (0,))

        def rw_body(rw, carry):
            pltpu.make_async_copy(
                itabT.at[pl.ds(0, 8), pl.ds(0, WIN)],
                win_v.at[0], semw).wait()

            w, r8, serve, cst = win_params(rw)
            buf = lax.rem(rw, DEPTH)
            o_lo = offs_s[w]
            o_hi = offs_s[w + 1]
            glo = o_lo // 16
            ghi = (o_hi + 15) // 16
            olo = jnp.full((16,), o_lo, jnp.int32)
            ohi = jnp.full((16,), o_hi, jnp.int32)
            bufv = jnp.full((16,), buf, jnp.int32)
            servev = jnp.full((16,), serve, jnp.int32)
            cstv = jnp.full((16,), cst, jnp.int32)
            r8v = jnp.full((16,), r8, jnp.int32)

            def grp2(g, carry2):
                pos = g * 16 + iota
                slots = ord_v[pl.ds(g * 16, 16)]
                iv = plsc.load_gather(ii_v, [slots])
                icol = iv - cstv
                valid = jnp.logical_and(
                    jnp.logical_and(pos >= olo, pos < ohi),
                    jnp.logical_and(iv >= servev, icol < WIN))
                icl = jnp.clip(icol, 0, WIN - 1)
                a = zero
                for jj in range(8):
                    jv = jnp.full((16,), jj, jnp.int32)
                    v = plsc.load_gather(win_v, [bufv, jv, icl])
                    u = plsc.load_gather(uall_v, [r8v + jv, slots])
                    a = a + jnp.where(
                        valid, jnp.maximum(v, 0.0) * u, 0.0)
                prev = plsc.load_gather(acc_v, [slots])
                plsc.store_scatter(acc_v, [slots], prev + a, mask=valid)
                return carry2

            lax.fori_loop(glo, ghi, grp2, 0)

            @pl.when(rw + DEPTH < 8 * NWIN)
            def _():
                start_win(rw + DEPTH)

            return carry

        lax.fori_loop(0, 8 * NWIN, rw_body, 0)

        @pl.when(wid == NW - 1)
        def _():
            def tailr(r, carry):
                pltpu.sync_copy(
                    itabT.at[pl.ds(r * 8, 8), pl.ds(TAILSTART, TAILW)],
                    tail_v)
                r8v = jnp.full((16,), r * 8, jnp.int32)

                def grp3(g, carry2):
                    e0 = g * 16
                    iv = ii_v[pl.ds(e0, 16)]
                    icol = iv - TAILSTART
                    valid = jnp.logical_and(
                        jnp.logical_and(icol >= 0, icol < TAILW),
                        e0 + iota < cround_v)
                    icl = jnp.clip(icol, 0, TAILW - 1)
                    a = zero
                    for jj in range(8):
                        jv = jnp.full((16,), jj, jnp.int32)
                        v = plsc.load_gather(tail_v, [jv, icl])
                        u = plsc.load_gather(uall_v, [r8v + jv, e0 + iota])
                        a = a + jnp.where(
                            valid, jnp.maximum(v, 0.0) * u, 0.0)
                    acc_v[pl.ds(e0, 16)] = acc_v[pl.ds(e0, 16)] + a
                    return carry2

                lax.fori_loop(0, ngrp, grp3, 0)
                return carry

            lax.fori_loop(0, 8, tailr, 0)

        def sch(ch, carry):
            pltpu.sync_copy(
                acc_v.at[pl.ds(ch * CHUNK, CHUNK)],
                shared_v.at[bo_v.at[ch]], add=True)
            return carry

        lax.fori_loop(0, nch, sch, 0)

    def cond(state):
        rnd, total = state
        return rnd * OCAP < total

    def roundbody(state):
        rnd, _ = state
        for k in range(DEPTH):
            start_win(k)
        total = scan_fill(rnd)
        process(total, rnd)
        return rnd + 1, total

    lax.while_loop(cond, roundbody, (0, 1))

    plsc.subcore_barrier()
    pltpu.sync_copy(
        shared_v.at[pl.ds(sid * (B // NS), B // NS)],
        part_out.at[core, pl.ds(sid * (B // NS), B // NS)])


def _body_merge(part_hbm, out_hbm, a_v, b_v, f_v, sem):
    wid = lax.axis_index("s") * NC + lax.axis_index("c")
    base = wid * BPW
    pltpu.sync_copy(part_hbm.at[0, pl.ds(base, BPW)], a_v)
    pltpu.sync_copy(part_hbm.at[1, pl.ds(base, BPW)], b_v)

    def grp(g, carry):
        f_v[pl.ds(g * 16, 16)] = (
            a_v[pl.ds(g * 16, 16)] + b_v[pl.ds(g * 16, 16)])
        return carry

    lax.fori_loop(0, BPW // 16, grp, 0)
    pltpu.sync_copy(f_v, out_hbm.at[pl.ds(base, BPW)])


@functools.partial(jax.jit, static_argnums=())
def _run(uidx, iidx, user_table, item_table):
    mesh = plsc.VectorSubcoreMesh(core_axis_name="c", subcore_axis_name="s")
    cp = pltpu.CompilerParams(
        needs_layout_passes=False, use_tc_tiling_on_sc=True,
        disable_bounds_checks=True)

    utab2 = user_table.reshape(NUM_USERS // 2, 2 * D)
    itabT = item_table.T

    ki = pl.kernel(
        _body_item, mesh=mesh,
        out_type=jax.ShapeDtypeStruct((NC, B), jnp.float32),
        scratch_types=[
            pltpu.VMEM((DEPTH, 8, WIN), jnp.float32),
            pltpu.VMEM((8, TAILW), jnp.float32),
            pltpu.VMEM((CHUNK, 2 * D), jnp.float32),
            pltpu.VMEM((D, OCAP), jnp.float32),
            pltpu.VMEM((B // NS,), jnp.float32),
            pltpu.VMEM((OCAP,), jnp.float32),
            pltpu.VMEM((OCAP,), jnp.int32),
            pltpu.VMEM((OCAP,), jnp.int32),
            pltpu.VMEM((OCAP // CHUNK, CHUNK), jnp.int32),
            pltpu.VMEM((OCAP // CHUNK, CHUNK), jnp.int32),
            pltpu.VMEM((OCAP,), jnp.int32),
            pltpu.VMEM((2, BLK), jnp.int32),
            pltpu.VMEM((2, BLK), jnp.int32),
            pltpu.SMEM((NWIN + 1,), jnp.int32),
            pltpu.VMEM_SHARED((B,), jnp.float32),
            pltpu.SemaphoreType.DMA,
            pltpu.SemaphoreType.DMA,
        ],
        compiler_params=cp)
    part = ki(uidx, iidx, itabT, utab2)

    km = pl.kernel(
        _body_merge, mesh=mesh,
        out_type=jax.ShapeDtypeStruct((B,), jnp.float32),
        scratch_types=[
            pltpu.VMEM((BPW,), jnp.float32),
            pltpu.VMEM((BPW,), jnp.float32),
            pltpu.VMEM((BPW,), jnp.float32),
            pltpu.SemaphoreType.DMA,
        ],
        compiler_params=cp)
    return km(part)


def kernel(user_indices, item_indices, user_table, item_table):
    return _run(user_indices.astype(jnp.int32),
                item_indices.astype(jnp.int32),
                user_table, item_table)

# --- scband reference (transcript-rebuilt; emitter-appended) ---
"""Pipeline reference for scband-rec-model-24137716204111 (READ-ONLY COPY).

The authoritative reference and input builder live on the scoring server;
editing this copy changes nothing except your own understanding.
"""

import jax, jax.numpy as jnp
import numpy as np

NUM_USERS = 100000
NUM_ITEMS = 1000000
EMBED_DIM = 64
BATCH = 16384


def setup_inputs(seed: int = 0) -> dict:
    key = jax.random.key(seed)
    k1, k2, k3, k4 = jax.random.split(key, 4)
    user_indices = jax.random.randint(k1, (BATCH,), 0, NUM_USERS, dtype=jnp.int64 if jax.config.jax_enable_x64 else jnp.int32)
    item_indices = jax.random.randint(k2, (BATCH,), 0, NUM_ITEMS, dtype=jnp.int64 if jax.config.jax_enable_x64 else jnp.int32)
    # nn.Embedding weights initialized uniform_(0, 0.05)
    user_table = jax.random.uniform(k3, (NUM_USERS, EMBED_DIM), dtype=jnp.float32, minval=0.0, maxval=0.05)
    item_table = jax.random.uniform(k4, (NUM_ITEMS, EMBED_DIM), dtype=jnp.float32, minval=0.0, maxval=0.05)
    return {
        "user_indices": user_indices,
        "item_indices": item_indices,
        "user_table": user_table,
        "item_table": item_table,
    }


def reference(user_indices, item_indices, user_table, item_table):
    user_embedding = jnp.take(user_table, user_indices, axis=0)
    item_embedding = jnp.take(item_table, item_indices, axis=0)
    user_embedding = jax.nn.relu(user_embedding)
    item_embedding = jax.nn.relu(item_embedding)
    rating_predictions = jnp.sum(user_embedding * item_embedding, axis=1)
    return rating_predictions

if __name__ == "__main__":
    import jax
    _d = setup_inputs()
    print(jax.jit(kernel)(*tuple(_d.values())))

</pallas_src>

<mosaic_0001>
#map = affine_map<(d0, d1) -> (0)>
#map1 = affine_map<(d0, d1) -> (0, 0)>
module attributes {stable_mosaic.version = 14 : i64} {
  func.func @_body_item(%arg0: i32, %arg1: i32, %arg2: memref<16384xi32, #tpu.memory_space<hbm>>, %arg3: memref<16384xi32, #tpu.memory_space<hbm>>, %arg4: memref<64x1000000xf32, #tpu.memory_space<hbm>>, %arg5: memref<50000x128xf32, #tpu.memory_space<hbm>>, %arg6: memref<2x16384xf32, #tpu.memory_space<hbm>>, %arg7: memref<4x8x1536xf32, #tpu.memory_space<vmem>>, %arg8: memref<8x64xf32, #tpu.memory_space<vmem>>, %arg9: memref<128x128xf32, #tpu.memory_space<vmem>>, %arg10: memref<64x640xf32, #tpu.memory_space<vmem>>, %arg11: memref<1024xf32, #tpu.memory_space<vmem>>, %arg12: memref<640xf32, #tpu.memory_space<vmem>>, %arg13: memref<640xi32, #tpu.memory_space<vmem>>, %arg14: memref<640xi32, #tpu.memory_space<vmem>>, %arg15: memref<5x128xi32, #tpu.memory_space<vmem>>, %arg16: memref<5x128xi32, #tpu.memory_space<vmem>>, %arg17: memref<640xi32, #tpu.memory_space<vmem>>, %arg18: memref<2x512xi32, #tpu.memory_space<vmem>>, %arg19: memref<2x512xi32, #tpu.memory_space<vmem>>, %arg20: memref<22xi32, #tpu.memory_space<smem>>, %arg21: memref<16384xf32, #tpu.memory_space<vmem_shared>>, %arg22: memref<!tpu.dma_semaphore, #tpu.memory_space<semaphore_mem>>, %arg23: memref<!tpu.dma_semaphore, #tpu.memory_space<semaphore_mem>>) attributes {dimension_semantics = [#tpu.dimension_semantics<core_parallel>, #tpu.dimension_semantics<subcore_parallel>], iteration_bounds = array<i64: 2, 16>, scalar_prefetch = 0 : i64, scratch_operands = 17 : i64, tpu.core_type = #tpu.core_type<sc_vector_subcore>, window_params = [{transform_indices = #map}, {transform_indices = #map}, {transform_indices = #map1}, {transform_indices = #map1}, {transform_indices = #map1}]} {
    %mul3A = arith.constant 2 : i32
    %mul3A_0 = arith.muli %arg1, %mul3A : i32
    %add3A = arith.addi %mul3A_0, %arg0 : i32
    %mul3A_1 = arith.constant 31250 : i32
    %mul3A_2 = arith.muli %add3A, %mul3A_1 : i32
    %add3A_3 = arith.constant 31250 : i32
    %add3A_4 = arith.addi %mul3A_2, %add3A_3 : i32
    %jit3A = arith.constant 128 : i32
    %div3A = arith.divsi %mul3A_2, %jit3A : i32
    %sign3A = arith.constant 0 : i32
    %sign3A_5 = arith.cmpi sgt, %mul3A_2, %sign3A : i32
    %sign3A_6 = arith.extui %sign3A_5 : i1 to i32
    %sign3A_7 = arith.constant 0 : i32
    %sign3A_8 = arith.cmpi slt, %mul3A_2, %sign3A_7 : i32
    %sign3A_9 = arith.extui %sign3A_8 : i1 to i32
    %sign3A_10 = arith.subi %sign3A_6, %sign3A_9 : i32
    %sign3A_11 = arith.constant 0 : i32
    %sign3A_12 = arith.cmpi sgt, %jit3A, %sign3A_11 : i32
    %sign3A_13 = arith.extui %sign3A_12 : i1 to i32
    %sign3A_14 = arith.constant 0 : i32
    %sign3A_15 = arith.cmpi slt, %jit3A, %sign3A_14 : i32
    %sign3A_16 = arith.extui %sign3A_15 : i1 to i32
    %sign3A_17 = arith.subi %sign3A_13, %sign3A_16 : i32
    %ne3A = arith.cmpi ne, %sign3A_10, %sign3A_17 : i32
    %rem3A = arith.remsi %mul3A_2, %jit3A : i32
    %ne3A_18 = arith.constant 0 : i32
    %ne3A_19 = arith.cmpi ne, %rem3A, %ne3A_18 : i32
    %and3A = arith.andi %ne3A, %ne3A_19 : i1
    %sub3A = arith.constant 1 : i32
    %sub3A_20 = arith.subi %div3A, %sub3A : i32
    %select_n3A = arith.select %and3A, %sub3A_20, %div3A : i32
    %iota3A = tpu.iota {dimensions = array<i32: 0>} : vector<16xi32>
    %broadcast_in_dim3A = arith.constant 0.000000e+00 : f32
    %broadcast_in_dim3A_21 = vector.broadcast %broadcast_in_dim3A : f32 to vector<16xf32>
    %broadcast_in_dim3A_22 = arith.constant 0 : i32
    %broadcast_in_dim3A_23 = vector.broadcast %broadcast_in_dim3A_22 : i32 to vector<16xi32>
    %scan3A = arith.constant 0 : i32
    %scan3A_24 = arith.constant 0 : i32
    %scan3A_25 = arith.constant 64 : i32
    %scan3A_26 = arith.addi %scan3A_24, %scan3A_25 : i32
    %scan3A_27 = arith.constant 1 : i32
    scf.for %scan3A_38 = %scan3A_24 to %scan3A_26 step %scan3A_27  : i32 {
      %mul3A_39 = arith.constant 16 : i32
      %mul3A_40 = arith.muli %scan3A_38, %mul3A_39 : i32
      %swap3A = arith.index_cast %mul3A_40 : i32 to index
      %swap3A_41 = tpu.vector_load %arg11[%swap3A] {strides = array<i32>} : memref<1024xf32, #tpu.memory_space<vmem>>, vector<16xf32>,
      tpu.vector_store %arg11[%swap3A], %broadcast_in_dim3A_21 {strides = array<i32>} : memref<1024xf32, #tpu.memory_space<vmem>>, vector<16xf32>,
    }
    %scan3A_28 = arith.constant 64 : i32
    %mul3A_29 = arith.constant 1024 : i32
    %mul3A_30 = arith.muli %arg1, %mul3A_29 : i32
    "tpu.region"() ({
      %run_scoped3A = tpu.sem_alloc : memref<!tpu.dma_semaphore, #tpu.memory_space<semaphore_mem>>
      %dma_start3A = tpu.memref_slice %arg21[%mul3A_30] : memref<16384xf32, #tpu.memory_space<vmem_shared>> -> memref<1024xf32, #tpu.memory_space<vmem_shared>>
      %dma_start3A_38 = tpu.memref_slice %arg21[%mul3A_30] : memref<16384xf32, #tpu.memory_space<vmem_shared>> -> memref<1024xf32, #tpu.memory_space<vmem_shared>>
      tpu.enqueue_dma source(%arg11 : memref<1024xf32, #tpu.memory_space<vmem>>) target(%dma_start3A_38 : memref<1024xf32, #tpu.memory_space<vmem_shared>>) target_semaphore(%run_scoped3A : memref<!tpu.dma_semaphore, #tpu.memory_space<semaphore_mem>>)
      %dma_wait3A = tpu.memref_slice %arg21[%mul3A_30] : memref<16384xf32, #tpu.memory_space<vmem_shared>> -> memref<1024xf32, #tpu.memory_space<vmem_shared>>
      %dma_wait3A_39 = tpu.memref_slice %arg21[%mul3A_30] : memref<16384xf32, #tpu.memory_space<vmem_shared>> -> memref<1024xf32, #tpu.memory_space<vmem_shared>>
      tpu.wait_dma2 semaphore(%run_scoped3A : memref<!tpu.dma_semaphore, #tpu.memory_space<semaphore_mem>>) src(%arg11 : memref<1024xf32, #tpu.memory_space<vmem>>) dst(%dma_wait3A_39 : memref<1024xf32, #tpu.memory_space<vmem_shared>>)
      tpu.yield
    }) : () -> ()
    %barrier3A = arith.constant 0 : index
    tpu.barrier barrier_id(%barrier3A)
    %while3A = arith.constant 0 : i32
    %while3A_31 = arith.constant 1 : i32
    %while3A_32:2 = scf.while (%while3A_38 = %while3A, %while3A_39 = %while3A_31) : (i32, i32) -> (i32, i32) {
      %mul3A_40 = arith.constant 640 : i32
      %mul3A_41 = arith.muli %while3A_38, %mul3A_40 : i32
      %lt3A = arith.cmpi slt, %mul3A_41, %while3A_39 : i32
      scf.condition(%lt3A) %while3A_38, %while3A_39 : i32, i32
    } do {
    ^bb0(%while3A_38: i32, %while3A_39: i32):
      %rem3A_40 = arith.constant 0 : i32
      %rem3A_41 = arith.constant 21 : i32
      %rem3A_42 = arith.remsi %rem3A_40, %rem3A_41 : i32
      %mul3A_43 = arith.constant 12 : i32
      %mul3A_44 = arith.muli %rem3A_42, %mul3A_43 : i32
      %add3A_45 = arith.addi %select_n3A, %mul3A_44 : i32
      %mul3A_46 = arith.constant 128 : i32
      %mul3A_47 = arith.muli %add3A_45, %mul3A_46 : i32
      %min3A = arith.constant 998400 : i32
      %min3A_48 = arith.minsi %mul3A_47, %min3A : i32
      %multiple_of3A = tpu.assume_multiple %min3A_48, 128 : i32
      %rem3A_49 = arith.constant 0 : i32
      %rem3A_50 = arith.constant 4 : i32
      %rem3A_51 = arith.remsi %rem3A_49, %rem3A_50 : i32
      %dma_start3A = arith.constant 0 : i32
      %dma_start3A_52 = arith.constant 0 : i32
      %dma_start3A_53 = tpu.memref_slice %arg7[%rem3A_51, %dma_start3A, %dma_start3A_52] : memref<4x8x1536xf32, #tpu.memory_space<vmem>> -> memref<1x8x1536xf32, #tpu.memory_space<vmem>>
      %dma_start3A_54 = tpu.memref_squeeze %dma_start3A_53 : memref<1x8x1536xf32, #tpu.memory_space<vmem>> -> memref<8x1536xf32, #tpu.memory_space<vmem>>
      %dma_start3A_55 = arith.constant 0 : i32
      %dma_start3A_56 = tpu.memref_slice %arg4[%dma_start3A_55, %multiple_of3A] : memref<64x1000000xf32, #tpu.memory_space<hbm>> -> memref<8x1536xf32, #tpu.memory_space<hbm>>
      %dma_start3A_57 = arith.constant 0 : i32
      %dma_start3A_58 = arith.constant 0 : i32
      %dma_start3A_59 = tpu.memref_slice %arg7[%rem3A_51, %dma_start3A_57, %dma_start3A_58] : memref<4x8x1536xf32, #tpu.memory_space<vmem>> -> memref<1x8x1536xf32, #tpu.memory_space<vmem>>
      %dma_start3A_60 = tpu.memref_squeeze %dma_start3A_59 : memref<1x8x1536xf32, #tpu.memory_space<vmem>> -> memref<8x1536xf32, #tpu.memory_space<vmem>>
      %dma_start3A_61 = arith.constant 0 : i32
      %dma_start3A_62 = tpu.memref_slice %arg4[%dma_start3A_61, %multiple_of3A] : memref<64x1000000xf32, #tpu.memory_space<hbm>> -> memref<8x1536xf32, #tpu.memory_space<hbm>>
      tpu.enqueue_dma source(%dma_start3A_62 : memref<8x1536xf32, #tpu.memory_space<hbm>>) target(%dma_start3A_60 : memref<8x1536xf32, #tpu.memory_space<vmem>>) target_semaphore(%arg23 : memref<!tpu.dma_semaphore, #tpu.memory_space<semaphore_mem>>)
      %rem3A_63 = arith.constant 1 : i32
      %rem3A_64 = arith.constant 21 : i32
      %rem3A_65 = arith.remsi %rem3A_63, %rem3A_64 : i32
      %mul3A_66 = arith.constant 12 : i32
      %mul3A_67 = arith.muli %rem3A_65, %mul3A_66 : i32
      %add3A_68 = arith.addi %select_n3A, %mul3A_67 : i32
      %mul3A_69 = arith.constant 128 : i32
      %mul3A_70 = arith.muli %add3A_68, %mul3A_69 : i32
      %min3A_71 = arith.constant 998400 : i32
      %min3A_72 = arith.minsi %mul3A_70, %min3A_71 : i32
      %multiple_of3A_73 = tpu.assume_multiple %min3A_72, 128 : i32
      %rem3A_74 = arith.constant 1 : i32
      %rem3A_75 = arith.constant 4 : i32
      %rem3A_76 = arith.remsi %rem3A_74, %rem3A_75 : i32
      %dma_start3A_77 = arith.constant 0 : i32
      %dma_start3A_78 = arith.constant 0 : i32
      %dma_start3A_79 = tpu.memref_slice %arg7[%rem3A_76, %dma_start3A_77, %dma_start3A_78] : memref<4x8x1536xf32, #tpu.memory_space<vmem>> -> memref<1x8x1536xf32, #tpu.memory_space<vmem>>
      %dma_start3A_80 = tpu.memref_squeeze %dma_start3A_79 : memref<1x8x1536xf32, #tpu.memory_space<vmem>> -> memref<8x1536xf32, #tpu.memory_space<vmem>>
      %dma_start3A_81 = arith.constant 0 : i32
      %dma_start3A_82 = tpu.memref_slice %arg4[%dma_start3A_81, %multiple_of3A_73] : memref<64x1000000xf32, #tpu.memory_space<hbm>> -> memref<8x1536xf32, #tpu.memory_space<hbm>>
      %dma_start3A_83 = arith.constant 0 : i32
      %dma_start3A_84 = arith.constant 0 : i32
      %dma_start3A_85 = tpu.memref_slice %arg7[%rem3A_76, %dma_start3A_83, %dma_start3A_84] : memref<4x8x1536xf32, #tpu.memory_space<vmem>> -> memref<1x8x1536xf32, #tpu.memory_space<vmem>>
      %dma_start3A_86 = tpu.memref_squeeze %dma_start3A_85 : memref<1x8x1536xf32, #tpu.memory_space<vmem>> -> memref<8x1536xf32, #tpu.memory_space<vmem>>
      %dma_start3A_87 = arith.constant 0 : i32
      %dma_start3A_88 = tpu.memref_slice %arg4[%dma_start3A_87, %multiple_of3A_73] : memref<64x1000000xf32, #tpu.memory_space<hbm>> -> memref<8x1536xf32, #tpu.memory_space<hbm>>
      tpu.enqueue_dma source(%dma_start3A_88 : memref<8x1536xf32, #tpu.memory_space<hbm>>) target(%dma_start3A_86 : memref<8x1536xf32, #tpu.memory_space<vmem>>) target_semaphore(%arg23 : memref<!tpu.dma_semaphore, #tpu.memory_space<semaphore_mem>>)
      %rem3A_89 = arith.constant 2 : i32
      %rem3A_90 = arith.constant 21 : i32
      %rem3A_91 = arith.remsi %rem3A_89, %rem3A_90 : i32
      %mul3A_92 = arith.constant 12 : i32
      %mul3A_93 = arith.muli %rem3A_91, %mul3A_92 : i32
      %add3A_94 = arith.addi %select_n3A, %mul3A_93 : i32
      %mul3A_95 = arith.constant 128 : i32
      %mul3A_96 = arith.muli %add3A_94, %mul3A_95 : i32
      %min3A_97 = arith.constant 998400 : i32
      %min3A_98 = arith.minsi %mul3A_96, %min3A_97 : i32
      %multiple_of3A_99 = tpu.assume_multiple %min3A_98, 128 : i32
      %rem3A_100 = arith.constant 2 : i32
      %rem3A_101 = arith.constant 4 : i32
      %rem3A_102 = arith.remsi %rem3A_100, %rem3A_101 : i32
      %dma_start3A_103 = arith.constant 0 : i32
      %dma_start3A_104 = arith.constant 0 : i32
      %dma_start3A_105 = tpu.memref_slice %arg7[%rem3A_102, %dma_start3A_103, %dma_start3A_104] : memref<4x8x1536xf32, #tpu.memory_space<vmem>> -> memref<1x8x1536xf32, #tpu.memory_space<vmem>>
      %dma_start3A_106 = tpu.memref_squeeze %dma_start3A_105 : memref<1x8x1536xf32, #tpu.memory_space<vmem>> -> memref<8x1536xf32, #tpu.memory_space<vmem>>
      %dma_start3A_107 = arith.constant 0 : i32
      %dma_start3A_108 = tpu.memref_slice %arg4[%dma_start3A_107, %multiple_of3A_99] : memref<64x1000000xf32, #tpu.memory_space<hbm>> -> memref<8x1536xf32, #tpu.memory_space<hbm>>
      %dma_start3A_109 = arith.constant 0 : i32
      %dma_start3A_110 = arith.constant 0 : i32
      %dma_start3A_111 = tpu.memref_slice %arg7[%rem3A_102, %dma_start3A_109, %dma_start3A_110] : memref<4x8x1536xf32, #tpu.memory_space<vmem>> -> memref<1x8x1536xf32, #tpu.memory_space<vmem>>
      %dma_start3A_112 = tpu.memref_squeeze %dma_start3A_111 : memref<1x8x1536xf32, #tpu.memory_space<vmem>> -> memref<8x1536xf32, #tpu.memory_space<vmem>>
      %dma_start3A_113 = arith.constant 0 : i32
      %dma_start3A_114 = tpu.memref_slice %arg4[%dma_start3A_113, %multiple_of3A_99] : memref<64x1000000xf32, #tpu.memory_space<hbm>> -> memref<8x1536xf32, #tpu.memory_space<hbm>>
      tpu.enqueue_dma source(%dma_start3A_114 : memref<8x1536xf32, #tpu.memory_space<hbm>>) target(%dma_start3A_112 : memref<8x1536xf32, #tpu.memory_space<vmem>>) target_semaphore(%arg23 : memref<!tpu.dma_semaphore, #tpu.memory_space<semaphore_mem>>)
      %rem3A_115 = arith.constant 3 : i32
      %rem3A_116 = arith.constant 21 : i32
      %rem3A_117 = arith.remsi %rem3A_115, %rem3A_116 : i32
      %mul3A_118 = arith.constant 12 : i32
      %mul3A_119 = arith.muli %rem3A_117, %mul3A_118 : i32
      %add3A_120 = arith.addi %select_n3A, %mul3A_119 : i32
      %mul3A_121 = arith.constant 128 : i32
      %mul3A_122 = arith.muli %add3A_120, %mul3A_121 : i32
      %min3A_123 = arith.constant 998400 : i32
      %min3A_124 = arith.minsi %mul3A_122, %min3A_123 : i32
      %multiple_of3A_125 = tpu.assume_multiple %min3A_124, 128 : i32
      %rem3A_126 = arith.constant 3 : i32
      %rem3A_127 = arith.constant 4 : i32
      %rem3A_128 = arith.remsi %rem3A_126, %rem3A_127 : i32
      %dma_start3A_129 = arith.constant 0 : i32
      %dma_start3A_130 = arith.constant 0 : i32
      %dma_start3A_131 = tpu.memref_slice %arg7[%rem3A_128, %dma_start3A_129, %dma_start3A_130] : memref<4x8x1536xf32, #tpu.memory_space<vmem>> -> memref<1x8x1536xf32, #tpu.memory_space<vmem>>
      %dma_start3A_132 = tpu.memref_squeeze %dma_start3A_131 : memref<1x8x1536xf32, #tpu.memory_space<vmem>> -> memref<8x1536xf32, #tpu.memory_space<vmem>>
      %dma_start3A_133 = arith.constant 0 : i32
      %dma_start3A_134 = tpu.memref_slice %arg4[%dma_start3A_133, %multiple_of3A_125] : memref<64x1000000xf32, #tpu.memory_space<hbm>> -> memref<8x1536xf32, #tpu.memory_space<hbm>>
      %dma_start3A_135 = arith.constant 0 : i32
      %dma_start3A_136 = arith.constant 0 : i32
      %dma_start3A_137 = tpu.memref_slice %arg7[%rem3A_128, %dma_start3A_135, %dma_start3A_136] : memref<4x8x1536xf32, #tpu.memory_space<vmem>> -> memref<1x8x1536xf32, #tpu.memory_space<vmem>>
      %dma_start3A_138 = tpu.memref_squeeze %dma_start3A_137 : memref<1x8x1536xf32, #tpu.memory_space<vmem>> -> memref<8x1536xf32, #tpu.memory_space<vmem>>
      %dma_start3A_139 = arith.constant 0 : i32
      %dma_start3A_140 = tpu.memref_slice %arg4[%dma_start3A_139, %multiple_of3A_125] : memref<64x1000000xf32, #tpu.memory_space<hbm>> -> memref<8x1536xf32, #tpu.memory_space<hbm>>
      tpu.enqueue_dma source(%dma_start3A_140 : memref<8x1536xf32, #tpu.memory_space<hbm>>) target(%dma_start3A_138 : memref<8x1536xf32, #tpu.memory_space<vmem>>) target_semaphore(%arg23 : memref<!tpu.dma_semaphore, #tpu.memory_space<semaphore_mem>>)
      %mul3A_141 = arith.constant 640 : i32
      %mul3A_142 = arith.muli %while3A_38, %mul3A_141 : i32
      %scan3A_143 = arith.constant 0 : i32
      %scan3A_144 = arith.constant 0 : i32
      %scan3A_145 = arith.constant 40 : i32
      %scan3A_146 = arith.addi %scan3A_144, %scan3A_145 : i32
      %scan3A_147 = arith.constant 1 : i32
      scf.for %scan3A_307 = %scan3A_144 to %scan3A_146 step %scan3A_147  : i32 {
        %mul3A_308 = arith.constant 16 : i32
        %mul3A_309 = arith.muli %scan3A_307, %mul3A_308 : i32
        %swap3A_310 = arith.index_cast %mul3A_309 : i32 to index
        %swap3A_311 = tpu.vector_load %arg13[%swap3A_310] {strides = array<i32>} : memref<640xi32, #tpu.memory_space<vmem>>, vector<16xi32>,
        tpu.vector_store %arg13[%swap3A_310], %broadcast_in_dim3A_23 {strides = array<i32>} : memref<640xi32, #tpu.memory_space<vmem>>, vector<16xi32>,
        %mul3A_312 = arith.constant 16 : i32
        %mul3A_313 = arith.muli %scan3A_307, %mul3A_312 : i32
        %swap3A_314 = arith.index_cast %mul3A_313 : i32 to index
        %swap3A_315 = tpu.vector_load %arg14[%swap3A_314] {strides = array<i32>} : memref<640xi32, #tpu.memory_space<vmem>>, vector<16xi32>,
        tpu.vector_store %arg14[%swap3A_314], %broadcast_in_dim3A_23 {strides = array<i32>} : memref<640xi32, #tpu.memory_space<vmem>>, vector<16xi32>,
        %jit3A_316 = arith.constant 8 : i32
        %div3A_317 = arith.divsi %scan3A_307, %jit3A_316 : i32
        %sign3A_318 = arith.constant 0 : i32
        %sign3A_319 = arith.cmpi sgt, %scan3A_307, %sign3A_318 : i32
        %sign3A_320 = arith.extui %sign3A_319 : i1 to i32
        %sign3A_321 = arith.constant 0 : i32
        %sign3A_322 = arith.cmpi slt, %scan3A_307, %sign3A_321 : i32
        %sign3A_323 = arith.extui %sign3A_322 : i1 to i32
        %sign3A_324 = arith.subi %sign3A_320, %sign3A_323 : i32
        %sign3A_325 = arith.constant 0 : i32
        %sign3A_326 = arith.cmpi sgt, %jit3A_316, %sign3A_325 : i32
        %sign3A_327 = arith.extui %sign3A_326 : i1 to i32
        %sign3A_328 = arith.constant 0 : i32
        %sign3A_329 = arith.cmpi slt, %jit3A_316, %sign3A_328 : i32
        %sign3A_330 = arith.extui %sign3A_329 : i1 to i32
        %sign3A_331 = arith.subi %sign3A_327, %sign3A_330 : i32
        %ne3A_332 = arith.cmpi ne, %sign3A_324, %sign3A_331 : i32
        %rem3A_333 = arith.remsi %scan3A_307, %jit3A_316 : i32
        %ne3A_334 = arith.constant 0 : i32
        %ne3A_335 = arith.cmpi ne, %rem3A_333, %ne3A_334 : i32
        %and3A_336 = arith.andi %ne3A_332, %ne3A_335 : i1
        %sub3A_337 = arith.constant 1 : i32
        %sub3A_338 = arith.subi %div3A_317, %sub3A_337 : i32
        %select_n3A_339 = arith.select %and3A_336, %sub3A_338, %div3A_317 : i32
        %jit3A_340 = arith.constant 8 : i32
        %eq3A_341 = arith.constant 0 : i32
        %eq3A_342 = arith.cmpi eq, %jit3A_340, %eq3A_341 : i32
        %jit3A_343 = arith.constant 1 : i32
        %select_n3A_344 = arith.select %eq3A_342, %jit3A_343, %jit3A_340 : i32
        %rem3A_345 = arith.remsi %scan3A_307, %select_n3A_344 : i32
        %ne3A_346 = arith.constant 0 : i32
        %ne3A_347 = arith.cmpi ne, %rem3A_345, %ne3A_346 : i32
        %lt3A = arith.constant 0 : i32
        %lt3A_348 = arith.cmpi slt, %rem3A_345, %lt3A : i32
        %lt3A_349 = arith.constant 0 : i32
        %lt3A_350 = arith.cmpi slt, %select_n3A_344, %lt3A_349 : i32
        %ne3A_351 = arith.xori %lt3A_348, %lt3A_350 : i1
        %and3A_352 = arith.andi %ne3A_351, %ne3A_347 : i1
        %add3A_353 = arith.addi %rem3A_345, %select_n3A_344 : i32
        %select_n3A_354 = arith.select %and3A_352, %add3A_353, %rem3A_345 : i32
        %mul3A_355 = arith.constant 16 : i32
        %mul3A_356 = arith.muli %select_n3A_354, %mul3A_355 : i32
        %swap3A_357 = arith.index_cast %select_n3A_339 : i32 to index
        %swap3A_358 = arith.index_cast %mul3A_356 : i32 to index
        %swap3A_359 = tpu.vector_load %arg15[%swap3A_357, %swap3A_358] {strides = array<i32>} : memref<5x128xi32, #tpu.memory_space<vmem>>, vector<16xi32>,
        tpu.vector_store %arg15[%swap3A_357, %swap3A_358], %broadcast_in_dim3A_23 {strides = array<i32>} : memref<5x128xi32, #tpu.memory_space<vmem>>, vector<16xi32>,
        %jit3A_360 = arith.constant 8 : i32
        %div3A_361 = arith.divsi %scan3A_307, %jit3A_360 : i32
        %sign3A_362 = arith.constant 0 : i32
        %sign3A_363 = arith.cmpi sgt, %scan3A_307, %sign3A_362 : i32
        %sign3A_364 = arith.extui %sign3A_363 : i1 to i32
        %sign3A_365 = arith.constant 0 : i32
        %sign3A_366 = arith.cmpi slt, %scan3A_307, %sign3A_365 : i32
        %sign3A_367 = arith.extui %sign3A_366 : i1 to i32
        %sign3A_368 = arith.subi %sign3A_364, %sign3A_367 : i32
        %sign3A_369 = arith.constant 0 : i32
        %sign3A_370 = arith.cmpi sgt, %jit3A_360, %sign3A_369 : i32
        %sign3A_371 = arith.extui %sign3A_370 : i1 to i32
        %sign3A_372 = arith.constant 0 : i32
        %sign3A_373 = arith.cmpi slt, %jit3A_360, %sign3A_372 : i32
        %sign3A_374 = arith.extui %sign3A_373 : i1 to i32
        %sign3A_375 = arith.subi %sign3A_371, %sign3A_374 : i32
        %ne3A_376 = arith.cmpi ne, %sign3A_368, %sign3A_375 : i32
        %rem3A_377 = arith.remsi %scan3A_307, %jit3A_360 : i32
        %ne3A_378 = arith.constant 0 : i32
        %ne3A_379 = arith.cmpi ne, %rem3A_377, %ne3A_378 : i32
        %and3A_380 = arith.andi %ne3A_376, %ne3A_379 : i1
        %sub3A_381 = arith.constant 1 : i32
        %sub3A_382 = arith.subi %div3A_361, %sub3A_381 : i32
        %select_n3A_383 = arith.select %and3A_380, %sub3A_382, %div3A_361 : i32
        %jit3A_384 = arith.constant 8 : i32
        %eq3A_385 = arith.constant 0 : i32
        %eq3A_386 = arith.cmpi eq, %jit3A_384, %eq3A_385 : i32
        %jit3A_387 = arith.constant 1 : i32
        %select_n3A_388 = arith.select %eq3A_386, %jit3A_387, %jit3A_384 : i32
        %rem3A_389 = arith.remsi %scan3A_307, %select_n3A_388 : i32
        %ne3A_390 = arith.constant 0 : i32
        %ne3A_391 = arith.cmpi ne, %rem3A_389, %ne3A_390 : i32
        %lt3A_392 = arith.constant 0 : i32
        %lt3A_393 = arith.cmpi slt, %rem3A_389, %lt3A_392 : i32
        %lt3A_394 = arith.constant 0 : i32
        %lt3A_395 = arith.cmpi slt, %select_n3A_388, %lt3A_394 : i32
        %ne3A_396 = arith.xori %lt3A_393, %lt3A_395 : i1
        %and3A_397 = arith.andi %ne3A_396, %ne3A_391 : i1
        %add3A_398 = arith.addi %rem3A_389, %select_n3A_388 : i32
        %select_n3A_399 = arith.select %and3A_397, %add3A_398, %rem3A_389 : i32
        %mul3A_400 = arith.constant 16 : i32
        %mul3A_401 = arith.muli %select_n3A_399, %mul3A_400 : i32
        %swap3A_402 = arith.index_cast %select_n3A_383 : i32 to index
        %swap3A_403 = arith.index_cast %mul3A_401 : i32 to index
        %swap3A_404 = tpu.vector_load %arg16[%swap3A_402, %swap3A_403] {strides = array<i32>} : memref<5x128xi32, #tpu.memory_space<vmem>>, vector<16xi32>,
        tpu.vector_store %arg16[%swap3A_402, %swap3A_403], %broadcast_in_dim3A_23 {strides = array<i32>} : memref<5x128xi32, #tpu.memory_space<vmem>>, vector<16xi32>,
        %mul3A_405 = arith.constant 16 : i32
        %mul3A_406 = arith.muli %scan3A_307, %mul3A_405 : i32
        %swap3A_407 = arith.index_cast %mul3A_406 : i32 to index
        %swap3A_408 = tpu.vector_load %arg17[%swap3A_407] {strides = array<i32>} : memref<640xi32, #tpu.memory_space<vmem>>, vector<16xi32>,
        tpu.vector_store %arg17[%swap3A_407], %broadcast_in_dim3A_23 {strides = array<i32>} : memref<640xi32, #tpu.memory_space<vmem>>, vector<16xi32>,
      }
      %scan3A_148 = arith.constant 40 : i32
      %rem3A_149 = arith.constant 0 : i32
      %rem3A_150 = arith.constant 2 : i32
      %rem3A_151 = arith.remsi %rem3A_149, %rem3A_150 : i32
      %dma_start3A_152 = arith.constant 0 : i32
      %dma_start3A_153 = tpu.memref_slice %arg18[%rem3A_151, %dma_start3A_152] : memref<2x512xi32, #tpu.memory_space<vmem>> -> memref<1x512xi32, #tpu.memory_space<vmem>>
      %dma_start3A_154 = tpu.memref_squeeze %dma_start3A_153 : memref<1x512xi32, #tpu.memory_space<vmem>> -> memref<512xi32, #tpu.memory_space<vmem>>
      %dma_start3A_155 = arith.constant 0 : i32
      %dma_start3A_156 = tpu.memref_slice %arg3[%dma_start3A_155] : memref<16384xi32, #tpu.memory_space<hbm>> -> memref<512xi32, #tpu.memory_space<hbm>>
      %dma_start3A_157 = arith.constant 0 : i32
      %dma_start3A_158 = tpu.memref_slice %arg18[%rem3A_151, %dma_start3A_157] : memref<2x512xi32, #tpu.memory_space<vmem>> -> memref<1x512xi32, #tpu.memory_space<vmem>>
      %dma_start3A_159 = tpu.memref_squeeze %dma_start3A_158 : memref<1x512xi32, #tpu.memory_space<vmem>> -> memref<512xi32, #tpu.memory_space<vmem>>
      %dma_start3A_160 = arith.constant 0 : i32
      %dma_start3A_161 = tpu.memref_slice %arg3[%dma_start3A_160] : memref<16384xi32, #tpu.memory_space<hbm>> -> memref<512xi32, #tpu.memory_space<hbm>>
      tpu.enqueue_dma source(%dma_start3A_161 : memref<512xi32, #tpu.memory_space<hbm>>) target(%dma_start3A_159 : memref<512xi32, #tpu.memory_space<vmem>>) target_semaphore(%arg22 : memref<!tpu.dma_semaphore, #tpu.memory_space<semaphore_mem>>)
      %rem3A_162 = arith.constant 0 : i32
      %rem3A_163 = arith.constant 2 : i32
      %rem3A_164 = arith.remsi %rem3A_162, %rem3A_163 : i32
      %dma_start3A_165 = arith.constant 0 : i32
      %dma_start3A_166 = tpu.memref_slice %arg19[%rem3A_164, %dma_start3A_165] : memref<2x512xi32, #tpu.memory_space<vmem>> -> memref<1x512xi32, #tpu.memory_space<vmem>>
      %dma_start3A_167 = tpu.memref_squeeze %dma_start3A_166 : memref<1x512xi32, #tpu.memory_space<vmem>> -> memref<512xi32, #tpu.memory_space<vmem>>
      %dma_start3A_168 = arith.constant 0 : i32
      %dma_start3A_169 = tpu.memref_slice %arg2[%dma_start3A_168] : memref<16384xi32, #tpu.memory_space<hbm>> -> memref<512xi32, #tpu.memory_space<hbm>>
      %dma_start3A_170 = arith.constant 0 : i32
      %dma_start3A_171 = tpu.memref_slice %arg19[%rem3A_164, %dma_start3A_170] : memref<2x512xi32, #tpu.memory_space<vmem>> -> memref<1x512xi32, #tpu.memory_space<vmem>>
      %dma_start3A_172 = tpu.memref_squeeze %dma_start3A_171 : memref<1x512xi32, #tpu.memory_space<vmem>> -> memref<512xi32, #tpu.memory_space<vmem>>
      %dma_start3A_173 = arith.constant 0 : i32
      %dma_start3A_174 = tpu.memref_slice %arg2[%dma_start3A_173] : memref<16384xi32, #tpu.memory_space<hbm>> -> memref<512xi32, #tpu.memory_space<hbm>>
      tpu.enqueue_dma source(%dma_start3A_174 : memref<512xi32, #tpu.memory_space<hbm>>) target(%dma_start3A_172 : memref<512xi32, #tpu.memory_space<vmem>>) target_semaphore(%arg22 : memref<!tpu.dma_semaphore, #tpu.memory_space<semaphore_mem>>)
      %scan3A_175 = arith.constant 0 : i32
      %scan3A_176 = arith.constant 32 : i32
      %scan3A_177 = arith.addi %scan3A_175, %scan3A_176 : i32
      %scan3A_178 = arith.constant 1 : i32
      %scan3A_179 = scf.for %scan3A_307 = %scan3A_175 to %scan3A_177 step %scan3A_178 iter_args(%scan3A_308 = %broadcast_in_dim3A_23) -> (vector<16xi32>)  : i32 {
        %dma_wait3A = arith.constant 0 : i32
        %dma_wait3A_309 = arith.constant 0 : i32
        %dma_wait3A_310 = tpu.memref_slice %arg18[%dma_wait3A, %dma_wait3A_309] : memref<2x512xi32, #tpu.memory_space<vmem>> -> memref<1x512xi32, #tpu.memory_space<vmem>>
        %dma_wait3A_311 = tpu.memref_squeeze %dma_wait3A_310 : memref<1x512xi32, #tpu.memory_space<vmem>> -> memref<512xi32, #tpu.memory_space<vmem>>
        %dma_wait3A_312 = arith.constant 0 : i32
        %dma_wait3A_313 = tpu.memref_slice %arg3[%dma_wait3A_312] : memref<16384xi32, #tpu.memory_space<hbm>> -> memref<512xi32, #tpu.memory_space<hbm>>
        %dma_wait3A_314 = arith.constant 0 : i32
        %dma_wait3A_315 = tpu.memref_slice %arg18[%dma_wait3A, %dma_wait3A_314] : memref<2x512xi32, #tpu.memory_space<vmem>> -> memref<1x512xi32, #tpu.memory_space<vmem>>
        %dma_wait3A_316 = tpu.memref_squeeze %dma_wait3A_315 : memref<1x512xi32, #tpu.memory_space<vmem>> -> memref<512xi32, #tpu.memory_space<vmem>>
        %dma_wait3A_317 = arith.constant 0 : i32
        %dma_wait3A_318 = tpu.memref_slice %arg3[%dma_wait3A_317] : memref<16384xi32, #tpu.memory_space<hbm>> -> memref<512xi32, #tpu.memory_space<hbm>>
        tpu.wait_dma2 semaphore(%arg22 : memref<!tpu.dma_semaphore, #tpu.memory_space<semaphore_mem>>) src(%dma_wait3A_318 : memref<512xi32, #tpu.memory_space<hbm>>) dst(%dma_wait3A_316 : memref<512xi32, #tpu.memory_space<vmem>>)
        %dma_wait3A_319 = arith.constant 0 : i32
        %dma_wait3A_320 = arith.constant 0 : i32
        %dma_wait3A_321 = tpu.memref_slice %arg19[%dma_wait3A_319, %dma_wait3A_320] : memref<2x512xi32, #tpu.memory_space<vmem>> -> memref<1x512xi32, #tpu.memory_space<vmem>>
        %dma_wait3A_322 = tpu.memref_squeeze %dma_wait3A_321 : memref<1x512xi32, #tpu.memory_space<vmem>> -> memref<512xi32, #tpu.memory_space<vmem>>
        %dma_wait3A_323 = arith.constant 0 : i32
        %dma_wait3A_324 = tpu.memref_slice %arg2[%dma_wait3A_323] : memref<16384xi32, #tpu.memory_space<hbm>> -> memref<512xi32, #tpu.memory_space<hbm>>
        %dma_wait3A_325 = arith.constant 0 : i32
        %dma_wait3A_326 = tpu.memref_slice %arg19[%dma_wait3A_319, %dma_wait3A_325] : memref<2x512xi32, #tpu.memory_space<vmem>> -> memref<1x512xi32, #tpu.memory_space<vmem>>
        %dma_wait3A_327 = tpu.memref_squeeze %dma_wait3A_326 : memref<1x512xi32, #tpu.memory_space<vmem>> -> memref<512xi32, #tpu.memory_space<vmem>>
        %dma_wait3A_328 = arith.constant 0 : i32
        %dma_wait3A_329 = tpu.memref_slice %arg2[%dma_wait3A_328] : memref<16384xi32, #tpu.memory_space<hbm>> -> memref<512xi32, #tpu.memory_space<hbm>>
        tpu.wait_dma2 semaphore(%arg22 : memref<!tpu.dma_semaphore, #tpu.memory_space<semaphore_mem>>) src(%dma_wait3A_329 : memref<512xi32, #tpu.memory_space<hbm>>) dst(%dma_wait3A_327 : memref<512xi32, #tpu.memory_space<vmem>>)
        %add3A_330 = arith.constant 1 : i32
        %add3A_331 = arith.addi %scan3A_307, %add3A_330 : i32
        %lt3A = arith.constant 32 : i32
        %lt3A_332 = arith.cmpi slt, %add3A_331, %lt3A : i32
        %convert_element_type3A_333 = arith.extui %lt3A_332 : i1 to i32
        %cond3A_334 = arith.constant 0 : i32
        %cond3A_335 = arith.cmpi ne, %convert_element_type3A_333, %cond3A_334 : i32
        scf.if %cond3A_335 {
          %add3A_344 = arith.constant 1 : i32
          %add3A_345 = arith.addi %scan3A_307, %add3A_344 : i32
          %mul3A_346 = arith.constant 512 : i32
          %mul3A_347 = arith.muli %add3A_345, %mul3A_346 : i32
          %rem3A_348 = arith.constant 2 : i32
          %rem3A_349 = arith.remsi %add3A_345, %rem3A_348 : i32
          %dma_start3A_350 = arith.constant 0 : i32
          %dma_start3A_351 = tpu.memref_slice %arg18[%rem3A_349, %dma_start3A_350] : memref<2x512xi32, #tpu.memory_space<vmem>> -> memref<1x512xi32, #tpu.memory_space<vmem>>
          %dma_start3A_352 = tpu.memref_squeeze %dma_start3A_351 : memref<1x512xi32, #tpu.memory_space<vmem>> -> memref<512xi32, #tpu.memory_space<vmem>>
          %dma_start3A_353 = tpu.memref_slice %arg3[%mul3A_347] : memref<16384xi32, #tpu.memory_space<hbm>> -> memref<512xi32, #tpu.memory_space<hbm>>
          %dma_start3A_354 = arith.constant 0 : i32
          %dma_start3A_355 = tpu.memref_slice %arg18[%rem3A_349, %dma_start3A_354] : memref<2x512xi32, #tpu.memory_space<vmem>> -> memref<1x512xi32, #tpu.memory_space<vmem>>
          %dma_start3A_356 = tpu.memref_squeeze %dma_start3A_355 : memref<1x512xi32, #tpu.memory_space<vmem>> -> memref<512xi32, #tpu.memory_space<vmem>>
          %dma_start3A_357 = tpu.memref_slice %arg3[%mul3A_347] : memref<16384xi32, #tpu.memory_space<hbm>> -> memref<512xi32, #tpu.memory_space<hbm>>
          tpu.enqueue_dma source(%dma_start3A_357 : memref<512xi32, #tpu.memory_space<hbm>>) target(%dma_start3A_356 : memref<512xi32, #tpu.memory_space<vmem>>) target_semaphore(%arg22 : memref<!tpu.dma_semaphore, #tpu.memory_space<semaphore_mem>>)
          %mul3A_358 = arith.constant 512 : i32
          %mul3A_359 = arith.muli %add3A_345, %mul3A_358 : i32
          %rem3A_360 = arith.constant 2 : i32
          %rem3A_361 = arith.remsi %add3A_345, %rem3A_360 : i32
          %dma_start3A_362 = arith.constant 0 : i32
          %dma_start3A_363 = tpu.memref_slice %arg19[%rem3A_361, %dma_start3A_362] : memref<2x512xi32, #tpu.memory_space<vmem>> -> memref<1x512xi32, #tpu.memory_space<vmem>>
          %dma_start3A_364 = tpu.memref_squeeze %dma_start3A_363 : memref<1x512xi32, #tpu.memory_space<vmem>> -> memref<512xi32, #tpu.memory_space<vmem>>
          %dma_start3A_365 = tpu.memref_slice %arg2[%mul3A_359] : memref<16384xi32, #tpu.memory_space<hbm>> -> memref<512xi32, #tpu.memory_space<hbm>>
          %dma_start3A_366 = arith.constant 0 : i32
          %dma_start3A_367 = tpu.memref_slice %arg19[%rem3A_361, %dma_start3A_366] : memref<2x512xi32, #tpu.memory_space<vmem>> -> memref<1x512xi32, #tpu.memory_space<vmem>>
          %dma_start3A_368 = tpu.memref_squeeze %dma_start3A_367 : memref<1x512xi32, #tpu.memory_space<vmem>> -> memref<512xi32, #tpu.memory_space<vmem>>
          %dma_start3A_369 = tpu.memref_slice %arg2[%mul3A_359] : memref<16384xi32, #tpu.memory_space<hbm>> -> memref<512xi32, #tpu.memory_space<hbm>>
          tpu.enqueue_dma source(%dma_start3A_369 : memref<512xi32, #tpu.memory_space<hbm>>) target(%dma_start3A_368 : memref<512xi32, #tpu.memory_space<vmem>>) target_semaphore(%arg22 : memref<!tpu.dma_semaphore, #tpu.memory_space<semaphore_mem>>)
        } else {
        }
        %rem3A_336 = arith.constant 2 : i32
        %rem3A_337 = arith.remsi %scan3A_307, %rem3A_336 : i32
        %scan3A_338 = arith.constant 0 : i32
        %scan3A_339 = arith.constant 32 : i32
        %scan3A_340 = arith.addi %scan3A_338, %scan3A_339 : i32
        %scan3A_341 = arith.constant 1 : i32
        %scan3A_342 = scf.for %scan3A_344 = %scan3A_338 to %scan3A_340 step %scan3A_341 iter_args(%scan3A_345 = %scan3A_308) -> (vector<16xi32>)  : i32 {
          %mul3A_346 = arith.constant 16 : i32
          %mul3A_347 = arith.muli %scan3A_344, %mul3A_346 : i32
          %get3A = arith.index_cast %rem3A_337 : i32 to index
          %get3A_348 = arith.index_cast %mul3A_347 : i32 to index
          %get3A_349 = tpu.vector_load %arg18[%get3A, %get3A_348] {strides = array<i32>} : memref<2x512xi32, #tpu.memory_space<vmem>>, vector<16xi32>,
          %mul3A_350 = arith.constant 16 : i32
          %mul3A_351 = arith.muli %scan3A_344, %mul3A_350 : i32
          %get3A_352 = arith.index_cast %rem3A_337 : i32 to index
          %get3A_353 = arith.index_cast %mul3A_351 : i32 to index
          %get3A_354 = tpu.vector_load %arg19[%get3A_352, %get3A_353] {strides = array<i32>} : memref<2x512xi32, #tpu.memory_space<vmem>>, vector<16xi32>,
          %ge3A = vector.broadcast %mul3A_2 : i32 to vector<16xi32>
          %ge3A_355 = arith.cmpi sge, %get3A_349, %ge3A : vector<16xi32>
          %lt3A_356 = vector.broadcast %add3A_4 : i32 to vector<16xi32>
          %lt3A_357 = arith.cmpi slt, %get3A_349, %lt3A_356 : vector<16xi32>
          %and3A_358 = arith.andi %ge3A_355, %lt3A_357 : vector<16xi1>
          %convert_element_type3A_359 = arith.extui %and3A_358 : vector<16xi1> to vector<16xi32>
          %broadcast_in_dim3A_360 = arith.constant true
          %broadcast_in_dim3A_361 = vector.broadcast %broadcast_in_dim3A_360 : i1 to vector<16xi1>
          %masked_cumsum3A = tpu.scan <sum>, %convert_element_type3A_359 masked %broadcast_in_dim3A_361 : vector<16xi32>, vector<16xi1> -> vector<16xi32>
          %add3A_362 = arith.addi %scan3A_345, %masked_cumsum3A : vector<16xi32>
          %sub3A_363 = arith.subi %add3A_362, %convert_element_type3A_359 : vector<16xi32>
          %sub3A_364 = vector.broadcast %mul3A_142 : i32 to vector<16xi32>
          %sub3A_365 = arith.subi %sub3A_363, %sub3A_364 : vector<16xi32>
          %ge3A_366 = arith.constant 0 : i32
          %ge3A_367 = vector.broadcast %ge3A_366 : i32 to vector<16xi32>
          %ge3A_368 = arith.cmpi sge, %sub3A_365, %ge3A_367 : vector<16xi32>
          %lt3A_369 = arith.constant 640 : i32
          %lt3A_370 = vector.broadcast %lt3A_369 : i32 to vector<16xi32>
          %lt3A_371 = arith.cmpi slt, %sub3A_365, %lt3A_370 : vector<16xi32>
          %and3A_372 = arith.andi %ge3A_368, %lt3A_371 : vector<16xi1>
          %and3A_373 = arith.andi %and3A_358, %and3A_372 : vector<16xi1>
          %jit3A_374 = arith.constant 0 : i32
          %jit3A_375 = arith.constant 639 : i32
          %max3A_376 = vector.broadcast %jit3A_374 : i32 to vector<16xi32>
          %max3A_377 = arith.maxsi %max3A_376, %sub3A_365 : vector<16xi32>
          %min3A_378 = vector.broadcast %jit3A_375 : i32 to vector<16xi32>
          %min3A_379 = arith.minsi %min3A_378, %max3A_377 : vector<16xi32>
          %mul3A_380 = arith.constant 512 : i32
          %mul3A_381 = arith.muli %scan3A_307, %mul3A_380 : i32
          %mul3A_382 = arith.constant 16 : i32
          %mul3A_383 = arith.muli %scan3A_344, %mul3A_382 : i32
          %add3A_384 = arith.addi %mul3A_381, %mul3A_383 : i32
          %add3A_385 = vector.broadcast %add3A_384 : i32 to vector<16xi32>
          %add3A_386 = arith.addi %add3A_385, %iota3A : vector<16xi32>
          tpu.vector_store_idx %arg13[%min3A_379], %get3A_349 masked %and3A_373 : memref<640xi32, #tpu.memory_space<vmem>>[vector<16xi32>], vector<16xi32>, vector<16xi1>
          tpu.vector_store_idx %arg14[%min3A_379], %get3A_354 masked %and3A_373 : memref<640xi32, #tpu.memory_space<vmem>>[vector<16xi32>], vector<16xi32>, vector<16xi1>
          %shift_right_arithmetic3A = arith.constant 7 : i32
          %shift_right_arithmetic3A_387 = vector.broadcast %shift_right_arithmetic3A : i32 to vector<16xi32>
          %shift_right_arithmetic3A_388 = arith.shrsi %min3A_379, %shift_right_arithmetic3A_387 : vector<16xi32>
          %and3A_389 = arith.constant 127 : i32
          %and3A_390 = vector.broadcast %and3A_389 : i32 to vector<16xi32>
          %and3A_391 = arith.andi %min3A_379, %and3A_390 : vector<16xi32>
          tpu.vector_store_idx %arg15[%shift_right_arithmetic3A_388, %and3A_391], %add3A_386 masked %and3A_373 : memref<5x128xi32, #tpu.memory_space<vmem>>[vector<16xi32>, vector<16xi32>], vector<16xi32>, vector<16xi1>
          %all_reduce_population_count3A = tpu.all_reduce %and3A_358 {dim = 0 : i64, kind = #tpu.reduction_kind<sum>} : vector<16xi1> -> vector<16xi32>
          %add3A_392 = arith.addi %scan3A_345, %all_reduce_population_count3A : vector<16xi32>
          scf.yield %add3A_392 : vector<16xi32>
        }
        %scan3A_343 = arith.constant 32 : i32
        scf.yield %scan3A_342 : vector<16xi32>
      }
      %scan3A_180 = arith.constant 32 : i32
      %reduce_max3A = arith.constant true
      %reduce_max3A_181 = vector.broadcast %reduce_max3A : i1 to vector<16xi1>
      %reduce_max3A_182 = arith.constant -2147483648 : i32
      %reduce_max3A_183 = vector.broadcast %reduce_max3A_182 : i32 to vector<16xi32>
      %reduce_max3A_184 = arith.xori %scan3A_179, %reduce_max3A_183 : vector<16xi32>
      %reduce_max3A_185 = tpu.scan <max>, %reduce_max3A_184 masked %reduce_max3A_181 : vector<16xi32>, vector<16xi1> -> vector<16xi32>
      %reduce_max3A_186 = arith.xori %reduce_max3A_185, %reduce_max3A_183 : vector<16xi32>
      %reduce_max3A_187 = vector.extract %reduce_max3A_186[15] : i32 from vector<16xi32>
      %mul3A_188 = arith.constant 640 : i32
      %mul3A_189 = arith.muli %while3A_38, %mul3A_188 : i32
      %sub3A_190 = arith.subi %reduce_max3A_187, %mul3A_189 : i32
      %jit3A_191 = arith.constant 0 : i32
      %jit3A_192 = arith.constant 640 : i32
      %max3A = arith.maxsi %jit3A_191, %sub3A_190 : i32
      %min3A_193 = arith.minsi %jit3A_192, %max3A : i32
      %add3A_194 = arith.constant 128 : i32
      %add3A_195 = arith.addi %min3A_193, %add3A_194 : i32
      %sub3A_196 = arith.constant 1 : i32
      %sub3A_197 = arith.subi %add3A_195, %sub3A_196 : i32
      %jit3A_198 = arith.constant 128 : i32
      %div3A_199 = arith.divsi %sub3A_197, %jit3A_198 : i32
      %sign3A_200 = arith.constant 0 : i32
      %sign3A_201 = arith.cmpi sgt, %sub3A_197, %sign3A_200 : i32
      %sign3A_202 = arith.extui %sign3A_201 : i1 to i32
      %sign3A_203 = arith.constant 0 : i32
      %sign3A_204 = arith.cmpi slt, %sub3A_197, %sign3A_203 : i32
      %sign3A_205 = arith.extui %sign3A_204 : i1 to i32
      %sign3A_206 = arith.subi %sign3A_202, %sign3A_205 : i32
      %sign3A_207 = arith.constant 0 : i32
      %sign3A_208 = arith.cmpi sgt, %jit3A_198, %sign3A_207 : i32
      %sign3A_209 = arith.extui %sign3A_208 : i1 to i32
      %sign3A_210 = arith.constant 0 : i32
      %sign3A_211 = arith.cmpi slt, %jit3A_198, %sign3A_210 : i32
      %sign3A_212 = arith.extui %sign3A_211 : i1 to i32
      %sign3A_213 = arith.subi %sign3A_209, %sign3A_212 : i32
      %ne3A_214 = arith.cmpi ne, %sign3A_206, %sign3A_213 : i32
      %rem3A_215 = arith.remsi %sub3A_197, %jit3A_198 : i32
      %ne3A_216 = arith.constant 0 : i32
      %ne3A_217 = arith.cmpi ne, %rem3A_215, %ne3A_216 : i32
      %and3A_218 = arith.andi %ne3A_214, %ne3A_217 : i1
      %sub3A_219 = arith.constant 1 : i32
      %sub3A_220 = arith.subi %div3A_199, %sub3A_219 : i32
      %select_n3A_221 = arith.select %and3A_218, %sub3A_220, %div3A_199 : i32
      %add3A_222 = arith.constant 15 : i32
      %add3A_223 = arith.addi %min3A_193, %add3A_222 : i32
      %jit3A_224 = arith.constant 16 : i32
      %div3A_225 = arith.divsi %add3A_223, %jit3A_224 : i32
      %sign3A_226 = arith.constant 0 : i32
      %sign3A_227 = arith.cmpi sgt, %add3A_223, %sign3A_226 : i32
      %sign3A_228 = arith.extui %sign3A_227 : i1 to i32
      %sign3A_229 = arith.constant 0 : i32
      %sign3A_230 = arith.cmpi slt, %add3A_223, %sign3A_229 : i32
      %sign3A_231 = arith.extui %sign3A_230 : i1 to i32
      %sign3A_232 = arith.subi %sign3A_228, %sign3A_231 : i32
      %sign3A_233 = arith.constant 0 : i32
      %sign3A_234 = arith.cmpi sgt, %jit3A_224, %sign3A_233 : i32
      %sign3A_235 = arith.extui %sign3A_234 : i1 to i32
      %sign3A_236 = arith.constant 0 : i32
      %sign3A_237 = arith.cmpi slt, %jit3A_224, %sign3A_236 : i32
      %sign3A_238 = arith.extui %sign3A_237 : i1 to i32
      %sign3A_239 = arith.subi %sign3A_235, %sign3A_238 : i32
      %ne3A_240 = arith.cmpi ne, %sign3A_232, %sign3A_239 : i32
      %rem3A_241 = arith.remsi %add3A_223, %jit3A_224 : i32
      %ne3A_242 = arith.constant 0 : i32
      %ne3A_243 = arith.cmpi ne, %rem3A_241, %ne3A_242 : i32
      %and3A_244 = arith.andi %ne3A_240, %ne3A_243 : i1
      %sub3A_245 = arith.constant 1 : i32
      %sub3A_246 = arith.subi %div3A_225, %sub3A_245 : i32
      %select_n3A_247 = arith.select %and3A_244, %sub3A_246, %div3A_225 : i32
      %broadcast_in_dim3A_248 = vector.broadcast %min3A_193 : i32 to vector<16xi32>
      %scan3A_249 = arith.constant 0 : i32
      %scan3A_250 = arith.constant 0 : i32
      %scan3A_251 = arith.constant 40 : i32
      %scan3A_252 = arith.addi %scan3A_250, %scan3A_251 : i32
      %scan3A_253 = arith.constant 1 : i32
      scf.for %scan3A_307 = %scan3A_250 to %scan3A_252 step %scan3A_253  : i32 {
        %mul3A_308 = arith.constant 16 : i32
        %mul3A_309 = arith.muli %scan3A_307, %mul3A_308 : i32
        %swap3A_310 = arith.index_cast %mul3A_309 : i32 to index
        %swap3A_311 = tpu.vector_load %arg12[%swap3A_310] {strides = array<i32>} : memref<640xf32, #tpu.memory_space<vmem>>, vector<16xf32>,
        tpu.vector_store %arg12[%swap3A_310], %broadcast_in_dim3A_21 {strides = array<i32>} : memref<640xf32, #tpu.memory_space<vmem>>, vector<16xf32>,
      }
      %scan3A_254 = arith.constant 40 : i32
      %scan3A_255 = arith.constant 0 : i32
      %scan3A_256 = arith.constant 0 : i32
      %scan3A_257 = arith.constant 40 : i32
      %scan3A_258 = arith.addi %scan3A_256, %scan3A_257 : i32
      %scan3A_259 = arith.constant 1 : i32
      scf.for %scan3A_307 = %scan3A_256 to %scan3A_258 step %scan3A_259  : i32 {
        %mul3A_308 = arith.constant 16 : i32
        %mul3A_309 = arith.muli %scan3A_307, %mul3A_308 : i32
        %get3A = arith.index_cast %mul3A_309 : i32 to index
        %get3A_310 = tpu.vector_load %arg14[%get3A] {strides = array<i32>} : memref<640xi32, #tpu.memory_space<vmem>>, vector<16xi32>,
        %shift_right_arithmetic3A = arith.constant 1 : i32
        %shift_right_arithmetic3A_311 = vector.broadcast %shift_right_arithmetic3A : i32 to vector<16xi32>
        %shift_right_arithmetic3A_312 = arith.shrsi %get3A_310, %shift_right_arithmetic3A_311 : vector<16xi32>
        %jit3A_313 = arith.constant 8 : i32
        %div3A_314 = arith.divsi %scan3A_307, %jit3A_313 : i32
        %sign3A_315 = arith.constant 0 : i32
        %sign3A_316 = arith.cmpi sgt, %scan3A_307, %sign3A_315 : i32
        %sign3A_317 = arith.extui %sign3A_316 : i1 to i32
        %sign3A_318 = arith.constant 0 : i32
        %sign3A_319 = arith.cmpi slt, %scan3A_307, %sign3A_318 : i32
        %sign3A_320 = arith.extui %sign3A_319 : i1 to i32
        %sign3A_321 = arith.subi %sign3A_317, %sign3A_320 : i32
        %sign3A_322 = arith.constant 0 : i32
        %sign3A_323 = arith.cmpi sgt, %jit3A_313, %sign3A_322 : i32
        %sign3A_324 = arith.extui %sign3A_323 : i1 to i32
        %sign3A_325 = arith.constant 0 : i32
        %sign3A_326 = arith.cmpi slt, %jit3A_313, %sign3A_325 : i32
        %sign3A_327 = arith.extui %sign3A_326 : i1 to i32
        %sign3A_328 = arith.subi %sign3A_324, %sign3A_327 : i32
        %ne3A_329 = arith.cmpi ne, %sign3A_321, %sign3A_328 : i32
        %rem3A_330 = arith.remsi %scan3A_307, %jit3A_313 : i32
        %ne3A_331 = arith.constant 0 : i32
        %ne3A_332 = arith.cmpi ne, %rem3A_330, %ne3A_331 : i32
        %and3A_333 = arith.andi %ne3A_329, %ne3A_332 : i1
        %sub3A_334 = arith.constant 1 : i32
        %sub3A_335 = arith.subi %div3A_314, %sub3A_334 : i32
        %select_n3A_336 = arith.select %and3A_333, %sub3A_335, %div3A_314 : i32
        %jit3A_337 = arith.constant 8 : i32
        %eq3A_338 = arith.constant 0 : i32
        %eq3A_339 = arith.cmpi eq, %jit3A_337, %eq3A_338 : i32
        %jit3A_340 = arith.constant 1 : i32
        %select_n3A_341 = arith.select %eq3A_339, %jit3A_340, %jit3A_337 : i32
        %rem3A_342 = arith.remsi %scan3A_307, %select_n3A_341 : i32
        %ne3A_343 = arith.constant 0 : i32
        %ne3A_344 = arith.cmpi ne, %rem3A_342, %ne3A_343 : i32
        %lt3A = arith.constant 0 : i32
        %lt3A_345 = arith.cmpi slt, %rem3A_342, %lt3A : i32
        %lt3A_346 = arith.constant 0 : i32
        %lt3A_347 = arith.cmpi slt, %select_n3A_341, %lt3A_346 : i32
        %ne3A_348 = arith.xori %lt3A_345, %lt3A_347 : i1
        %and3A_349 = arith.andi %ne3A_348, %ne3A_344 : i1
        %add3A_350 = arith.addi %rem3A_342, %select_n3A_341 : i32
        %select_n3A_351 = arith.select %and3A_349, %add3A_350, %rem3A_342 : i32
        %mul3A_352 = arith.constant 16 : i32
        %mul3A_353 = arith.muli %select_n3A_351, %mul3A_352 : i32
        %swap3A_354 = arith.index_cast %select_n3A_336 : i32 to index
        %swap3A_355 = arith.index_cast %mul3A_353 : i32 to index
        %swap3A_356 = tpu.vector_load %arg16[%swap3A_354, %swap3A_355] {strides = array<i32>} : memref<5x128xi32, #tpu.memory_space<vmem>>, vector<16xi32>,
        tpu.vector_store %arg16[%swap3A_354, %swap3A_355], %shift_right_arithmetic3A_312 {strides = array<i32>} : memref<5x128xi32, #tpu.memory_space<vmem>>, vector<16xi32>,
      }
      %scan3A_260 = arith.constant 40 : i32
      %while3A_261 = arith.constant 0 : i32
      %while3A_262 = arith.constant 0 : i32
      %while3A_263 = arith.subi %select_n3A_221, %while3A_262 : i32
      %while3A_264 = arith.addi %while3A_262, %while3A_263 : i32
      %while3A_265 = arith.constant 1 : i32
      %while3A_266 = arith.divsi %while3A_263, %while3A_265 : i32
      %while3A_267 = arith.muli %while3A_266, %while3A_265 : i32
      %while3A_268 = arith.addi %while3A_262, %while3A_267 : i32
      %while3A_269 = arith.constant 1 : i32
      scf.for %while3A_307 = %while3A_262 to %while3A_268 step %while3A_269  : i32 {
        %dma_start3A_308 = arith.constant 0 : i32
        %dma_start3A_309 = tpu.memref_slice %arg16[%while3A_307, %dma_start3A_308] : memref<5x128xi32, #tpu.memory_space<vmem>> -> memref<1x128xi32, #tpu.memory_space<vmem>>
        %dma_start3A_310 = tpu.memref_squeeze %dma_start3A_309 : memref<1x128xi32, #tpu.memory_space<vmem>> -> memref<128xi32, #tpu.memory_space<vmem>>
        %dma_start3A_311 = arith.constant 0 : i32
        %dma_start3A_312 = arith.constant 0 : i32
        %dma_start3A_313 = tpu.memref_slice %arg5[%dma_start3A_311, %dma_start3A_312] : memref<50000x128xf32, #tpu.memory_space<hbm>> -> memref<50000x128xf32, #tpu.memory_space<hbm>>
        tpu.enqueue_indirect_dma source(%dma_start3A_313 : memref<50000x128xf32, #tpu.memory_space<hbm>>) target(%arg9 : memref<128x128xf32, #tpu.memory_space<vmem>>) offsets(%dma_start3A_310 : memref<128xi32, #tpu.memory_space<vmem>>) semaphore(%arg22 : memref<!tpu.dma_semaphore, #tpu.memory_space<semaphore_mem>>)
        %dma_wait3A = arith.constant 0 : i32
        %dma_wait3A_314 = tpu.memref_slice %arg16[%while3A_307, %dma_wait3A] : memref<5x128xi32, #tpu.memory_space<vmem>> -> memref<1x128xi32, #tpu.memory_space<vmem>>
        %dma_wait3A_315 = tpu.memref_squeeze %dma_wait3A_314 : memref<1x128xi32, #tpu.memory_space<vmem>> -> memref<128xi32, #tpu.memory_space<vmem>>
        %dma_wait3A_316 = arith.constant 0 : i32
        %dma_wait3A_317 = arith.constant 0 : i32
        %dma_wait3A_318 = tpu.memref_slice %arg5[%dma_wait3A_316, %dma_wait3A_317] : memref<50000x128xf32, #tpu.memory_space<hbm>> -> memref<50000x128xf32, #tpu.memory_space<hbm>>
        tpu.wait_indirect_dma semaphore(%arg22 : memref<!tpu.dma_semaphore, #tpu.memory_space<semaphore_mem>>) src(%dma_wait3A_318 : memref<50000x128xf32, #tpu.memory_space<hbm>>) dst(%arg9 : memref<128x128xf32, #tpu.memory_space<vmem>>)
        %scan3A_319 = arith.constant 0 : i32
        %scan3A_320 = arith.constant 0 : i32
        %scan3A_321 = arith.constant 8 : i32
        %scan3A_322 = arith.addi %scan3A_320, %scan3A_321 : i32
        %scan3A_323 = arith.constant 1 : i32
        scf.for %scan3A_325 = %scan3A_320 to %scan3A_322 step %scan3A_323  : i32 {
          %mul3A_326 = arith.constant 16 : i32
          %mul3A_327 = arith.muli %scan3A_325, %mul3A_326 : i32
          %add3A_328 = vector.broadcast %mul3A_327 : i32 to vector<16xi32>
          %add3A_329 = arith.addi %add3A_328, %iota3A : vector<16xi32>
          %mul3A_330 = arith.constant 128 : i32
          %mul3A_331 = arith.muli %while3A_307, %mul3A_330 : i32
          %mul3A_332 = arith.constant 16 : i32
          %mul3A_333 = arith.muli %scan3A_325, %mul3A_332 : i32
          %add3A_334 = arith.addi %mul3A_331, %mul3A_333 : i32
          %get3A = arith.index_cast %add3A_334 : i32 to index
          %get3A_335 = tpu.vector_load %arg14[%get3A] {strides = array<i32>} : memref<640xi32, #tpu.memory_space<vmem>>, vector<16xi32>,
          %and3A_336 = arith.constant 1 : i32
          %and3A_337 = vector.broadcast %and3A_336 : i32 to vector<16xi32>
          %and3A_338 = arith.andi %get3A_335, %and3A_337 : vector<16xi32>
          %shift_left3A = arith.constant 6 : i32
          %shift_left3A_339 = vector.broadcast %shift_left3A : i32 to vector<16xi32>
          %shift_left3A_340 = arith.shli %and3A_338, %shift_left3A_339 : vector<16xi32>
          %add3A_341 = arith.constant 0 : i32
          %add3A_342 = vector.broadcast %add3A_341 : i32 to vector<16xi32>
          %add3A_343 = arith.addi %shift_left3A_340, %add3A_342 : vector<16xi32>
          %gather3A = tpu.vector_load_idx %arg9[%add3A_329, %add3A_343] : memref<128x128xf32, #tpu.memory_space<vmem>>[vector<16xi32>, vector<16xi32>], vector<16xf32>,
          %broadcast_in_dim3A_344 = arith.constant 0 : i32
          %broadcast_in_dim3A_345 = vector.broadcast %broadcast_in_dim3A_344 : i32 to vector<16xi32>
          %mul3A_346 = arith.constant 128 : i32
          %mul3A_347 = arith.muli %while3A_307, %mul3A_346 : i32
          %add3A_348 = vector.broadcast %mul3A_347 : i32 to vector<16xi32>
          %add3A_349 = arith.addi %add3A_348, %add3A_329 : vector<16xi32>
          %max3A_350 = arith.constant 0.000000e+00 : f32
          %max3A_351 = vector.broadcast %max3A_350 : f32 to vector<16xf32>
          %max3A_352 = arith.maximumf %gather3A, %max3A_351 : vector<16xf32>
          tpu.vector_store_idx %arg10[%broadcast_in_dim3A_345, %add3A_349], %max3A_352 : memref<64x640xf32, #tpu.memory_space<vmem>>[vector<16xi32>, vector<16xi32>], vector<16xf32>,
          %add3A_353 = arith.constant 1 : i32
          %add3A_354 = vector.broadcast %add3A_353 : i32 to vector<16xi32>
          %add3A_355 = arith.addi %shift_left3A_340, %add3A_354 : vector<16xi32>
          %gather3A_356 = tpu.vector_load_idx %arg9[%add3A_329, %add3A_355] : memref<128x128xf32, #tpu.memory_space<vmem>>[vector<16xi32>, vector<16xi32>], vector<16xf32>,
          %broadcast_in_dim3A_357 = arith.constant 1 : i32
          %broadcast_in_dim3A_358 = vector.broadcast %broadcast_in_dim3A_357 : i32 to vector<16xi32>
          %mul3A_359 = arith.constant 128 : i32
          %mul3A_360 = arith.muli %while3A_307, %mul3A_359 : i32
          %add3A_361 = vector.broadcast %mul3A_360 : i32 to vector<16xi32>
          %add3A_362 = arith.addi %add3A_361, %add3A_329 : vector<16xi32>
          %max3A_363 = arith.constant 0.000000e+00 : f32
          %max3A_364 = vector.broadcast %max3A_363 : f32 to vector<16xf32>
          %max3A_365 = arith.maximumf %gather3A_356, %max3A_364 : vector<16xf32>
          tpu.vector_store_idx %arg10[%broadcast_in_dim3A_358, %add3A_362], %max3A_365 : memref<64x640xf32, #tpu.memory_space<vmem>>[vector<16xi32>, vector<16xi32>], vector<16xf32>,
          %add3A_366 = arith.constant 2 : i32
          %add3A_367 = vector.broadcast %add3A_366 : i32 to vector<16xi32>
          %add3A_368 = arith.addi %shift_left3A_340, %add3A_367 : vector<16xi32>
          %gather3A_369 = tpu.vector_load_idx %arg9[%add3A_329, %add3A_368] : memref<128x128xf32, #tpu.memory_space<vmem>>[vector<16xi32>, vector<16xi32>], vector<16xf32>,
          %broadcast_in_dim3A_370 = arith.constant 2 : i32
          %broadcast_in_dim3A_371 = vector.broadcast %broadcast_in_dim3A_370 : i32 to vector<16xi32>
          %mul3A_372 = arith.constant 128 : i32
          %mul3A_373 = arith.muli %while3A_307, %mul3A_372 : i32
          %add3A_374 = vector.broadcast %mul3A_373 : i32 to vector<16xi32>
          %add3A_375 = arith.addi %add3A_374, %add3A_329 : vector<16xi32>
          %max3A_376 = arith.constant 0.000000e+00 : f32
          %max3A_377 = vector.broadcast %max3A_376 : f32 to vector<16xf32>
          %max3A_378 = arith.maximumf %gather3A_369, %max3A_377 : vector<16xf32>
          tpu.vector_store_idx %arg10[%broadcast_in_dim3A_371, %add3A_375], %max3A_378 : memref<64x640xf32, #tpu.memory_space<vmem>>[vector<16xi32>, vector<16xi32>], vector<16xf32>,
          %add3A_379 = arith.constant 3 : i32
          %add3A_380 = vector.broadcast %add3A_379 : i32 to vector<16xi32>
          %add3A_381 = arith.addi %shift_left3A_340, %add3A_380 : vector<16xi32>
          %gather3A_382 = tpu.vector_load_idx %arg9[%add3A_329, %add3A_381] : memref<128x128xf32, #tpu.memory_space<vmem>>[vector<16xi32>, vector<16xi32>], vector<16xf32>,
          %broadcast_in_dim3A_383 = arith.constant 3 : i32
          %broadcast_in_dim3A_384 = vector.broadcast %broadcast_in_dim3A_383 : i32 to vector<16xi32>
          %mul3A_385 = arith.constant 128 : i32
          %mul3A_386 = arith.muli %while3A_307, %mul3A_385 : i32
          %add3A_387 = vector.broadcast %mul3A_386 : i32 to vector<16xi32>
          %add3A_388 = arith.addi %add3A_387, %add3A_329 : vector<16xi32>
          %max3A_389 = arith.constant 0.000000e+00 : f32
          %max3A_390 = vector.broadcast %max3A_389 : f32 to vector<16xf32>
          %max3A_391 = arith.maximumf %gather3A_382, %max3A_390 : vector<16xf32>
          tpu.vector_store_idx %arg10[%broadcast_in_dim3A_384, %add3A_388], %max3A_391 : memref<64x640xf32, #tpu.memory_space<vmem>>[vector<16xi32>, vector<16xi32>], vector<16xf32>,
          %add3A_392 = arith.constant 4 : i32
          %add3A_393 = vector.broadcast %add3A_392 : i32 to vector<16xi32>
          %add3A_394 = arith.addi %shift_left3A_340, %add3A_393 : vector<16xi32>
          %gather3A_395 = tpu.vector_load_idx %arg9[%add3A_329, %add3A_394] : memref<128x128xf32, #tpu.memory_space<vmem>>[vector<16xi32>, vector<16xi32>], vector<16xf32>,
          %broadcast_in_dim3A_396 = arith.constant 4 : i32
          %broadcast_in_dim3A_397 = vector.broadcast %broadcast_in_dim3A_396 : i32 to vector<16xi32>
          %mul3A_398 = arith.constant 128 : i32
          %mul3A_399 = arith.muli %while3A_307, %mul3A_398 : i32
          %add3A_400 = vector.broadcast %mul3A_399 : i32 to vector<16xi32>
          %add3A_401 = arith.addi %add3A_400, %add3A_329 : vector<16xi32>
          %max3A_402 = arith.constant 0.000000e+00 : f32
          %max3A_403 = vector.broadcast %max3A_402 : f32 to vector<16xf32>
          %max3A_404 = arith.maximumf %gather3A_395, %max3A_403 : vector<16xf32>
          tpu.vector_store_idx %arg10[%broadcast_in_dim3A_397, %add3A_401], %max3A_404 : memref<64x640xf32, #tpu.memory_space<vmem>>[vector<16xi32>, vector<16xi32>], vector<16xf32>,
          %add3A_405 = arith.constant 5 : i32
          %add3A_406 = vector.broadcast %add3A_405 : i32 to vector<16xi32>
          %add3A_407 = arith.addi %shift_left3A_340, %add3A_406 : vector<16xi32>
          %gather3A_408 = tpu.vector_load_idx %arg9[%add3A_329, %add3A_407] : memref<128x128xf32, #tpu.memory_space<vmem>>[vector<16xi32>, vector<16xi32>], vector<16xf32>,
          %broadcast_in_dim3A_409 = arith.constant 5 : i32
          %broadcast_in_dim3A_410 = vector.broadcast %broadcast_in_dim3A_409 : i32 to vector<16xi32>
          %mul3A_411 = arith.constant 128 : i32
          %mul3A_412 = arith.muli %while3A_307, %mul3A_411 : i32
          %add3A_413 = vector.broadcast %mul3A_412 : i32 to vector<16xi32>
          %add3A_414 = arith.addi %add3A_413, %add3A_329 : vector<16xi32>
          %max3A_415 = arith.constant 0.000000e+00 : f32
          %max3A_416 = vector.broadcast %max3A_415 : f32 to vector<16xf32>
          %max3A_417 = arith.maximumf %gather3A_408, %max3A_416 : vector<16xf32>
          tpu.vector_store_idx %arg10[%broadcast_in_dim3A_410, %add3A_414], %max3A_417 : memref<64x640xf32, #tpu.memory_space<vmem>>[vector<16xi32>, vector<16xi32>], vector<16xf32>,
          %add3A_418 = arith.constant 6 : i32
          %add3A_419 = vector.broadcast %add3A_418 : i32 to vector<16xi32>
          %add3A_420 = arith.addi %shift_left3A_340, %add3A_419 : vector<16xi32>
          %gather3A_421 = tpu.vector_load_idx %arg9[%add3A_329, %add3A_420] : memref<128x128xf32, #tpu.memory_space<vmem>>[vector<16xi32>, vector<16xi32>], vector<16xf32>,
          %broadcast_in_dim3A_422 = arith.constant 6 : i32
          %broadcast_in_dim3A_423 = vector.broadcast %broadcast_in_dim3A_422 : i32 to vector<16xi32>
          %mul3A_424 = arith.constant 128 : i32
          %mul3A_425 = arith.muli %while3A_307, %mul3A_424 : i32
          %add3A_426 = vector.broadcast %mul3A_425 : i32 to vector<16xi32>
          %add3A_427 = arith.addi %add3A_426, %add3A_329 : vector<16xi32>
          %max3A_428 = arith.constant 0.000000e+00 : f32
          %max3A_429 = vector.broadcast %max3A_428 : f32 to vector<16xf32>
          %max3A_430 = arith.maximumf %gather3A_421, %max3A_429 : vector<16xf32>
          tpu.vector_store_idx %arg10[%broadcast_in_dim3A_423, %add3A_427], %max3A_430 : memref<64x640xf32, #tpu.memory_space<vmem>>[vector<16xi32>, vector<16xi32>], vector<16xf32>,
          %add3A_431 = arith.constant 7 : i32
          %add3A_432 = vector.broadcast %add3A_431 : i32 to vector<16xi32>
          %add3A_433 = arith.addi %shift_left3A_340, %add3A_432 : vector<16xi32>
          %gather3A_434 = tpu.vector_load_idx %arg9[%add3A_329, %add3A_433] : memref<128x128xf32, #tpu.memory_space<vmem>>[vector<16xi32>, vector<16xi32>], vector<16xf32>,
          %broadcast_in_dim3A_435 = arith.constant 7 : i32
          %broadcast_in_dim3A_436 = vector.broadcast %broadcast_in_dim3A_435 : i32 to vector<16xi32>
          %mul3A_437 = arith.constant 128 : i32
          %mul3A_438 = arith.muli %while3A_307, %mul3A_437 : i32
          %add3A_439 = vector.broadcast %mul3A_438 : i32 to vector<16xi32>
          %add3A_440 = arith.addi %add3A_439, %add3A_329 : vector<16xi32>
          %max3A_441 = arith.constant 0.000000e+00 : f32
          %max3A_442 = vector.broadcast %max3A_441 : f32 to vector<16xf32>
          %max3A_443 = arith.maximumf %gather3A_434, %max3A_442 : vector<16xf32>
          tpu.vector_store_idx %arg10[%broadcast_in_dim3A_436, %add3A_440], %max3A_443 : memref<64x640xf32, #tpu.memory_space<vmem>>[vector<16xi32>, vector<16xi32>], vector<16xf32>,
          %add3A_444 = arith.constant 8 : i32
          %add3A_445 = vector.broadcast %add3A_444 : i32 to vector<16xi32>
          %add3A_446 = arith.addi %shift_left3A_340, %add3A_445 : vector<16xi32>
          %gather3A_447 = tpu.vector_load_idx %arg9[%add3A_329, %add3A_446] : memref<128x128xf32, #tpu.memory_space<vmem>>[vector<16xi32>, vector<16xi32>], vector<16xf32>,
          %broadcast_in_dim3A_448 = arith.constant 8 : i32
          %broadcast_in_dim3A_449 = vector.broadcast %broadcast_in_dim3A_448 : i32 to vector<16xi32>
          %mul3A_450 = arith.constant 128 : i32
          %mul3A_451 = arith.muli %while3A_307, %mul3A_450 : i32
          %add3A_452 = vector.broadcast %mul3A_451 : i32 to vector<16xi32>
          %add3A_453 = arith.addi %add3A_452, %add3A_329 : vector<16xi32>
          %max3A_454 = arith.constant 0.000000e+00 : f32
          %max3A_455 = vector.broadcast %max3A_454 : f32 to vector<16xf32>
          %max3A_456 = arith.maximumf %gather3A_447, %max3A_455 : vector<16xf32>
          tpu.vector_store_idx %arg10[%broadcast_in_dim3A_449, %add3A_453], %max3A_456 : memref<64x640xf32, #tpu.memory_space<vmem>>[vector<16xi32>, vector<16xi32>], vector<16xf32>,
          %add3A_457 = arith.constant 9 : i32
          %add3A_458 = vector.broadcast %add3A_457 : i32 to vector<16xi32>
          %add3A_459 = arith.addi %shift_left3A_340, %add3A_458 : vector<16xi32>
          %gather3A_460 = tpu.vector_load_idx %arg9[%add3A_329, %add3A_459] : memref<128x128xf32, #tpu.memory_space<vmem>>[vector<16xi32>, vector<16xi32>], vector<16xf32>,
          %broadcast_in_dim3A_461 = arith.constant 9 : i32
          %broadcast_in_dim3A_462 = vector.broadcast %broadcast_in_dim3A_461 : i32 to vector<16xi32>
          %mul3A_463 = arith.constant 128 : i32
          %mul3A_464 = arith.muli %while3A_307, %mul3A_463 : i32
          %add3A_465 = vector.broadcast %mul3A_464 : i32 to vector<16xi32>
          %add3A_466 = arith.addi %add3A_465, %add3A_329 : vector<16xi32>
          %max3A_467 = arith.constant 0.000000e+00 : f32
          %max3A_468 = vector.broadcast %max3A_467 : f32 to vector<16xf32>
          %max3A_469 = arith.maximumf %gather3A_460, %max3A_468 : vector<16xf32>
          tpu.vector_store_idx %arg10[%broadcast_in_dim3A_462, %add3A_466], %max3A_469 : memref<64x640xf32, #tpu.memory_space<vmem>>[vector<16xi32>, vector<16xi32>], vector<16xf32>,
          %add3A_470 = arith.constant 10 : i32
          %add3A_471 = vector.broadcast %add3A_470 : i32 to vector<16xi32>
          %add3A_472 = arith.addi %shift_left3A_340, %add3A_471 : vector<16xi32>
          %gather3A_473 = tpu.vector_load_idx %arg9[%add3A_329, %add3A_472] : memref<128x128xf32, #tpu.memory_space<vmem>>[vector<16xi32>, vector<16xi32>], vector<16xf32>,
          %broadcast_in_dim3A_474 = arith.constant 10 : i32
          %broadcast_in_dim3A_475 = vector.broadcast %broadcast_in_dim3A_474 : i32 to vector<16xi32>
          %mul3A_476 = arith.constant 128 : i32
          %mul3A_477 = arith.muli %while3A_307, %mul3A_476 : i32
          %add3A_478 = vector.broadcast %mul3A_477 : i32 to vector<16xi32>
          %add3A_479 = arith.addi %add3A_478, %add3A_329 : vector<16xi32>
          %max3A_480 = arith.constant 0.000000e+00 : f32
          %max3A_481 = vector.broadcast %max3A_480 : f32 to vector<16xf32>
          %max3A_482 = arith.maximumf %gather3A_473, %max3A_481 : vector<16xf32>
          tpu.vector_store_idx %arg10[%broadcast_in_dim3A_475, %add3A_479], %max3A_482 : memref<64x640xf32, #tpu.memory_space<vmem>>[vector<16xi32>, vector<16xi32>], vector<16xf32>,
          %add3A_483 = arith.constant 11 : i32
          %add3A_484 = vector.broadcast %add3A_483 : i32 to vector<16xi32>
          %add3A_485 = arith.addi %shift_left3A_340, %add3A_484 : vector<16xi32>
          %gather3A_486 = tpu.vector_load_idx %arg9[%add3A_329, %add3A_485] : memref<128x128xf32, #tpu.memory_space<vmem>>[vector<16xi32>, vector<16xi32>], vector<16xf32>,
          %broadcast_in_dim3A_487 = arith.constant 11 : i32
          %broadcast_in_dim3A_488 = vector.broadcast %broadcast_in_dim3A_487 : i32 to vector<16xi32>
          %mul3A_489 = arith.constant 128 : i32
          %mul3A_490 = arith.muli %while3A_307, %mul3A_489 : i32
          %add3A_491 = vector.broadcast %mul3A_490 : i32 to vector<16xi32>
          %add3A_492 = arith.addi %add3A_491, %add3A_329 : vector<16xi32>
          %max3A_493 = arith.constant 0.000000e+00 : f32
          %max3A_494 = vector.broadcast %max3A_493 : f32 to vector<16xf32>
          %max3A_495 = arith.maximumf %gather3A_486, %max3A_494 : vector<16xf32>
          tpu.vector_store_idx %arg10[%broadcast_in_dim3A_488, %add3A_492], %max3A_495 : memref<64x640xf32, #tpu.memory_space<vmem>>[vector<16xi32>, vector<16xi32>], vector<16xf32>,
          %add3A_496 = arith.constant 12 : i32
          %add3A_497 = vector.broadcast %add3A_496 : i32 to vector<16xi32>
          %add3A_498 = arith.addi %shift_left3A_340, %add3A_497 : vector<16xi32>
          %gather3A_499 = tpu.vector_load_idx %arg9[%add3A_329, %add3A_498] : memref<128x128xf32, #tpu.memory_space<vmem>>[vector<16xi32>, vector<16xi32>], vector<16xf32>,
          %broadcast_in_dim3A_500 = arith.constant 12 : i32
          %broadcast_in_dim3A_501 = vector.broadcast %broadcast_in_dim3A_500 : i32 to vector<16xi32>
          %mul3A_502 = arith.constant 128 : i32
          %mul3A_503 = arith.muli %while3A_307, %mul3A_502 : i32
          %add3A_504 = vector.broadcast %mul3A_503 : i32 to vector<16xi32>
          %add3A_505 = arith.addi %add3A_504, %add3A_329 : vector<16xi32>
          %max3A_506 = arith.constant 0.000000e+00 : f32
          %max3A_507 = vector.broadcast %max3A_506 : f32 to vector<16xf32>
          %max3A_508 = arith.maximumf %gather3A_499, %max3A_507 : vector<16xf32>
          tpu.vector_store_idx %arg10[%broadcast_in_dim3A_501, %add3A_505], %max3A_508 : memref<64x640xf32, #tpu.memory_space<vmem>>[vector<16xi32>, vector<16xi32>], vector<16xf32>,
          %add3A_509 = arith.constant 13 : i32
          %add3A_510 = vector.broadcast %add3A_509 : i32 to vector<16xi32>
          %add3A_511 = arith.addi %shift_left3A_340, %add3A_510 : vector<16xi32>
          %gather3A_512 = tpu.vector_load_idx %arg9[%add3A_329, %add3A_511] : memref<128x128xf32, #tpu.memory_space<vmem>>[vector<16xi32>, vector<16xi32>], vector<16xf32>,
          %broadcast_in_dim3A_513 = arith.constant 13 : i32
          %broadcast_in_dim3A_514 = vector.broadcast %broadcast_in_dim3A_513 : i32 to vector<16xi32>
          %mul3A_515 = arith.constant 128 : i32
          %mul3A_516 = arith.muli %while3A_307, %mul3A_515 : i32
          %add3A_517 = vector.broadcast %mul3A_516 : i32 to vector<16xi32>
          %add3A_518 = arith.addi %add3A_517, %add3A_329 : vector<16xi32>
          %max3A_519 = arith.constant 0.000000e+00 : f32
          %max3A_520 = vector.broadcast %max3A_519 : f32 to vector<16xf32>
          %max3A_521 = arith.maximumf %gather3A_512, %max3A_520 : vector<16xf32>
          tpu.vector_store_idx %arg10[%broadcast_in_dim3A_514, %add3A_518], %max3A_521 : memref<64x640xf32, #tpu.memory_space<vmem>>[vector<16xi32>, vector<16xi32>], vector<16xf32>,
          %add3A_522 = arith.constant 14 : i32
          %add3A_523 = vector.broadcast %add3A_522 : i32 to vector<16xi32>
          %add3A_524 = arith.addi %shift_left3A_340, %add3A_523 : vector<16xi32>
          %gather3A_525 = tpu.vector_load_idx %arg9[%add3A_329, %add3A_524] : memref<128x128xf32, #tpu.memory_space<vmem>>[vector<16xi32>, vector<16xi32>], vector<16xf32>,
          %broadcast_in_dim3A_526 = arith.constant 14 : i32
          %broadcast_in_dim3A_527 = vector.broadcast %broadcast_in_dim3A_526 : i32 to vector<16xi32>
          %mul3A_528 = arith.constant 128 : i32
          %mul3A_529 = arith.muli %while3A_307, %mul3A_528 : i32
          %add3A_530 = vector.broadcast %mul3A_529 : i32 to vector<16xi32>
          %add3A_531 = arith.addi %add3A_530, %add3A_329 : vector<16xi32>
          %max3A_532 = arith.constant 0.000000e+00 : f32
          %max3A_533 = vector.broadcast %max3A_532 : f32 to vector<16xf32>
          %max3A_534 = arith.maximumf %gather3A_525, %max3A_533 : vector<16xf32>
          tpu.vector_store_idx %arg10[%broadcast_in_dim3A_527, %add3A_531], %max3A_534 : memref<64x640xf32, #tpu.memory_space<vmem>>[vector<16xi32>, vector<16xi32>], vector<16xf32>,
          %add3A_535 = arith.constant 15 : i32
          %add3A_536 = vector.broadcast %add3A_535 : i32 to vector<16xi32>
          %add3A_537 = arith.addi %shift_left3A_340, %add3A_536 : vector<16xi32>
          %gather3A_538 = tpu.vector_load_idx %arg9[%add3A_329, %add3A_537] : memref<128x128xf32, #tpu.memory_space<vmem>>[vector<16xi32>, vector<16xi32>], vector<16xf32>,
          %broadcast_in_dim3A_539 = arith.constant 15 : i32
          %broadcast_in_dim3A_540 = vector.broadcast %broadcast_in_dim3A_539 : i32 to vector<16xi32>
          %mul3A_541 = arith.constant 128 : i32
          %mul3A_542 = arith.muli %while3A_307, %mul3A_541 : i32
          %add3A_543 = vector.broadcast %mul3A_542 : i32 to vector<16xi32>
          %add3A_544 = arith.addi %add3A_543, %add3A_329 : vector<16xi32>
          %max3A_545 = arith.constant 0.000000e+00 : f32
          %max3A_546 = vector.broadcast %max3A_545 : f32 to vector<16xf32>
          %max3A_547 = arith.maximumf %gather3A_538, %max3A_546 : vector<16xf32>
          tpu.vector_store_idx %arg10[%broadcast_in_dim3A_540, %add3A_544], %max3A_547 : memref<64x640xf32, #tpu.memory_space<vmem>>[vector<16xi32>, vector<16xi32>], vector<16xf32>,
          %add3A_548 = arith.constant 16 : i32
          %add3A_549 = vector.broadcast %add3A_548 : i32 to vector<16xi32>
          %add3A_550 = arith.addi %shift_left3A_340, %add3A_549 : vector<16xi32>
          %gather3A_551 = tpu.vector_load_idx %arg9[%add3A_329, %add3A_550] : memref<128x128xf32, #tpu.memory_space<vmem>>[vector<16xi32>, vector<16xi32>], vector<16xf32>,
          %broadcast_in_dim3A_552 = arith.constant 16 : i32
          %broadcast_in_dim3A_553 = vector.broadcast %broadcast_in_dim3A_552 : i32 to vector<16xi32>
          %mul3A_554 = arith.constant 128 : i32
          %mul3A_555 = arith.muli %while3A_307, %mul3A_554 : i32
          %add3A_556 = vector.broadcast %mul3A_555 : i32 to vector<16xi32>
          %add3A_557 = arith.addi %add3A_556, %add3A_329 : vector<16xi32>
          %max3A_558 = arith.constant 0.000000e+00 : f32
          %max3A_559 = vector.broadcast %max3A_558 : f32 to vector<16xf32>
          %max3A_560 = arith.maximumf %gather3A_551, %max3A_559 : vector<16xf32>
          tpu.vector_store_idx %arg10[%broadcast_in_dim3A_553, %add3A_557], %max3A_560 : memref<64x640xf32, #tpu.memory_space<vmem>>[vector<16xi32>, vector<16xi32>], vector<16xf32>,
          %add3A_561 = arith.constant 17 : i32
          %add3A_562 = vector.broadcast %add3A_561 : i32 to vector<16xi32>
          %add3A_563 = arith.addi %shift_left3A_340, %add3A_562 : vector<16xi32>
          %gather3A_564 = tpu.vector_load_idx %arg9[%add3A_329, %add3A_563] : memref<128x128xf32, #tpu.memory_space<vmem>>[vector<16xi32>, vector<16xi32>], vector<16xf32>,
          %broadcast_in_dim3A_565 = arith.constant 17 : i32
          %broadcast_in_dim3A_566 = vector.broadcast %broadcast_in_dim3A_565 : i32 to vector<16xi32>
          %mul3A_567 = arith.constant 128 : i32
          %mul3A_568 = arith.muli %while3A_307, %mul3A_567 : i32
          %add3A_569 = vector.broadcast %mul3A_568 : i32 to vector<16xi32>
          %add3A_570 = arith.addi %add3A_569, %add3A_329 : vector<16xi32>
          %max3A_571 = arith.constant 0.000000e+00 : f32
          %max3A_572 = vector.broadcast %max3A_571 : f32 to vector<16xf32>
          %max3A_573 = arith.maximumf %gather3A_564, %max3A_572 : vector<16xf32>
          tpu.vector_store_idx %arg10[%broadcast_in_dim3A_566, %add3A_570], %max3A_573 : memref<64x640xf32, #tpu.memory_space<vmem>>[vector<16xi32>, vector<16xi32>], vector<16xf32>,
          %add3A_574 = arith.constant 18 : i32
          %add3A_575 = vector.broadcast %add3A_574 : i32 to vector<16xi32>
          %add3A_576 = arith.addi %shift_left3A_340, %add3A_575 : vector<16xi32>
          %gather3A_577 = tpu.vector_load_idx %arg9[%add3A_329, %add3A_576] : memref<128x128xf32, #tpu.memory_space<vmem>>[vector<16xi32>, vector<16xi32>], vector<16xf32>,
          %broadcast_in_dim3A_578 = arith.constant 18 : i32
          %broadcast_in_dim3A_579 = vector.broadcast %broadcast_in_dim3A_578 : i32 to vector<16xi32>
          %mul3A_580 = arith.constant 128 : i32
          %mul3A_581 = arith.muli %while3A_307, %mul3A_580 : i32
          %add3A_582 = vector.broadcast %mul3A_581 : i32 to vector<16xi32>
          %add3A_583 = arith.addi %add3A_582, %add3A_329 : vector<16xi32>
          %max3A_584 = arith.constant 0.000000e+00 : f32
          %max3A_585 = vector.broadcast %max3A_584 : f32 to vector<16xf32>
          %max3A_586 = arith.maximumf %gather3A_577, %max3A_585 : vector<16xf32>
          tpu.vector_store_idx %arg10[%broadcast_in_dim3A_579, %add3A_583], %max3A_586 : memref<64x640xf32, #tpu.memory_space<vmem>>[vector<16xi32>, vector<16xi32>], vector<16xf32>,
          %add3A_587 = arith.constant 19 : i32
          %add3A_588 = vector.broadcast %add3A_587 : i32 to vector<16xi32>
          %add3A_589 = arith.addi %shift_left3A_340, %add3A_588 : vector<16xi32>
          %gather3A_590 = tpu.vector_load_idx %arg9[%add3A_329, %add3A_589] : memref<128x128xf32, #tpu.memory_space<vmem>>[vector<16xi32>, vector<16xi32>], vector<16xf32>,
          %broadcast_in_dim3A_591 = arith.constant 19 : i32
          %broadcast_in_dim3A_592 = vector.broadcast %broadcast_in_dim3A_591 : i32 to vector<16xi32>
          %mul3A_593 = arith.constant 128 : i32
          %mul3A_594 = arith.muli %while3A_307, %mul3A_593 : i32
          %add3A_595 = vector.broadcast %mul3A_594 : i32 to vector<16xi32>
          %add3A_596 = arith.addi %add3A_595, %add3A_329 : vector<16xi32>
          %max3A_597 = arith.constant 0.000000e+00 : f32
          %max3A_598 = vector.broadcast %max3A_597 : f32 to vector<16xf32>
          %max3A_599 = arith.maximumf %gather3A_590, %max3A_598 : vector<16xf32>
          tpu.vector_store_idx %arg10[%broadcast_in_dim3A_592, %add3A_596], %max3A_599 : memref<64x640xf32, #tpu.memory_space<vmem>>[vector<16xi32>, vector<16xi32>], vector<16xf32>,
          %add3A_600 = arith.constant 20 : i32
          %add3A_601 = vector.broadcast %add3A_600 : i32 to vector<16xi32>
          %add3A_602 = arith.addi %shift_left3A_340, %add3A_601 : vector<16xi32>
          %gather3A_603 = tpu.vector_load_idx %arg9[%add3A_329, %add3A_602] : memref<128x128xf32, #tpu.memory_space<vmem>>[vector<16xi32>, vector<16xi32>], vector<16xf32>,
          %broadcast_in_dim3A_604 = arith.constant 20 : i32
          %broadcast_in_dim3A_605 = vector.broadcast %broadcast_in_dim3A_604 : i32 to vector<16xi32>
          %mul3A_606 = arith.constant 128 : i32
          %mul3A_607 = arith.muli %while3A_307, %mul3A_606 : i32
          %add3A_608 = vector.broadcast %mul3A_607 : i32 to vector<16xi32>
          %add3A_609 = arith.addi %add3A_608, %add3A_329 : vector<16xi32>
          %max3A_610 = arith.constant 0.000000e+00 : f32
          %max3A_611 = vector.broadcast %max3A_610 : f32 to vector<16xf32>
          %max3A_612 = arith.maximumf %gather3A_603, %max3A_611 : vector<16xf32>
          tpu.vector_store_idx %arg10[%broadcast_in_dim3A_605, %add3A_609], %max3A_612 : memref<64x640xf32, #tpu.memory_space<vmem>>[vector<16xi32>, vector<16xi32>], vector<16xf32>,
          %add3A_613 = arith.constant 21 : i32
          %add3A_614 = vector.broadcast %add3A_613 : i32 to vector<16xi32>
          %add3A_615 = arith.addi %shift_left3A_340, %add3A_614 : vector<16xi32>
          %gather3A_616 = tpu.vector_load_idx %arg9[%add3A_329, %add3A_615] : memref<128x128xf32, #tpu.memory_space<vmem>>[vector<16xi32>, vector<16xi32>], vector<16xf32>,
          %broadcast_in_dim3A_617 = arith.constant 21 : i32
          %broadcast_in_dim3A_618 = vector.broadcast %broadcast_in_dim3A_617 : i32 to vector<16xi32>
          %mul3A_619 = arith.constant 128 : i32
          %mul3A_620 = arith.muli %while3A_307, %mul3A_619 : i32
          %add3A_621 = vector.broadcast %mul3A_620 : i32 to vector<16xi32>
          %add3A_622 = arith.addi %add3A_621, %add3A_329 : vector<16xi32>
          %max3A_623 = arith.constant 0.000000e+00 : f32
          %max3A_624 = vector.broadcast %max3A_623 : f32 to vector<16xf32>
          %max3A_625 = arith.maximumf %gather3A_616, %max3A_624 : vector<16xf32>
          tpu.vector_store_idx %arg10[%broadcast_in_dim3A_618, %add3A_622], %max3A_625 : memref<64x640xf32, #tpu.memory_space<vmem>>[vector<16xi32>, vector<16xi32>], vector<16xf32>,
          %add3A_626 = arith.constant 22 : i32
          %add3A_627 = vector.broadcast %add3A_626 : i32 to vector<16xi32>
          %add3A_628 = arith.addi %shift_left3A_340, %add3A_627 : vector<16xi32>
          %gather3A_629 = tpu.vector_load_idx %arg9[%add3A_329, %add3A_628] : memref<128x128xf32, #tpu.memory_space<vmem>>[vector<16xi32>, vector<16xi32>], vector<16xf32>,
          %broadcast_in_dim3A_630 = arith.constant 22 : i32
          %broadcast_in_dim3A_631 = vector.broadcast %broadcast_in_dim3A_630 : i32 to vector<16xi32>
          %mul3A_632 = arith.constant 128 : i32
          %mul3A_633 = arith.muli %while3A_307, %mul3A_632 : i32
          %add3A_634 = vector.broadcast %mul3A_633 : i32 to vector<16xi32>
          %add3A_635 = arith.addi %add3A_634, %add3A_329 : vector<16xi32>
          %max3A_636 = arith.constant 0.000000e+00 : f32
          %max3A_637 = vector.broadcast %max3A_636 : f32 to vector<16xf32>
          %max3A_638 = arith.maximumf %gather3A_629, %max3A_637 : vector<16xf32>
          tpu.vector_store_idx %arg10[%broadcast_in_dim3A_631, %add3A_635], %max3A_638 : memref<64x640xf32, #tpu.memory_space<vmem>>[vector<16xi32>, vector<16xi32>], vector<16xf32>,
          %add3A_639 = arith.constant 23 : i32
          %add3A_640 = vector.broadcast %add3A_639 : i32 to vector<16xi32>
          %add3A_641 = arith.addi %shift_left3A_340, %add3A_640 : vector<16xi32>
          %gather3A_642 = tpu.vector_load_idx %arg9[%add3A_329, %add3A_641] : memref<128x128xf32, #tpu.memory_space<vmem>>[vector<16xi32>, vector<16xi32>], vector<16xf32>,
          %broadcast_in_dim3A_643 = arith.constant 23 : i32
          %broadcast_in_dim3A_644 = vector.broadcast %broadcast_in_dim3A_643 : i32 to vector<16xi32>
          %mul3A_645 = arith.constant 128 : i32
          %mul3A_646 = arith.muli %while3A_307, %mul3A_645 : i32
          %add3A_647 = vector.broadcast %mul3A_646 : i32 to vector<16xi32>
          %add3A_648 = arith.addi %add3A_647, %add3A_329 : vector<16xi32>
          %max3A_649 = arith.constant 0.000000e+00 : f32
          %max3A_650 = vector.broadcast %max3A_649 : f32 to vector<16xf32>
          %max3A_651 = arith.maximumf %gather3A_642, %max3A_650 : vector<16xf32>
          tpu.vector_store_idx %arg10[%broadcast_in_dim3A_644, %add3A_648], %max3A_651 : memref<64x640xf32, #tpu.memory_space<vmem>>[vector<16xi32>, vector<16xi32>], vector<16xf32>,
          %add3A_652 = arith.constant 24 : i32
          %add3A_653 = vector.broadcast %add3A_652 : i32 to vector<16xi32>
          %add3A_654 = arith.addi %shift_left3A_340, %add3A_653 : vector<16xi32>
          %gather3A_655 = tpu.vector_load_idx %arg9[%add3A_329, %add3A_654] : memref<128x128xf32, #tpu.memory_space<vmem>>[vector<16xi32>, vector<16xi32>], vector<16xf32>,
          %broadcast_in_dim3A_656 = arith.constant 24 : i32
          %broadcast_in_dim3A_657 = vector.broadcast %broadcast_in_dim3A_656 : i32 to vector<16xi32>
          %mul3A_658 = arith.constant 128 : i32
          %mul3A_659 = arith.muli %while3A_307, %mul3A_658 : i32
          %add3A_660 = vector.broadcast %mul3A_659 : i32 to vector<16xi32>
          %add3A_661 = arith.addi %add3A_660, %add3A_329 : vector<16xi32>
          %max3A_662 = arith.constant 0.000000e+00 : f32
          %max3A_663 = vector.broadcast %max3A_662 : f32 to vector<16xf32>
          %max3A_664 = arith.maximumf %gather3A_655, %max3A_663 : vector<16xf32>
          tpu.vector_store_idx %arg10[%broadcast_in_dim3A_657, %add3A_661], %max3A_664 : memref<64x640xf32, #tpu.memory_space<vmem>>[vector<16xi32>, vector<16xi32>], vector<16xf32>,
          %add3A_665 = arith.constant 25 : i32
          %add3A_666 = vector.broadcast %add3A_665 : i32 to vector<16xi32>
          %add3A_667 = arith.addi %shift_left3A_340, %add3A_666 : vector<16xi32>
          %gather3A_668 = tpu.vector_load_idx %arg9[%add3A_329, %add3A_667] : memref<128x128xf32, #tpu.memory_space<vmem>>[vector<16xi32>, vector<16xi32>], vector<16xf32>,
          %broadcast_in_dim3A_669 = arith.constant 25 : i32
          %broadcast_in_dim3A_670 = vector.broadcast %broadcast_in_dim3A_669 : i32 to vector<16xi32>
          %mul3A_671 = arith.constant 128 : i32
          %mul3A_672 = arith.muli %while3A_307, %mul3A_671 : i32
          %add3A_673 = vector.broadcast %mul3A_672 : i32 to vector<16xi32>
          %add3A_674 = arith.addi %add3A_673, %add3A_329 : vector<16xi32>
          %max3A_675 = arith.constant 0.000000e+00 : f32
          %max3A_676 = vector.broadcast %max3A_675 : f32 to vector<16xf32>
          %max3A_677 = arith.maximumf %gather3A_668, %max3A_676 : vector<16xf32>
          tpu.vector_store_idx %arg10[%broadcast_in_dim3A_670, %add3A_674], %max3A_677 : memref<64x640xf32, #tpu.memory_space<vmem>>[vector<16xi32>, vector<16xi32>], vector<16xf32>,
          %add3A_678 = arith.constant 26 : i32
          %add3A_679 = vector.broadcast %add3A_678 : i32 to vector<16xi32>
          %add3A_680 = arith.addi %shift_left3A_340, %add3A_679 : vector<16xi32>
          %gather3A_681 = tpu.vector_load_idx %arg9[%add3A_329, %add3A_680] : memref<128x128xf32, #tpu.memory_space<vmem>>[vector<16xi32>, vector<16xi32>], vector<16xf32>,
          %broadcast_in_dim3A_682 = arith.constant 26 : i32
          %broadcast_in_dim3A_683 = vector.broadcast %broadcast_in_dim3A_682 : i32 to vector<16xi32>
          %mul3A_684 = arith.constant 128 : i32
          %mul3A_685 = arith.muli %while3A_307, %mul3A_684 : i32
          %add3A_686 = vector.broadcast %mul3A_685 : i32 to vector<16xi32>
          %add3A_687 = arith.addi %add3A_686, %add3A_329 : vector<16xi32>
          %max3A_688 = arith.constant 0.000000e+00 : f32
          %max3A_689 = vector.broadcast %max3A_688 : f32 to vector<16xf32>
          %max3A_690 = arith.maximumf %gather3A_681, %max3A_689 : vector<16xf32>
          tpu.vector_store_idx %arg10[%broadcast_in_dim3A_683, %add3A_687], %max3A_690 : memref<64x640xf32, #tpu.memory_space<vmem>>[vector<16xi32>, vector<16xi32>], vector<16xf32>,
          %add3A_691 = arith.constant 27 : i32
          %add3A_692 = vector.broadcast %add3A_691 : i32 to vector<16xi32>
          %add3A_693 = arith.addi %shift_left3A_340, %add3A_692 : vector<16xi32>
          %gather3A_694 = tpu.vector_load_idx %arg9[%add3A_329, %add3A_693] : memref<128x128xf32, #tpu.memory_space<vmem>>[vector<16xi32>, vector<16xi32>], vector<16xf32>,
          %broadcast_in_dim3A_695 = arith.constant 27 : i32
          %broadcast_in_dim3A_696 = vector.broadcast %broadcast_in_dim3A_695 : i32 to vector<16xi32>
          %mul3A_697 = arith.constant 128 : i32
          %mul3A_698 = arith.muli %while3A_307, %mul3A_697 : i32
          %add3A_699 = vector.broadcast %mul3A_698 : i32 to vector<16xi32>
          %add3A_700 = arith.addi %add3A_699, %add3A_329 : vector<16xi32>
          %max3A_701 = arith.constant 0.000000e+00 : f32
          %max3A_702 = vector.broadcast %max3A_701 : f32 to vector<16xf32>
          %max3A_703 = arith.maximumf %gather3A_694, %max3A_702 : vector<16xf32>
          tpu.vector_store_idx %arg10[%broadcast_in_dim3A_696, %add3A_700], %max3A_703 : memref<64x640xf32, #tpu.memory_space<vmem>>[vector<16xi32>, vector<16xi32>], vector<16xf32>,
          %add3A_704 = arith.constant 28 : i32
          %add3A_705 = vector.broadcast %add3A_704 : i32 to vector<16xi32>
          %add3A_706 = arith.addi %shift_left3A_340, %add3A_705 : vector<16xi32>
          %gather3A_707 = tpu.vector_load_idx %arg9[%add3A_329, %add3A_706] : memref<128x128xf32, #tpu.memory_space<vmem>>[vector<16xi32>, vector<16xi32>], vector<16xf32>,
          %broadcast_in_dim3A_708 = arith.constant 28 : i32
          %broadcast_in_dim3A_709 = vector.broadcast %broadcast_in_dim3A_708 : i32 to vector<16xi32>
          %mul3A_710 = arith.constant 128 : i32
          %mul3A_711 = arith.muli %while3A_307, %mul3A_710 : i32
          %add3A_712 = vector.broadcast %mul3A_711 : i32 to vector<16xi32>
          %add3A_713 = arith.addi %add3A_712, %add3A_329 : vector<16xi32>
          %max3A_714 = arith.constant 0.000000e+00 : f32
          %max3A_715 = vector.broadcast %max3A_714 : f32 to vector<16xf32>
          %max3A_716 = arith.maximumf %gather3A_707, %max3A_715 : vector<16xf32>
          tpu.vector_store_idx %arg10[%broadcast_in_dim3A_709, %add3A_713], %max3A_716 : memref<64x640xf32, #tpu.memory_space<vmem>>[vector<16xi32>, vector<16xi32>], vector<16xf32>,
          %add3A_717 = arith.constant 29 : i32
          %add3A_718 = vector.broadcast %add3A_717 : i32 to vector<16xi32>
          %add3A_719 = arith.addi %shift_left3A_340, %add3A_718 : vector<16xi32>
          %gather3A_720 = tpu.vector_load_idx %arg9[%add3A_329, %add3A_719] : memref<128x128xf32, #tpu.memory_space<vmem>>[vector<16xi32>, vector<16xi32>], vector<16xf32>,
          %broadcast_in_dim3A_721 = arith.constant 29 : i32
          %broadcast_in_dim3A_722 = vector.broadcast %broadcast_in_dim3A_721 : i32 to vector<16xi32>
          %mul3A_723 = arith.constant 128 : i32
          %mul3A_724 = arith.muli %while3A_307, %mul3A_723 : i32
          %add3A_725 = vector.broadcast %mul3A_724 : i32 to vector<16xi32>
          %add3A_726 = arith.addi %add3A_725, %add3A_329 : vector<16xi32>
          %max3A_727 = arith.constant 0.000000e+00 : f32
          %max3A_728 = vector.broadcast %max3A_727 : f32 to vector<16xf32>
          %max3A_729 = arith.maximumf %gather3A_720, %max3A_728 : vector<16xf32>
          tpu.vector_store_idx %arg10[%broadcast_in_dim3A_722, %add3A_726], %max3A_729 : memref<64x640xf32, #tpu.memory_space<vmem>>[vector<16xi32>, vector<16xi32>], vector<16xf32>,
          %add3A_730 = arith.constant 30 : i32
          %add3A_731 = vector.broadcast %add3A_730 : i32 to vector<16xi32>
          %add3A_732 = arith.addi %shift_left3A_340, %add3A_731 : vector<16xi32>
          %gather3A_733 = tpu.vector_load_idx %arg9[%add3A_329, %add3A_732] : memref<128x128xf32, #tpu.memory_space<vmem>>[vector<16xi32>, vector<16xi32>], vector<16xf32>,
          %broadcast_in_dim3A_734 = arith.constant 30 : i32
          %broadcast_in_dim3A_735 = vector.broadcast %broadcast_in_dim3A_734 : i32 to vector<16xi32>
          %mul3A_736 = arith.constant 128 : i32
          %mul3A_737 = arith.muli %while3A_307, %mul3A_736 : i32
          %add3A_738 = vector.broadcast %mul3A_737 : i32 to vector<16xi32>
          %add3A_739 = arith.addi %add3A_738, %add3A_329 : vector<16xi32>
          %max3A_740 = arith.constant 0.000000e+00 : f32
          %max3A_741 = vector.broadcast %max3A_740 : f32 to vector<16xf32>
          %max3A_742 = arith.maximumf %gather3A_733, %max3A_741 : vector<16xf32>
          tpu.vector_store_idx %arg10[%broadcast_in_dim3A_735, %add3A_739], %max3A_742 : memref<64x640xf32, #tpu.memory_space<vmem>>[vector<16xi32>, vector<16xi32>], vector<16xf32>,
          %add3A_743 = arith.constant 31 : i32
          %add3A_744 = vector.broadcast %add3A_743 : i32 to vector<16xi32>
          %add3A_745 = arith.addi %shift_left3A_340, %add3A_744 : vector<16xi32>
          %gather3A_746 = tpu.vector_load_idx %arg9[%add3A_329, %add3A_745] : memref<128x128xf32, #tpu.memory_space<vmem>>[vector<16xi32>, vector<16xi32>], vector<16xf32>,
          %broadcast_in_dim3A_747 = arith.constant 31 : i32
          %broadcast_in_dim3A_748 = vector.broadcast %broadcast_in_dim3A_747 : i32 to vector<16xi32>
          %mul3A_749 = arith.constant 128 : i32
          %mul3A_750 = arith.muli %while3A_307, %mul3A_749 : i32
          %add3A_751 = vector.broadcast %mul3A_750 : i32 to vector<16xi32>
          %add3A_752 = arith.addi %add3A_751, %add3A_329 : vector<16xi32>
          %max3A_753 = arith.constant 0.000000e+00 : f32
          %max3A_754 = vector.broadcast %max3A_753 : f32 to vector<16xf32>
          %max3A_755 = arith.maximumf %gather3A_746, %max3A_754 : vector<16xf32>
          tpu.vector_store_idx %arg10[%broadcast_in_dim3A_748, %add3A_752], %max3A_755 : memref<64x640xf32, #tpu.memory_space<vmem>>[vector<16xi32>, vector<16xi32>], vector<16xf32>,
          %add3A_756 = arith.constant 32 : i32
          %add3A_757 = vector.broadcast %add3A_756 : i32 to vector<16xi32>
          %add3A_758 = arith.addi %shift_left3A_340, %add3A_757 : vector<16xi32>
          %gather3A_759 = tpu.vector_load_idx %arg9[%add3A_329, %add3A_758] : memref<128x128xf32, #tpu.memory_space<vmem>>[vector<16xi32>, vector<16xi32>], vector<16xf32>,
          %broadcast_in_dim3A_760 = arith.constant 32 : i32
          %broadcast_in_dim3A_761 = vector.broadcast %broadcast_in_dim3A_760 : i32 to vector<16xi32>
          %mul3A_762 = arith.constant 128 : i32
          %mul3A_763 = arith.muli %while3A_307, %mul3A_762 : i32
          %add3A_764 = vector.broadcast %mul3A_763 : i32 to vector<16xi32>
          %add3A_765 = arith.addi %add3A_764, %add3A_329 : vector<16xi32>
          %max3A_766 = arith.constant 0.000000e+00 : f32
          %max3A_767 = vector.broadcast %max3A_766 : f32 to vector<16xf32>
          %max3A_768 = arith.maximumf %gather3A_759, %max3A_767 : vector<16xf32>
          tpu.vector_store_idx %arg10[%broadcast_in_dim3A_761, %add3A_765], %max3A_768 : memref<64x640xf32, #tpu.memory_space<vmem>>[vector<16xi32>, vector<16xi32>], vector<16xf32>,
          %add3A_769 = arith.constant 33 : i32
          %add3A_770 = vector.broadcast %add3A_769 : i32 to vector<16xi32>
          %add3A_771 = arith.addi %shift_left3A_340, %add3A_770 : vector<16xi32>
          %gather3A_772 = tpu.vector_load_idx %arg9[%add3A_329, %add3A_771] : memref<128x128xf32, #tpu.memory_space<vmem>>[vector<16xi32>, vector<16xi32>], vector<16xf32>,
          %broadcast_in_dim3A_773 = arith.constant 33 : i32
          %broadcast_in_dim3A_774 = vector.broadcast %broadcast_in_dim3A_773 : i32 to vector<16xi32>
          %mul3A_775 = arith.constant 128 : i32
          %mul3A_776 = arith.muli %while3A_307, %mul3A_775 : i32
          %add3A_777 = vector.broadcast %mul3A_776 : i32 to vector<16xi32>
          %add3A_778 = arith.addi %add3A_777, %add3A_329 : vector<16xi32>
          %max3A_779 = arith.constant 0.000000e+00 : f32
          %max3A_780 = vector.broadcast %max3A_779 : f32 to vector<16xf32>
          %max3A_781 = arith.maximumf %gather3A_772, %max3A_780 : vector<16xf32>
          tpu.vector_store_idx %arg10[%broadcast_in_dim3A_774, %add3A_778], %max3A_781 : memref<64x640xf32, #tpu.memory_space<vmem>>[vector<16xi32>, vector<16xi32>], vector<16xf32>,
          %add3A_782 = arith.constant 34 : i32
          %add3A_783 = vector.broadcast %add3A_782 : i32 to vector<16xi32>
          %add3A_784 = arith.addi %shift_left3A_340, %add3A_783 : vector<16xi32>
          %gather3A_785 = tpu.vector_load_idx %arg9[%add3A_329, %add3A_784] : memref<128x128xf32, #tpu.memory_space<vmem>>[vector<16xi32>, vector<16xi32>], vector<16xf32>,
          %broadcast_in_dim3A_786 = arith.constant 34 : i32
          %broadcast_in_dim3A_787 = vector.broadcast %broadcast_in_dim3A_786 : i32 to vector<16xi32>
          %mul3A_788 = arith.constant 128 : i32
          %mul3A_789 = arith.muli %while3A_307, %mul3A_788 : i32
          %add3A_790 = vector.broadcast %mul3A_789 : i32 to vector<16xi32>
          %add3A_791 = arith.addi %add3A_790, %add3A_329 : vector<16xi32>
          %max3A_792 = arith.constant 0.000000e+00 : f32
          %max3A_793 = vector.broadcast %max3A_792 : f32 to vector<16xf32>
          %max3A_794 = arith.maximumf %gather3A_785, %max3A_793 : vector<16xf32>
          tpu.vector_store_idx %arg10[%broadcast_in_dim3A_787, %add3A_791], %max3A_794 : memref<64x640xf32, #tpu.memory_space<vmem>>[vector<16xi32>, vector<16xi32>], vector<16xf32>,
          %add3A_795 = arith.constant 35 : i32
          %add3A_796 = vector.broadcast %add3A_795 : i32 to vector<16xi32>
          %add3A_797 = arith.addi %shift_left3A_340, %add3A_796 : vector<16xi32>
          %gather3A_798 = tpu.vector_load_idx %arg9[%add3A_329, %add3A_797] : memref<128x128xf32, #tpu.memory_space<vmem>>[vector<16xi32>, vector<16xi32>], vector<16xf32>,
          %broadcast_in_dim3A_799 = arith.constant 35 : i32
          %broadcast_in_dim3A_800 = vector.broadcast %broadcast_in_dim3A_799 : i32 to vector<16xi32>
          %mul3A_801 = arith.constant 128 : i32
          %mul3A_802 = arith.muli %while3A_307, %mul3A_801 : i32
          %add3A_803 = vector.broadcast %mul3A_802 : i32 to vector<16xi32>
          %add3A_804 = arith.addi %add3A_803, %add3A_329 : vector<16xi32>
          %max3A_805 = arith.constant 0.000000e+00 : f32
          %max3A_806 = vector.broadcast %max3A_805 : f32 to vector<16xf32>
          %max3A_807 = arith.maximumf %gather3A_798, %max3A_806 : vector<16xf32>
          tpu.vector_store_idx %arg10[%broadcast_in_dim3A_800, %add3A_804], %max3A_807 : memref<64x640xf32, #tpu.memory_space<vmem>>[vector<16xi32>, vector<16xi32>], vector<16xf32>,
          %add3A_808 = arith.constant 36 : i32
          %add3A_809 = vector.broadcast %add3A_808 : i32 to vector<16xi32>
          %add3A_810 = arith.addi %shift_left3A_340, %add3A_809 : vector<16xi32>
          %gather3A_811 = tpu.vector_load_idx %arg9[%add3A_329, %add3A_810] : memref<128x128xf32, #tpu.memory_space<vmem>>[vector<16xi32>, vector<16xi32>], vector<16xf32>,
          %broadcast_in_dim3A_812 = arith.constant 36 : i32
          %broadcast_in_dim3A_813 = vector.broadcast %broadcast_in_dim3A_812 : i32 to vector<16xi32>
          %mul3A_814 = arith.constant 128 : i32
          %mul3A_815 = arith.muli %while3A_307, %mul3A_814 : i32
          %add3A_816 = vector.broadcast %mul3A_815 : i32 to vector<16xi32>
          %add3A_817 = arith.addi %add3A_816, %add3A_329 : vector<16xi32>
          %max3A_818 = arith.constant 0.000000e+00 : f32
          %max3A_819 = vector.broadcast %max3A_818 : f32 to vector<16xf32>
          %max3A_820 = arith.maximumf %gather3A_811, %max3A_819 : vector<16xf32>
          tpu.vector_store_idx %arg10[%broadcast_in_dim3A_813, %add3A_817], %max3A_820 : memref<64x640xf32, #tpu.memory_space<vmem>>[vector<16xi32>, vector<16xi32>], vector<16xf32>,
          %add3A_821 = arith.constant 37 : i32
          %add3A_822 = vector.broadcast %add3A_821 : i32 to vector<16xi32>
          %add3A_823 = arith.addi %shift_left3A_340, %add3A_822 : vector<16xi32>
          %gather3A_824 = tpu.vector_load_idx %arg9[%add3A_329, %add3A_823] : memref<128x128xf32, #tpu.memory_space<vmem>>[vector<16xi32>, vector<16xi32>], vector<16xf32>,
          %broadcast_in_dim3A_825 = arith.constant 37 : i32
          %broadcast_in_dim3A_826 = vector.broadcast %broadcast_in_dim3A_825 : i32 to vector<16xi32>
          %mul3A_827 = arith.constant 128 : i32
          %mul3A_828 = arith.muli %while3A_307, %mul3A_827 : i32
          %add3A_829 = vector.broadcast %mul3A_828 : i32 to vector<16xi32>
          %add3A_830 = arith.addi %add3A_829, %add3A_329 : vector<16xi32>
          %max3A_831 = arith.constant 0.000000e+00 : f32
          %max3A_832 = vector.broadcast %max3A_831 : f32 to vector<16xf32>
          %max3A_833 = arith.maximumf %gather3A_824, %max3A_832 : vector<16xf32>
          tpu.vector_store_idx %arg10[%broadcast_in_dim3A_826, %add3A_830], %max3A_833 : memref<64x640xf32, #tpu.memory_space<vmem>>[vector<16xi32>, vector<16xi32>], vector<16xf32>,
          %add3A_834 = arith.constant 38 : i32
          %add3A_835 = vector.broadcast %add3A_834 : i32 to vector<16xi32>
          %add3A_836 = arith.addi %shift_left3A_340, %add3A_835 : vector<16xi32>
          %gather3A_837 = tpu.vector_load_idx %arg9[%add3A_329, %add3A_836] : memref<128x128xf32, #tpu.memory_space<vmem>>[vector<16xi32>, vector<16xi32>], vector<16xf32>,
          %broadcast_in_dim3A_838 = arith.constant 38 : i32
          %broadcast_in_dim3A_839 = vector.broadcast %broadcast_in_dim3A_838 : i32 to vector<16xi32>
          %mul3A_840 = arith.constant 128 : i32
          %mul3A_841 = arith.muli %while3A_307, %mul3A_840 : i32
          %add3A_842 = vector.broadcast %mul3A_841 : i32 to vector<16xi32>
          %add3A_843 = arith.addi %add3A_842, %add3A_329 : vector<16xi32>
          %max3A_844 = arith.constant 0.000000e+00 : f32
          %max3A_845 = vector.broadcast %max3A_844 : f32 to vector<16xf32>
          %max3A_846 = arith.maximumf %gather3A_837, %max3A_845 : vector<16xf32>
          tpu.vector_store_idx %arg10[%broadcast_in_dim3A_839, %add3A_843], %max3A_846 : memref<64x640xf32, #tpu.memory_space<vmem>>[vector<16xi32>, vector<16xi32>], vector<16xf32>,
          %add3A_847 = arith.constant 39 : i32
          %add3A_848 = vector.broadcast %add3A_847 : i32 to vector<16xi32>
          %add3A_849 = arith.addi %shift_left3A_340, %add3A_848 : vector<16xi32>
          %gather3A_850 = tpu.vector_load_idx %arg9[%add3A_329, %add3A_849] : memref<128x128xf32, #tpu.memory_space<vmem>>[vector<16xi32>, vector<16xi32>], vector<16xf32>,
          %broadcast_in_dim3A_851 = arith.constant 39 : i32
          %broadcast_in_dim3A_852 = vector.broadcast %broadcast_in_dim3A_851 : i32 to vector<16xi32>
          %mul3A_853 = arith.constant 128 : i32
          %mul3A_854 = arith.muli %while3A_307, %mul3A_853 : i32
          %add3A_855 = vector.broadcast %mul3A_854 : i32 to vector<16xi32>
          %add3A_856 = arith.addi %add3A_855, %add3A_329 : vector<16xi32>
          %max3A_857 = arith.constant 0.000000e+00 : f32
          %max3A_858 = vector.broadcast %max3A_857 : f32 to vector<16xf32>
          %max3A_859 = arith.maximumf %gather3A_850, %max3A_858 : vector<16xf32>
          tpu.vector_store_idx %arg10[%broadcast_in_dim3A_852, %add3A_856], %max3A_859 : memref<64x640xf32, #tpu.memory_space<vmem>>[vector<16xi32>, vector<16xi32>], vector<16xf32>,
          %add3A_860 = arith.constant 40 : i32
          %add3A_861 = vector.broadcast %add3A_860 : i32 to vector<16xi32>
          %add3A_862 = arith.addi %shift_left3A_340, %add3A_861 : vector<16xi32>
          %gather3A_863 = tpu.vector_load_idx %arg9[%add3A_329, %add3A_862] : memref<128x128xf32, #tpu.memory_space<vmem>>[vector<16xi32>, vector<16xi32>], vector<16xf32>,
          %broadcast_in_dim3A_864 = arith.constant 40 : i32
          %broadcast_in_dim3A_865 = vector.broadcast %broadcast_in_dim3A_864 : i32 to vector<16xi32>
          %mul3A_866 = arith.constant 128 : i32
          %mul3A_867 = arith.muli %while3A_307, %mul3A_866 : i32
          %add3A_868 = vector.broadcast %mul3A_867 : i32 to vector<16xi32>
          %add3A_869 = arith.addi %add3A_868, %add3A_329 : vector<16xi32>
          %max3A_870 = arith.constant 0.000000e+00 : f32
          %max3A_871 = vector.broadcast %max3A_870 : f32 to vector<16xf32>
          %max3A_872 = arith.maximumf %gather3A_863, %max3A_871 : vector<16xf32>
          tpu.vector_store_idx %arg10[%broadcast_in_dim3A_865, %add3A_869], %max3A_872 : memref<64x640xf32, #tpu.memory_space<vmem>>[vector<16xi32>, vector<16xi32>], vector<16xf32>,
          %add3A_873 = arith.constant 41 : i32
          %add3A_874 = vector.broadcast %add3A_873 : i32 to vector<16xi32>
          %add3A_875 = arith.addi %shift_left3A_340, %add3A_874 : vector<16xi32>
          %gather3A_876 = tpu.vector_load_idx %arg9[%add3A_329, %add3A_875] : memref<128x128xf32, #tpu.memory_space<vmem>>[vector<16xi32>, vector<16xi32>], vector<16xf32>,
          %broadcast_in_dim3A_877 = arith.constant 41 : i32
          %broadcast_in_dim3A_878 = vector.broadcast %broadcast_in_dim3A_877 : i32 to vector<16xi32>
          %mul3A_879 = arith.constant 128 : i32
          %mul3A_880 = arith.muli %while3A_307, %mul3A_879 : i32
          %add3A_881 = vector.broadcast %mul3A_880 : i32 to vector<16xi32>
          %add3A_882 = arith.addi %add3A_881, %add3A_329 : vector<16xi32>
          %max3A_883 = arith.constant 0.000000e+00 : f32
          %max3A_884 = vector.broadcast %max3A_883 : f32 to vector<16xf32>
          %max3A_885 = arith.maximumf %gather3A_876, %max3A_884 : vector<16xf32>
          tpu.vector_store_idx %arg10[%broadcast_in_dim3A_878, %add3A_882], %max3A_885 : memref<64x640xf32, #tpu.memory_space<vmem>>[vector<16xi32>, vector<16xi32>], vector<16xf32>,
          %add3A_886 = arith.constant 42 : i32
          %add3A_887 = vector.broadcast %add3A_886 : i32 to vector<16xi32>
          %add3A_888 = arith.addi %shift_left3A_340, %add3A_887 : vector<16xi32>
          %gather3A_889 = tpu.vector_load_idx %arg9[%add3A_329, %add3A_888] : memref<128x128xf32, #tpu.memory_space<vmem>>[vector<16xi32>, vector<16xi32>], vector<16xf32>,
          %broadcast_in_dim3A_890 = arith.constant 42 : i32
          %broadcast_in_dim3A_891 = vector.broadcast %broadcast_in_dim3A_890 : i32 to vector<16xi32>
          %mul3A_892 = arith.constant 128 : i32
          %mul3A_893 = arith.muli %while3A_307, %mul3A_892 : i32
          %add3A_894 = vector.broadcast %mul3A_893 : i32 to vector<16xi32>
          %add3A_895 = arith.addi %add3A_894, %add3A_329 : vector<16xi32>
          %max3A_896 = arith.constant 0.000000e+00 : f32
          %max3A_897 = vector.broadcast %max3A_896 : f32 to vector<16xf32>
          %max3A_898 = arith.maximumf %gather3A_889, %max3A_897 : vector<16xf32>
          tpu.vector_store_idx %arg10[%broadcast_in_dim3A_891, %add3A_895], %max3A_898 : memref<64x640xf32, #tpu.memory_space<vmem>>[vector<16xi32>, vector<16xi32>], vector<16xf32>,
          %add3A_899 = arith.constant 43 : i32
          %add3A_900 = vector.broadcast %add3A_899 : i32 to vector<16xi32>
          %add3A_901 = arith.addi %shift_left3A_340, %add3A_900 : vector<16xi32>
          %gather3A_902 = tpu.vector_load_idx %arg9[%add3A_329, %add3A_901] : memref<128x128xf32, #tpu.memory_space<vmem>>[vector<16xi32>, vector<16xi32>], vector<16xf32>,
          %broadcast_in_dim3A_903 = arith.constant 43 : i32
          %broadcast_in_dim3A_904 = vector.broadcast %broadcast_in_dim3A_903 : i32 to vector<16xi32>
          %mul3A_905 = arith.constant 128 : i32
          %mul3A_906 = arith.muli %while3A_307, %mul3A_905 : i32
          %add3A_907 = vector.broadcast %mul3A_906 : i32 to vector<16xi32>
          %add3A_908 = arith.addi %add3A_907, %add3A_329 : vector<16xi32>
          %max3A_909 = arith.constant 0.000000e+00 : f32
          %max3A_910 = vector.broadcast %max3A_909 : f32 to vector<16xf32>
          %max3A_911 = arith.maximumf %gather3A_902, %max3A_910 : vector<16xf32>
          tpu.vector_store_idx %arg10[%broadcast_in_dim3A_904, %add3A_908], %max3A_911 : memref<64x640xf32, #tpu.memory_space<vmem>>[vector<16xi32>, vector<16xi32>], vector<16xf32>,
          %add3A_912 = arith.constant 44 : i32
          %add3A_913 = vector.broadcast %add3A_912 : i32 to vector<16xi32>
          %add3A_914 = arith.addi %shift_left3A_340, %add3A_913 : vector<16xi32>
          %gather3A_915 = tpu.vector_load_idx %arg9[%add3A_329, %add3A_914] : memref<128x128xf32, #tpu.memory_space<vmem>>[vector<16xi32>, vector<16xi32>], vector<16xf32>,
          %broadcast_in_dim3A_916 = arith.constant 44 : i32
          %broadcast_in_dim3A_917 = vector.broadcast %broadcast_in_dim3A_916 : i32 to vector<16xi32>
          %mul3A_918 = arith.constant 128 : i32
          %mul3A_919 = arith.muli %while3A_307, %mul3A_918 : i32
          %add3A_920 = vector.broadcast %mul3A_919 : i32 to vector<16xi32>
          %add3A_921 = arith.addi %add3A_920, %add3A_329 : vector<16xi32>
          %max3A_922 = arith.constant 0.000000e+00 : f32
          %max3A_923 = vector.broadcast %max3A_922 : f32 to vector<16xf32>
          %max3A_924 = arith.maximumf %gather3A_915, %max3A_923 : vector<16xf32>
          tpu.vector_store_idx %arg10[%broadcast_in_dim3A_917, %add3A_921], %max3A_924 : memref<64x640xf32, #tpu.memory_space<vmem>>[vector<16xi32>, vector<16xi32>], vector<16xf32>,
          %add3A_925 = arith.constant 45 : i32
          %add3A_926 = vector.broadcast %add3A_925 : i32 to vector<16xi32>
          %add3A_927 = arith.addi %shift_left3A_340, %add3A_926 : vector<16xi32>
          %gather3A_928 = tpu.vector_load_idx %arg9[%add3A_329, %add3A_927] : memref<128x128xf32, #tpu.memory_space<vmem>>[vector<16xi32>, vector<16xi32>], vector<16xf32>,
          %broadcast_in_dim3A_929 = arith.constant 45 : i32
          %broadcast_in_dim3A_930 = vector.broadcast %broadcast_in_dim3A_929 : i32 to vector<16xi32>
          %mul3A_931 = arith.constant 128 : i32
          %mul3A_932 = arith.muli %while3A_307, %mul3A_931 : i32
          %add3A_933 = vector.broadcast %mul3A_932 : i32 to vector<16xi32>
          %add3A_934 = arith.addi %add3A_933, %add3A_329 : vector<16xi32>
          %max3A_935 = arith.constant 0.000000e+00 : f32
          %max3A_936 = vector.broadcast %max3A_935 : f32 to vector<16xf32>
          %max3A_937 = arith.maximumf %gather3A_928, %max3A_936 : vector<16xf32>
          tpu.vector_store_idx %arg10[%broadcast_in_dim3A_930, %add3A_934], %max3A_937 : memref<64x640xf32, #tpu.memory_space<vmem>>[vector<16xi32>, vector<16xi32>], vector<16xf32>,
          %add3A_938 = arith.constant 46 : i32
          %add3A_939 = vector.broadcast %add3A_938 : i32 to vector<16xi32>
          %add3A_940 = arith.addi %shift_left3A_340, %add3A_939 : vector<16xi32>
          %gather3A_941 = tpu.vector_load_idx %arg9[%add3A_329, %add3A_940] : memref<128x128xf32, #tpu.memory_space<vmem>>[vector<16xi32>, vector<16xi32>], vector<16xf32>,
          %broadcast_in_dim3A_942 = arith.constant 46 : i32
          %broadcast_in_dim3A_943 = vector.broadcast %broadcast_in_dim3A_942 : i32 to vector<16xi32>
          %mul3A_944 = arith.constant 128 : i32
          %mul3A_945 = arith.muli %while3A_307, %mul3A_944 : i32
          %add3A_946 = vector.broadcast %mul3A_945 : i32 to vector<16xi32>
          %add3A_947 = arith.addi %add3A_946, %add3A_329 : vector<16xi32>
          %max3A_948 = arith.constant 0.000000e+00 : f32
          %max3A_949 = vector.broadcast %max3A_948 : f32 to vector<16xf32>
          %max3A_950 = arith.maximumf %gather3A_941, %max3A_949 : vector<16xf32>
          tpu.vector_store_idx %arg10[%broadcast_in_dim3A_943, %add3A_947], %max3A_950 : memref<64x640xf32, #tpu.memory_space<vmem>>[vector<16xi32>, vector<16xi32>], vector<16xf32>,
          %add3A_951 = arith.constant 47 : i32
          %add3A_952 = vector.broadcast %add3A_951 : i32 to vector<16xi32>
          %add3A_953 = arith.addi %shift_left3A_340, %add3A_952 : vector<16xi32>
          %gather3A_954 = tpu.vector_load_idx %arg9[%add3A_329, %add3A_953] : memref<128x128xf32, #tpu.memory_space<vmem>>[vector<16xi32>, vector<16xi32>], vector<16xf32>,
          %broadcast_in_dim3A_955 = arith.constant 47 : i32
          %broadcast_in_dim3A_956 = vector.broadcast %broadcast_in_dim3A_955 : i32 to vector<16xi32>
          %mul3A_957 = arith.constant 128 : i32
          %mul3A_958 = arith.muli %while3A_307, %mul3A_957 : i32
          %add3A_959 = vector.broadcast %mul3A_958 : i32 to vector<16xi32>
          %add3A_960 = arith.addi %add3A_959, %add3A_329 : vector<16xi32>
          %max3A_961 = arith.constant 0.000000e+00 : f32
          %max3A_962 = vector.broadcast %max3A_961 : f32 to vector<16xf32>
          %max3A_963 = arith.maximumf %gather3A_954, %max3A_962 : vector<16xf32>
          tpu.vector_store_idx %arg10[%broadcast_in_dim3A_956, %add3A_960], %max3A_963 : memref<64x640xf32, #tpu.memory_space<vmem>>[vector<16xi32>, vector<16xi32>], vector<16xf32>,
          %add3A_964 = arith.constant 48 : i32
          %add3A_965 = vector.broadcast %add3A_964 : i32 to vector<16xi32>
          %add3A_966 = arith.addi %shift_left3A_340, %add3A_965 : vector<16xi32>
          %gather3A_967 = tpu.vector_load_idx %arg9[%add3A_329, %add3A_966] : memref<128x128xf32, #tpu.memory_space<vmem>>[vector<16xi32>, vector<16xi32>], vector<16xf32>,
          %broadcast_in_dim3A_968 = arith.constant 48 : i32
          %broadcast_in_dim3A_969 = vector.broadcast %broadcast_in_dim3A_968 : i32 to vector<16xi32>
          %mul3A_970 = arith.constant 128 : i32
          %mul3A_971 = arith.muli %while3A_307, %mul3A_970 : i32
          %add3A_972 = vector.broadcast %mul3A_971 : i32 to vector<16xi32>
          %add3A_973 = arith.addi %add3A_972, %add3A_329 : vector<16xi32>
          %max3A_974 = arith.constant 0.000000e+00 : f32
          %max3A_975 = vector.broadcast %max3A_974 : f32 to vector<16xf32>
          %max3A_976 = arith.maximumf %gather3A_967, %max3A_975 : vector<16xf32>
          tpu.vector_store_idx %arg10[%broadcast_in_dim3A_969, %add3A_973], %max3A_976 : memref<64x640xf32, #tpu.memory_space<vmem>>[vector<16xi32>, vector<16xi32>], vector<16xf32>,
          %add3A_977 = arith.constant 49 : i32
          %add3A_978 = vector.broadcast %add3A_977 : i32 to vector<16xi32>
          %add3A_979 = arith.addi %shift_left3A_340, %add3A_978 : vector<16xi32>
          %gather3A_980 = tpu.vector_load_idx %arg9[%add3A_329, %add3A_979] : memref<128x128xf32, #tpu.memory_space<vmem>>[vector<16xi32>, vector<16xi32>], vector<16xf32>,
          %broadcast_in_dim3A_981 = arith.constant 49 : i32
          %broadcast_in_dim3A_982 = vector.broadcast %broadcast_in_dim3A_981 : i32 to vector<16xi32>
          %mul3A_983 = arith.constant 128 : i32
          %mul3A_984 = arith.muli %while3A_307, %mul3A_983 : i32
          %add3A_985 = vector.broadcast %mul3A_984 : i32 to vector<16xi32>
          %add3A_986 = arith.addi %add3A_985, %add3A_329 : vector<16xi32>
          %max3A_987 = arith.constant 0.000000e+00 : f32
          %max3A_988 = vector.broadcast %max3A_987 : f32 to vector<16xf32>
          %max3A_989 = arith.maximumf %gather3A_980, %max3A_988 : vector<16xf32>
          tpu.vector_store_idx %arg10[%broadcast_in_dim3A_982, %add3A_986], %max3A_989 : memref<64x640xf32, #tpu.memory_space<vmem>>[vector<16xi32>, vector<16xi32>], vector<16xf32>,
          %add3A_990 = arith.constant 50 : i32
          %add3A_991 = vector.broadcast %add3A_990 : i32 to vector<16xi32>
          %add3A_992 = arith.addi %shift_left3A_340, %add3A_991 : vector<16xi32>
          %gather3A_993 = tpu.vector_load_idx %arg9[%add3A_329, %add3A_992] : memref<128x128xf32, #tpu.memory_space<vmem>>[vector<16xi32>, vector<16xi32>], vector<16xf32>,
          %broadcast_in_dim3A_994 = arith.constant 50 : i32
          %broadcast_in_dim3A_995 = vector.broadcast %broadcast_in_dim3A_994 : i32 to vector<16xi32>
          %mul3A_996 = arith.constant 128 : i32
          %mul3A_997 = arith.muli %while3A_307, %mul3A_996 : i32
          %add3A_998 = vector.broadcast %mul3A_997 : i32 to vector<16xi32>
          %add3A_999 = arith.addi %add3A_998, %add3A_329 : vector<16xi32>
          %max3A_1000 = arith.constant 0.000000e+00 : f32
          %max3A_1001 = vector.broadcast %max3A_1000 : f32 to vector<16xf32>
          %max3A_1002 = arith.maximumf %gather3A_993, %max3A_1001 : vector<16xf32>
          tpu.vector_store_idx %arg10[%broadcast_in_dim3A_995, %add3A_999], %max3A_1002 : memref<64x640xf32, #tpu.memory_space<vmem>>[vector<16xi32>, vector<16xi32>], vector<16xf32>,
          %add3A_1003 = arith.constant 51 : i32
          %add3A_1004 = vector.broadcast %add3A_1003 : i32 to vector<16xi32>
          %add3A_1005 = arith.addi %shift_left3A_340, %add3A_1004 : vector<16xi32>
          %gather3A_1006 = tpu.vector_load_idx %arg9[%add3A_329, %add3A_1005] : memref<128x128xf32, #tpu.memory_space<vmem>>[vector<16xi32>, vector<16xi32>], vector<16xf32>,
          %broadcast_in_dim3A_1007 = arith.constant 51 : i32
          %broadcast_in_dim3A_1008 = vector.broadcast %broadcast_in_dim3A_1007 : i32 to vector<16xi32>
          %mul3A_1009 = arith.constant 128 : i32
          %mul3A_1010 = arith.muli %while3A_307, %mul3A_1009 : i32
          %add3A_1011 = vector.broadcast %mul3A_1010 : i32 to vector<16xi32>
          %add3A_1012 = arith.addi %add3A_1011, %add3A_329 : vector<16xi32>
          %max3A_1013 = arith.constant 0.000000e+00 : f32
          %max3A_1014 = vector.broadcast %max3A_1013 : f32 to vector<16xf32>
          %max3A_1015 = arith.maximumf %gather3A_1006, %max3A_1014 : vector<16xf32>
          tpu.vector_store_idx %arg10[%broadcast_in_dim3A_1008, %add3A_1012], %max3A_1015 : memref<64x640xf32, #tpu.memory_space<vmem>>[vector<16xi32>, vector<16xi32>], vector<16xf32>,
          %add3A_1016 = arith.constant 52 : i32
          %add3A_1017 = vector.broadcast %add3A_1016 : i32 to vector<16xi32>
          %add3A_1018 = arith.addi %shift_left3A_340, %add3A_1017 : vector<16xi32>
          %gather3A_1019 = tpu.vector_load_idx %arg9[%add3A_329, %add3A_1018] : memref<128x128xf32, #tpu.memory_space<vmem>>[vector<16xi32>, vector<16xi32>], vector<16xf32>,
          %broadcast_in_dim3A_1020 = arith.constant 52 : i32
          %broadcast_in_dim3A_1021 = vector.broadcast %broadcast_in_dim3A_1020 : i32 to vector<16xi32>
          %mul3A_1022 = arith.constant 128 : i32
          %mul3A_1023 = arith.muli %while3A_307, %mul3A_1022 : i32
          %add3A_1024 = vector.broadcast %mul3A_1023 : i32 to vector<16xi32>
          %add3A_1025 = arith.addi %add3A_1024, %add3A_329 : vector<16xi32>
          %max3A_1026 = arith.constant 0.000000e+00 : f32
          %max3A_1027 = vector.broadcast %max3A_1026 : f32 to vector<16xf32>
          %max3A_1028 = arith.maximumf %gather3A_1019, %max3A_1027 : vector<16xf32>
          tpu.vector_store_idx %arg10[%broadcast_in_dim3A_1021, %add3A_1025], %max3A_1028 : memref<64x640xf32, #tpu.memory_space<vmem>>[vector<16xi32>, vector<16xi32>], vector<16xf32>,
          %add3A_1029 = arith.constant 53 : i32
          %add3A_1030 = vector.broadcast %add3A_1029 : i32 to vector<16xi32>
          %add3A_1031 = arith.addi %shift_left3A_340, %add3A_1030 : vector<16xi32>
          %gather3A_1032 = tpu.vector_load_idx %arg9[%add3A_329, %add3A_1031] : memref<128x128xf32, #tpu.memory_space<vmem>>[vector<16xi32>, vector<16xi32>], vector<16xf32>,
          %broadcast_in_dim3A_1033 = arith.constant 53 : i32
          %broadcast_in_dim3A_1034 = vector.broadcast %broadcast_in_dim3A_1033 : i32 to vector<16xi32>
          %mul3A_1035 = arith.constant 128 : i32
          %mul3A_1036 = arith.muli %while3A_307, %mul3A_1035 : i32
          %add3A_1037 = vector.broadcast %mul3A_1036 : i32 to vector<16xi32>
          %add3A_1038 = arith.addi %add3A_1037, %add3A_329 : vector<16xi32>
          %max3A_1039 = arith.constant 0.000000e+00 : f32
          %max3A_1040 = vector.broadcast %max3A_1039 : f32 to vector<16xf32>
          %max3A_1041 = arith.maximumf %gather3A_1032, %max3A_1040 : vector<16xf32>
          tpu.vector_store_idx %arg10[%broadcast_in_dim3A_1034, %add3A_1038], %max3A_1041 : memref<64x640xf32, #tpu.memory_space<vmem>>[vector<16xi32>, vector<16xi32>], vector<16xf32>,
          %add3A_1042 = arith.constant 54 : i32
          %add3A_1043 = vector.broadcast %add3A_1042 : i32 to vector<16xi32>
          %add3A_1044 = arith.addi %shift_left3A_340, %add3A_1043 : vector<16xi32>
          %gather3A_1045 = tpu.vector_load_idx %arg9[%add3A_329, %add3A_1044] : memref<128x128xf32, #tpu.memory_space<vmem>>[vector<16xi32>, vector<16xi32>], vector<16xf32>,
          %broadcast_in_dim3A_1046 = arith.constant 54 : i32
          %broadcast_in_dim3A_1047 = vector.broadcast %broadcast_in_dim3A_1046 : i32 to vector<16xi32>
          %mul3A_1048 = arith.constant 128 : i32
          %mul3A_1049 = arith.muli %while3A_307, %mul3A_1048 : i32
          %add3A_1050 = vector.broadcast %mul3A_1049 : i32 to vector<16xi32>
          %add3A_1051 = arith.addi %add3A_1050, %add3A_329 : vector<16xi32>
          %max3A_1052 = arith.constant 0.000000e+00 : f32
          %max3A_1053 = vector.broadcast %max3A_1052 : f32 to vector<16xf32>
          %max3A_1054 = arith.maximumf %gather3A_1045, %max3A_1053 : vector<16xf32>
          tpu.vector_store_idx %arg10[%broadcast_in_dim3A_1047, %add3A_1051], %max3A_1054 : memref<64x640xf32, #tpu.memory_space<vmem>>[vector<16xi32>, vector<16xi32>], vector<16xf32>,
          %add3A_1055 = arith.constant 55 : i32
          %add3A_1056 = vector.broadcast %add3A_1055 : i32 to vector<16xi32>
          %add3A_1057 = arith.addi %shift_left3A_340, %add3A_1056 : vector<16xi32>
          %gather3A_1058 = tpu.vector_load_idx %arg9[%add3A_329, %add3A_1057] : memref<128x128xf32, #tpu.memory_space<vmem>>[vector<16xi32>, vector<16xi32>], vector<16xf32>,
          %broadcast_in_dim3A_1059 = arith.constant 55 : i32
          %broadcast_in_dim3A_1060 = vector.broadcast %broadcast_in_dim3A_1059 : i32 to vector<16xi32>
          %mul3A_1061 = arith.constant 128 : i32
          %mul3A_1062 = arith.muli %while3A_307, %mul3A_1061 : i32
          %add3A_1063 = vector.broadcast %mul3A_1062 : i32 to vector<16xi32>
          %add3A_1064 = arith.addi %add3A_1063, %add3A_329 : vector<16xi32>
          %max3A_1065 = arith.constant 0.000000e+00 : f32
          %max3A_1066 = vector.broadcast %max3A_1065 : f32 to vector<16xf32>
          %max3A_1067 = arith.maximumf %gather3A_1058, %max3A_1066 : vector<16xf32>
          tpu.vector_store_idx %arg10[%broadcast_in_dim3A_1060, %add3A_1064], %max3A_1067 : memref<64x640xf32, #tpu.memory_space<vmem>>[vector<16xi32>, vector<16xi32>], vector<16xf32>,
          %add3A_1068 = arith.constant 56 : i32
          %add3A_1069 = vector.broadcast %add3A_1068 : i32 to vector<16xi32>
          %add3A_1070 = arith.addi %shift_left3A_340, %add3A_1069 : vector<16xi32>
          %gather3A_1071 = tpu.vector_load_idx %arg9[%add3A_329, %add3A_1070] : memref<128x128xf32, #tpu.memory_space<vmem>>[vector<16xi32>, vector<16xi32>], vector<16xf32>,
          %broadcast_in_dim3A_1072 = arith.constant 56 : i32
          %broadcast_in_dim3A_1073 = vector.broadcast %broadcast_in_dim3A_1072 : i32 to vector<16xi32>
          %mul3A_1074 = arith.constant 128 : i32
          %mul3A_1075 = arith.muli %while3A_307, %mul3A_1074 : i32
          %add3A_1076 = vector.broadcast %mul3A_1075 : i32 to vector<16xi32>
          %add3A_1077 = arith.addi %add3A_1076, %add3A_329 : vector<16xi32>
          %max3A_1078 = arith.constant 0.000000e+00 : f32
          %max3A_1079 = vector.broadcast %max3A_1078 : f32 to vector<16xf32>
          %max3A_1080 = arith.maximumf %gather3A_1071, %max3A_1079 : vector<16xf32>
          tpu.vector_store_idx %arg10[%broadcast_in_dim3A_1073, %add3A_1077], %max3A_1080 : memref<64x640xf32, #tpu.memory_space<vmem>>[vector<16xi32>, vector<16xi32>], vector<16xf32>,
          %add3A_1081 = arith.constant 57 : i32
          %add3A_1082 = vector.broadcast %add3A_1081 : i32 to vector<16xi32>
          %add3A_1083 = arith.addi %shift_left3A_340, %add3A_1082 : vector<16xi32>
          %gather3A_1084 = tpu.vector_load_idx %arg9[%add3A_329, %add3A_1083] : memref<128x128xf32, #tpu.memory_space<vmem>>[vector<16xi32>, vector<16xi32>], vector<16xf32>,
          %broadcast_in_dim3A_1085 = arith.constant 57 : i32
          %broadcast_in_dim3A_1086 = vector.broadcast %broadcast_in_dim3A_1085 : i32 to vector<16xi32>
          %mul3A_1087 = arith.constant 128 : i32
          %mul3A_1088 = arith.muli %while3A_307, %mul3A_1087 : i32
          %add3A_1089 = vector.broadcast %mul3A_1088 : i32 to vector<16xi32>
          %add3A_1090 = arith.addi %add3A_1089, %add3A_329 : vector<16xi32>
          %max3A_1091 = arith.constant 0.000000e+00 : f32
          %max3A_1092 = vector.broadcast %max3A_1091 : f32 to vector<16xf32>
          %max3A_1093 = arith.maximumf %gather3A_1084, %max3A_1092 : vector<16xf32>
          tpu.vector_store_idx %arg10[%broadcast_in_dim3A_1086, %add3A_1090], %max3A_1093 : memref<64x640xf32, #tpu.memory_space<vmem>>[vector<16xi32>, vector<16xi32>], vector<16xf32>,
          %add3A_1094 = arith.constant 58 : i32
          %add3A_1095 = vector.broadcast %add3A_1094 : i32 to vector<16xi32>
          %add3A_1096 = arith.addi %shift_left3A_340, %add3A_1095 : vector<16xi32>
          %gather3A_1097 = tpu.vector_load_idx %arg9[%add3A_329, %add3A_1096] : memref<128x128xf32, #tpu.memory_space<vmem>>[vector<16xi32>, vector<16xi32>], vector<16xf32>,
          %broadcast_in_dim3A_1098 = arith.constant 58 : i32
          %broadcast_in_dim3A_1099 = vector.broadcast %broadcast_in_dim3A_1098 : i32 to vector<16xi32>
          %mul3A_1100 = arith.constant 128 : i32
          %mul3A_1101 = arith.muli %while3A_307, %mul3A_1100 : i32
          %add3A_1102 = vector.broadcast %mul3A_1101 : i32 to vector<16xi32>
          %add3A_1103 = arith.addi %add3A_1102, %add3A_329 : vector<16xi32>
          %max3A_1104 = arith.constant 0.000000e+00 : f32
          %max3A_1105 = vector.broadcast %max3A_1104 : f32 to vector<16xf32>
          %max3A_1106 = arith.maximumf %gather3A_1097, %max3A_1105 : vector<16xf32>
          tpu.vector_store_idx %arg10[%broadcast_in_dim3A_1099, %add3A_1103], %max3A_1106 : memref<64x640xf32, #tpu.memory_space<vmem>>[vector<16xi32>, vector<16xi32>], vector<16xf32>,
          %add3A_1107 = arith.constant 59 : i32
          %add3A_1108 = vector.broadcast %add3A_1107 : i32 to vector<16xi32>
          %add3A_1109 = arith.addi %shift_left3A_340, %add3A_1108 : vector<16xi32>
          %gather3A_1110 = tpu.vector_load_idx %arg9[%add3A_329, %add3A_1109] : memref<128x128xf32, #tpu.memory_space<vmem>>[vector<16xi32>, vector<16xi32>], vector<16xf32>,
          %broadcast_in_dim3A_1111 = arith.constant 59 : i32
          %broadcast_in_dim3A_1112 = vector.broadcast %broadcast_in_dim3A_1111 : i32 to vector<16xi32>
          %mul3A_1113 = arith.constant 128 : i32
          %mul3A_1114 = arith.muli %while3A_307, %mul3A_1113 : i32
          %add3A_1115 = vector.broadcast %mul3A_1114 : i32 to vector<16xi32>
          %add3A_1116 = arith.addi %add3A_1115, %add3A_329 : vector<16xi32>
          %max3A_1117 = arith.constant 0.000000e+00 : f32
          %max3A_1118 = vector.broadcast %max3A_1117 : f32 to vector<16xf32>
          %max3A_1119 = arith.maximumf %gather3A_1110, %max3A_1118 : vector<16xf32>
          tpu.vector_store_idx %arg10[%broadcast_in_dim3A_1112, %add3A_1116], %max3A_1119 : memref<64x640xf32, #tpu.memory_space<vmem>>[vector<16xi32>, vector<16xi32>], vector<16xf32>,
          %add3A_1120 = arith.constant 60 : i32
          %add3A_1121 = vector.broadcast %add3A_1120 : i32 to vector<16xi32>
          %add3A_1122 = arith.addi %shift_left3A_340, %add3A_1121 : vector<16xi32>
          %gather3A_1123 = tpu.vector_load_idx %arg9[%add3A_329, %add3A_1122] : memref<128x128xf32, #tpu.memory_space<vmem>>[vector<16xi32>, vector<16xi32>], vector<16xf32>,
          %broadcast_in_dim3A_1124 = arith.constant 60 : i32
          %broadcast_in_dim3A_1125 = vector.broadcast %broadcast_in_dim3A_1124 : i32 to vector<16xi32>
          %mul3A_1126 = arith.constant 128 : i32
          %mul3A_1127 = arith.muli %while3A_307, %mul3A_1126 : i32
          %add3A_1128 = vector.broadcast %mul3A_1127 : i32 to vector<16xi32>
          %add3A_1129 = arith.addi %add3A_1128, %add3A_329 : vector<16xi32>
          %max3A_1130 = arith.constant 0.000000e+00 : f32
          %max3A_1131 = vector.broadcast %max3A_1130 : f32 to vector<16xf32>
          %max3A_1132 = arith.maximumf %gather3A_1123, %max3A_1131 : vector<16xf32>
          tpu.vector_store_idx %arg10[%broadcast_in_dim3A_1125, %add3A_1129], %max3A_1132 : memref<64x640xf32, #tpu.memory_space<vmem>>[vector<16xi32>, vector<16xi32>], vector<16xf32>,
          %add3A_1133 = arith.constant 61 : i32
          %add3A_1134 = vector.broadcast %add3A_1133 : i32 to vector<16xi32>
          %add3A_1135 = arith.addi %shift_left3A_340, %add3A_1134 : vector<16xi32>
          %gather3A_1136 = tpu.vector_load_idx %arg9[%add3A_329, %add3A_1135] : memref<128x128xf32, #tpu.memory_space<vmem>>[vector<16xi32>, vector<16xi32>], vector<16xf32>,
          %broadcast_in_dim3A_1137 = arith.constant 61 : i32
          %broadcast_in_dim3A_1138 = vector.broadcast %broadcast_in_dim3A_1137 : i32 to vector<16xi32>
          %mul3A_1139 = arith.constant 128 : i32
          %mul3A_1140 = arith.muli %while3A_307, %mul3A_1139 : i32
          %add3A_1141 = vector.broadcast %mul3A_1140 : i32 to vector<16xi32>
          %add3A_1142 = arith.addi %add3A_1141, %add3A_329 : vector<16xi32>
          %max3A_1143 = arith.constant 0.000000e+00 : f32
          %max3A_1144 = vector.broadcast %max3A_1143 : f32 to vector<16xf32>
          %max3A_1145 = arith.maximumf %gather3A_1136, %max3A_1144 : vector<16xf32>
          tpu.vector_store_idx %arg10[%broadcast_in_dim3A_1138, %add3A_1142], %max3A_1145 : memref<64x640xf32, #tpu.memory_space<vmem>>[vector<16xi32>, vector<16xi32>], vector<16xf32>,
          %add3A_1146 = arith.constant 62 : i32
          %add3A_1147 = vector.broadcast %add3A_1146 : i32 to vector<16xi32>
          %add3A_1148 = arith.addi %shift_left3A_340, %add3A_1147 : vector<16xi32>
          %gather3A_1149 = tpu.vector_load_idx %arg9[%add3A_329, %add3A_1148] : memref<128x128xf32, #tpu.memory_space<vmem>>[vector<16xi32>, vector<16xi32>], vector<16xf32>,
          %broadcast_in_dim3A_1150 = arith.constant 62 : i32
          %broadcast_in_dim3A_1151 = vector.broadcast %broadcast_in_dim3A_1150 : i32 to vector<16xi32>
          %mul3A_1152 = arith.constant 128 : i32
          %mul3A_1153 = arith.muli %while3A_307, %mul3A_1152 : i32
          %add3A_1154 = vector.broadcast %mul3A_1153 : i32 to vector<16xi32>
          %add3A_1155 = arith.addi %add3A_1154, %add3A_329 : vector<16xi32>
          %max3A_1156 = arith.constant 0.000000e+00 : f32
          %max3A_1157 = vector.broadcast %max3A_1156 : f32 to vector<16xf32>
          %max3A_1158 = arith.maximumf %gather3A_1149, %max3A_1157 : vector<16xf32>
          tpu.vector_store_idx %arg10[%broadcast_in_dim3A_1151, %add3A_1155], %max3A_1158 : memref<64x640xf32, #tpu.memory_space<vmem>>[vector<16xi32>, vector<16xi32>], vector<16xf32>,
          %add3A_1159 = arith.constant 63 : i32
          %add3A_1160 = vector.broadcast %add3A_1159 : i32 to vector<16xi32>
          %add3A_1161 = arith.addi %shift_left3A_340, %add3A_1160 : vector<16xi32>
          %gather3A_1162 = tpu.vector_load_idx %arg9[%add3A_329, %add3A_1161] : memref<128x128xf32, #tpu.memory_space<vmem>>[vector<16xi32>, vector<16xi32>], vector<16xf32>,
          %broadcast_in_dim3A_1163 = arith.constant 63 : i32
          %broadcast_in_dim3A_1164 = vector.broadcast %broadcast_in_dim3A_1163 : i32 to vector<16xi32>
          %mul3A_1165 = arith.constant 128 : i32
          %mul3A_1166 = arith.muli %while3A_307, %mul3A_1165 : i32
          %add3A_1167 = vector.broadcast %mul3A_1166 : i32 to vector<16xi32>
          %add3A_1168 = arith.addi %add3A_1167, %add3A_329 : vector<16xi32>
          %max3A_1169 = arith.constant 0.000000e+00 : f32
          %max3A_1170 = vector.broadcast %max3A_1169 : f32 to vector<16xf32>
          %max3A_1171 = arith.maximumf %gather3A_1162, %max3A_1170 : vector<16xf32>
          tpu.vector_store_idx %arg10[%broadcast_in_dim3A_1164, %add3A_1168], %max3A_1171 : memref<64x640xf32, #tpu.memory_space<vmem>>[vector<16xi32>, vector<16xi32>], vector<16xf32>,
        }
        %scan3A_324 = arith.constant 8 : i32
      }
      %while3A_270 = arith.constant 1 : i32
      scf.for %while3A_307 = %while3A_268 to %while3A_264 step %while3A_270  : i32 {
        %dma_start3A_308 = arith.constant 0 : i32
        %dma_start3A_309 = tpu.memref_slice %arg16[%while3A_307, %dma_start3A_308] : memref<5x128xi32, #tpu.memory_space<vmem>> -> memref<1x128xi32, #tpu.memory_space<vmem>>
        %dma_start3A_310 = tpu.memref_squeeze %dma_start3A_309 : memref<1x128xi32, #tpu.memory_space<vmem>> -> memref<128xi32, #tpu.memory_space<vmem>>
        %dma_start3A_311 = arith.constant 0 : i32
        %dma_start3A_312 = arith.constant 0 : i32
        %dma_start3A_313 = tpu.memref_slice %arg5[%dma_start3A_311, %dma_start3A_312] : memref<50000x128xf32, #tpu.memory_space<hbm>> -> memref<50000x128xf32, #tpu.memory_space<hbm>>
        tpu.enqueue_indirect_dma source(%dma_start3A_313 : memref<50000x128xf32, #tpu.memory_space<hbm>>) target(%arg9 : memref<128x128xf32, #tpu.memory_space<vmem>>) offsets(%dma_start3A_310 : memref<128xi32, #tpu.memory_space<vmem>>) semaphore(%arg22 : memref<!tpu.dma_semaphore, #tpu.memory_space<semaphore_mem>>)
        %dma_wait3A = arith.constant 0 : i32
        %dma_wait3A_314 = tpu.memref_slice %arg16[%while3A_307, %dma_wait3A] : memref<5x128xi32, #tpu.memory_space<vmem>> -> memref<1x128xi32, #tpu.memory_space<vmem>>
        %dma_wait3A_315 = tpu.memref_squeeze %dma_wait3A_314 : memref<1x128xi32, #tpu.memory_space<vmem>> -> memref<128xi32, #tpu.memory_space<vmem>>
        %dma_wait3A_316 = arith.constant 0 : i32
        %dma_wait3A_317 = arith.constant 0 : i32
        %dma_wait3A_318 = tpu.memref_slice %arg5[%dma_wait3A_316, %dma_wait3A_317] : memref<50000x128xf32, #tpu.memory_space<hbm>> -> memref<50000x128xf32, #tpu.memory_space<hbm>>
        tpu.wait_indirect_dma semaphore(%arg22 : memref<!tpu.dma_semaphore, #tpu.memory_space<semaphore_mem>>) src(%dma_wait3A_318 : memref<50000x128xf32, #tpu.memory_space<hbm>>) dst(%arg9 : memref<128x128xf32, #tpu.memory_space<vmem>>)
        %scan3A_319 = arith.constant 0 : i32
        %scan3A_320 = arith.constant 0 : i32
        %scan3A_321 = arith.constant 8 : i32
        %scan3A_322 = arith.addi %scan3A_320, %scan3A_321 : i32
        %scan3A_323 = arith.constant 1 : i32
        scf.for %scan3A_325 = %scan3A_320 to %scan3A_322 step %scan3A_323  : i32 {
          %mul3A_326 = arith.constant 16 : i32
          %mul3A_327 = arith.muli %scan3A_325, %mul3A_326 : i32
          %add3A_328 = vector.broadcast %mul3A_327 : i32 to vector<16xi32>
          %add3A_329 = arith.addi %add3A_328, %iota3A : vector<16xi32>
          %mul3A_330 = arith.constant 128 : i32
          %mul3A_331 = arith.muli %while3A_307, %mul3A_330 : i32
          %mul3A_332 = arith.constant 16 : i32
          %mul3A_333 = arith.muli %scan3A_325, %mul3A_332 : i32
          %add3A_334 = arith.addi %mul3A_331, %mul3A_333 : i32
          %get3A = arith.index_cast %add3A_334 : i32 to index
          %get3A_335 = tpu.vector_load %arg14[%get3A] {strides = array<i32>} : memref<640xi32, #tpu.memory_space<vmem>>, vector<16xi32>,
          %and3A_336 = arith.constant 1 : i32
          %and3A_337 = vector.broadcast %and3A_336 : i32 to vector<16xi32>
          %and3A_338 = arith.andi %get3A_335, %and3A_337 : vector<16xi32>
          %shift_left3A = arith.constant 6 : i32
          %shift_left3A_339 = vector.broadcast %shift_left3A : i32 to vector<16xi32>
          %shift_left3A_340 = arith.shli %and3A_338, %shift_left3A_339 : vector<16xi32>
          %add3A_341 = arith.constant 0 : i32
          %add3A_342 = vector.broadcast %add3A_341 : i32 to vector<16xi32>
          %add3A_343 = arith.addi %shift_left3A_340, %add3A_342 : vector<16xi32>
          %gather3A = tpu.vector_load_idx %arg9[%add3A_329, %add3A_343] : memref<128x128xf32, #tpu.memory_space<vmem>>[vector<16xi32>, vector<16xi32>], vector<16xf32>,
          %broadcast_in_dim3A_344 = arith.constant 0 : i32
          %broadcast_in_dim3A_345 = vector.broadcast %broadcast_in_dim3A_344 : i32 to vector<16xi32>
          %mul3A_346 = arith.constant 128 : i32
          %mul3A_347 = arith.muli %while3A_307, %mul3A_346 : i32
          %add3A_348 = vector.broadcast %mul3A_347 : i32 to vector<16xi32>
          %add3A_349 = arith.addi %add3A_348, %add3A_329 : vector<16xi32>
          %max3A_350 = arith.constant 0.000000e+00 : f32
          %max3A_351 = vector.broadcast %max3A_350 : f32 to vector<16xf32>
          %max3A_352 = arith.maximumf %gather3A, %max3A_351 : vector<16xf32>
          tpu.vector_store_idx %arg10[%broadcast_in_dim3A_345, %add3A_349], %max3A_352 : memref<64x640xf32, #tpu.memory_space<vmem>>[vector<16xi32>, vector<16xi32>], vector<16xf32>,
          %add3A_353 = arith.constant 1 : i32
          %add3A_354 = vector.broadcast %add3A_353 : i32 to vector<16xi32>
          %add3A_355 = arith.addi %shift_left3A_340, %add3A_354 : vector<16xi32>
          %gather3A_356 = tpu.vector_load_idx %arg9[%add3A_329, %add3A_355] : memref<128x128xf32, #tpu.memory_space<vmem>>[vector<16xi32>, vector<16xi32>], vector<16xf32>,
          %broadcast_in_dim3A_357 = arith.constant 1 : i32
          %broadcast_in_dim3A_358 = vector.broadcast %broadcast_in_dim3A_357 : i32 to vector<16xi32>
          %mul3A_359 = arith.constant 128 : i32
          %mul3A_360 = arith.muli %while3A_307, %mul3A_359 : i32
          %add3A_361 = vector.broadcast %mul3A_360 : i32 to vector<16xi32>
          %add3A_362 = arith.addi %add3A_361, %add3A_329 : vector<16xi32>
          %max3A_363 = arith.constant 0.000000e+00 : f32
          %max3A_364 = vector.broadcast %max3A_363 : f32 to vector<16xf32>
          %max3A_365 = arith.maximumf %gather3A_356, %max3A_364 : vector<16xf32>
          tpu.vector_store_idx %arg10[%broadcast_in_dim3A_358, %add3A_362], %max3A_365 : memref<64x640xf32, #tpu.memory_space<vmem>>[vector<16xi32>, vector<16xi32>], vector<16xf32>,
          %add3A_366 = arith.constant 2 : i32
          %add3A_367 = vector.broadcast %add3A_366 : i32 to vector<16xi32>
          %add3A_368 = arith.addi %shift_left3A_340, %add3A_367 : vector<16xi32>
          %gather3A_369 = tpu.vector_load_idx %arg9[%add3A_329, %add3A_368] : memref<128x128xf32, #tpu.memory_space<vmem>>[vector<16xi32>, vector<16xi32>], vector<16xf32>,
          %broadcast_in_dim3A_370 = arith.constant 2 : i32
          %broadcast_in_dim3A_371 = vector.broadcast %broadcast_in_dim3A_370 : i32 to vector<16xi32>
          %mul3A_372 = arith.constant 128 : i32
          %mul3A_373 = arith.muli %while3A_307, %mul3A_372 : i32
          %add3A_374 = vector.broadcast %mul3A_373 : i32 to vector<16xi32>
          %add3A_375 = arith.addi %add3A_374, %add3A_329 : vector<16xi32>
          %max3A_376 = arith.constant 0.000000e+00 : f32
          %max3A_377 = vector.broadcast %max3A_376 : f32 to vector<16xf32>
          %max3A_378 = arith.maximumf %gather3A_369, %max3A_377 : vector<16xf32>
          tpu.vector_store_idx %arg10[%broadcast_in_dim3A_371, %add3A_375], %max3A_378 : memref<64x640xf32, #tpu.memory_space<vmem>>[vector<16xi32>, vector<16xi32>], vector<16xf32>,
          %add3A_379 = arith.constant 3 : i32
          %add3A_380 = vector.broadcast %add3A_379 : i32 to vector<16xi32>
          %add3A_381 = arith.addi %shift_left3A_340, %add3A_380 : vector<16xi32>
          %gather3A_382 = tpu.vector_load_idx %arg9[%add3A_329, %add3A_381] : memref<128x128xf32, #tpu.memory_space<vmem>>[vector<16xi32>, vector<16xi32>], vector<16xf32>,
          %broadcast_in_dim3A_383 = arith.constant 3 : i32
          %broadcast_in_dim3A_384 = vector.broadcast %broadcast_in_dim3A_383 : i32 to vector<16xi32>
          %mul3A_385 = arith.constant 128 : i32
          %mul3A_386 = arith.muli %while3A_307, %mul3A_385 : i32
          %add3A_387 = vector.broadcast %mul3A_386 : i32 to vector<16xi32>
          %add3A_388 = arith.addi %add3A_387, %add3A_329 : vector<16xi32>
          %max3A_389 = arith.constant 0.000000e+00 : f32
          %max3A_390 = vector.broadcast %max3A_389 : f32 to vector<16xf32>
          %max3A_391 = arith.maximumf %gather3A_382, %max3A_390 : vector<16xf32>
          tpu.vector_store_idx %arg10[%broadcast_in_dim3A_384, %add3A_388], %max3A_391 : memref<64x640xf32, #tpu.memory_space<vmem>>[vector<16xi32>, vector<16xi32>], vector<16xf32>,
          %add3A_392 = arith.constant 4 : i32
          %add3A_393 = vector.broadcast %add3A_392 : i32 to vector<16xi32>
          %add3A_394 = arith.addi %shift_left3A_340, %add3A_393 : vector<16xi32>
          %gather3A_395 = tpu.vector_load_idx %arg9[%add3A_329, %add3A_394] : memref<128x128xf32, #tpu.memory_space<vmem>>[vector<16xi32>, vector<16xi32>], vector<16xf32>,
          %broadcast_in_dim3A_396 = arith.constant 4 : i32
          %broadcast_in_dim3A_397 = vector.broadcast %broadcast_in_dim3A_396 : i32 to vector<16xi32>
          %mul3A_398 = arith.constant 128 : i32
          %mul3A_399 = arith.muli %while3A_307, %mul3A_398 : i32
          %add3A_400 = vector.broadcast %mul3A_399 : i32 to vector<16xi32>
          %add3A_401 = arith.addi %add3A_400, %add3A_329 : vector<16xi32>
          %max3A_402 = arith.constant 0.000000e+00 : f32
          %max3A_403 = vector.broadcast %max3A_402 : f32 to vector<16xf32>
          %max3A_404 = arith.maximumf %gather3A_395, %max3A_403 : vector<16xf32>
          tpu.vector_store_idx %arg10[%broadcast_in_dim3A_397, %add3A_401], %max3A_404 : memref<64x640xf32, #tpu.memory_space<vmem>>[vector<16xi32>, vector<16xi32>], vector<16xf32>,
          %add3A_405 = arith.constant 5 : i32
          %add3A_406 = vector.broadcast %add3A_405 : i32 to vector<16xi32>
          %add3A_407 = arith.addi %shift_left3A_340, %add3A_406 : vector<16xi32>
          %gather3A_408 = tpu.vector_load_idx %arg9[%add3A_329, %add3A_407] : memref<128x128xf32, #tpu.memory_space<vmem>>[vector<16xi32>, vector<16xi32>], vector<16xf32>,
          %broadcast_in_dim3A_409 = arith.constant 5 : i32
          %broadcast_in_dim3A_410 = vector.broadcast %broadcast_in_dim3A_409 : i32 to vector<16xi32>
          %mul3A_411 = arith.constant 128 : i32
          %mul3A_412 = arith.muli %while3A_307, %mul3A_411 : i32
          %add3A_413 = vector.broadcast %mul3A_412 : i32 to vector<16xi32>
          %add3A_414 = arith.addi %add3A_413, %add3A_329 : vector<16xi32>
          %max3A_415 = arith.constant 0.000000e+00 : f32
          %max3A_416 = vector.broadcast %max3A_415 : f32 to vector<16xf32>
          %max3A_417 = arith.maximumf %gather3A_408, %max3A_416 : vector<16xf32>
          tpu.vector_store_idx %arg10[%broadcast_in_dim3A_410, %add3A_414], %max3A_417 : memref<64x640xf32, #tpu.memory_space<vmem>>[vector<16xi32>, vector<16xi32>], vector<16xf32>,
          %add3A_418 = arith.constant 6 : i32
          %add3A_419 = vector.broadcast %add3A_418 : i32 to vector<16xi32>
          %add3A_420 = arith.addi %shift_left3A_340, %add3A_419 : vector<16xi32>
          %gather3A_421 = tpu.vector_load_idx %arg9[%add3A_329, %add3A_420] : memref<128x128xf32, #tpu.memory_space<vmem>>[vector<16xi32>, vector<16xi32>], vector<16xf32>,
          %broadcast_in_dim3A_422 = arith.constant 6 : i32
          %broadcast_in_dim3A_423 = vector.broadcast %broadcast_in_dim3A_422 : i32 to vector<16xi32>
          %mul3A_424 = arith.constant 128 : i32
          %mul3A_425 = arith.muli %while3A_307, %mul3A_424 : i32
          %add3A_426 = vector.broadcast %mul3A_425 : i32 to vector<16xi32>
          %add3A_427 = arith.addi %add3A_426, %add3A_329 : vector<16xi32>
          %max3A_428 = arith.constant 0.000000e+00 : f32
          %max3A_429 = vector.broadcast %max3A_428 : f32 to vector<16xf32>
          %max3A_430 = arith.maximumf %gather3A_421, %max3A_429 : vector<16xf32>
          tpu.vector_store_idx %arg10[%broadcast_in_dim3A_423, %add3A_427], %max3A_430 : memref<64x640xf32, #tpu.memory_space<vmem>>[vector<16xi32>, vector<16xi32>], vector<16xf32>,
          %add3A_431 = arith.constant 7 : i32
          %add3A_432 = vector.broadcast %add3A_431 : i32 to vector<16xi32>
          %add3A_433 = arith.addi %shift_left3A_340, %add3A_432 : vector<16xi32>
          %gather3A_434 = tpu.vector_load_idx %arg9[%add3A_329, %add3A_433] : memref<128x128xf32, #tpu.memory_space<vmem>>[vector<16xi32>, vector<16xi32>], vector<16xf32>,
          %broadcast_in_dim3A_435 = arith.constant 7 : i32
          %broadcast_in_dim3A_436 = vector.broadcast %broadcast_in_dim3A_435 : i32 to vector<16xi32>
          %mul3A_437 = arith.constant 128 : i32
          %mul3A_438 = arith.muli %while3A_307, %mul3A_437 : i32
          %add3A_439 = vector.broadcast %mul3A_438 : i32 to vector<16xi32>
          %add3A_440 = arith.addi %add3A_439, %add3A_329 : vector<16xi32>
          %max3A_441 = arith.constant 0.000000e+00 : f32
          %max3A_442 = vector.broadcast %max3A_441 : f32 to vector<16xf32>
          %max3A_443 = arith.maximumf %gather3A_434, %max3A_442 : vector<16xf32>
          tpu.vector_store_idx %arg10[%broadcast_in_dim3A_436, %add3A_440], %max3A_443 : memref<64x640xf32, #tpu.memory_space<vmem>>[vector<16xi32>, vector<16xi32>], vector<16xf32>,
          %add3A_444 = arith.constant 8 : i32
          %add3A_445 = vector.broadcast %add3A_444 : i32 to vector<16xi32>
          %add3A_446 = arith.addi %shift_left3A_340, %add3A_445 : vector<16xi32>
          %gather3A_447 = tpu.vector_load_idx %arg9[%add3A_329, %add3A_446] : memref<128x128xf32, #tpu.memory_space<vmem>>[vector<16xi32>, vector<16xi32>], vector<16xf32>,
          %broadcast_in_dim3A_448 = arith.constant 8 : i32
          %broadcast_in_dim3A_449 = vector.broadcast %broadcast_in_dim3A_448 : i32 to vector<16xi32>
          %mul3A_450 = arith.constant 128 : i32
          %mul3A_451 = arith.muli %while3A_307, %mul3A_450 : i32
          %add3A_452 = vector.broadcast %mul3A_451 : i32 to vector<16xi32>
          %add3A_453 = arith.addi %add3A_452, %add3A_329 : vector<16xi32>
          %max3A_454 = arith.constant 0.000000e+00 : f32
          %max3A_455 = vector.broadcast %max3A_454 : f32 to vector<16xf32>
          %max3A_456 = arith.maximumf %gather3A_447, %max3A_455 : vector<16xf32>
          tpu.vector_store_idx %arg10[%broadcast_in_dim3A_449, %add3A_453], %max3A_456 : memref<64x640xf32, #tpu.memory_space<vmem>>[vector<16xi32>, vector<16xi32>], vector<16xf32>,
          %add3A_457 = arith.constant 9 : i32
          %add3A_458 = vector.broadcast %add3A_457 : i32 to vector<16xi32>
          %add3A_459 = arith.addi %shift_left3A_340, %add3A_458 : vector<16xi32>
          %gather3A_460 = tpu.vector_load_idx %arg9[%add3A_329, %add3A_459] : memref<128x128xf32, #tpu.memory_space<vmem>>[vector<16xi32>, vector<16xi32>], vector<16xf32>,
          %broadcast_in_dim3A_461 = arith.constant 9 : i32
          %broadcast_in_dim3A_462 = vector.broadcast %broadcast_in_dim3A_461 : i32 to vector<16xi32>
          %mul3A_463 = arith.constant 128 : i32
          %mul3A_464 = arith.muli %while3A_307, %mul3A_463 : i32
          %add3A_465 = vector.broadcast %mul3A_464 : i32 to vector<16xi32>
          %add3A_466 = arith.addi %add3A_465, %add3A_329 : vector<16xi32>
          %max3A_467 = arith.constant 0.000000e+00 : f32
          %max3A_468 = vector.broadcast %max3A_467 : f32 to vector<16xf32>
          %max3A_469 = arith.maximumf %gather3A_460, %max3A_468 : vector<16xf32>
          tpu.vector_store_idx %arg10[%broadcast_in_dim3A_462, %add3A_466], %max3A_469 : memref<64x640xf32, #tpu.memory_space<vmem>>[vector<16xi32>, vector<16xi32>], vector<16xf32>,
          %add3A_470 = arith.constant 10 : i32
          %add3A_471 = vector.broadcast %add3A_470 : i32 to vector<16xi32>
          %add3A_472 = arith.addi %shift_left3A_340, %add3A_471 : vector<16xi32>
          %gather3A_473 = tpu.vector_load_idx %arg9[%add3A_329, %add3A_472] : memref<128x128xf32, #tpu.memory_space<vmem>>[vector<16xi32>, vector<16xi32>], vector<16xf32>,
          %broadcast_in_dim3A_474 = arith.constant 10 : i32
          %broadcast_in_dim3A_475 = vector.broadcast %broadcast_in_dim3A_474 : i32 to vector<16xi32>
          %mul3A_476 = arith.constant 128 : i32
          %mul3A_477 = arith.muli %while3A_307, %mul3A_476 : i32
          %add3A_478 = vector.broadcast %mul3A_477 : i32 to vector<16xi32>
          %add3A_479 = arith.addi %add3A_478, %add3A_329 : vector<16xi32>
          %max3A_480 = arith.constant 0.000000e+00 : f32
          %max3A_481 = vector.broadcast %max3A_480 : f32 to vector<16xf32>
          %max3A_482 = arith.maximumf %gather3A_473, %max3A_481 : vector<16xf32>
          tpu.vector_store_idx %arg10[%broadcast_in_dim3A_475, %add3A_479], %max3A_482 : memref<64x640xf32, #tpu.memory_space<vmem>>[vector<16xi32>, vector<16xi32>], vector<16xf32>,
          %add3A_483 = arith.constant 11 : i32
          %add3A_484 = vector.broadcast %add3A_483 : i32 to vector<16xi32>
          %add3A_485 = arith.addi %shift_left3A_340, %add3A_484 : vector<16xi32>
          %gather3A_486 = tpu.vector_load_idx %arg9[%add3A_329, %add3A_485] : memref<128x128xf32, #tpu.memory_space<vmem>>[vector<16xi32>, vector<16xi32>], vector<16xf32>,
          %broadcast_in_dim3A_487 = arith.constant 11 : i32
          %broadcast_in_dim3A_488 = vector.broadcast %broadcast_in_dim3A_487 : i32 to vector<16xi32>
          %mul3A_489 = arith.constant 128 : i32
          %mul3A_490 = arith.muli %while3A_307, %mul3A_489 : i32
          %add3A_491 = vector.broadcast %mul3A_490 : i32 to vector<16xi32>
          %add3A_492 = arith.addi %add3A_491, %add3A_329 : vector<16xi32>
          %max3A_493 = arith.constant 0.000000e+00 : f32
          %max3A_494 = vector.broadcast %max3A_493 : f32 to vector<16xf32>
          %max3A_495 = arith.maximumf %gather3A_486, %max3A_494 : vector<16xf32>
          tpu.vector_store_idx %arg10[%broadcast_in_dim3A_488, %add3A_492], %max3A_495 : memref<64x640xf32, #tpu.memory_space<vmem>>[vector<16xi32>, vector<16xi32>], vector<16xf32>,
          %add3A_496 = arith.constant 12 : i32
          %add3A_497 = vector.broadcast %add3A_496 : i32 to vector<16xi32>
          %add3A_498 = arith.addi %shift_left3A_340, %add3A_497 : vector<16xi32>
          %gather3A_499 = tpu.vector_load_idx %arg9[%add3A_329, %add3A_498] : memref<128x128xf32, #tpu.memory_space<vmem>>[vector<16xi32>, vector<16xi32>], vector<16xf32>,
          %broadcast_in_dim3A_500 = arith.constant 12 : i32
          %broadcast_in_dim3A_501 = vector.broadcast %broadcast_in_dim3A_500 : i32 to vector<16xi32>
          %mul3A_502 = arith.constant 128 : i32
          %mul3A_503 = arith.muli %while3A_307, %mul3A_502 : i32
          %add3A_504 = vector.broadcast %mul3A_503 : i32 to vector<16xi32>
          %add3A_505 = arith.addi %add3A_504, %add3A_329 : vector<16xi32>
          %max3A_506 = arith.constant 0.000000e+00 : f32
          %max3A_507 = vector.broadcast %max3A_506 : f32 to vector<16xf32>
          %max3A_508 = arith.maximumf %gather3A_499, %max3A_507 : vector<16xf32>
          tpu.vector_store_idx %arg10[%broadcast_in_dim3A_501, %add3A_505], %max3A_508 : memref<64x640xf32, #tpu.memory_space<vmem>>[vector<16xi32>, vector<16xi32>], vector<16xf32>,
          %add3A_509 = arith.constant 13 : i32
          %add3A_510 = vector.broadcast %add3A_509 : i32 to vector<16xi32>
          %add3A_511 = arith.addi %shift_left3A_340, %add3A_510 : vector<16xi32>
          %gather3A_512 = tpu.vector_load_idx %arg9[%add3A_329, %add3A_511] : memref<128x128xf32, #tpu.memory_space<vmem>>[vector<16xi32>, vector<16xi32>], vector<16xf32>,
          %broadcast_in_dim3A_513 = arith.constant 13 : i32
          %broadcast_in_dim3A_514 = vector.broadcast %broadcast_in_dim3A_513 : i32 to vector<16xi32>
          %mul3A_515 = arith.constant 128 : i32
          %mul3A_516 = arith.muli %while3A_307, %mul3A_515 : i32
          %add3A_517 = vector.broadcast %mul3A_516 : i32 to vector<16xi32>
          %add3A_518 = arith.addi %add3A_517, %add3A_329 : vector<16xi32>
          %max3A_519 = arith.constant 0.000000e+00 : f32
          %max3A_520 = vector.broadcast %max3A_519 : f32 to vector<16xf32>
          %max3A_521 = arith.maximumf %gather3A_512, %max3A_520 : vector<16xf32>
          tpu.vector_store_idx %arg10[%broadcast_in_dim3A_514, %add3A_518], %max3A_521 : memref<64x640xf32, #tpu.memory_space<vmem>>[vector<16xi32>, vector<16xi32>], vector<16xf32>,
          %add3A_522 = arith.constant 14 : i32
          %add3A_523 = vector.broadcast %add3A_522 : i32 to vector<16xi32>
          %add3A_524 = arith.addi %shift_left3A_340, %add3A_523 : vector<16xi32>
          %gather3A_525 = tpu.vector_load_idx %arg9[%add3A_329, %add3A_524] : memref<128x128xf32, #tpu.memory_space<vmem>>[vector<16xi32>, vector<16xi32>], vector<16xf32>,
          %broadcast_in_dim3A_526 = arith.constant 14 : i32
          %broadcast_in_dim3A_527 = vector.broadcast %broadcast_in_dim3A_526 : i32 to vector<16xi32>
          %mul3A_528 = arith.constant 128 : i32
          %mul3A_529 = arith.muli %while3A_307, %mul3A_528 : i32
          %add3A_530 = vector.broadcast %mul3A_529 : i32 to vector<16xi32>
          %add3A_531 = arith.addi %add3A_530, %add3A_329 : vector<16xi32>
          %max3A_532 = arith.constant 0.000000e+00 : f32
          %max3A_533 = vector.broadcast %max3A_532 : f32 to vector<16xf32>
          %max3A_534 = arith.maximumf %gather3A_525, %max3A_533 : vector<16xf32>
          tpu.vector_store_idx %arg10[%broadcast_in_dim3A_527, %add3A_531], %max3A_534 : memref<64x640xf32, #tpu.memory_space<vmem>>[vector<16xi32>, vector<16xi32>], vector<16xf32>,
          %add3A_535 = arith.constant 15 : i32
          %add3A_536 = vector.broadcast %add3A_535 : i32 to vector<16xi32>
          %add3A_537 = arith.addi %shift_left3A_340, %add3A_536 : vector<16xi32>
          %gather3A_538 = tpu.vector_load_idx %arg9[%add3A_329, %add3A_537] : memref<128x128xf32, #tpu.memory_space<vmem>>[vector<16xi32>, vector<16xi32>], vector<16xf32>,
          %broadcast_in_dim3A_539 = arith.constant 15 : i32
          %broadcast_in_dim3A_540 = vector.broadcast %broadcast_in_dim3A_539 : i32 to vector<16xi32>
          %mul3A_541 = arith.constant 128 : i32
          %mul3A_542 = arith.muli %while3A_307, %mul3A_541 : i32
          %add3A_543 = vector.broadcast %mul3A_542 : i32 to vector<16xi32>
          %add3A_544 = arith.addi %add3A_543, %add3A_329 : vector<16xi32>
          %max3A_545 = arith.constant 0.000000e+00 : f32
          %max3A_546 = vector.broadcast %max3A_545 : f32 to vector<16xf32>
          %max3A_547 = arith.maximumf %gather3A_538, %max3A_546 : vector<16xf32>
          tpu.vector_store_idx %arg10[%broadcast_in_dim3A_540, %add3A_544], %max3A_547 : memref<64x640xf32, #tpu.memory_space<vmem>>[vector<16xi32>, vector<16xi32>], vector<16xf32>,
          %add3A_548 = arith.constant 16 : i32
          %add3A_549 = vector.broadcast %add3A_548 : i32 to vector<16xi32>
          %add3A_550 = arith.addi %shift_left3A_340, %add3A_549 : vector<16xi32>
          %gather3A_551 = tpu.vector_load_idx %arg9[%add3A_329, %add3A_550] : memref<128x128xf32, #tpu.memory_space<vmem>>[vector<16xi32>, vector<16xi32>], vector<16xf32>,
          %broadcast_in_dim3A_552 = arith.constant 16 : i32
          %broadcast_in_dim3A_553 = vector.broadcast %broadcast_in_dim3A_552 : i32 to vector<16xi32>
          %mul3A_554 = arith.constant 128 : i32
          %mul3A_555 = arith.muli %while3A_307, %mul3A_554 : i32
          %add3A_556 = vector.broadcast %mul3A_555 : i32 to vector<16xi32>
          %add3A_557 = arith.addi %add3A_556, %add3A_329 : vector<16xi32>
          %max3A_558 = arith.constant 0.000000e+00 : f32
          %max3A_559 = vector.broadcast %max3A_558 : f32 to vector<16xf32>
          %max3A_560 = arith.maximumf %gather3A_551, %max3A_559 : vector<16xf32>
          tpu.vector_store_idx %arg10[%broadcast_in_dim3A_553, %add3A_557], %max3A_560 : memref<64x640xf32, #tpu.memory_space<vmem>>[vector<16xi32>, vector<16xi32>], vector<16xf32>,
          %add3A_561 = arith.constant 17 : i32
          %add3A_562 = vector.broadcast %add3A_561 : i32 to vector<16xi32>
          %add3A_563 = arith.addi %shift_left3A_340, %add3A_562 : vector<16xi32>
          %gather3A_564 = tpu.vector_load_idx %arg9[%add3A_329, %add3A_563] : memref<128x128xf32, #tpu.memory_space<vmem>>[vector<16xi32>, vector<16xi32>], vector<16xf32>,
          %broadcast_in_dim3A_565 = arith.constant 17 : i32
          %broadcast_in_dim3A_566 = vector.broadcast %broadcast_in_dim3A_565 : i32 to vector<16xi32>
          %mul3A_567 = arith.constant 128 : i32
          %mul3A_568 = arith.muli %while3A_307, %mul3A_567 : i32
          %add3A_569 = vector.broadcast %mul3A_568 : i32 to vector<16xi32>
          %add3A_570 = arith.addi %add3A_569, %add3A_329 : vector<16xi32>
          %max3A_571 = arith.constant 0.000000e+00 : f32
          %max3A_572 = vector.broadcast %max3A_571 : f32 to vector<16xf32>
          %max3A_573 = arith.maximumf %gather3A_564, %max3A_572 : vector<16xf32>
          tpu.vector_store_idx %arg10[%broadcast_in_dim3A_566, %add3A_570], %max3A_573 : memref<64x640xf32, #tpu.memory_space<vmem>>[vector<16xi32>, vector<16xi32>], vector<16xf32>,
          %add3A_574 = arith.constant 18 : i32
          %add3A_575 = vector.broadcast %add3A_574 : i32 to vector<16xi32>
          %add3A_576 = arith.addi %shift_left3A_340, %add3A_575 : vector<16xi32>
          %gather3A_577 = tpu.vector_load_idx %arg9[%add3A_329, %add3A_576] : memref<128x128xf32, #tpu.memory_space<vmem>>[vector<16xi32>, vector<16xi32>], vector<16xf32>,
          %broadcast_in_dim3A_578 = arith.constant 18 : i32
          %broadcast_in_dim3A_579 = vector.broadcast %broadcast_in_dim3A_578 : i32 to vector<16xi32>
          %mul3A_580 = arith.constant 128 : i32
          %mul3A_581 = arith.muli %while3A_307, %mul3A_580 : i32
          %add3A_582 = vector.broadcast %mul3A_581 : i32 to vector<16xi32>
          %add3A_583 = arith.addi %add3A_582, %add3A_329 : vector<16xi32>
          %max3A_584 = arith.constant 0.000000e+00 : f32
          %max3A_585 = vector.broadcast %max3A_584 : f32 to vector<16xf32>
          %max3A_586 = arith.maximumf %gather3A_577, %max3A_585 : vector<16xf32>
          tpu.vector_store_idx %arg10[%broadcast_in_dim3A_579, %add3A_583], %max3A_586 : memref<64x640xf32, #tpu.memory_space<vmem>>[vector<16xi32>, vector<16xi32>], vector<16xf32>,
          %add3A_587 = arith.constant 19 : i32
          %add3A_588 = vector.broadcast %add3A_587 : i32 to vector<16xi32>
          %add3A_589 = arith.addi %shift_left3A_340, %add3A_588 : vector<16xi32>
          %gather3A_590 = tpu.vector_load_idx %arg9[%add3A_329, %add3A_589] : memref<128x128xf32, #tpu.memory_space<vmem>>[vector<16xi32>, vector<16xi32>], vector<16xf32>,
          %broadcast_in_dim3A_591 = arith.constant 19 : i32
          %broadcast_in_dim3A_592 = vector.broadcast %broadcast_in_dim3A_591 : i32 to vector<16xi32>
          %mul3A_593 = arith.constant 128 : i32
          %mul3A_594 = arith.muli %while3A_307, %mul3A_593 : i32
          %add3A_595 = vector.broadcast %mul3A_594 : i32 to vector<16xi32>
          %add3A_596 = arith.addi %add3A_595, %add3A_329 : vector<16xi32>
          %max3A_597 = arith.constant 0.000000e+00 : f32
          %max3A_598 = vector.broadcast %max3A_597 : f32 to vector<16xf32>
          %max3A_599 = arith.maximumf %gather3A_590, %max3A_598 : vector<16xf32>
          tpu.vector_store_idx %arg10[%broadcast_in_dim3A_592, %add3A_596], %max3A_599 : memref<64x640xf32, #tpu.memory_space<vmem>>[vector<16xi32>, vector<16xi32>], vector<16xf32>,
          %add3A_600 = arith.constant 20 : i32
          %add3A_601 = vector.broadcast %add3A_600 : i32 to vector<16xi32>
          %add3A_602 = arith.addi %shift_left3A_340, %add3A_601 : vector<16xi32>
          %gather3A_603 = tpu.vector_load_idx %arg9[%add3A_329, %add3A_602] : memref<128x128xf32, #tpu.memory_space<vmem>>[vector<16xi32>, vector<16xi32>], vector<16xf32>,
          %broadcast_in_dim3A_604 = arith.constant 20 : i32
          %broadcast_in_dim3A_605 = vector.broadcast %broadcast_in_dim3A_604 : i32 to vector<16xi32>
          %mul3A_606 = arith.constant 128 : i32
          %mul3A_607 = arith.muli %while3A_307, %mul3A_606 : i32
          %add3A_608 = vector.broadcast %mul3A_607 : i32 to vector<16xi32>
          %add3A_609 = arith.addi %add3A_608, %add3A_329 : vector<16xi32>
          %max3A_610 = arith.constant 0.000000e+00 : f32
          %max3A_611 = vector.broadcast %max3A_610 : f32 to vector<16xf32>
          %max3A_612 = arith.maximumf %gather3A_603, %max3A_611 : vector<16xf32>
          tpu.vector_store_idx %arg10[%broadcast_in_dim3A_605, %add3A_609], %max3A_612 : memref<64x640xf32, #tpu.memory_space<vmem>>[vector<16xi32>, vector<16xi32>], vector<16xf32>,
          %add3A_613 = arith.constant 21 : i32
          %add3A_614 = vector.broadcast %add3A_613 : i32 to vector<16xi32>
          %add3A_615 = arith.addi %shift_left3A_340, %add3A_614 : vector<16xi32>
          %gather3A_616 = tpu.vector_load_idx %arg9[%add3A_329, %add3A_615] : memref<128x128xf32, #tpu.memory_space<vmem>>[vector<16xi32>, vector<16xi32>], vector<16xf32>,
          %broadcast_in_dim3A_617 = arith.constant 21 : i32
          %broadcast_in_dim3A_618 = vector.broadcast %broadcast_in_dim3A_617 : i32 to vector<16xi32>
          %mul3A_619 = arith.constant 128 : i32
          %mul3A_620 = arith.muli %while3A_307, %mul3A_619 : i32
          %add3A_621 = vector.broadcast %mul3A_620 : i32 to vector<16xi32>
          %add3A_622 = arith.addi %add3A_621, %add3A_329 : vector<16xi32>
          %max3A_623 = arith.constant 0.000000e+00 : f32
          %max3A_624 = vector.broadcast %max3A_623 : f32 to vector<16xf32>
          %max3A_625 = arith.maximumf %gather3A_616, %max3A_624 : vector<16xf32>
          tpu.vector_store_idx %arg10[%broadcast_in_dim3A_618, %add3A_622], %max3A_625 : memref<64x640xf32, #tpu.memory_space<vmem>>[vector<16xi32>, vector<16xi32>], vector<16xf32>,
          %add3A_626 = arith.constant 22 : i32
          %add3A_627 = vector.broadcast %add3A_626 : i32 to vector<16xi32>
          %add3A_628 = arith.addi %shift_left3A_340, %add3A_627 : vector<16xi32>
          %gather3A_629 = tpu.vector_load_idx %arg9[%add3A_329, %add3A_628] : memref<128x128xf32, #tpu.memory_space<vmem>>[vector<16xi32>, vector<16xi32>], vector<16xf32>,
          %broadcast_in_dim3A_630 = arith.constant 22 : i32
          %broadcast_in_dim3A_631 = vector.broadcast %broadcast_in_dim3A_630 : i32 to vector<16xi32>
          %mul3A_632 = arith.constant 128 : i32
          %mul3A_633 = arith.muli %while3A_307, %mul3A_632 : i32
          %add3A_634 = vector.broadcast %mul3A_633 : i32 to vector<16xi32>
          %add3A_635 = arith.addi %add3A_634, %add3A_329 : vector<16xi32>
          %max3A_636 = arith.constant 0.000000e+00 : f32
          %max3A_637 = vector.broadcast %max3A_636 : f32 to vector<16xf32>
          %max3A_638 = arith.maximumf %gather3A_629, %max3A_637 : vector<16xf32>
          tpu.vector_store_idx %arg10[%broadcast_in_dim3A_631, %add3A_635], %max3A_638 : memref<64x640xf32, #tpu.memory_space<vmem>>[vector<16xi32>, vector<16xi32>], vector<16xf32>,
          %add3A_639 = arith.constant 23 : i32
          %add3A_640 = vector.broadcast %add3A_639 : i32 to vector<16xi32>
          %add3A_641 = arith.addi %shift_left3A_340, %add3A_640 : vector<16xi32>
          %gather3A_642 = tpu.vector_load_idx %arg9[%add3A_329, %add3A_641] : memref<128x128xf32, #tpu.memory_space<vmem>>[vector<16xi32>, vector<16xi32>], vector<16xf32>,
          %broadcast_in_dim3A_643 = arith.constant 23 : i32
          %broadcast_in_dim3A_644 = vector.broadcast %broadcast_in_dim3A_643 : i32 to vector<16xi32>
          %mul3A_645 = arith.constant 128 : i32
          %mul3A_646 = arith.muli %while3A_307, %mul3A_645 : i32
          %add3A_647 = vector.broadcast %mul3A_646 : i32 to vector<16xi32>
          %add3A_648 = arith.addi %add3A_647, %add3A_329 : vector<16xi32>
          %max3A_649 = arith.constant 0.000000e+00 : f32
          %max3A_650 = vector.broadcast %max3A_649 : f32 to vector<16xf32>
          %max3A_651 = arith.maximumf %gather3A_642, %max3A_650 : vector<16xf32>
          tpu.vector_store_idx %arg10[%broadcast_in_dim3A_644, %add3A_648], %max3A_651 : memref<64x640xf32, #tpu.memory_space<vmem>>[vector<16xi32>, vector<16xi32>], vector<16xf32>,
          %add3A_652 = arith.constant 24 : i32
          %add3A_653 = vector.broadcast %add3A_652 : i32 to vector<16xi32>
          %add3A_654 = arith.addi %shift_left3A_340, %add3A_653 : vector<16xi32>
          %gather3A_655 = tpu.vector_load_idx %arg9[%add3A_329, %add3A_654] : memref<128x128xf32, #tpu.memory_space<vmem>>[vector<16xi32>, vector<16xi32>], vector<16xf32>,
          %broadcast_in_dim3A_656 = arith.constant 24 : i32
          %broadcast_in_dim3A_657 = vector.broadcast %broadcast_in_dim3A_656 : i32 to vector<16xi32>
          %mul3A_658 = arith.constant 128 : i32
          %mul3A_659 = arith.muli %while3A_307, %mul3A_658 : i32
          %add3A_660 = vector.broadcast %mul3A_659 : i32 to vector<16xi32>
          %add3A_661 = arith.addi %add3A_660, %add3A_329 : vector<16xi32>
          %max3A_662 = arith.constant 0.000000e+00 : f32
          %max3A_663 = vector.broadcast %max3A_662 : f32 to vector<16xf32>
          %max3A_664 = arith.maximumf %gather3A_655, %max3A_663 : vector<16xf32>
          tpu.vector_store_idx %arg10[%broadcast_in_dim3A_657, %add3A_661], %max3A_664 : memref<64x640xf32, #tpu.memory_space<vmem>>[vector<16xi32>, vector<16xi32>], vector<16xf32>,
          %add3A_665 = arith.constant 25 : i32
          %add3A_666 = vector.broadcast %add3A_665 : i32 to vector<16xi32>
          %add3A_667 = arith.addi %shift_left3A_340, %add3A_666 : vector<16xi32>
          %gather3A_668 = tpu.vector_load_idx %arg9[%add3A_329, %add3A_667] : memref<128x128xf32, #tpu.memory_space<vmem>>[vector<16xi32>, vector<16xi32>], vector<16xf32>,
          %broadcast_in_dim3A_669 = arith.constant 25 : i32
          %broadcast_in_dim3A_670 = vector.broadcast %broadcast_in_dim3A_669 : i32 to vector<16xi32>
          %mul3A_671 = arith.constant 128 : i32
          %mul3A_672 = arith.muli %while3A_307, %mul3A_671 : i32
          %add3A_673 = vector.broadcast %mul3A_672 : i32 to vector<16xi32>
          %add3A_674 = arith.addi %add3A_673, %add3A_329 : vector<16xi32>
          %max3A_675 = arith.constant 0.000000e+00 : f32
          %max3A_676 = vector.broadcast %max3A_675 : f32 to vector<16xf32>
          %max3A_677 = arith.maximumf %gather3A_668, %max3A_676 : vector<16xf32>
          tpu.vector_store_idx %arg10[%broadcast_in_dim3A_670, %add3A_674], %max3A_677 : memref<64x640xf32, #tpu.memory_space<vmem>>[vector<16xi32>, vector<16xi32>], vector<16xf32>,
          %add3A_678 = arith.constant 26 : i32
          %add3A_679 = vector.broadcast %add3A_678 : i32 to vector<16xi32>
          %add3A_680 = arith.addi %shift_left3A_340, %add3A_679 : vector<16xi32>
          %gather3A_681 = tpu.vector_load_idx %arg9[%add3A_329, %add3A_680] : memref<128x128xf32, #tpu.memory_space<vmem>>[vector<16xi32>, vector<16xi32>], vector<16xf32>,
          %broadcast_in_dim3A_682 = arith.constant 26 : i32
          %broadcast_in_dim3A_683 = vector.broadcast %broadcast_in_dim3A_682 : i32 to vector<16xi32>
          %mul3A_684 = arith.constant 128 : i32
          %mul3A_685 = arith.muli %while3A_307, %mul3A_684 : i32
          %add3A_686 = vector.broadcast %mul3A_685 : i32 to vector<16xi32>
          %add3A_687 = arith.addi %add3A_686, %add3A_329 : vector<16xi32>
          %max3A_688 = arith.constant 0.000000e+00 : f32
          %max3A_689 = vector.broadcast %max3A_688 : f32 to vector<16xf32>
          %max3A_690 = arith.maximumf %gather3A_681, %max3A_689 : vector<16xf32>
          tpu.vector_store_idx %arg10[%broadcast_in_dim3A_683, %add3A_687], %max3A_690 : memref<64x640xf32, #tpu.memory_space<vmem>>[vector<16xi32>, vector<16xi32>], vector<16xf32>,
          %add3A_691 = arith.constant 27 : i32
          %add3A_692 = vector.broadcast %add3A_691 : i32 to vector<16xi32>
          %add3A_693 = arith.addi %shift_left3A_340, %add3A_692 : vector<16xi32>
          %gather3A_694 = tpu.vector_load_idx %arg9[%add3A_329, %add3A_693] : memref<128x128xf32, #tpu.memory_space<vmem>>[vector<16xi32>, vector<16xi32>], vector<16xf32>,
          %broadcast_in_dim3A_695 = arith.constant 27 : i32
          %broadcast_in_dim3A_696 = vector.broadcast %broadcast_in_dim3A_695 : i32 to vector<16xi32>
          %mul3A_697 = arith.constant 128 : i32
          %mul3A_698 = arith.muli %while3A_307, %mul3A_697 : i32
          %add3A_699 = vector.broadcast %mul3A_698 : i32 to vector<16xi32>
          %add3A_700 = arith.addi %add3A_699, %add3A_329 : vector<16xi32>
          %max3A_701 = arith.constant 0.000000e+00 : f32
          %max3A_702 = vector.broadcast %max3A_701 : f32 to vector<16xf32>
          %max3A_703 = arith.maximumf %gather3A_694, %max3A_702 : vector<16xf32>
          tpu.vector_store_idx %arg10[%broadcast_in_dim3A_696, %add3A_700], %max3A_703 : memref<64x640xf32, #tpu.memory_space<vmem>>[vector<16xi32>, vector<16xi32>], vector<16xf32>,
          %add3A_704 = arith.constant 28 : i32
          %add3A_705 = vector.broadcast %add3A_704 : i32 to vector<16xi32>
          %add3A_706 = arith.addi %shift_left3A_340, %add3A_705 : vector<16xi32>
          %gather3A_707 = tpu.vector_load_idx %arg9[%add3A_329, %add3A_706] : memref<128x128xf32, #tpu.memory_space<vmem>>[vector<16xi32>, vector<16xi32>], vector<16xf32>,
          %broadcast_in_dim3A_708 = arith.constant 28 : i32
          %broadcast_in_dim3A_709 = vector.broadcast %broadcast_in_dim3A_708 : i32 to vector<16xi32>
          %mul3A_710 = arith.constant 128 : i32
          %mul3A_711 = arith.muli %while3A_307, %mul3A_710 : i32
          %add3A_712 = vector.broadcast %mul3A_711 : i32 to vector<16xi32>
          %add3A_713 = arith.addi %add3A_712, %add3A_329 : vector<16xi32>
          %max3A_714 = arith.constant 0.000000e+00 : f32
          %max3A_715 = vector.broadcast %max3A_714 : f32 to vector<16xf32>
          %max3A_716 = arith.maximumf %gather3A_707, %max3A_715 : vector<16xf32>
          tpu.vector_store_idx %arg10[%broadcast_in_dim3A_709, %add3A_713], %max3A_716 : memref<64x640xf32, #tpu.memory_space<vmem>>[vector<16xi32>, vector<16xi32>], vector<16xf32>,
          %add3A_717 = arith.constant 29 : i32
          %add3A_718 = vector.broadcast %add3A_717 : i32 to vector<16xi32>
          %add3A_719 = arith.addi %shift_left3A_340, %add3A_718 : vector<16xi32>
          %gather3A_720 = tpu.vector_load_idx %arg9[%add3A_329, %add3A_719] : memref<128x128xf32, #tpu.memory_space<vmem>>[vector<16xi32>, vector<16xi32>], vector<16xf32>,
          %broadcast_in_dim3A_721 = arith.constant 29 : i32
          %broadcast_in_dim3A_722 = vector.broadcast %broadcast_in_dim3A_721 : i32 to vector<16xi32>
          %mul3A_723 = arith.constant 128 : i32
          %mul3A_724 = arith.muli %while3A_307, %mul3A_723 : i32
          %add3A_725 = vector.broadcast %mul3A_724 : i32 to vector<16xi32>
          %add3A_726 = arith.addi %add3A_725, %add3A_329 : vector<16xi32>
          %max3A_727 = arith.constant 0.000000e+00 : f32
          %max3A_728 = vector.broadcast %max3A_727 : f32 to vector<16xf32>
          %max3A_729 = arith.maximumf %gather3A_720, %max3A_728 : vector<16xf32>
          tpu.vector_store_idx %arg10[%broadcast_in_dim3A_722, %add3A_726], %max3A_729 : memref<64x640xf32, #tpu.memory_space<vmem>>[vector<16xi32>, vector<16xi32>], vector<16xf32>,
          %add3A_730 = arith.constant 30 : i32
          %add3A_731 = vector.broadcast %add3A_730 : i32 to vector<16xi32>
          %add3A_732 = arith.addi %shift_left3A_340, %add3A_731 : vector<16xi32>
          %gather3A_733 = tpu.vector_load_idx %arg9[%add3A_329, %add3A_732] : memref<128x128xf32, #tpu.memory_space<vmem>>[vector<16xi32>, vector<16xi32>], vector<16xf32>,
          %broadcast_in_dim3A_734 = arith.constant 30 : i32
          %broadcast_in_dim3A_735 = vector.broadcast %broadcast_in_dim3A_734 : i32 to vector<16xi32>
          %mul3A_736 = arith.constant 128 : i32
          %mul3A_737 = arith.muli %while3A_307, %mul3A_736 : i32
          %add3A_738 = vector.broadcast %mul3A_737 : i32 to vector<16xi32>
          %add3A_739 = arith.addi %add3A_738, %add3A_329 : vector<16xi32>
          %max3A_740 = arith.constant 0.000000e+00 : f32
          %max3A_741 = vector.broadcast %max3A_740 : f32 to vector<16xf32>
          %max3A_742 = arith.maximumf %gather3A_733, %max3A_741 : vector<16xf32>
          tpu.vector_store_idx %arg10[%broadcast_in_dim3A_735, %add3A_739], %max3A_742 : memref<64x640xf32, #tpu.memory_space<vmem>>[vector<16xi32>, vector<16xi32>], vector<16xf32>,
          %add3A_743 = arith.constant 31 : i32
          %add3A_744 = vector.broadcast %add3A_743 : i32 to vector<16xi32>
          %add3A_745 = arith.addi %shift_left3A_340, %add3A_744 : vector<16xi32>
          %gather3A_746 = tpu.vector_load_idx %arg9[%add3A_329, %add3A_745] : memref<128x128xf32, #tpu.memory_space<vmem>>[vector<16xi32>, vector<16xi32>], vector<16xf32>,
          %broadcast_in_dim3A_747 = arith.constant 31 : i32
          %broadcast_in_dim3A_748 = vector.broadcast %broadcast_in_dim3A_747 : i32 to vector<16xi32>
          %mul3A_749 = arith.constant 128 : i32
          %mul3A_750 = arith.muli %while3A_307, %mul3A_749 : i32
          %add3A_751 = vector.broadcast %mul3A_750 : i32 to vector<16xi32>
          %add3A_752 = arith.addi %add3A_751, %add3A_329 : vector<16xi32>
          %max3A_753 = arith.constant 0.000000e+00 : f32
          %max3A_754 = vector.broadcast %max3A_753 : f32 to vector<16xf32>
          %max3A_755 = arith.maximumf %gather3A_746, %max3A_754 : vector<16xf32>
          tpu.vector_store_idx %arg10[%broadcast_in_dim3A_748, %add3A_752], %max3A_755 : memref<64x640xf32, #tpu.memory_space<vmem>>[vector<16xi32>, vector<16xi32>], vector<16xf32>,
          %add3A_756 = arith.constant 32 : i32
          %add3A_757 = vector.broadcast %add3A_756 : i32 to vector<16xi32>
          %add3A_758 = arith.addi %shift_left3A_340, %add3A_757 : vector<16xi32>
          %gather3A_759 = tpu.vector_load_idx %arg9[%add3A_329, %add3A_758] : memref<128x128xf32, #tpu.memory_space<vmem>>[vector<16xi32>, vector<16xi32>], vector<16xf32>,
          %broadcast_in_dim3A_760 = arith.constant 32 : i32
          %broadcast_in_dim3A_761 = vector.broadcast %broadcast_in_dim3A_760 : i32 to vector<16xi32>
          %mul3A_762 = arith.constant 128 : i32
          %mul3A_763 = arith.muli %while3A_307, %mul3A_762 : i32
          %add3A_764 = vector.broadcast %mul3A_763 : i32 to vector<16xi32>
          %add3A_765 = arith.addi %add3A_764, %add3A_329 : vector<16xi32>
          %max3A_766 = arith.constant 0.000000e+00 : f32
          %max3A_767 = vector.broadcast %max3A_766 : f32 to vector<16xf32>
          %max3A_768 = arith.maximumf %gather3A_759, %max3A_767 : vector<16xf32>
          tpu.vector_store_idx %arg10[%broadcast_in_dim3A_761, %add3A_765], %max3A_768 : memref<64x640xf32, #tpu.memory_space<vmem>>[vector<16xi32>, vector<16xi32>], vector<16xf32>,
          %add3A_769 = arith.constant 33 : i32
          %add3A_770 = vector.broadcast %add3A_769 : i32 to vector<16xi32>
          %add3A_771 = arith.addi %shift_left3A_340, %add3A_770 : vector<16xi32>
          %gather3A_772 = tpu.vector_load_idx %arg9[%add3A_329, %add3A_771] : memref<128x128xf32, #tpu.memory_space<vmem>>[vector<16xi32>, vector<16xi32>], vector<16xf32>,
          %broadcast_in_dim3A_773 = arith.constant 33 : i32
          %broadcast_in_dim3A_774 = vector.broadcast %broadcast_in_dim3A_773 : i32 to vector<16xi32>
          %mul3A_775 = arith.constant 128 : i32
          %mul3A_776 = arith.muli %while3A_307, %mul3A_775 : i32
          %add3A_777 = vector.broadcast %mul3A_776 : i32 to vector<16xi32>
          %add3A_778 = arith.addi %add3A_777, %add3A_329 : vector<16xi32>
          %max3A_779 = arith.constant 0.000000e+00 : f32
          %max3A_780 = vector.broadcast %max3A_779 : f32 to vector<16xf32>
          %max3A_781 = arith.maximumf %gather3A_772, %max3A_780 : vector<16xf32>
          tpu.vector_store_idx %arg10[%broadcast_in_dim3A_774, %add3A_778], %max3A_781 : memref<64x640xf32, #tpu.memory_space<vmem>>[vector<16xi32>, vector<16xi32>], vector<16xf32>,
          %add3A_782 = arith.constant 34 : i32
          %add3A_783 = vector.broadcast %add3A_782 : i32 to vector<16xi32>
          %add3A_784 = arith.addi %shift_left3A_340, %add3A_783 : vector<16xi32>
          %gather3A_785 = tpu.vector_load_idx %arg9[%add3A_329, %add3A_784] : memref<128x128xf32, #tpu.memory_space<vmem>>[vector<16xi32>, vector<16xi32>], vector<16xf32>,
          %broadcast_in_dim3A_786 = arith.constant 34 : i32
          %broadcast_in_dim3A_787 = vector.broadcast %broadcast_in_dim3A_786 : i32 to vector<16xi32>
          %mul3A_788 = arith.constant 128 : i32
          %mul3A_789 = arith.muli %while3A_307, %mul3A_788 : i32
          %add3A_790 = vector.broadcast %mul3A_789 : i32 to vector<16xi32>
          %add3A_791 = arith.addi %add3A_790, %add3A_329 : vector<16xi32>
          %max3A_792 = arith.constant 0.000000e+00 : f32
          %max3A_793 = vector.broadcast %max3A_792 : f32 to vector<16xf32>
          %max3A_794 = arith.maximumf %gather3A_785, %max3A_793 : vector<16xf32>
          tpu.vector_store_idx %arg10[%broadcast_in_dim3A_787, %add3A_791], %max3A_794 : memref<64x640xf32, #tpu.memory_space<vmem>>[vector<16xi32>, vector<16xi32>], vector<16xf32>,
          %add3A_795 = arith.constant 35 : i32
          %add3A_796 = vector.broadcast %add3A_795 : i32 to vector<16xi32>
          %add3A_797 = arith.addi %shift_left3A_340, %add3A_796 : vector<16xi32>
          %gather3A_798 = tpu.vector_load_idx %arg9[%add3A_329, %add3A_797] : memref<128x128xf32, #tpu.memory_space<vmem>>[vector<16xi32>, vector<16xi32>], vector<16xf32>,
          %broadcast_in_dim3A_799 = arith.constant 35 : i32
          %broadcast_in_dim3A_800 = vector.broadcast %broadcast_in_dim3A_799 : i32 to vector<16xi32>
          %mul3A_801 = arith.constant 128 : i32
          %mul3A_802 = arith.muli %while3A_307, %mul3A_801 : i32
          %add3A_803 = vector.broadcast %mul3A_802 : i32 to vector<16xi32>
          %add3A_804 = arith.addi %add3A_803, %add3A_329 : vector<16xi32>
          %max3A_805 = arith.constant 0.000000e+00 : f32
          %max3A_806 = vector.broadcast %max3A_805 : f32 to vector<16xf32>
          %max3A_807 = arith.maximumf %gather3A_798, %max3A_806 : vector<16xf32>
          tpu.vector_store_idx %arg10[%broadcast_in_dim3A_800, %add3A_804], %max3A_807 : memref<64x640xf32, #tpu.memory_space<vmem>>[vector<16xi32>, vector<16xi32>], vector<16xf32>,
          %add3A_808 = arith.constant 36 : i32
          %add3A_809 = vector.broadcast %add3A_808 : i32 to vector<16xi32>
          %add3A_810 = arith.addi %shift_left3A_340, %add3A_809 : vector<16xi32>
          %gather3A_811 = tpu.vector_load_idx %arg9[%add3A_329, %add3A_810] : memref<128x128xf32, #tpu.memory_space<vmem>>[vector<16xi32>, vector<16xi32>], vector<16xf32>,
          %broadcast_in_dim3A_812 = arith.constant 36 : i32
          %broadcast_in_dim3A_813 = vector.broadcast %broadcast_in_dim3A_812 : i32 to vector<16xi32>
          %mul3A_814 = arith.constant 128 : i32
          %mul3A_815 = arith.muli %while3A_307, %mul3A_814 : i32
          %add3A_816 = vector.broadcast %mul3A_815 : i32 to vector<16xi32>
          %add3A_817 = arith.addi %add3A_816, %add3A_329 : vector<16xi32>
          %max3A_818 = arith.constant 0.000000e+00 : f32
          %max3A_819 = vector.broadcast %max3A_818 : f32 to vector<16xf32>
          %max3A_820 = arith.maximumf %gather3A_811, %max3A_819 : vector<16xf32>
          tpu.vector_store_idx %arg10[%broadcast_in_dim3A_813, %add3A_817], %max3A_820 : memref<64x640xf32, #tpu.memory_space<vmem>>[vector<16xi32>, vector<16xi32>], vector<16xf32>,
          %add3A_821 = arith.constant 37 : i32
          %add3A_822 = vector.broadcast %add3A_821 : i32 to vector<16xi32>
          %add3A_823 = arith.addi %shift_left3A_340, %add3A_822 : vector<16xi32>
          %gather3A_824 = tpu.vector_load_idx %arg9[%add3A_329, %add3A_823] : memref<128x128xf32, #tpu.memory_space<vmem>>[vector<16xi32>, vector<16xi32>], vector<16xf32>,
          %broadcast_in_dim3A_825 = arith.constant 37 : i32
          %broadcast_in_dim3A_826 = vector.broadcast %broadcast_in_dim3A_825 : i32 to vector<16xi32>
          %mul3A_827 = arith.constant 128 : i32
          %mul3A_828 = arith.muli %while3A_307, %mul3A_827 : i32
          %add3A_829 = vector.broadcast %mul3A_828 : i32 to vector<16xi32>
          %add3A_830 = arith.addi %add3A_829, %add3A_329 : vector<16xi32>
          %max3A_831 = arith.constant 0.000000e+00 : f32
          %max3A_832 = vector.broadcast %max3A_831 : f32 to vector<16xf32>
          %max3A_833 = arith.maximumf %gather3A_824, %max3A_832 : vector<16xf32>
          tpu.vector_store_idx %arg10[%broadcast_in_dim3A_826, %add3A_830], %max3A_833 : memref<64x640xf32, #tpu.memory_space<vmem>>[vector<16xi32>, vector<16xi32>], vector<16xf32>,
          %add3A_834 = arith.constant 38 : i32
          %add3A_835 = vector.broadcast %add3A_834 : i32 to vector<16xi32>
          %add3A_836 = arith.addi %shift_left3A_340, %add3A_835 : vector<16xi32>
          %gather3A_837 = tpu.vector_load_idx %arg9[%add3A_329, %add3A_836] : memref<128x128xf32, #tpu.memory_space<vmem>>[vector<16xi32>, vector<16xi32>], vector<16xf32>,
          %broadcast_in_dim3A_838 = arith.constant 38 : i32
          %broadcast_in_dim3A_839 = vector.broadcast %broadcast_in_dim3A_838 : i32 to vector<16xi32>
          %mul3A_840 = arith.constant 128 : i32
          %mul3A_841 = arith.muli %while3A_307, %mul3A_840 : i32
          %add3A_842 = vector.broadcast %mul3A_841 : i32 to vector<16xi32>
          %add3A_843 = arith.addi %add3A_842, %add3A_329 : vector<16xi32>
          %max3A_844 = arith.constant 0.000000e+00 : f32
          %max3A_845 = vector.broadcast %max3A_844 : f32 to vector<16xf32>
          %max3A_846 = arith.maximumf %gather3A_837, %max3A_845 : vector<16xf32>
          tpu.vector_store_idx %arg10[%broadcast_in_dim3A_839, %add3A_843], %max3A_846 : memref<64x640xf32, #tpu.memory_space<vmem>>[vector<16xi32>, vector<16xi32>], vector<16xf32>,
          %add3A_847 = arith.constant 39 : i32
          %add3A_848 = vector.broadcast %add3A_847 : i32 to vector<16xi32>
          %add3A_849 = arith.addi %shift_left3A_340, %add3A_848 : vector<16xi32>
          %gather3A_850 = tpu.vector_load_idx %arg9[%add3A_329, %add3A_849] : memref<128x128xf32, #tpu.memory_space<vmem>>[vector<16xi32>, vector<16xi32>], vector<16xf32>,
          %broadcast_in_dim3A_851 = arith.constant 39 : i32
          %broadcast_in_dim3A_852 = vector.broadcast %broadcast_in_dim3A_851 : i32 to vector<16xi32>
          %mul3A_853 = arith.constant 128 : i32
          %mul3A_854 = arith.muli %while3A_307, %mul3A_853 : i32
          %add3A_855 = vector.broadcast %mul3A_854 : i32 to vector<16xi32>
          %add3A_856 = arith.addi %add3A_855, %add3A_329 : vector<16xi32>
          %max3A_857 = arith.constant 0.000000e+00 : f32
          %max3A_858 = vector.broadcast %max3A_857 : f32 to vector<16xf32>
          %max3A_859 = arith.maximumf %gather3A_850, %max3A_858 : vector<16xf32>
          tpu.vector_store_idx %arg10[%broadcast_in_dim3A_852, %add3A_856], %max3A_859 : memref<64x640xf32, #tpu.memory_space<vmem>>[vector<16xi32>, vector<16xi32>], vector<16xf32>,
          %add3A_860 = arith.constant 40 : i32
          %add3A_861 = vector.broadcast %add3A_860 : i32 to vector<16xi32>
          %add3A_862 = arith.addi %shift_left3A_340, %add3A_861 : vector<16xi32>
          %gather3A_863 = tpu.vector_load_idx %arg9[%add3A_329, %add3A_862] : memref<128x128xf32, #tpu.memory_space<vmem>>[vector<16xi32>, vector<16xi32>], vector<16xf32>,
          %broadcast_in_dim3A_864 = arith.constant 40 : i32
          %broadcast_in_dim3A_865 = vector.broadcast %broadcast_in_dim3A_864 : i32 to vector<16xi32>
          %mul3A_866 = arith.constant 128 : i32
          %mul3A_867 = arith.muli %while3A_307, %mul3A_866 : i32
          %add3A_868 = vector.broadcast %mul3A_867 : i32 to vector<16xi32>
          %add3A_869 = arith.addi %add3A_868, %add3A_329 : vector<16xi32>
          %max3A_870 = arith.constant 0.000000e+00 : f32
          %max3A_871 = vector.broadcast %max3A_870 : f32 to vector<16xf32>
          %max3A_872 = arith.maximumf %gather3A_863, %max3A_871 : vector<16xf32>
          tpu.vector_store_idx %arg10[%broadcast_in_dim3A_865, %add3A_869], %max3A_872 : memref<64x640xf32, #tpu.memory_space<vmem>>[vector<16xi32>, vector<16xi32>], vector<16xf32>,
          %add3A_873 = arith.constant 41 : i32
          %add3A_874 = vector.broadcast %add3A_873 : i32 to vector<16xi32>
          %add3A_875 = arith.addi %shift_left3A_340, %add3A_874 : vector<16xi32>
          %gather3A_876 = tpu.vector_load_idx %arg9[%add3A_329, %add3A_875] : memref<128x128xf32, #tpu.memory_space<vmem>>[vector<16xi32>, vector<16xi32>], vector<16xf32>,
          %broadcast_in_dim3A_877 = arith.constant 41 : i32
          %broadcast_in_dim3A_878 = vector.broadcast %broadcast_in_dim3A_877 : i32 to vector<16xi32>
          %mul3A_879 = arith.constant 128 : i32
          %mul3A_880 = arith.muli %while3A_307, %mul3A_879 : i32
          %add3A_881 = vector.broadcast %mul3A_880 : i32 to vector<16xi32>
          %add3A_882 = arith.addi %add3A_881, %add3A_329 : vector<16xi32>
          %max3A_883 = arith.constant 0.000000e+00 : f32
          %max3A_884 = vector.broadcast %max3A_883 : f32 to vector<16xf32>
          %max3A_885 = arith.maximumf %gather3A_876, %max3A_884 : vector<16xf32>
          tpu.vector_store_idx %arg10[%broadcast_in_dim3A_878, %add3A_882], %max3A_885 : memref<64x640xf32, #tpu.memory_space<vmem>>[vector<16xi32>, vector<16xi32>], vector<16xf32>,
          %add3A_886 = arith.constant 42 : i32
          %add3A_887 = vector.broadcast %add3A_886 : i32 to vector<16xi32>
          %add3A_888 = arith.addi %shift_left3A_340, %add3A_887 : vector<16xi32>
          %gather3A_889 = tpu.vector_load_idx %arg9[%add3A_329, %add3A_888] : memref<128x128xf32, #tpu.memory_space<vmem>>[vector<16xi32>, vector<16xi32>], vector<16xf32>,
          %broadcast_in_dim3A_890 = arith.constant 42 : i32
          %broadcast_in_dim3A_891 = vector.broadcast %broadcast_in_dim3A_890 : i32 to vector<16xi32>
          %mul3A_892 = arith.constant 128 : i32
          %mul3A_893 = arith.muli %while3A_307, %mul3A_892 : i32
          %add3A_894 = vector.broadcast %mul3A_893 : i32 to vector<16xi32>
          %add3A_895 = arith.addi %add3A_894, %add3A_329 : vector<16xi32>
          %max3A_896 = arith.constant 0.000000e+00 : f32
          %max3A_897 = vector.broadcast %max3A_896 : f32 to vector<16xf32>
          %max3A_898 = arith.maximumf %gather3A_889, %max3A_897 : vector<16xf32>
          tpu.vector_store_idx %arg10[%broadcast_in_dim3A_891, %add3A_895], %max3A_898 : memref<64x640xf32, #tpu.memory_space<vmem>>[vector<16xi32>, vector<16xi32>], vector<16xf32>,
          %add3A_899 = arith.constant 43 : i32
          %add3A_900 = vector.broadcast %add3A_899 : i32 to vector<16xi32>
          %add3A_901 = arith.addi %shift_left3A_340, %add3A_900 : vector<16xi32>
          %gather3A_902 = tpu.vector_load_idx %arg9[%add3A_329, %add3A_901] : memref<128x128xf32, #tpu.memory_space<vmem>>[vector<16xi32>, vector<16xi32>], vector<16xf32>,
          %broadcast_in_dim3A_903 = arith.constant 43 : i32
          %broadcast_in_dim3A_904 = vector.broadcast %broadcast_in_dim3A_903 : i32 to vector<16xi32>
          %mul3A_905 = arith.constant 128 : i32
          %mul3A_906 = arith.muli %while3A_307, %mul3A_905 : i32
          %add3A_907 = vector.broadcast %mul3A_906 : i32 to vector<16xi32>
          %add3A_908 = arith.addi %add3A_907, %add3A_329 : vector<16xi32>
          %max3A_909 = arith.constant 0.000000e+00 : f32
          %max3A_910 = vector.broadcast %max3A_909 : f32 to vector<16xf32>
          %max3A_911 = arith.maximumf %gather3A_902, %max3A_910 : vector<16xf32>
          tpu.vector_store_idx %arg10[%broadcast_in_dim3A_904, %add3A_908], %max3A_911 : memref<64x640xf32, #tpu.memory_space<vmem>>[vector<16xi32>, vector<16xi32>], vector<16xf32>,
          %add3A_912 = arith.constant 44 : i32
          %add3A_913 = vector.broadcast %add3A_912 : i32 to vector<16xi32>
          %add3A_914 = arith.addi %shift_left3A_340, %add3A_913 : vector<16xi32>
          %gather3A_915 = tpu.vector_load_idx %arg9[%add3A_329, %add3A_914] : memref<128x128xf32, #tpu.memory_space<vmem>>[vector<16xi32>, vector<16xi32>], vector<16xf32>,
          %broadcast_in_dim3A_916 = arith.constant 44 : i32
          %broadcast_in_dim3A_917 = vector.broadcast %broadcast_in_dim3A_916 : i32 to vector<16xi32>
          %mul3A_918 = arith.constant 128 : i32
          %mul3A_919 = arith.muli %while3A_307, %mul3A_918 : i32
          %add3A_920 = vector.broadcast %mul3A_919 : i32 to vector<16xi32>
          %add3A_921 = arith.addi %add3A_920, %add3A_329 : vector<16xi32>
          %max3A_922 = arith.constant 0.000000e+00 : f32
          %max3A_923 = vector.broadcast %max3A_922 : f32 to vector<16xf32>
          %max3A_924 = arith.maximumf %gather3A_915, %max3A_923 : vector<16xf32>
          tpu.vector_store_idx %arg10[%broadcast_in_dim3A_917, %add3A_921], %max3A_924 : memref<64x640xf32, #tpu.memory_space<vmem>>[vector<16xi32>, vector<16xi32>], vector<16xf32>,
          %add3A_925 = arith.constant 45 : i32
          %add3A_926 = vector.broadcast %add3A_925 : i32 to vector<16xi32>
          %add3A_927 = arith.addi %shift_left3A_340, %add3A_926 : vector<16xi32>
          %gather3A_928 = tpu.vector_load_idx %arg9[%add3A_329, %add3A_927] : memref<128x128xf32, #tpu.memory_space<vmem>>[vector<16xi32>, vector<16xi32>], vector<16xf32>,
          %broadcast_in_dim3A_929 = arith.constant 45 : i32
          %broadcast_in_dim3A_930 = vector.broadcast %broadcast_in_dim3A_929 : i32 to vector<16xi32>
          %mul3A_931 = arith.constant 128 : i32
          %mul3A_932 = arith.muli %while3A_307, %mul3A_931 : i32
          %add3A_933 = vector.broadcast %mul3A_932 : i32 to vector<16xi32>
          %add3A_934 = arith.addi %add3A_933, %add3A_329 : vector<16xi32>
          %max3A_935 = arith.constant 0.000000e+00 : f32
          %max3A_936 = vector.broadcast %max3A_935 : f32 to vector<16xf32>
          %max3A_937 = arith.maximumf %gather3A_928, %max3A_936 : vector<16xf32>
          tpu.vector_store_idx %arg10[%broadcast_in_dim3A_930, %add3A_934], %max3A_937 : memref<64x640xf32, #tpu.memory_space<vmem>>[vector<16xi32>, vector<16xi32>], vector<16xf32>,
          %add3A_938 = arith.constant 46 : i32
          %add3A_939 = vector.broadcast %add3A_938 : i32 to vector<16xi32>
          %add3A_940 = arith.addi %shift_left3A_340, %add3A_939 : vector<16xi32>
          %gather3A_941 = tpu.vector_load_idx %arg9[%add3A_329, %add3A_940] : memref<128x128xf32, #tpu.memory_space<vmem>>[vector<16xi32>, vector<16xi32>], vector<16xf32>,
          %broadcast_in_dim3A_942 = arith.constant 46 : i32
          %broadcast_in_dim3A_943 = vector.broadcast %broadcast_in_dim3A_942 : i32 to vector<16xi32>
          %mul3A_944 = arith.constant 128 : i32
          %mul3A_945 = arith.muli %while3A_307, %mul3A_944 : i32
          %add3A_946 = vector.broadcast %mul3A_945 : i32 to vector<16xi32>
          %add3A_947 = arith.addi %add3A_946, %add3A_329 : vector<16xi32>
          %max3A_948 = arith.constant 0.000000e+00 : f32
          %max3A_949 = vector.broadcast %max3A_948 : f32 to vector<16xf32>
          %max3A_950 = arith.maximumf %gather3A_941, %max3A_949 : vector<16xf32>
          tpu.vector_store_idx %arg10[%broadcast_in_dim3A_943, %add3A_947], %max3A_950 : memref<64x640xf32, #tpu.memory_space<vmem>>[vector<16xi32>, vector<16xi32>], vector<16xf32>,
          %add3A_951 = arith.constant 47 : i32
          %add3A_952 = vector.broadcast %add3A_951 : i32 to vector<16xi32>
          %add3A_953 = arith.addi %shift_left3A_340, %add3A_952 : vector<16xi32>
          %gather3A_954 = tpu.vector_load_idx %arg9[%add3A_329, %add3A_953] : memref<128x128xf32, #tpu.memory_space<vmem>>[vector<16xi32>, vector<16xi32>], vector<16xf32>,
          %broadcast_in_dim3A_955 = arith.constant 47 : i32
          %broadcast_in_dim3A_956 = vector.broadcast %broadcast_in_dim3A_955 : i32 to vector<16xi32>
          %mul3A_957 = arith.constant 128 : i32
          %mul3A_958 = arith.muli %while3A_307, %mul3A_957 : i32
          %add3A_959 = vector.broadcast %mul3A_958 : i32 to vector<16xi32>
          %add3A_960 = arith.addi %add3A_959, %add3A_329 : vector<16xi32>
          %max3A_961 = arith.constant 0.000000e+00 : f32
          %max3A_962 = vector.broadcast %max3A_961 : f32 to vector<16xf32>
          %max3A_963 = arith.maximumf %gather3A_954, %max3A_962 : vector<16xf32>
          tpu.vector_store_idx %arg10[%broadcast_in_dim3A_956, %add3A_960], %max3A_963 : memref<64x640xf32, #tpu.memory_space<vmem>>[vector<16xi32>, vector<16xi32>], vector<16xf32>,
          %add3A_964 = arith.constant 48 : i32
          %add3A_965 = vector.broadcast %add3A_964 : i32 to vector<16xi32>
          %add3A_966 = arith.addi %shift_left3A_340, %add3A_965 : vector<16xi32>
          %gather3A_967 = tpu.vector_load_idx %arg9[%add3A_329, %add3A_966] : memref<128x128xf32, #tpu.memory_space<vmem>>[vector<16xi32>, vector<16xi32>], vector<16xf32>,
          %broadcast_in_dim3A_968 = arith.constant 48 : i32
          %broadcast_in_dim3A_969 = vector.broadcast %broadcast_in_dim3A_968 : i32 to vector<16xi32>
          %mul3A_970 = arith.constant 128 : i32
          %mul3A_971 = arith.muli %while3A_307, %mul3A_970 : i32
          %add3A_972 = vector.broadcast %mul3A_971 : i32 to vector<16xi32>
          %add3A_973 = arith.addi %add3A_972, %add3A_329 : vector<16xi32>
          %max3A_974 = arith.constant 0.000000e+00 : f32
          %max3A_975 = vector.broadcast %max3A_974 : f32 to vector<16xf32>
          %max3A_976 = arith.maximumf %gather3A_967, %max3A_975 : vector<16xf32>
          tpu.vector_store_idx %arg10[%broadcast_in_dim3A_969, %add3A_973], %max3A_976 : memref<64x640xf32, #tpu.memory_space<vmem>>[vector<16xi32>, vector<16xi32>], vector<16xf32>,
          %add3A_977 = arith.constant 49 : i32
          %add3A_978 = vector.broadcast %add3A_977 : i32 to vector<16xi32>
          %add3A_979 = arith.addi %shift_left3A_340, %add3A_978 : vector<16xi32>
          %gather3A_980 = tpu.vector_load_idx %arg9[%add3A_329, %add3A_979] : memref<128x128xf32, #tpu.memory_space<vmem>>[vector<16xi32>, vector<16xi32>], vector<16xf32>,
          %broadcast_in_dim3A_981 = arith.constant 49 : i32
          %broadcast_in_dim3A_982 = vector.broadcast %broadcast_in_dim3A_981 : i32 to vector<16xi32>
          %mul3A_983 = arith.constant 128 : i32
          %mul3A_984 = arith.muli %while3A_307, %mul3A_983 : i32
          %add3A_985 = vector.broadcast %mul3A_984 : i32 to vector<16xi32>
          %add3A_986 = arith.addi %add3A_985, %add3A_329 : vector<16xi32>
          %max3A_987 = arith.constant 0.000000e+00 : f32
          %max3A_988 = vector.broadcast %max3A_987 : f32 to vector<16xf32>
          %max3A_989 = arith.maximumf %gather3A_980, %max3A_988 : vector<16xf32>
          tpu.vector_store_idx %arg10[%broadcast_in_dim3A_982, %add3A_986], %max3A_989 : memref<64x640xf32, #tpu.memory_space<vmem>>[vector<16xi32>, vector<16xi32>], vector<16xf32>,
          %add3A_990 = arith.constant 50 : i32
          %add3A_991 = vector.broadcast %add3A_990 : i32 to vector<16xi32>
          %add3A_992 = arith.addi %shift_left3A_340, %add3A_991 : vector<16xi32>
          %gather3A_993 = tpu.vector_load_idx %arg9[%add3A_329, %add3A_992] : memref<128x128xf32, #tpu.memory_space<vmem>>[vector<16xi32>, vector<16xi32>], vector<16xf32>,
          %broadcast_in_dim3A_994 = arith.constant 50 : i32
          %broadcast_in_dim3A_995 = vector.broadcast %broadcast_in_dim3A_994 : i32 to vector<16xi32>
          %mul3A_996 = arith.constant 128 : i32
          %mul3A_997 = arith.muli %while3A_307, %mul3A_996 : i32
          %add3A_998 = vector.broadcast %mul3A_997 : i32 to vector<16xi32>
          %add3A_999 = arith.addi %add3A_998, %add3A_329 : vector<16xi32>
          %max3A_1000 = arith.constant 0.000000e+00 : f32
          %max3A_1001 = vector.broadcast %max3A_1000 : f32 to vector<16xf32>
          %max3A_1002 = arith.maximumf %gather3A_993, %max3A_1001 : vector<16xf32>
          tpu.vector_store_idx %arg10[%broadcast_in_dim3A_995, %add3A_999], %max3A_1002 : memref<64x640xf32, #tpu.memory_space<vmem>>[vector<16xi32>, vector<16xi32>], vector<16xf32>,
          %add3A_1003 = arith.constant 51 : i32
          %add3A_1004 = vector.broadcast %add3A_1003 : i32 to vector<16xi32>
          %add3A_1005 = arith.addi %shift_left3A_340, %add3A_1004 : vector<16xi32>
          %gather3A_1006 = tpu.vector_load_idx %arg9[%add3A_329, %add3A_1005] : memref<128x128xf32, #tpu.memory_space<vmem>>[vector<16xi32>, vector<16xi32>], vector<16xf32>,
          %broadcast_in_dim3A_1007 = arith.constant 51 : i32
          %broadcast_in_dim3A_1008 = vector.broadcast %broadcast_in_dim3A_1007 : i32 to vector<16xi32>
          %mul3A_1009 = arith.constant 128 : i32
          %mul3A_1010 = arith.muli %while3A_307, %mul3A_1009 : i32
          %add3A_1011 = vector.broadcast %mul3A_1010 : i32 to vector<16xi32>
          %add3A_1012 = arith.addi %add3A_1011, %add3A_329 : vector<16xi32>
          %max3A_1013 = arith.constant 0.000000e+00 : f32
          %max3A_1014 = vector.broadcast %max3A_1013 : f32 to vector<16xf32>
          %max3A_1015 = arith.maximumf %gather3A_1006, %max3A_1014 : vector<16xf32>
          tpu.vector_store_idx %arg10[%broadcast_in_dim3A_1008, %add3A_1012], %max3A_1015 : memref<64x640xf32, #tpu.memory_space<vmem>>[vector<16xi32>, vector<16xi32>], vector<16xf32>,
          %add3A_1016 = arith.constant 52 : i32
          %add3A_1017 = vector.broadcast %add3A_1016 : i32 to vector<16xi32>
          %add3A_1018 = arith.addi %shift_left3A_340, %add3A_1017 : vector<16xi32>
          %gather3A_1019 = tpu.vector_load_idx %arg9[%add3A_329, %add3A_1018] : memref<128x128xf32, #tpu.memory_space<vmem>>[vector<16xi32>, vector<16xi32>], vector<16xf32>,
          %broadcast_in_dim3A_1020 = arith.constant 52 : i32
          %broadcast_in_dim3A_1021 = vector.broadcast %broadcast_in_dim3A_1020 : i32 to vector<16xi32>
          %mul3A_1022 = arith.constant 128 : i32
          %mul3A_1023 = arith.muli %while3A_307, %mul3A_1022 : i32
          %add3A_1024 = vector.broadcast %mul3A_1023 : i32 to vector<16xi32>
          %add3A_1025 = arith.addi %add3A_1024, %add3A_329 : vector<16xi32>
          %max3A_1026 = arith.constant 0.000000e+00 : f32
          %max3A_1027 = vector.broadcast %max3A_1026 : f32 to vector<16xf32>
          %max3A_1028 = arith.maximumf %gather3A_1019, %max3A_1027 : vector<16xf32>
          tpu.vector_store_idx %arg10[%broadcast_in_dim3A_1021, %add3A_1025], %max3A_1028 : memref<64x640xf32, #tpu.memory_space<vmem>>[vector<16xi32>, vector<16xi32>], vector<16xf32>,
          %add3A_1029 = arith.constant 53 : i32
          %add3A_1030 = vector.broadcast %add3A_1029 : i32 to vector<16xi32>
          %add3A_1031 = arith.addi %shift_left3A_340, %add3A_1030 : vector<16xi32>
          %gather3A_1032 = tpu.vector_load_idx %arg9[%add3A_329, %add3A_1031] : memref<128x128xf32, #tpu.memory_space<vmem>>[vector<16xi32>, vector<16xi32>], vector<16xf32>,
          %broadcast_in_dim3A_1033 = arith.constant 53 : i32
          %broadcast_in_dim3A_1034 = vector.broadcast %broadcast_in_dim3A_1033 : i32 to vector<16xi32>
          %mul3A_1035 = arith.constant 128 : i32
          %mul3A_1036 = arith.muli %while3A_307, %mul3A_1035 : i32
          %add3A_1037 = vector.broadcast %mul3A_1036 : i32 to vector<16xi32>
          %add3A_1038 = arith.addi %add3A_1037, %add3A_329 : vector<16xi32>
          %max3A_1039 = arith.constant 0.000000e+00 : f32
          %max3A_1040 = vector.broadcast %max3A_1039 : f32 to vector<16xf32>
          %max3A_1041 = arith.maximumf %gather3A_1032, %max3A_1040 : vector<16xf32>
          tpu.vector_store_idx %arg10[%broadcast_in_dim3A_1034, %add3A_1038], %max3A_1041 : memref<64x640xf32, #tpu.memory_space<vmem>>[vector<16xi32>, vector<16xi32>], vector<16xf32>,
          %add3A_1042 = arith.constant 54 : i32
          %add3A_1043 = vector.broadcast %add3A_1042 : i32 to vector<16xi32>
          %add3A_1044 = arith.addi %shift_left3A_340, %add3A_1043 : vector<16xi32>
          %gather3A_1045 = tpu.vector_load_idx %arg9[%add3A_329, %add3A_1044] : memref<128x128xf32, #tpu.memory_space<vmem>>[vector<16xi32>, vector<16xi32>], vector<16xf32>,
          %broadcast_in_dim3A_1046 = arith.constant 54 : i32
          %broadcast_in_dim3A_1047 = vector.broadcast %broadcast_in_dim3A_1046 : i32 to vector<16xi32>
          %mul3A_1048 = arith.constant 128 : i32
          %mul3A_1049 = arith.muli %while3A_307, %mul3A_1048 : i32
          %add3A_1050 = vector.broadcast %mul3A_1049 : i32 to vector<16xi32>
          %add3A_1051 = arith.addi %add3A_1050, %add3A_329 : vector<16xi32>
          %max3A_1052 = arith.constant 0.000000e+00 : f32
          %max3A_1053 = vector.broadcast %max3A_1052 : f32 to vector<16xf32>
          %max3A_1054 = arith.maximumf %gather3A_1045, %max3A_1053 : vector<16xf32>
          tpu.vector_store_idx %arg10[%broadcast_in_dim3A_1047, %add3A_1051], %max3A_1054 : memref<64x640xf32, #tpu.memory_space<vmem>>[vector<16xi32>, vector<16xi32>], vector<16xf32>,
          %add3A_1055 = arith.constant 55 : i32
          %add3A_1056 = vector.broadcast %add3A_1055 : i32 to vector<16xi32>
          %add3A_1057 = arith.addi %shift_left3A_340, %add3A_1056 : vector<16xi32>
          %gather3A_1058 = tpu.vector_load_idx %arg9[%add3A_329, %add3A_1057] : memref<128x128xf32, #tpu.memory_space<vmem>>[vector<16xi32>, vector<16xi32>], vector<16xf32>,
          %broadcast_in_dim3A_1059 = arith.constant 55 : i32
          %broadcast_in_dim3A_1060 = vector.broadcast %broadcast_in_dim3A_1059 : i32 to vector<16xi32>
          %mul3A_1061 = arith.constant 128 : i32
          %mul3A_1062 = arith.muli %while3A_307, %mul3A_1061 : i32
          %add3A_1063 = vector.broadcast %mul3A_1062 : i32 to vector<16xi32>
          %add3A_1064 = arith.addi %add3A_1063, %add3A_329 : vector<16xi32>
          %max3A_1065 = arith.constant 0.000000e+00 : f32
          %max3A_1066 = vector.broadcast %max3A_1065 : f32 to vector<16xf32>
          %max3A_1067 = arith.maximumf %gather3A_1058, %max3A_1066 : vector<16xf32>
          tpu.vector_store_idx %arg10[%broadcast_in_dim3A_1060, %add3A_1064], %max3A_1067 : memref<64x640xf32, #tpu.memory_space<vmem>>[vector<16xi32>, vector<16xi32>], vector<16xf32>,
          %add3A_1068 = arith.constant 56 : i32
          %add3A_1069 = vector.broadcast %add3A_1068 : i32 to vector<16xi32>
          %add3A_1070 = arith.addi %shift_left3A_340, %add3A_1069 : vector<16xi32>
          %gather3A_1071 = tpu.vector_load_idx %arg9[%add3A_329, %add3A_1070] : memref<128x128xf32, #tpu.memory_space<vmem>>[vector<16xi32>, vector<16xi32>], vector<16xf32>,
          %broadcast_in_dim3A_1072 = arith.constant 56 : i32
          %broadcast_in_dim3A_1073 = vector.broadcast %broadcast_in_dim3A_1072 : i32 to vector<16xi32>
          %mul3A_1074 = arith.constant 128 : i32
          %mul3A_1075 = arith.muli %while3A_307, %mul3A_1074 : i32
          %add3A_1076 = vector.broadcast %mul3A_1075 : i32 to vector<16xi32>
          %add3A_1077 = arith.addi %add3A_1076, %add3A_329 : vector<16xi32>
          %max3A_1078 = arith.constant 0.000000e+00 : f32
          %max3A_1079 = vector.broadcast %max3A_1078 : f32 to vector<16xf32>
          %max3A_1080 = arith.maximumf %gather3A_1071, %max3A_1079 : vector<16xf32>
          tpu.vector_store_idx %arg10[%broadcast_in_dim3A_1073, %add3A_1077], %max3A_1080 : memref<64x640xf32, #tpu.memory_space<vmem>>[vector<16xi32>, vector<16xi32>], vector<16xf32>,
          %add3A_1081 = arith.constant 57 : i32
          %add3A_1082 = vector.broadcast %add3A_1081 : i32 to vector<16xi32>
          %add3A_1083 = arith.addi %shift_left3A_340, %add3A_1082 : vector<16xi32>
          %gather3A_1084 = tpu.vector_load_idx %arg9[%add3A_329, %add3A_1083] : memref<128x128xf32, #tpu.memory_space<vmem>>[vector<16xi32>, vector<16xi32>], vector<16xf32>,
          %broadcast_in_dim3A_1085 = arith.constant 57 : i32
          %broadcast_in_dim3A_1086 = vector.broadcast %broadcast_in_dim3A_1085 : i32 to vector<16xi32>
          %mul3A_1087 = arith.constant 128 : i32
          %mul3A_1088 = arith.muli %while3A_307, %mul3A_1087 : i32
          %add3A_1089 = vector.broadcast %mul3A_1088 : i32 to vector<16xi32>
          %add3A_1090 = arith.addi %add3A_1089, %add3A_329 : vector<16xi32>
          %max3A_1091 = arith.constant 0.000000e+00 : f32
          %max3A_1092 = vector.broadcast %max3A_1091 : f32 to vector<16xf32>
          %max3A_1093 = arith.maximumf %gather3A_1084, %max3A_1092 : vector<16xf32>
          tpu.vector_store_idx %arg10[%broadcast_in_dim3A_1086, %add3A_1090], %max3A_1093 : memref<64x640xf32, #tpu.memory_space<vmem>>[vector<16xi32>, vector<16xi32>], vector<16xf32>,
          %add3A_1094 = arith.constant 58 : i32
          %add3A_1095 = vector.broadcast %add3A_1094 : i32 to vector<16xi32>
          %add3A_1096 = arith.addi %shift_left3A_340, %add3A_1095 : vector<16xi32>
          %gather3A_1097 = tpu.vector_load_idx %arg9[%add3A_329, %add3A_1096] : memref<128x128xf32, #tpu.memory_space<vmem>>[vector<16xi32>, vector<16xi32>], vector<16xf32>,
          %broadcast_in_dim3A_1098 = arith.constant 58 : i32
          %broadcast_in_dim3A_1099 = vector.broadcast %broadcast_in_dim3A_1098 : i32 to vector<16xi32>
          %mul3A_1100 = arith.constant 128 : i32
          %mul3A_1101 = arith.muli %while3A_307, %mul3A_1100 : i32
          %add3A_1102 = vector.broadcast %mul3A_1101 : i32 to vector<16xi32>
          %add3A_1103 = arith.addi %add3A_1102, %add3A_329 : vector<16xi32>
          %max3A_1104 = arith.constant 0.000000e+00 : f32
          %max3A_1105 = vector.broadcast %max3A_1104 : f32 to vector<16xf32>
          %max3A_1106 = arith.maximumf %gather3A_1097, %max3A_1105 : vector<16xf32>
          tpu.vector_store_idx %arg10[%broadcast_in_dim3A_1099, %add3A_1103], %max3A_1106 : memref<64x640xf32, #tpu.memory_space<vmem>>[vector<16xi32>, vector<16xi32>], vector<16xf32>,
          %add3A_1107 = arith.constant 59 : i32
          %add3A_1108 = vector.broadcast %add3A_1107 : i32 to vector<16xi32>
          %add3A_1109 = arith.addi %shift_left3A_340, %add3A_1108 : vector<16xi32>
          %gather3A_1110 = tpu.vector_load_idx %arg9[%add3A_329, %add3A_1109] : memref<128x128xf32, #tpu.memory_space<vmem>>[vector<16xi32>, vector<16xi32>], vector<16xf32>,
          %broadcast_in_dim3A_1111 = arith.constant 59 : i32
          %broadcast_in_dim3A_1112 = vector.broadcast %broadcast_in_dim3A_1111 : i32 to vector<16xi32>
          %mul3A_1113 = arith.constant 128 : i32
          %mul3A_1114 = arith.muli %while3A_307, %mul3A_1113 : i32
          %add3A_1115 = vector.broadcast %mul3A_1114 : i32 to vector<16xi32>
          %add3A_1116 = arith.addi %add3A_1115, %add3A_329 : vector<16xi32>
          %max3A_1117 = arith.constant 0.000000e+00 : f32
          %max3A_1118 = vector.broadcast %max3A_1117 : f32 to vector<16xf32>
          %max3A_1119 = arith.maximumf %gather3A_1110, %max3A_1118 : vector<16xf32>
          tpu.vector_store_idx %arg10[%broadcast_in_dim3A_1112, %add3A_1116], %max3A_1119 : memref<64x640xf32, #tpu.memory_space<vmem>>[vector<16xi32>, vector<16xi32>], vector<16xf32>,
          %add3A_1120 = arith.constant 60 : i32
          %add3A_1121 = vector.broadcast %add3A_1120 : i32 to vector<16xi32>
          %add3A_1122 = arith.addi %shift_left3A_340, %add3A_1121 : vector<16xi32>
          %gather3A_1123 = tpu.vector_load_idx %arg9[%add3A_329, %add3A_1122] : memref<128x128xf32, #tpu.memory_space<vmem>>[vector<16xi32>, vector<16xi32>], vector<16xf32>,
          %broadcast_in_dim3A_1124 = arith.constant 60 : i32
          %broadcast_in_dim3A_1125 = vector.broadcast %broadcast_in_dim3A_1124 : i32 to vector<16xi32>
          %mul3A_1126 = arith.constant 128 : i32
          %mul3A_1127 = arith.muli %while3A_307, %mul3A_1126 : i32
          %add3A_1128 = vector.broadcast %mul3A_1127 : i32 to vector<16xi32>
          %add3A_1129 = arith.addi %add3A_1128, %add3A_329 : vector<16xi32>
          %max3A_1130 = arith.constant 0.000000e+00 : f32
          %max3A_1131 = vector.broadcast %max3A_1130 : f32 to vector<16xf32>
          %max3A_1132 = arith.maximumf %gather3A_1123, %max3A_1131 : vector<16xf32>
          tpu.vector_store_idx %arg10[%broadcast_in_dim3A_1125, %add3A_1129], %max3A_1132 : memref<64x640xf32, #tpu.memory_space<vmem>>[vector<16xi32>, vector<16xi32>], vector<16xf32>,
          %add3A_1133 = arith.constant 61 : i32
          %add3A_1134 = vector.broadcast %add3A_1133 : i32 to vector<16xi32>
          %add3A_1135 = arith.addi %shift_left3A_340, %add3A_1134 : vector<16xi32>
          %gather3A_1136 = tpu.vector_load_idx %arg9[%add3A_329, %add3A_1135] : memref<128x128xf32, #tpu.memory_space<vmem>>[vector<16xi32>, vector<16xi32>], vector<16xf32>,
          %broadcast_in_dim3A_1137 = arith.constant 61 : i32
          %broadcast_in_dim3A_1138 = vector.broadcast %broadcast_in_dim3A_1137 : i32 to vector<16xi32>
          %mul3A_1139 = arith.constant 128 : i32
          %mul3A_1140 = arith.muli %while3A_307, %mul3A_1139 : i32
          %add3A_1141 = vector.broadcast %mul3A_1140 : i32 to vector<16xi32>
          %add3A_1142 = arith.addi %add3A_1141, %add3A_329 : vector<16xi32>
          %max3A_1143 = arith.constant 0.000000e+00 : f32
          %max3A_1144 = vector.broadcast %max3A_1143 : f32 to vector<16xf32>
          %max3A_1145 = arith.maximumf %gather3A_1136, %max3A_1144 : vector<16xf32>
          tpu.vector_store_idx %arg10[%broadcast_in_dim3A_1138, %add3A_1142], %max3A_1145 : memref<64x640xf32, #tpu.memory_space<vmem>>[vector<16xi32>, vector<16xi32>], vector<16xf32>,
          %add3A_1146 = arith.constant 62 : i32
          %add3A_1147 = vector.broadcast %add3A_1146 : i32 to vector<16xi32>
          %add3A_1148 = arith.addi %shift_left3A_340, %add3A_1147 : vector<16xi32>
          %gather3A_1149 = tpu.vector_load_idx %arg9[%add3A_329, %add3A_1148] : memref<128x128xf32, #tpu.memory_space<vmem>>[vector<16xi32>, vector<16xi32>], vector<16xf32>,
          %broadcast_in_dim3A_1150 = arith.constant 62 : i32
          %broadcast_in_dim3A_1151 = vector.broadcast %broadcast_in_dim3A_1150 : i32 to vector<16xi32>
          %mul3A_1152 = arith.constant 128 : i32
          %mul3A_1153 = arith.muli %while3A_307, %mul3A_1152 : i32
          %add3A_1154 = vector.broadcast %mul3A_1153 : i32 to vector<16xi32>
          %add3A_1155 = arith.addi %add3A_1154, %add3A_329 : vector<16xi32>
          %max3A_1156 = arith.constant 0.000000e+00 : f32
          %max3A_1157 = vector.broadcast %max3A_1156 : f32 to vector<16xf32>
          %max3A_1158 = arith.maximumf %gather3A_1149, %max3A_1157 : vector<16xf32>
          tpu.vector_store_idx %arg10[%broadcast_in_dim3A_1151, %add3A_1155], %max3A_1158 : memref<64x640xf32, #tpu.memory_space<vmem>>[vector<16xi32>, vector<16xi32>], vector<16xf32>,
          %add3A_1159 = arith.constant 63 : i32
          %add3A_1160 = vector.broadcast %add3A_1159 : i32 to vector<16xi32>
          %add3A_1161 = arith.addi %shift_left3A_340, %add3A_1160 : vector<16xi32>
          %gather3A_1162 = tpu.vector_load_idx %arg9[%add3A_329, %add3A_1161] : memref<128x128xf32, #tpu.memory_space<vmem>>[vector<16xi32>, vector<16xi32>], vector<16xf32>,
          %broadcast_in_dim3A_1163 = arith.constant 63 : i32
          %broadcast_in_dim3A_1164 = vector.broadcast %broadcast_in_dim3A_1163 : i32 to vector<16xi32>
          %mul3A_1165 = arith.constant 128 : i32
          %mul3A_1166 = arith.muli %while3A_307, %mul3A_1165 : i32
          %add3A_1167 = vector.broadcast %mul3A_1166 : i32 to vector<16xi32>
          %add3A_1168 = arith.addi %add3A_1167, %add3A_329 : vector<16xi32>
          %max3A_1169 = arith.constant 0.000000e+00 : f32
          %max3A_1170 = vector.broadcast %max3A_1169 : f32 to vector<16xf32>
          %max3A_1171 = arith.maximumf %gather3A_1162, %max3A_1170 : vector<16xf32>
          tpu.vector_store_idx %arg10[%broadcast_in_dim3A_1164, %add3A_1168], %max3A_1171 : memref<64x640xf32, #tpu.memory_space<vmem>>[vector<16xi32>, vector<16xi32>], vector<16xf32>,
        }
        %scan3A_324 = arith.constant 8 : i32
      }
      %scan3A_271 = arith.constant 0 : i32
      %scan3A_272 = arith.constant 21 : i32
      %scan3A_273 = arith.addi %scan3A_271, %scan3A_272 : i32
      %scan3A_274 = arith.constant 1 : i32
      %scan3A_275 = scf.for %scan3A_307 = %scan3A_271 to %scan3A_273 step %scan3A_274 iter_args(%scan3A_308 = %broadcast_in_dim3A_23) -> (vector<16xi32>)  : i32 {
        %reduce_max3A_309 = arith.constant true
        %reduce_max3A_310 = vector.broadcast %reduce_max3A_309 : i1 to vector<16xi1>
        %reduce_max3A_311 = arith.constant -2147483648 : i32
        %reduce_max3A_312 = vector.broadcast %reduce_max3A_311 : i32 to vector<16xi32>
        %reduce_max3A_313 = arith.xori %scan3A_308, %reduce_max3A_312 : vector<16xi32>
        %reduce_max3A_314 = tpu.scan <max>, %reduce_max3A_313 masked %reduce_max3A_310 : vector<16xi32>, vector<16xi1> -> vector<16xi32>
        %reduce_max3A_315 = arith.xori %reduce_max3A_314, %reduce_max3A_312 : vector<16xi32>
        %reduce_max3A_316 = vector.extract %reduce_max3A_315[15] : i32 from vector<16xi32>
        %swap3A_317 = arith.index_cast %scan3A_307 : i32 to index
        %swap3A_318 = memref.load %arg20[%swap3A_317] : memref<22xi32, #tpu.memory_space<smem>>
        memref.store %reduce_max3A_316, %arg20[%swap3A_317] : memref<22xi32, #tpu.memory_space<smem>>
        %mul3A_319 = arith.constant 12 : i32
        %mul3A_320 = arith.muli %scan3A_307, %mul3A_319 : i32
        %broadcast_in_dim3A_321 = vector.broadcast %mul3A_320 : i32 to vector<16xi32>
        %add3A_322 = arith.constant 1 : i32
        %add3A_323 = arith.addi %scan3A_307, %add3A_322 : i32
        %mul3A_324 = arith.constant 12 : i32
        %mul3A_325 = arith.muli %add3A_323, %mul3A_324 : i32
        %broadcast_in_dim3A_326 = vector.broadcast %mul3A_325 : i32 to vector<16xi32>
        %while3A_327 = arith.constant 0 : i32
        %while3A_328 = arith.subi %select_n3A_247, %while3A_327 : i32
        %while3A_329 = arith.addi %while3A_327, %while3A_328 : i32
        %while3A_330 = arith.constant 1 : i32
        %while3A_331 = arith.divsi %while3A_328, %while3A_330 : i32
        %while3A_332 = arith.muli %while3A_331, %while3A_330 : i32
        %while3A_333 = arith.addi %while3A_327, %while3A_332 : i32
        %while3A_334 = arith.constant 1 : i32
        %while3A_335 = scf.for %while3A_338 = %while3A_327 to %while3A_333 step %while3A_334 iter_args(%while3A_339 = %scan3A_308) -> (vector<16xi32>)  : i32 {
          %mul3A_340 = arith.constant 16 : i32
          %mul3A_341 = arith.muli %while3A_338, %mul3A_340 : i32
          %add3A_342 = vector.broadcast %mul3A_341 : i32 to vector<16xi32>
          %add3A_343 = arith.addi %add3A_342, %iota3A : vector<16xi32>
          %mul3A_344 = arith.constant 16 : i32
          %mul3A_345 = arith.muli %while3A_338, %mul3A_344 : i32
          %get3A = arith.index_cast %mul3A_345 : i32 to index
          %get3A_346 = tpu.vector_load %arg13[%get3A] {strides = array<i32>} : memref<640xi32, #tpu.memory_space<vmem>>, vector<16xi32>,
          %shift_right_arithmetic3A = arith.constant 7 : i32
          %shift_right_arithmetic3A_347 = vector.broadcast %shift_right_arithmetic3A : i32 to vector<16xi32>
          %shift_right_arithmetic3A_348 = arith.shrsi %get3A_346, %shift_right_arithmetic3A_347 : vector<16xi32>
          %sub3A_349 = vector.broadcast %select_n3A : i32 to vector<16xi32>
          %sub3A_350 = arith.subi %shift_right_arithmetic3A_348, %sub3A_349 : vector<16xi32>
          %ge3A = arith.cmpi sge, %sub3A_350, %broadcast_in_dim3A_321 : vector<16xi32>
          %lt3A = arith.cmpi slt, %sub3A_350, %broadcast_in_dim3A_326 : vector<16xi32>
          %and3A_351 = arith.andi %ge3A, %lt3A : vector<16xi1>
          %mul3A_352 = arith.constant 16 : i32
          %mul3A_353 = arith.muli %while3A_338, %mul3A_352 : i32
          %add3A_354 = vector.broadcast %mul3A_353 : i32 to vector<16xi32>
          %add3A_355 = arith.addi %add3A_354, %iota3A : vector<16xi32>
          %lt3A_356 = arith.cmpi slt, %add3A_355, %broadcast_in_dim3A_248 : vector<16xi32>
          %and3A_357 = arith.andi %and3A_351, %lt3A_356 : vector<16xi1>
          %convert_element_type3A_358 = arith.extui %and3A_357 : vector<16xi1> to vector<16xi32>
          %broadcast_in_dim3A_359 = arith.constant true
          %broadcast_in_dim3A_360 = vector.broadcast %broadcast_in_dim3A_359 : i1 to vector<16xi1>
          %masked_cumsum3A = tpu.scan <sum>, %convert_element_type3A_358 masked %broadcast_in_dim3A_360 : vector<16xi32>, vector<16xi1> -> vector<16xi32>
          %add3A_361 = arith.addi %while3A_339, %masked_cumsum3A : vector<16xi32>
          %sub3A_362 = arith.subi %add3A_361, %convert_element_type3A_358 : vector<16xi32>
          %jit3A_363 = arith.constant 0 : i32
          %jit3A_364 = arith.constant 639 : i32
          %max3A_365 = vector.broadcast %jit3A_363 : i32 to vector<16xi32>
          %max3A_366 = arith.maxsi %max3A_365, %sub3A_362 : vector<16xi32>
          %min3A_367 = vector.broadcast %jit3A_364 : i32 to vector<16xi32>
          %min3A_368 = arith.minsi %min3A_367, %max3A_366 : vector<16xi32>
          tpu.vector_store_idx %arg17[%min3A_368], %add3A_343 masked %and3A_357 : memref<640xi32, #tpu.memory_space<vmem>>[vector<16xi32>], vector<16xi32>, vector<16xi1>
          %all_reduce_population_count3A = tpu.all_reduce %and3A_357 {dim = 0 : i64, kind = #tpu.reduction_kind<sum>} : vector<16xi1> -> vector<16xi32>
          %add3A_369 = arith.addi %while3A_339, %all_reduce_population_count3A : vector<16xi32>
          scf.yield %add3A_369 : vector<16xi32>
        }
        %while3A_336 = arith.constant 1 : i32
        %while3A_337 = scf.for %while3A_338 = %while3A_333 to %while3A_329 step %while3A_336 iter_args(%while3A_339 = %while3A_335) -> (vector<16xi32>)  : i32 {
          %mul3A_340 = arith.constant 16 : i32
          %mul3A_341 = arith.muli %while3A_338, %mul3A_340 : i32
          %add3A_342 = vector.broadcast %mul3A_341 : i32 to vector<16xi32>
          %add3A_343 = arith.addi %add3A_342, %iota3A : vector<16xi32>
          %mul3A_344 = arith.constant 16 : i32
          %mul3A_345 = arith.muli %while3A_338, %mul3A_344 : i32
          %get3A = arith.index_cast %mul3A_345 : i32 to index
          %get3A_346 = tpu.vector_load %arg13[%get3A] {strides = array<i32>} : memref<640xi32, #tpu.memory_space<vmem>>, vector<16xi32>,
          %shift_right_arithmetic3A = arith.constant 7 : i32
          %shift_right_arithmetic3A_347 = vector.broadcast %shift_right_arithmetic3A : i32 to vector<16xi32>
          %shift_right_arithmetic3A_348 = arith.shrsi %get3A_346, %shift_right_arithmetic3A_347 : vector<16xi32>
          %sub3A_349 = vector.broadcast %select_n3A : i32 to vector<16xi32>
          %sub3A_350 = arith.subi %shift_right_arithmetic3A_348, %sub3A_349 : vector<16xi32>
          %ge3A = arith.cmpi sge, %sub3A_350, %broadcast_in_dim3A_321 : vector<16xi32>
          %lt3A = arith.cmpi slt, %sub3A_350, %broadcast_in_dim3A_326 : vector<16xi32>
          %and3A_351 = arith.andi %ge3A, %lt3A : vector<16xi1>
          %mul3A_352 = arith.constant 16 : i32
          %mul3A_353 = arith.muli %while3A_338, %mul3A_352 : i32
          %add3A_354 = vector.broadcast %mul3A_353 : i32 to vector<16xi32>
          %add3A_355 = arith.addi %add3A_354, %iota3A : vector<16xi32>
          %lt3A_356 = arith.cmpi slt, %add3A_355, %broadcast_in_dim3A_248 : vector<16xi32>
          %and3A_357 = arith.andi %and3A_351, %lt3A_356 : vector<16xi1>
          %convert_element_type3A_358 = arith.extui %and3A_357 : vector<16xi1> to vector<16xi32>
          %broadcast_in_dim3A_359 = arith.constant true
          %broadcast_in_dim3A_360 = vector.broadcast %broadcast_in_dim3A_359 : i1 to vector<16xi1>
          %masked_cumsum3A = tpu.scan <sum>, %convert_element_type3A_358 masked %broadcast_in_dim3A_360 : vector<16xi32>, vector<16xi1> -> vector<16xi32>
          %add3A_361 = arith.addi %while3A_339, %masked_cumsum3A : vector<16xi32>
          %sub3A_362 = arith.subi %add3A_361, %convert_element_type3A_358 : vector<16xi32>
          %jit3A_363 = arith.constant 0 : i32
          %jit3A_364 = arith.constant 639 : i32
          %max3A_365 = vector.broadcast %jit3A_363 : i32 to vector<16xi32>
          %max3A_366 = arith.maxsi %max3A_365, %sub3A_362 : vector<16xi32>
          %min3A_367 = vector.broadcast %jit3A_364 : i32 to vector<16xi32>
          %min3A_368 = arith.minsi %min3A_367, %max3A_366 : vector<16xi32>
          tpu.vector_store_idx %arg17[%min3A_368], %add3A_343 masked %and3A_357 : memref<640xi32, #tpu.memory_space<vmem>>[vector<16xi32>], vector<16xi32>, vector<16xi1>
          %all_reduce_population_count3A = tpu.all_reduce %and3A_357 {dim = 0 : i64, kind = #tpu.reduction_kind<sum>} : vector<16xi1> -> vector<16xi32>
          %add3A_369 = arith.addi %while3A_339, %all_reduce_population_count3A : vector<16xi32>
          scf.yield %add3A_369 : vector<16xi32>
        }
        scf.yield %while3A_337 : vector<16xi32>
      }
      %scan3A_276 = arith.constant 21 : i32
      %reduce_max3A_277 = arith.constant true
      %reduce_max3A_278 = vector.broadcast %reduce_max3A_277 : i1 to vector<16xi1>
      %reduce_max3A_279 = arith.constant -2147483648 : i32
      %reduce_max3A_280 = vector.broadcast %reduce_max3A_279 : i32 to vector<16xi32>
      %reduce_max3A_281 = arith.xori %scan3A_275, %reduce_max3A_280 : vector<16xi32>
      %reduce_max3A_282 = tpu.scan <max>, %reduce_max3A_281 masked %reduce_max3A_278 : vector<16xi32>, vector<16xi1> -> vector<16xi32>
      %reduce_max3A_283 = arith.xori %reduce_max3A_282, %reduce_max3A_280 : vector<16xi32>
      %reduce_max3A_284 = vector.extract %reduce_max3A_283[15] : i32 from vector<16xi32>
      %swap3A = arith.constant 21 : i32
      %swap3A_285 = arith.index_cast %swap3A : i32 to index
      %swap3A_286 = memref.load %arg20[%swap3A_285] : memref<22xi32, #tpu.memory_space<smem>>
      memref.store %reduce_max3A_284, %arg20[%swap3A_285] : memref<22xi32, #tpu.memory_space<smem>>
      %scan3A_287 = arith.constant 0 : i32
      %scan3A_288 = arith.constant 0 : i32
      %scan3A_289 = arith.constant 168 : i32
      %scan3A_290 = arith.addi %scan3A_288, %scan3A_289 : i32
      %scan3A_291 = arith.constant 1 : i32
      scf.for %scan3A_307 = %scan3A_288 to %scan3A_290 step %scan3A_291  : i32 {
        %dma_wait3A = arith.constant 0 : i32
        %dma_wait3A_308 = arith.constant 0 : i32
        %dma_wait3A_309 = arith.constant 0 : i32
        %dma_wait3A_310 = tpu.memref_slice %arg7[%dma_wait3A, %dma_wait3A_308, %dma_wait3A_309] : memref<4x8x1536xf32, #tpu.memory_space<vmem>> -> memref<1x8x1536xf32, #tpu.memory_space<vmem>>
        %dma_wait3A_311 = tpu.memref_squeeze %dma_wait3A_310 : memref<1x8x1536xf32, #tpu.memory_space<vmem>> -> memref<8x1536xf32, #tpu.memory_space<vmem>>
        %dma_wait3A_312 = arith.constant 0 : i32
        %dma_wait3A_313 = arith.constant 0 : i32
        %dma_wait3A_314 = tpu.memref_slice %arg4[%dma_wait3A_312, %dma_wait3A_313] : memref<64x1000000xf32, #tpu.memory_space<hbm>> -> memref<8x1536xf32, #tpu.memory_space<hbm>>
        %dma_wait3A_315 = arith.constant 0 : i32
        %dma_wait3A_316 = arith.constant 0 : i32
        %dma_wait3A_317 = tpu.memref_slice %arg7[%dma_wait3A, %dma_wait3A_315, %dma_wait3A_316] : memref<4x8x1536xf32, #tpu.memory_space<vmem>> -> memref<1x8x1536xf32, #tpu.memory_space<vmem>>
        %dma_wait3A_318 = tpu.memref_squeeze %dma_wait3A_317 : memref<1x8x1536xf32, #tpu.memory_space<vmem>> -> memref<8x1536xf32, #tpu.memory_space<vmem>>
        %dma_wait3A_319 = arith.constant 0 : i32
        %dma_wait3A_320 = arith.constant 0 : i32
        %dma_wait3A_321 = tpu.memref_slice %arg4[%dma_wait3A_319, %dma_wait3A_320] : memref<64x1000000xf32, #tpu.memory_space<hbm>> -> memref<8x1536xf32, #tpu.memory_space<hbm>>
        tpu.wait_dma2 semaphore(%arg23 : memref<!tpu.dma_semaphore, #tpu.memory_space<semaphore_mem>>) src(%dma_wait3A_321 : memref<8x1536xf32, #tpu.memory_space<hbm>>) dst(%dma_wait3A_318 : memref<8x1536xf32, #tpu.memory_space<vmem>>)
        %rem3A_322 = arith.constant 21 : i32
        %rem3A_323 = arith.remsi %scan3A_307, %rem3A_322 : i32
        %jit3A_324 = arith.constant 21 : i32
        %div3A_325 = arith.divsi %scan3A_307, %jit3A_324 : i32
        %sign3A_326 = arith.constant 0 : i32
        %sign3A_327 = arith.cmpi sgt, %scan3A_307, %sign3A_326 : i32
        %sign3A_328 = arith.extui %sign3A_327 : i1 to i32
        %sign3A_329 = arith.constant 0 : i32
        %sign3A_330 = arith.cmpi slt, %scan3A_307, %sign3A_329 : i32
        %sign3A_331 = arith.extui %sign3A_330 : i1 to i32
        %sign3A_332 = arith.subi %sign3A_328, %sign3A_331 : i32
        %sign3A_333 = arith.constant 0 : i32
        %sign3A_334 = arith.cmpi sgt, %jit3A_324, %sign3A_333 : i32
        %sign3A_335 = arith.extui %sign3A_334 : i1 to i32
        %sign3A_336 = arith.constant 0 : i32
        %sign3A_337 = arith.cmpi slt, %jit3A_324, %sign3A_336 : i32
        %sign3A_338 = arith.extui %sign3A_337 : i1 to i32
        %sign3A_339 = arith.subi %sign3A_335, %sign3A_338 : i32
        %ne3A_340 = arith.cmpi ne, %sign3A_332, %sign3A_339 : i32
        %rem3A_341 = arith.remsi %scan3A_307, %jit3A_324 : i32
        %ne3A_342 = arith.constant 0 : i32
        %ne3A_343 = arith.cmpi ne, %rem3A_341, %ne3A_342 : i32
        %and3A_344 = arith.andi %ne3A_340, %ne3A_343 : i1
        %sub3A_345 = arith.constant 1 : i32
        %sub3A_346 = arith.subi %div3A_325, %sub3A_345 : i32
        %select_n3A_347 = arith.select %and3A_344, %sub3A_346, %div3A_325 : i32
        %mul3A_348 = arith.constant 8 : i32
        %mul3A_349 = arith.muli %select_n3A_347, %mul3A_348 : i32
        %mul3A_350 = arith.constant 12 : i32
        %mul3A_351 = arith.muli %rem3A_323, %mul3A_350 : i32
        %add3A_352 = arith.addi %select_n3A, %mul3A_351 : i32
        %mul3A_353 = arith.constant 128 : i32
        %mul3A_354 = arith.muli %add3A_352, %mul3A_353 : i32
        %min3A_355 = arith.constant 998400 : i32
        %min3A_356 = arith.minsi %mul3A_354, %min3A_355 : i32
        %multiple_of3A_357 = tpu.assume_multiple %min3A_356, 128 : i32
        %rem3A_358 = arith.constant 4 : i32
        %rem3A_359 = arith.remsi %scan3A_307, %rem3A_358 : i32
        %get3A = arith.index_cast %rem3A_323 : i32 to index
        %get3A_360 = memref.load %arg20[%get3A] : memref<22xi32, #tpu.memory_space<smem>>
        %add3A_361 = arith.constant 1 : i32
        %add3A_362 = arith.addi %rem3A_323, %add3A_361 : i32
        %get3A_363 = arith.index_cast %add3A_362 : i32 to index
        %get3A_364 = memref.load %arg20[%get3A_363] : memref<22xi32, #tpu.memory_space<smem>>
        %jit3A_365 = arith.constant 16 : i32
        %div3A_366 = arith.divsi %get3A_360, %jit3A_365 : i32
        %sign3A_367 = arith.constant 0 : i32
        %sign3A_368 = arith.cmpi sgt, %get3A_360, %sign3A_367 : i32
        %sign3A_369 = arith.extui %sign3A_368 : i1 to i32
        %sign3A_370 = arith.constant 0 : i32
        %sign3A_371 = arith.cmpi slt, %get3A_360, %sign3A_370 : i32
        %sign3A_372 = arith.extui %sign3A_371 : i1 to i32
        %sign3A_373 = arith.subi %sign3A_369, %sign3A_372 : i32
        %sign3A_374 = arith.constant 0 : i32
        %sign3A_375 = arith.cmpi sgt, %jit3A_365, %sign3A_374 : i32
        %sign3A_376 = arith.extui %sign3A_375 : i1 to i32
        %sign3A_377 = arith.constant 0 : i32
        %sign3A_378 = arith.cmpi slt, %jit3A_365, %sign3A_377 : i32
        %sign3A_379 = arith.extui %sign3A_378 : i1 to i32
        %sign3A_380 = arith.subi %sign3A_376, %sign3A_379 : i32
        %ne3A_381 = arith.cmpi ne, %sign3A_373, %sign3A_380 : i32
        %rem3A_382 = arith.remsi %get3A_360, %jit3A_365 : i32
        %ne3A_383 = arith.constant 0 : i32
        %ne3A_384 = arith.cmpi ne, %rem3A_382, %ne3A_383 : i32
        %and3A_385 = arith.andi %ne3A_381, %ne3A_384 : i1
        %sub3A_386 = arith.constant 1 : i32
        %sub3A_387 = arith.subi %div3A_366, %sub3A_386 : i32
        %select_n3A_388 = arith.select %and3A_385, %sub3A_387, %div3A_366 : i32
        %add3A_389 = arith.constant 15 : i32
        %add3A_390 = arith.addi %get3A_364, %add3A_389 : i32
        %jit3A_391 = arith.constant 16 : i32
        %div3A_392 = arith.divsi %add3A_390, %jit3A_391 : i32
        %sign3A_393 = arith.constant 0 : i32
        %sign3A_394 = arith.cmpi sgt, %add3A_390, %sign3A_393 : i32
        %sign3A_395 = arith.extui %sign3A_394 : i1 to i32
        %sign3A_396 = arith.constant 0 : i32
        %sign3A_397 = arith.cmpi slt, %add3A_390, %sign3A_396 : i32
        %sign3A_398 = arith.extui %sign3A_397 : i1 to i32
        %sign3A_399 = arith.subi %sign3A_395, %sign3A_398 : i32
        %sign3A_400 = arith.constant 0 : i32
        %sign3A_401 = arith.cmpi sgt, %jit3A_391, %sign3A_400 : i32
        %sign3A_402 = arith.extui %sign3A_401 : i1 to i32
        %sign3A_403 = arith.constant 0 : i32
        %sign3A_404 = arith.cmpi slt, %jit3A_391, %sign3A_403 : i32
        %sign3A_405 = arith.extui %sign3A_404 : i1 to i32
        %sign3A_406 = arith.subi %sign3A_402, %sign3A_405 : i32
        %ne3A_407 = arith.cmpi ne, %sign3A_399, %sign3A_406 : i32
        %rem3A_408 = arith.remsi %add3A_390, %jit3A_391 : i32
        %ne3A_409 = arith.constant 0 : i32
        %ne3A_410 = arith.cmpi ne, %rem3A_408, %ne3A_409 : i32
        %and3A_411 = arith.andi %ne3A_407, %ne3A_410 : i1
        %sub3A_412 = arith.constant 1 : i32
        %sub3A_413 = arith.subi %div3A_392, %sub3A_412 : i32
        %select_n3A_414 = arith.select %and3A_411, %sub3A_413, %div3A_392 : i32
        %broadcast_in_dim3A_415 = vector.broadcast %get3A_360 : i32 to vector<16xi32>
        %broadcast_in_dim3A_416 = vector.broadcast %get3A_364 : i32 to vector<16xi32>
        %broadcast_in_dim3A_417 = vector.broadcast %rem3A_359 : i32 to vector<16xi32>
        %broadcast_in_dim3A_418 = vector.broadcast %mul3A_354 : i32 to vector<16xi32>
        %broadcast_in_dim3A_419 = vector.broadcast %multiple_of3A_357 : i32 to vector<16xi32>
        %broadcast_in_dim3A_420 = vector.broadcast %mul3A_349 : i32 to vector<16xi32>
        %while3A_421 = arith.constant 0 : i32
        %while3A_422 = arith.subi %select_n3A_414, %select_n3A_388 : i32
        %while3A_423 = arith.addi %select_n3A_388, %while3A_422 : i32
        %while3A_424 = arith.constant 1 : i32
        %while3A_425 = arith.divsi %while3A_422, %while3A_424 : i32
        %while3A_426 = arith.muli %while3A_425, %while3A_424 : i32
        %while3A_427 = arith.addi %select_n3A_388, %while3A_426 : i32
        %while3A_428 = arith.constant 1 : i32
        scf.for %while3A_436 = %select_n3A_388 to %while3A_427 step %while3A_428  : i32 {
          %mul3A_437 = arith.constant 16 : i32
          %mul3A_438 = arith.muli %while3A_436, %mul3A_437 : i32
          %add3A_439 = vector.broadcast %mul3A_438 : i32 to vector<16xi32>
          %add3A_440 = arith.addi %add3A_439, %iota3A : vector<16xi32>
          %mul3A_441 = arith.constant 16 : i32
          %mul3A_442 = arith.muli %while3A_436, %mul3A_441 : i32
          %get3A_443 = arith.index_cast %mul3A_442 : i32 to index
          %get3A_444 = tpu.vector_load %arg17[%get3A_443] {strides = array<i32>} : memref<640xi32, #tpu.memory_space<vmem>>, vector<16xi32>,
          %gather3A = tpu.vector_load_idx %arg13[%get3A_444] : memref<640xi32, #tpu.memory_space<vmem>>[vector<16xi32>], vector<16xi32>,
          %sub3A_445 = arith.subi %gather3A, %broadcast_in_dim3A_419 : vector<16xi32>
          %ge3A = arith.cmpi sge, %add3A_440, %broadcast_in_dim3A_415 : vector<16xi32>
          %lt3A_446 = arith.cmpi slt, %add3A_440, %broadcast_in_dim3A_416 : vector<16xi32>
          %and3A_447 = arith.andi %ge3A, %lt3A_446 : vector<16xi1>
          %ge3A_448 = arith.cmpi sge, %gather3A, %broadcast_in_dim3A_418 : vector<16xi32>
          %lt3A_449 = arith.constant 1536 : i32
          %lt3A_450 = vector.broadcast %lt3A_449 : i32 to vector<16xi32>
          %lt3A_451 = arith.cmpi slt, %sub3A_445, %lt3A_450 : vector<16xi32>
          %and3A_452 = arith.andi %ge3A_448, %lt3A_451 : vector<16xi1>
          %and3A_453 = arith.andi %and3A_447, %and3A_452 : vector<16xi1>
          %jit3A_454 = arith.constant 0 : i32
          %jit3A_455 = arith.constant 1535 : i32
          %max3A_456 = vector.broadcast %jit3A_454 : i32 to vector<16xi32>
          %max3A_457 = arith.maxsi %max3A_456, %sub3A_445 : vector<16xi32>
          %min3A_458 = vector.broadcast %jit3A_455 : i32 to vector<16xi32>
          %min3A_459 = arith.minsi %min3A_458, %max3A_457 : vector<16xi32>
          %broadcast_in_dim3A_460 = arith.constant 0 : i32
          %broadcast_in_dim3A_461 = vector.broadcast %broadcast_in_dim3A_460 : i32 to vector<16xi32>
          %gather3A_462 = tpu.vector_load_idx %arg7[%broadcast_in_dim3A_417, %broadcast_in_dim3A_461, %min3A_459] : memref<4x8x1536xf32, #tpu.memory_space<vmem>>[vector<16xi32>, vector<16xi32>, vector<16xi32>], vector<16xf32>,
          %add3A_463 = arith.addi %broadcast_in_dim3A_420, %broadcast_in_dim3A_461 : vector<16xi32>
          %gather3A_464 = tpu.vector_load_idx %arg10[%add3A_463, %get3A_444] : memref<64x640xf32, #tpu.memory_space<vmem>>[vector<16xi32>, vector<16xi32>], vector<16xf32>,
          %max3A_465 = arith.constant 0.000000e+00 : f32
          %max3A_466 = vector.broadcast %max3A_465 : f32 to vector<16xf32>
          %max3A_467 = arith.maximumf %gather3A_462, %max3A_466 : vector<16xf32>
          %mul3A_468 = arith.mulf %max3A_467, %gather3A_464 : vector<16xf32>
          %jit3A_469 = arith.constant 0.000000e+00 : f32
          %broadcast_in_dim3A_470 = vector.broadcast %jit3A_469 : f32 to vector<16xf32>
          %select_n3A_471 = arith.select %and3A_453, %mul3A_468, %broadcast_in_dim3A_470 : vector<16xi1>, vector<16xf32>
          %add3A_472 = arith.addf %broadcast_in_dim3A_21, %select_n3A_471 : vector<16xf32>
          %broadcast_in_dim3A_473 = arith.constant 1 : i32
          %broadcast_in_dim3A_474 = vector.broadcast %broadcast_in_dim3A_473 : i32 to vector<16xi32>
          %gather3A_475 = tpu.vector_load_idx %arg7[%broadcast_in_dim3A_417, %broadcast_in_dim3A_474, %min3A_459] : memref<4x8x1536xf32, #tpu.memory_space<vmem>>[vector<16xi32>, vector<16xi32>, vector<16xi32>], vector<16xf32>,
          %add3A_476 = arith.addi %broadcast_in_dim3A_420, %broadcast_in_dim3A_474 : vector<16xi32>
          %gather3A_477 = tpu.vector_load_idx %arg10[%add3A_476, %get3A_444] : memref<64x640xf32, #tpu.memory_space<vmem>>[vector<16xi32>, vector<16xi32>], vector<16xf32>,
          %max3A_478 = arith.constant 0.000000e+00 : f32
          %max3A_479 = vector.broadcast %max3A_478 : f32 to vector<16xf32>
          %max3A_480 = arith.maximumf %gather3A_475, %max3A_479 : vector<16xf32>
          %mul3A_481 = arith.mulf %max3A_480, %gather3A_477 : vector<16xf32>
          %jit3A_482 = arith.constant 0.000000e+00 : f32
          %broadcast_in_dim3A_483 = vector.broadcast %jit3A_482 : f32 to vector<16xf32>
          %select_n3A_484 = arith.select %and3A_453, %mul3A_481, %broadcast_in_dim3A_483 : vector<16xi1>, vector<16xf32>
          %add3A_485 = arith.addf %add3A_472, %select_n3A_484 : vector<16xf32>
          %broadcast_in_dim3A_486 = arith.constant 2 : i32
          %broadcast_in_dim3A_487 = vector.broadcast %broadcast_in_dim3A_486 : i32 to vector<16xi32>
          %gather3A_488 = tpu.vector_load_idx %arg7[%broadcast_in_dim3A_417, %broadcast_in_dim3A_487, %min3A_459] : memref<4x8x1536xf32, #tpu.memory_space<vmem>>[vector<16xi32>, vector<16xi32>, vector<16xi32>], vector<16xf32>,
          %add3A_489 = arith.addi %broadcast_in_dim3A_420, %broadcast_in_dim3A_487 : vector<16xi32>
          %gather3A_490 = tpu.vector_load_idx %arg10[%add3A_489, %get3A_444] : memref<64x640xf32, #tpu.memory_space<vmem>>[vector<16xi32>, vector<16xi32>], vector<16xf32>,
          %max3A_491 = arith.constant 0.000000e+00 : f32
          %max3A_492 = vector.broadcast %max3A_491 : f32 to vector<16xf32>
          %max3A_493 = arith.maximumf %gather3A_488, %max3A_492 : vector<16xf32>
          %mul3A_494 = arith.mulf %max3A_493, %gather3A_490 : vector<16xf32>
          %jit3A_495 = arith.constant 0.000000e+00 : f32
          %broadcast_in_dim3A_496 = vector.broadcast %jit3A_495 : f32 to vector<16xf32>
          %select_n3A_497 = arith.select %and3A_453, %mul3A_494, %broadcast_in_dim3A_496 : vector<16xi1>, vector<16xf32>
          %add3A_498 = arith.addf %add3A_485, %select_n3A_497 : vector<16xf32>
          %broadcast_in_dim3A_499 = arith.constant 3 : i32
          %broadcast_in_dim3A_500 = vector.broadcast %broadcast_in_dim3A_499 : i32 to vector<16xi32>
          %gather3A_501 = tpu.vector_load_idx %arg7[%broadcast_in_dim3A_417, %broadcast_in_dim3A_500, %min3A_459] : memref<4x8x1536xf32, #tpu.memory_space<vmem>>[vector<16xi32>, vector<16xi32>, vector<16xi32>], vector<16xf32>,
          %add3A_502 = arith.addi %broadcast_in_dim3A_420, %broadcast_in_dim3A_500 : vector<16xi32>
          %gather3A_503 = tpu.vector_load_idx %arg10[%add3A_502, %get3A_444] : memref<64x640xf32, #tpu.memory_space<vmem>>[vector<16xi32>, vector<16xi32>], vector<16xf32>,
          %max3A_504 = arith.constant 0.000000e+00 : f32
          %max3A_505 = vector.broadcast %max3A_504 : f32 to vector<16xf32>
          %max3A_506 = arith.maximumf %gather3A_501, %max3A_505 : vector<16xf32>
          %mul3A_507 = arith.mulf %max3A_506, %gather3A_503 : vector<16xf32>
          %jit3A_508 = arith.constant 0.000000e+00 : f32
          %broadcast_in_dim3A_509 = vector.broadcast %jit3A_508 : f32 to vector<16xf32>
          %select_n3A_510 = arith.select %and3A_453, %mul3A_507, %broadcast_in_dim3A_509 : vector<16xi1>, vector<16xf32>
          %add3A_511 = arith.addf %add3A_498, %select_n3A_510 : vector<16xf32>
          %broadcast_in_dim3A_512 = arith.constant 4 : i32
          %broadcast_in_dim3A_513 = vector.broadcast %broadcast_in_dim3A_512 : i32 to vector<16xi32>
          %gather3A_514 = tpu.vector_load_idx %arg7[%broadcast_in_dim3A_417, %broadcast_in_dim3A_513, %min3A_459] : memref<4x8x1536xf32, #tpu.memory_space<vmem>>[vector<16xi32>, vector<16xi32>, vector<16xi32>], vector<16xf32>,
          %add3A_515 = arith.addi %broadcast_in_dim3A_420, %broadcast_in_dim3A_513 : vector<16xi32>
          %gather3A_516 = tpu.vector_load_idx %arg10[%add3A_515, %get3A_444] : memref<64x640xf32, #tpu.memory_space<vmem>>[vector<16xi32>, vector<16xi32>], vector<16xf32>,
          %max3A_517 = arith.constant 0.000000e+00 : f32
          %max3A_518 = vector.broadcast %max3A_517 : f32 to vector<16xf32>
          %max3A_519 = arith.maximumf %gather3A_514, %max3A_518 : vector<16xf32>
          %mul3A_520 = arith.mulf %max3A_519, %gather3A_516 : vector<16xf32>
          %jit3A_521 = arith.constant 0.000000e+00 : f32
          %broadcast_in_dim3A_522 = vector.broadcast %jit3A_521 : f32 to vector<16xf32>
          %select_n3A_523 = arith.select %and3A_453, %mul3A_520, %broadcast_in_dim3A_522 : vector<16xi1>, vector<16xf32>
          %add3A_524 = arith.addf %add3A_511, %select_n3A_523 : vector<16xf32>
          %broadcast_in_dim3A_525 = arith.constant 5 : i32
          %broadcast_in_dim3A_526 = vector.broadcast %broadcast_in_dim3A_525 : i32 to vector<16xi32>
          %gather3A_527 = tpu.vector_load_idx %arg7[%broadcast_in_dim3A_417, %broadcast_in_dim3A_526, %min3A_459] : memref<4x8x1536xf32, #tpu.memory_space<vmem>>[vector<16xi32>, vector<16xi32>, vector<16xi32>], vector<16xf32>,
          %add3A_528 = arith.addi %broadcast_in_dim3A_420, %broadcast_in_dim3A_526 : vector<16xi32>
          %gather3A_529 = tpu.vector_load_idx %arg10[%add3A_528, %get3A_444] : memref<64x640xf32, #tpu.memory_space<vmem>>[vector<16xi32>, vector<16xi32>], vector<16xf32>,
          %max3A_530 = arith.constant 0.000000e+00 : f32
          %max3A_531 = vector.broadcast %max3A_530 : f32 to vector<16xf32>
          %max3A_532 = arith.maximumf %gather3A_527, %max3A_531 : vector<16xf32>
          %mul3A_533 = arith.mulf %max3A_532, %gather3A_529 : vector<16xf32>
          %jit3A_534 = arith.constant 0.000000e+00 : f32
          %broadcast_in_dim3A_535 = vector.broadcast %jit3A_534 : f32 to vector<16xf32>
          %select_n3A_536 = arith.select %and3A_453, %mul3A_533, %broadcast_in_dim3A_535 : vector<16xi1>, vector<16xf32>
          %add3A_537 = arith.addf %add3A_524, %select_n3A_536 : vector<16xf32>
          %broadcast_in_dim3A_538 = arith.constant 6 : i32
          %broadcast_in_dim3A_539 = vector.broadcast %broadcast_in_dim3A_538 : i32 to vector<16xi32>
          %gather3A_540 = tpu.vector_load_idx %arg7[%broadcast_in_dim3A_417, %broadcast_in_dim3A_539, %min3A_459] : memref<4x8x1536xf32, #tpu.memory_space<vmem>>[vector<16xi32>, vector<16xi32>, vector<16xi32>], vector<16xf32>,
          %add3A_541 = arith.addi %broadcast_in_dim3A_420, %broadcast_in_dim3A_539 : vector<16xi32>
          %gather3A_542 = tpu.vector_load_idx %arg10[%add3A_541, %get3A_444] : memref<64x640xf32, #tpu.memory_space<vmem>>[vector<16xi32>, vector<16xi32>], vector<16xf32>,
          %max3A_543 = arith.constant 0.000000e+00 : f32
          %max3A_544 = vector.broadcast %max3A_543 : f32 to vector<16xf32>
          %max3A_545 = arith.maximumf %gather3A_540, %max3A_544 : vector<16xf32>
          %mul3A_546 = arith.mulf %max3A_545, %gather3A_542 : vector<16xf32>
          %jit3A_547 = arith.constant 0.000000e+00 : f32
          %broadcast_in_dim3A_548 = vector.broadcast %jit3A_547 : f32 to vector<16xf32>
          %select_n3A_549 = arith.select %and3A_453, %mul3A_546, %broadcast_in_dim3A_548 : vector<16xi1>, vector<16xf32>
          %add3A_550 = arith.addf %add3A_537, %select_n3A_549 : vector<16xf32>
          %broadcast_in_dim3A_551 = arith.constant 7 : i32
          %broadcast_in_dim3A_552 = vector.broadcast %broadcast_in_dim3A_551 : i32 to vector<16xi32>
          %gather3A_553 = tpu.vector_load_idx %arg7[%broadcast_in_dim3A_417, %broadcast_in_dim3A_552, %min3A_459] : memref<4x8x1536xf32, #tpu.memory_space<vmem>>[vector<16xi32>, vector<16xi32>, vector<16xi32>], vector<16xf32>,
          %add3A_554 = arith.addi %broadcast_in_dim3A_420, %broadcast_in_dim3A_552 : vector<16xi32>
          %gather3A_555 = tpu.vector_load_idx %arg10[%add3A_554, %get3A_444] : memref<64x640xf32, #tpu.memory_space<vmem>>[vector<16xi32>, vector<16xi32>], vector<16xf32>,
          %max3A_556 = arith.constant 0.000000e+00 : f32
          %max3A_557 = vector.broadcast %max3A_556 : f32 to vector<16xf32>
          %max3A_558 = arith.maximumf %gather3A_553, %max3A_557 : vector<16xf32>
          %mul3A_559 = arith.mulf %max3A_558, %gather3A_555 : vector<16xf32>
          %jit3A_560 = arith.constant 0.000000e+00 : f32
          %broadcast_in_dim3A_561 = vector.broadcast %jit3A_560 : f32 to vector<16xf32>
          %select_n3A_562 = arith.select %and3A_453, %mul3A_559, %broadcast_in_dim3A_561 : vector<16xi1>, vector<16xf32>
          %add3A_563 = arith.addf %add3A_550, %select_n3A_562 : vector<16xf32>
          %gather3A_564 = tpu.vector_load_idx %arg12[%get3A_444] : memref<640xf32, #tpu.memory_space<vmem>>[vector<16xi32>], vector<16xf32>,
          %add3A_565 = arith.addf %gather3A_564, %add3A_563 : vector<16xf32>
          tpu.vector_store_idx %arg12[%get3A_444], %add3A_565 masked %and3A_453 : memref<640xf32, #tpu.memory_space<vmem>>[vector<16xi32>], vector<16xf32>, vector<16xi1>
        }
        %while3A_429 = arith.constant 1 : i32
        scf.for %while3A_436 = %while3A_427 to %while3A_423 step %while3A_429  : i32 {
          %mul3A_437 = arith.constant 16 : i32
          %mul3A_438 = arith.muli %while3A_436, %mul3A_437 : i32
          %add3A_439 = vector.broadcast %mul3A_438 : i32 to vector<16xi32>
          %add3A_440 = arith.addi %add3A_439, %iota3A : vector<16xi32>
          %mul3A_441 = arith.constant 16 : i32
          %mul3A_442 = arith.muli %while3A_436, %mul3A_441 : i32
          %get3A_443 = arith.index_cast %mul3A_442 : i32 to index
          %get3A_444 = tpu.vector_load %arg17[%get3A_443] {strides = array<i32>} : memref<640xi32, #tpu.memory_space<vmem>>, vector<16xi32>,
          %gather3A = tpu.vector_load_idx %arg13[%get3A_444] : memref<640xi32, #tpu.memory_space<vmem>>[vector<16xi32>], vector<16xi32>,
          %sub3A_445 = arith.subi %gather3A, %broadcast_in_dim3A_419 : vector<16xi32>
          %ge3A = arith.cmpi sge, %add3A_440, %broadcast_in_dim3A_415 : vector<16xi32>
          %lt3A_446 = arith.cmpi slt, %add3A_440, %broadcast_in_dim3A_416 : vector<16xi32>
          %and3A_447 = arith.andi %ge3A, %lt3A_446 : vector<16xi1>
          %ge3A_448 = arith.cmpi sge, %gather3A, %broadcast_in_dim3A_418 : vector<16xi32>
          %lt3A_449 = arith.constant 1536 : i32
          %lt3A_450 = vector.broadcast %lt3A_449 : i32 to vector<16xi32>
          %lt3A_451 = arith.cmpi slt, %sub3A_445, %lt3A_450 : vector<16xi32>
          %and3A_452 = arith.andi %ge3A_448, %lt3A_451 : vector<16xi1>
          %and3A_453 = arith.andi %and3A_447, %and3A_452 : vector<16xi1>
          %jit3A_454 = arith.constant 0 : i32
          %jit3A_455 = arith.constant 1535 : i32
          %max3A_456 = vector.broadcast %jit3A_454 : i32 to vector<16xi32>
          %max3A_457 = arith.maxsi %max3A_456, %sub3A_445 : vector<16xi32>
          %min3A_458 = vector.broadcast %jit3A_455 : i32 to vector<16xi32>
          %min3A_459 = arith.minsi %min3A_458, %max3A_457 : vector<16xi32>
          %broadcast_in_dim3A_460 = arith.constant 0 : i32
          %broadcast_in_dim3A_461 = vector.broadcast %broadcast_in_dim3A_460 : i32 to vector<16xi32>
          %gather3A_462 = tpu.vector_load_idx %arg7[%broadcast_in_dim3A_417, %broadcast_in_dim3A_461, %min3A_459] : memref<4x8x1536xf32, #tpu.memory_space<vmem>>[vector<16xi32>, vector<16xi32>, vector<16xi32>], vector<16xf32>,
          %add3A_463 = arith.addi %broadcast_in_dim3A_420, %broadcast_in_dim3A_461 : vector<16xi32>
          %gather3A_464 = tpu.vector_load_idx %arg10[%add3A_463, %get3A_444] : memref<64x640xf32, #tpu.memory_space<vmem>>[vector<16xi32>, vector<16xi32>], vector<16xf32>,
          %max3A_465 = arith.constant 0.000000e+00 : f32
          %max3A_466 = vector.broadcast %max3A_465 : f32 to vector<16xf32>
          %max3A_467 = arith.maximumf %gather3A_462, %max3A_466 : vector<16xf32>
          %mul3A_468 = arith.mulf %max3A_467, %gather3A_464 : vector<16xf32>
          %jit3A_469 = arith.constant 0.000000e+00 : f32
          %broadcast_in_dim3A_470 = vector.broadcast %jit3A_469 : f32 to vector<16xf32>
          %select_n3A_471 = arith.select %and3A_453, %mul3A_468, %broadcast_in_dim3A_470 : vector<16xi1>, vector<16xf32>
          %add3A_472 = arith.addf %broadcast_in_dim3A_21, %select_n3A_471 : vector<16xf32>
          %broadcast_in_dim3A_473 = arith.constant 1 : i32
          %broadcast_in_dim3A_474 = vector.broadcast %broadcast_in_dim3A_473 : i32 to vector<16xi32>
          %gather3A_475 = tpu.vector_load_idx %arg7[%broadcast_in_dim3A_417, %broadcast_in_dim3A_474, %min3A_459] : memref<4x8x1536xf32, #tpu.memory_space<vmem>>[vector<16xi32>, vector<16xi32>, vector<16xi32>], vector<16xf32>,
          %add3A_476 = arith.addi %broadcast_in_dim3A_420, %broadcast_in_dim3A_474 : vector<16xi32>
          %gather3A_477 = tpu.vector_load_idx %arg10[%add3A_476, %get3A_444] : memref<64x640xf32, #tpu.memory_space<vmem>>[vector<16xi32>, vector<16xi32>], vector<16xf32>,
          %max3A_478 = arith.constant 0.000000e+00 : f32
          %max3A_479 = vector.broadcast %max3A_478 : f32 to vector<16xf32>
          %max3A_480 = arith.maximumf %gather3A_475, %max3A_479 : vector<16xf32>
          %mul3A_481 = arith.mulf %max3A_480, %gather3A_477 : vector<16xf32>
          %jit3A_482 = arith.constant 0.000000e+00 : f32
          %broadcast_in_dim3A_483 = vector.broadcast %jit3A_482 : f32 to vector<16xf32>
          %select_n3A_484 = arith.select %and3A_453, %mul3A_481, %broadcast_in_dim3A_483 : vector<16xi1>, vector<16xf32>
          %add3A_485 = arith.addf %add3A_472, %select_n3A_484 : vector<16xf32>
          %broadcast_in_dim3A_486 = arith.constant 2 : i32
          %broadcast_in_dim3A_487 = vector.broadcast %broadcast_in_dim3A_486 : i32 to vector<16xi32>
          %gather3A_488 = tpu.vector_load_idx %arg7[%broadcast_in_dim3A_417, %broadcast_in_dim3A_487, %min3A_459] : memref<4x8x1536xf32, #tpu.memory_space<vmem>>[vector<16xi32>, vector<16xi32>, vector<16xi32>], vector<16xf32>,
          %add3A_489 = arith.addi %broadcast_in_dim3A_420, %broadcast_in_dim3A_487 : vector<16xi32>
          %gather3A_490 = tpu.vector_load_idx %arg10[%add3A_489, %get3A_444] : memref<64x640xf32, #tpu.memory_space<vmem>>[vector<16xi32>, vector<16xi32>], vector<16xf32>,
          %max3A_491 = arith.constant 0.000000e+00 : f32
          %max3A_492 = vector.broadcast %max3A_491 : f32 to vector<16xf32>
          %max3A_493 = arith.maximumf %gather3A_488, %max3A_492 : vector<16xf32>
          %mul3A_494 = arith.mulf %max3A_493, %gather3A_490 : vector<16xf32>
          %jit3A_495 = arith.constant 0.000000e+00 : f32
          %broadcast_in_dim3A_496 = vector.broadcast %jit3A_495 : f32 to vector<16xf32>
          %select_n3A_497 = arith.select %and3A_453, %mul3A_494, %broadcast_in_dim3A_496 : vector<16xi1>, vector<16xf32>
          %add3A_498 = arith.addf %add3A_485, %select_n3A_497 : vector<16xf32>
          %broadcast_in_dim3A_499 = arith.constant 3 : i32
          %broadcast_in_dim3A_500 = vector.broadcast %broadcast_in_dim3A_499 : i32 to vector<16xi32>
          %gather3A_501 = tpu.vector_load_idx %arg7[%broadcast_in_dim3A_417, %broadcast_in_dim3A_500, %min3A_459] : memref<4x8x1536xf32, #tpu.memory_space<vmem>>[vector<16xi32>, vector<16xi32>, vector<16xi32>], vector<16xf32>,
          %add3A_502 = arith.addi %broadcast_in_dim3A_420, %broadcast_in_dim3A_500 : vector<16xi32>
          %gather3A_503 = tpu.vector_load_idx %arg10[%add3A_502, %get3A_444] : memref<64x640xf32, #tpu.memory_space<vmem>>[vector<16xi32>, vector<16xi32>], vector<16xf32>,
          %max3A_504 = arith.constant 0.000000e+00 : f32
          %max3A_505 = vector.broadcast %max3A_504 : f32 to vector<16xf32>
          %max3A_506 = arith.maximumf %gather3A_501, %max3A_505 : vector<16xf32>
          %mul3A_507 = arith.mulf %max3A_506, %gather3A_503 : vector<16xf32>
          %jit3A_508 = arith.constant 0.000000e+00 : f32
          %broadcast_in_dim3A_509 = vector.broadcast %jit3A_508 : f32 to vector<16xf32>
          %select_n3A_510 = arith.select %and3A_453, %mul3A_507, %broadcast_in_dim3A_509 : vector<16xi1>, vector<16xf32>
          %add3A_511 = arith.addf %add3A_498, %select_n3A_510 : vector<16xf32>
          %broadcast_in_dim3A_512 = arith.constant 4 : i32
          %broadcast_in_dim3A_513 = vector.broadcast %broadcast_in_dim3A_512 : i32 to vector<16xi32>
          %gather3A_514 = tpu.vector_load_idx %arg7[%broadcast_in_dim3A_417, %broadcast_in_dim3A_513, %min3A_459] : memref<4x8x1536xf32, #tpu.memory_space<vmem>>[vector<16xi32>, vector<16xi32>, vector<16xi32>], vector<16xf32>,
          %add3A_515 = arith.addi %broadcast_in_dim3A_420, %broadcast_in_dim3A_513 : vector<16xi32>
          %gather3A_516 = tpu.vector_load_idx %arg10[%add3A_515, %get3A_444] : memref<64x640xf32, #tpu.memory_space<vmem>>[vector<16xi32>, vector<16xi32>], vector<16xf32>,
          %max3A_517 = arith.constant 0.000000e+00 : f32
          %max3A_518 = vector.broadcast %max3A_517 : f32 to vector<16xf32>
          %max3A_519 = arith.maximumf %gather3A_514, %max3A_518 : vector<16xf32>
          %mul3A_520 = arith.mulf %max3A_519, %gather3A_516 : vector<16xf32>
          %jit3A_521 = arith.constant 0.000000e+00 : f32
          %broadcast_in_dim3A_522 = vector.broadcast %jit3A_521 : f32 to vector<16xf32>
          %select_n3A_523 = arith.select %and3A_453, %mul3A_520, %broadcast_in_dim3A_522 : vector<16xi1>, vector<16xf32>
          %add3A_524 = arith.addf %add3A_511, %select_n3A_523 : vector<16xf32>
          %broadcast_in_dim3A_525 = arith.constant 5 : i32
          %broadcast_in_dim3A_526 = vector.broadcast %broadcast_in_dim3A_525 : i32 to vector<16xi32>
          %gather3A_527 = tpu.vector_load_idx %arg7[%broadcast_in_dim3A_417, %broadcast_in_dim3A_526, %min3A_459] : memref<4x8x1536xf32, #tpu.memory_space<vmem>>[vector<16xi32>, vector<16xi32>, vector<16xi32>], vector<16xf32>,
          %add3A_528 = arith.addi %broadcast_in_dim3A_420, %broadcast_in_dim3A_526 : vector<16xi32>
          %gather3A_529 = tpu.vector_load_idx %arg10[%add3A_528, %get3A_444] : memref<64x640xf32, #tpu.memory_space<vmem>>[vector<16xi32>, vector<16xi32>], vector<16xf32>,
          %max3A_530 = arith.constant 0.000000e+00 : f32
          %max3A_531 = vector.broadcast %max3A_530 : f32 to vector<16xf32>
          %max3A_532 = arith.maximumf %gather3A_527, %max3A_531 : vector<16xf32>
          %mul3A_533 = arith.mulf %max3A_532, %gather3A_529 : vector<16xf32>
          %jit3A_534 = arith.constant 0.000000e+00 : f32
          %broadcast_in_dim3A_535 = vector.broadcast %jit3A_534 : f32 to vector<16xf32>
          %select_n3A_536 = arith.select %and3A_453, %mul3A_533, %broadcast_in_dim3A_535 : vector<16xi1>, vector<16xf32>
          %add3A_537 = arith.addf %add3A_524, %select_n3A_536 : vector<16xf32>
          %broadcast_in_dim3A_538 = arith.constant 6 : i32
          %broadcast_in_dim3A_539 = vector.broadcast %broadcast_in_dim3A_538 : i32 to vector<16xi32>
          %gather3A_540 = tpu.vector_load_idx %arg7[%broadcast_in_dim3A_417, %broadcast_in_dim3A_539, %min3A_459] : memref<4x8x1536xf32, #tpu.memory_space<vmem>>[vector<16xi32>, vector<16xi32>, vector<16xi32>], vector<16xf32>,
          %add3A_541 = arith.addi %broadcast_in_dim3A_420, %broadcast_in_dim3A_539 : vector<16xi32>
          %gather3A_542 = tpu.vector_load_idx %arg10[%add3A_541, %get3A_444] : memref<64x640xf32, #tpu.memory_space<vmem>>[vector<16xi32>, vector<16xi32>], vector<16xf32>,
          %max3A_543 = arith.constant 0.000000e+00 : f32
          %max3A_544 = vector.broadcast %max3A_543 : f32 to vector<16xf32>
          %max3A_545 = arith.maximumf %gather3A_540, %max3A_544 : vector<16xf32>
          %mul3A_546 = arith.mulf %max3A_545, %gather3A_542 : vector<16xf32>
          %jit3A_547 = arith.constant 0.000000e+00 : f32
          %broadcast_in_dim3A_548 = vector.broadcast %jit3A_547 : f32 to vector<16xf32>
          %select_n3A_549 = arith.select %and3A_453, %mul3A_546, %broadcast_in_dim3A_548 : vector<16xi1>, vector<16xf32>
          %add3A_550 = arith.addf %add3A_537, %select_n3A_549 : vector<16xf32>
          %broadcast_in_dim3A_551 = arith.constant 7 : i32
          %broadcast_in_dim3A_552 = vector.broadcast %broadcast_in_dim3A_551 : i32 to vector<16xi32>
          %gather3A_553 = tpu.vector_load_idx %arg7[%broadcast_in_dim3A_417, %broadcast_in_dim3A_552, %min3A_459] : memref<4x8x1536xf32, #tpu.memory_space<vmem>>[vector<16xi32>, vector<16xi32>, vector<16xi32>], vector<16xf32>,
          %add3A_554 = arith.addi %broadcast_in_dim3A_420, %broadcast_in_dim3A_552 : vector<16xi32>
          %gather3A_555 = tpu.vector_load_idx %arg10[%add3A_554, %get3A_444] : memref<64x640xf32, #tpu.memory_space<vmem>>[vector<16xi32>, vector<16xi32>], vector<16xf32>,
          %max3A_556 = arith.constant 0.000000e+00 : f32
          %max3A_557 = vector.broadcast %max3A_556 : f32 to vector<16xf32>
          %max3A_558 = arith.maximumf %gather3A_553, %max3A_557 : vector<16xf32>
          %mul3A_559 = arith.mulf %max3A_558, %gather3A_555 : vector<16xf32>
          %jit3A_560 = arith.constant 0.000000e+00 : f32
          %broadcast_in_dim3A_561 = vector.broadcast %jit3A_560 : f32 to vector<16xf32>
          %select_n3A_562 = arith.select %and3A_453, %mul3A_559, %broadcast_in_dim3A_561 : vector<16xi1>, vector<16xf32>
          %add3A_563 = arith.addf %add3A_550, %select_n3A_562 : vector<16xf32>
          %gather3A_564 = tpu.vector_load_idx %arg12[%get3A_444] : memref<640xf32, #tpu.memory_space<vmem>>[vector<16xi32>], vector<16xf32>,
          %add3A_565 = arith.addf %gather3A_564, %add3A_563 : vector<16xf32>
          tpu.vector_store_idx %arg12[%get3A_444], %add3A_565 masked %and3A_453 : memref<640xf32, #tpu.memory_space<vmem>>[vector<16xi32>], vector<16xf32>, vector<16xi1>
        }
        %add3A_430 = arith.constant 4 : i32
        %add3A_431 = arith.addi %scan3A_307, %add3A_430 : i32
        %lt3A = arith.constant 168 : i32
        %lt3A_432 = arith.cmpi slt, %add3A_431, %lt3A : i32
        %convert_element_type3A_433 = arith.extui %lt3A_432 : i1 to i32
        %cond3A_434 = arith.constant 0 : i32
        %cond3A_435 = arith.cmpi ne, %convert_element_type3A_433, %cond3A_434 : i32
        scf.if %cond3A_435 {
          %add3A_436 = arith.constant 4 : i32
          %add3A_437 = arith.addi %scan3A_307, %add3A_436 : i32
          %rem3A_438 = arith.constant 21 : i32
          %rem3A_439 = arith.remsi %add3A_437, %rem3A_438 : i32
          %jit3A_440 = arith.constant 21 : i32
          %div3A_441 = arith.divsi %add3A_437, %jit3A_440 : i32
          %sign3A_442 = arith.constant 0 : i32
          %sign3A_443 = arith.cmpi sgt, %add3A_437, %sign3A_442 : i32
          %sign3A_444 = arith.extui %sign3A_443 : i1 to i32
          %sign3A_445 = arith.constant 0 : i32
          %sign3A_446 = arith.cmpi slt, %add3A_437, %sign3A_445 : i32
          %sign3A_447 = arith.extui %sign3A_446 : i1 to i32
          %sign3A_448 = arith.subi %sign3A_444, %sign3A_447 : i32
          %sign3A_449 = arith.constant 0 : i32
          %sign3A_450 = arith.cmpi sgt, %jit3A_440, %sign3A_449 : i32
          %sign3A_451 = arith.extui %sign3A_450 : i1 to i32
          %sign3A_452 = arith.constant 0 : i32
          %sign3A_453 = arith.cmpi slt, %jit3A_440, %sign3A_452 : i32
          %sign3A_454 = arith.extui %sign3A_453 : i1 to i32
          %sign3A_455 = arith.subi %sign3A_451, %sign3A_454 : i32
          %ne3A_456 = arith.cmpi ne, %sign3A_448, %sign3A_455 : i32
          %rem3A_457 = arith.remsi %add3A_437, %jit3A_440 : i32
          %ne3A_458 = arith.constant 0 : i32
          %ne3A_459 = arith.cmpi ne, %rem3A_457, %ne3A_458 : i32
          %and3A_460 = arith.andi %ne3A_456, %ne3A_459 : i1
          %sub3A_461 = arith.constant 1 : i32
          %sub3A_462 = arith.subi %div3A_441, %sub3A_461 : i32
          %select_n3A_463 = arith.select %and3A_460, %sub3A_462, %div3A_441 : i32
          %mul3A_464 = arith.constant 8 : i32
          %mul3A_465 = arith.muli %select_n3A_463, %mul3A_464 : i32
          %mul3A_466 = arith.constant 12 : i32
          %mul3A_467 = arith.muli %rem3A_439, %mul3A_466 : i32
          %add3A_468 = arith.addi %select_n3A, %mul3A_467 : i32
          %mul3A_469 = arith.constant 128 : i32
          %mul3A_470 = arith.muli %add3A_468, %mul3A_469 : i32
          %min3A_471 = arith.constant 998400 : i32
          %min3A_472 = arith.minsi %mul3A_470, %min3A_471 : i32
          %multiple_of3A_473 = tpu.assume_multiple %min3A_472, 128 : i32
          %rem3A_474 = arith.constant 4 : i32
          %rem3A_475 = arith.remsi %add3A_437, %rem3A_474 : i32
          %dma_start3A_476 = arith.constant 0 : i32
          %dma_start3A_477 = arith.constant 0 : i32
          %dma_start3A_478 = tpu.memref_slice %arg7[%rem3A_475, %dma_start3A_476, %dma_start3A_477] : memref<4x8x1536xf32, #tpu.memory_space<vmem>> -> memref<1x8x1536xf32, #tpu.memory_space<vmem>>
          %dma_start3A_479 = tpu.memref_squeeze %dma_start3A_478 : memref<1x8x1536xf32, #tpu.memory_space<vmem>> -> memref<8x1536xf32, #tpu.memory_space<vmem>>
          %dma_start3A_480 = tpu.memref_slice %arg4[%mul3A_465, %multiple_of3A_473] : memref<64x1000000xf32, #tpu.memory_space<hbm>> -> memref<8x1536xf32, #tpu.memory_space<hbm>>
          %dma_start3A_481 = arith.constant 0 : i32
          %dma_start3A_482 = arith.constant 0 : i32
          %dma_start3A_483 = tpu.memref_slice %arg7[%rem3A_475, %dma_start3A_481, %dma_start3A_482] : memref<4x8x1536xf32, #tpu.memory_space<vmem>> -> memref<1x8x1536xf32, #tpu.memory_space<vmem>>
          %dma_start3A_484 = tpu.memref_squeeze %dma_start3A_483 : memref<1x8x1536xf32, #tpu.memory_space<vmem>> -> memref<8x1536xf32, #tpu.memory_space<vmem>>
          %dma_start3A_485 = tpu.memref_slice %arg4[%mul3A_465, %multiple_of3A_473] : memref<64x1000000xf32, #tpu.memory_space<hbm>> -> memref<8x1536xf32, #tpu.memory_space<hbm>>
          tpu.enqueue_dma source(%dma_start3A_485 : memref<8x1536xf32, #tpu.memory_space<hbm>>) target(%dma_start3A_484 : memref<8x1536xf32, #tpu.memory_space<vmem>>) target_semaphore(%arg23 : memref<!tpu.dma_semaphore, #tpu.memory_space<semaphore_mem>>)
        } else {
        }
      }
      %scan3A_292 = arith.constant 168 : i32
      %eq3A = arith.constant 31 : i32
      %eq3A_293 = arith.cmpi eq, %add3A, %eq3A : i32
      %convert_element_type3A = arith.extui %eq3A_293 : i1 to i32
      %cond3A = arith.constant 0 : i32
      %cond3A_294 = arith.cmpi ne, %convert_element_type3A, %cond3A : i32
      scf.if %cond3A_294 {
        %scan3A_307 = arith.constant 0 : i32
        %scan3A_308 = arith.constant 0 : i32
        %scan3A_309 = arith.constant 8 : i32
        %scan3A_310 = arith.addi %scan3A_308, %scan3A_309 : i32
        %scan3A_311 = arith.constant 1 : i32
        scf.for %scan3A_313 = %scan3A_308 to %scan3A_310 step %scan3A_311  : i32 {
          %mul3A_314 = arith.constant 8 : i32
          %mul3A_315 = arith.muli %scan3A_313, %mul3A_314 : i32
          "tpu.region"() ({
            %run_scoped3A = tpu.sem_alloc : memref<!tpu.dma_semaphore, #tpu.memory_space<semaphore_mem>>
            %dma_start3A_329 = arith.constant 999936 : i32
            %dma_start3A_330 = tpu.memref_slice %arg4[%mul3A_315, %dma_start3A_329] : memref<64x1000000xf32, #tpu.memory_space<hbm>> -> memref<8x64xf32, #tpu.memory_space<hbm>>
            %dma_start3A_331 = arith.constant 999936 : i32
            %dma_start3A_332 = tpu.memref_slice %arg4[%mul3A_315, %dma_start3A_331] : memref<64x1000000xf32, #tpu.memory_space<hbm>> -> memref<8x64xf32, #tpu.memory_space<hbm>>
            tpu.enqueue_dma source(%dma_start3A_332 : memref<8x64xf32, #tpu.memory_space<hbm>>) target(%arg8 : memref<8x64xf32, #tpu.memory_space<vmem>>) target_semaphore(%run_scoped3A : memref<!tpu.dma_semaphore, #tpu.memory_space<semaphore_mem>>)
            %dma_wait3A = arith.constant 999936 : i32
            %dma_wait3A_333 = tpu.memref_slice %arg4[%mul3A_315, %dma_wait3A] : memref<64x1000000xf32, #tpu.memory_space<hbm>> -> memref<8x64xf32, #tpu.memory_space<hbm>>
            %dma_wait3A_334 = arith.constant 999936 : i32
            %dma_wait3A_335 = tpu.memref_slice %arg4[%mul3A_315, %dma_wait3A_334] : memref<64x1000000xf32, #tpu.memory_space<hbm>> -> memref<8x64xf32, #tpu.memory_space<hbm>>
            tpu.wait_dma2 semaphore(%run_scoped3A : memref<!tpu.dma_semaphore, #tpu.memory_space<semaphore_mem>>) src(%dma_wait3A_335 : memref<8x64xf32, #tpu.memory_space<hbm>>) dst(%arg8 : memref<8x64xf32, #tpu.memory_space<vmem>>)
            tpu.yield
          }) : () -> ()
          %mul3A_316 = arith.constant 8 : i32
          %mul3A_317 = arith.muli %scan3A_313, %mul3A_316 : i32
          %broadcast_in_dim3A_318 = vector.broadcast %mul3A_317 : i32 to vector<16xi32>
          %while3A_319 = arith.constant 0 : i32
          %while3A_320 = arith.constant 0 : i32
          %while3A_321 = arith.subi %select_n3A_247, %while3A_320 : i32
          %while3A_322 = arith.addi %while3A_320, %while3A_321 : i32
          %while3A_323 = arith.constant 1 : i32
          %while3A_324 = arith.divsi %while3A_321, %while3A_323 : i32
          %while3A_325 = arith.muli %while3A_324, %while3A_323 : i32
          %while3A_326 = arith.addi %while3A_320, %while3A_325 : i32
          %while3A_327 = arith.constant 1 : i32
          scf.for %while3A_329 = %while3A_320 to %while3A_326 step %while3A_327  : i32 {
            %mul3A_330 = arith.constant 16 : i32
            %mul3A_331 = arith.muli %while3A_329, %mul3A_330 : i32
            %get3A = arith.index_cast %mul3A_331 : i32 to index
            %get3A_332 = tpu.vector_load %arg13[%get3A] {strides = array<i32>} : memref<640xi32, #tpu.memory_space<vmem>>, vector<16xi32>,
            %sub3A_333 = arith.constant 999936 : i32
            %sub3A_334 = vector.broadcast %sub3A_333 : i32 to vector<16xi32>
            %sub3A_335 = arith.subi %get3A_332, %sub3A_334 : vector<16xi32>
            %ge3A = arith.constant 0 : i32
            %ge3A_336 = vector.broadcast %ge3A : i32 to vector<16xi32>
            %ge3A_337 = arith.cmpi sge, %sub3A_335, %ge3A_336 : vector<16xi32>
            %lt3A = arith.constant 64 : i32
            %lt3A_338 = vector.broadcast %lt3A : i32 to vector<16xi32>
            %lt3A_339 = arith.cmpi slt, %sub3A_335, %lt3A_338 : vector<16xi32>
            %and3A_340 = arith.andi %ge3A_337, %lt3A_339 : vector<16xi1>
            %add3A_341 = vector.broadcast %mul3A_331 : i32 to vector<16xi32>
            %add3A_342 = arith.addi %add3A_341, %iota3A : vector<16xi32>
            %lt3A_343 = arith.cmpi slt, %add3A_342, %broadcast_in_dim3A_248 : vector<16xi32>
            %and3A_344 = arith.andi %and3A_340, %lt3A_343 : vector<16xi1>
            %jit3A_345 = arith.constant 0 : i32
            %jit3A_346 = arith.constant 63 : i32
            %max3A_347 = vector.broadcast %jit3A_345 : i32 to vector<16xi32>
            %max3A_348 = arith.maxsi %max3A_347, %sub3A_335 : vector<16xi32>
            %min3A_349 = vector.broadcast %jit3A_346 : i32 to vector<16xi32>
            %min3A_350 = arith.minsi %min3A_349, %max3A_348 : vector<16xi32>
            %broadcast_in_dim3A_351 = arith.constant 0 : i32
            %broadcast_in_dim3A_352 = vector.broadcast %broadcast_in_dim3A_351 : i32 to vector<16xi32>
            %gather3A = tpu.vector_load_idx %arg8[%broadcast_in_dim3A_352, %min3A_350] : memref<8x64xf32, #tpu.memory_space<vmem>>[vector<16xi32>, vector<16xi32>], vector<16xf32>,
            %add3A_353 = arith.addi %broadcast_in_dim3A_318, %broadcast_in_dim3A_352 : vector<16xi32>
            %add3A_354 = vector.broadcast %mul3A_331 : i32 to vector<16xi32>
            %add3A_355 = arith.addi %add3A_354, %iota3A : vector<16xi32>
            %gather3A_356 = tpu.vector_load_idx %arg10[%add3A_353, %add3A_355] : memref<64x640xf32, #tpu.memory_space<vmem>>[vector<16xi32>, vector<16xi32>], vector<16xf32>,
            %max3A_357 = arith.constant 0.000000e+00 : f32
            %max3A_358 = vector.broadcast %max3A_357 : f32 to vector<16xf32>
            %max3A_359 = arith.maximumf %gather3A, %max3A_358 : vector<16xf32>
            %mul3A_360 = arith.mulf %max3A_359, %gather3A_356 : vector<16xf32>
            %jit3A_361 = arith.constant 0.000000e+00 : f32
            %broadcast_in_dim3A_362 = vector.broadcast %jit3A_361 : f32 to vector<16xf32>
            %select_n3A_363 = arith.select %and3A_344, %mul3A_360, %broadcast_in_dim3A_362 : vector<16xi1>, vector<16xf32>
            %add3A_364 = arith.addf %broadcast_in_dim3A_21, %select_n3A_363 : vector<16xf32>
            %broadcast_in_dim3A_365 = arith.constant 1 : i32
            %broadcast_in_dim3A_366 = vector.broadcast %broadcast_in_dim3A_365 : i32 to vector<16xi32>
            %gather3A_367 = tpu.vector_load_idx %arg8[%broadcast_in_dim3A_366, %min3A_350] : memref<8x64xf32, #tpu.memory_space<vmem>>[vector<16xi32>, vector<16xi32>], vector<16xf32>,
            %add3A_368 = arith.addi %broadcast_in_dim3A_318, %broadcast_in_dim3A_366 : vector<16xi32>
            %add3A_369 = vector.broadcast %mul3A_331 : i32 to vector<16xi32>
            %add3A_370 = arith.addi %add3A_369, %iota3A : vector<16xi32>
            %gather3A_371 = tpu.vector_load_idx %arg10[%add3A_368, %add3A_370] : memref<64x640xf32, #tpu.memory_space<vmem>>[vector<16xi32>, vector<16xi32>], vector<16xf32>,
            %max3A_372 = arith.constant 0.000000e+00 : f32
            %max3A_373 = vector.broadcast %max3A_372 : f32 to vector<16xf32>
            %max3A_374 = arith.maximumf %gather3A_367, %max3A_373 : vector<16xf32>
            %mul3A_375 = arith.mulf %max3A_374, %gather3A_371 : vector<16xf32>
            %jit3A_376 = arith.constant 0.000000e+00 : f32
            %broadcast_in_dim3A_377 = vector.broadcast %jit3A_376 : f32 to vector<16xf32>
            %select_n3A_378 = arith.select %and3A_344, %mul3A_375, %broadcast_in_dim3A_377 : vector<16xi1>, vector<16xf32>
            %add3A_379 = arith.addf %add3A_364, %select_n3A_378 : vector<16xf32>
            %broadcast_in_dim3A_380 = arith.constant 2 : i32
            %broadcast_in_dim3A_381 = vector.broadcast %broadcast_in_dim3A_380 : i32 to vector<16xi32>
            %gather3A_382 = tpu.vector_load_idx %arg8[%broadcast_in_dim3A_381, %min3A_350] : memref<8x64xf32, #tpu.memory_space<vmem>>[vector<16xi32>, vector<16xi32>], vector<16xf32>,
            %add3A_383 = arith.addi %broadcast_in_dim3A_318, %broadcast_in_dim3A_381 : vector<16xi32>
            %add3A_384 = vector.broadcast %mul3A_331 : i32 to vector<16xi32>
            %add3A_385 = arith.addi %add3A_384, %iota3A : vector<16xi32>
            %gather3A_386 = tpu.vector_load_idx %arg10[%add3A_383, %add3A_385] : memref<64x640xf32, #tpu.memory_space<vmem>>[vector<16xi32>, vector<16xi32>], vector<16xf32>,
            %max3A_387 = arith.constant 0.000000e+00 : f32
            %max3A_388 = vector.broadcast %max3A_387 : f32 to vector<16xf32>
            %max3A_389 = arith.maximumf %gather3A_382, %max3A_388 : vector<16xf32>
            %mul3A_390 = arith.mulf %max3A_389, %gather3A_386 : vector<16xf32>
            %jit3A_391 = arith.constant 0.000000e+00 : f32
            %broadcast_in_dim3A_392 = vector.broadcast %jit3A_391 : f32 to vector<16xf32>
            %select_n3A_393 = arith.select %and3A_344, %mul3A_390, %broadcast_in_dim3A_392 : vector<16xi1>, vector<16xf32>
            %add3A_394 = arith.addf %add3A_379, %select_n3A_393 : vector<16xf32>
            %broadcast_in_dim3A_395 = arith.constant 3 : i32
            %broadcast_in_dim3A_396 = vector.broadcast %broadcast_in_dim3A_395 : i32 to vector<16xi32>
            %gather3A_397 = tpu.vector_load_idx %arg8[%broadcast_in_dim3A_396, %min3A_350] : memref<8x64xf32, #tpu.memory_space<vmem>>[vector<16xi32>, vector<16xi32>], vector<16xf32>,
            %add3A_398 = arith.addi %broadcast_in_dim3A_318, %broadcast_in_dim3A_396 : vector<16xi32>
            %add3A_399 = vector.broadcast %mul3A_331 : i32 to vector<16xi32>
            %add3A_400 = arith.addi %add3A_399, %iota3A : vector<16xi32>
            %gather3A_401 = tpu.vector_load_idx %arg10[%add3A_398, %add3A_400] : memref<64x640xf32, #tpu.memory_space<vmem>>[vector<16xi32>, vector<16xi32>], vector<16xf32>,
            %max3A_402 = arith.constant 0.000000e+00 : f32
            %max3A_403 = vector.broadcast %max3A_402 : f32 to vector<16xf32>
            %max3A_404 = arith.maximumf %gather3A_397, %max3A_403 : vector<16xf32>
            %mul3A_405 = arith.mulf %max3A_404, %gather3A_401 : vector<16xf32>
            %jit3A_406 = arith.constant 0.000000e+00 : f32
            %broadcast_in_dim3A_407 = vector.broadcast %jit3A_406 : f32 to vector<16xf32>
            %select_n3A_408 = arith.select %and3A_344, %mul3A_405, %broadcast_in_dim3A_407 : vector<16xi1>, vector<16xf32>
            %add3A_409 = arith.addf %add3A_394, %select_n3A_408 : vector<16xf32>
            %broadcast_in_dim3A_410 = arith.constant 4 : i32
            %broadcast_in_dim3A_411 = vector.broadcast %broadcast_in_dim3A_410 : i32 to vector<16xi32>
            %gather3A_412 = tpu.vector_load_idx %arg8[%broadcast_in_dim3A_411, %min3A_350] : memref<8x64xf32, #tpu.memory_space<vmem>>[vector<16xi32>, vector<16xi32>], vector<16xf32>,
            %add3A_413 = arith.addi %broadcast_in_dim3A_318, %broadcast_in_dim3A_411 : vector<16xi32>
            %add3A_414 = vector.broadcast %mul3A_331 : i32 to vector<16xi32>
            %add3A_415 = arith.addi %add3A_414, %iota3A : vector<16xi32>
            %gather3A_416 = tpu.vector_load_idx %arg10[%add3A_413, %add3A_415] : memref<64x640xf32, #tpu.memory_space<vmem>>[vector<16xi32>, vector<16xi32>], vector<16xf32>,
            %max3A_417 = arith.constant 0.000000e+00 : f32
            %max3A_418 = vector.broadcast %max3A_417 : f32 to vector<16xf32>
            %max3A_419 = arith.maximumf %gather3A_412, %max3A_418 : vector<16xf32>
            %mul3A_420 = arith.mulf %max3A_419, %gather3A_416 : vector<16xf32>
            %jit3A_421 = arith.constant 0.000000e+00 : f32
            %broadcast_in_dim3A_422 = vector.broadcast %jit3A_421 : f32 to vector<16xf32>
            %select_n3A_423 = arith.select %and3A_344, %mul3A_420, %broadcast_in_dim3A_422 : vector<16xi1>, vector<16xf32>
            %add3A_424 = arith.addf %add3A_409, %select_n3A_423 : vector<16xf32>
            %broadcast_in_dim3A_425 = arith.constant 5 : i32
            %broadcast_in_dim3A_426 = vector.broadcast %broadcast_in_dim3A_425 : i32 to vector<16xi32>
            %gather3A_427 = tpu.vector_load_idx %arg8[%broadcast_in_dim3A_426, %min3A_350] : memref<8x64xf32, #tpu.memory_space<vmem>>[vector<16xi32>, vector<16xi32>], vector<16xf32>,
            %add3A_428 = arith.addi %broadcast_in_dim3A_318, %broadcast_in_dim3A_426 : vector<16xi32>
            %add3A_429 = vector.broadcast %mul3A_331 : i32 to vector<16xi32>
            %add3A_430 = arith.addi %add3A_429, %iota3A : vector<16xi32>
            %gather3A_431 = tpu.vector_load_idx %arg10[%add3A_428, %add3A_430] : memref<64x640xf32, #tpu.memory_space<vmem>>[vector<16xi32>, vector<16xi32>], vector<16xf32>,
            %max3A_432 = arith.constant 0.000000e+00 : f32
            %max3A_433 = vector.broadcast %max3A_432 : f32 to vector<16xf32>
            %max3A_434 = arith.maximumf %gather3A_427, %max3A_433 : vector<16xf32>
            %mul3A_435 = arith.mulf %max3A_434, %gather3A_431 : vector<16xf32>
            %jit3A_436 = arith.constant 0.000000e+00 : f32
            %broadcast_in_dim3A_437 = vector.broadcast %jit3A_436 : f32 to vector<16xf32>
            %select_n3A_438 = arith.select %and3A_344, %mul3A_435, %broadcast_in_dim3A_437 : vector<16xi1>, vector<16xf32>
            %add3A_439 = arith.addf %add3A_424, %select_n3A_438 : vector<16xf32>
            %broadcast_in_dim3A_440 = arith.constant 6 : i32
            %broadcast_in_dim3A_441 = vector.broadcast %broadcast_in_dim3A_440 : i32 to vector<16xi32>
            %gather3A_442 = tpu.vector_load_idx %arg8[%broadcast_in_dim3A_441, %min3A_350] : memref<8x64xf32, #tpu.memory_space<vmem>>[vector<16xi32>, vector<16xi32>], vector<16xf32>,
            %add3A_443 = arith.addi %broadcast_in_dim3A_318, %broadcast_in_dim3A_441 : vector<16xi32>
            %add3A_444 = vector.broadcast %mul3A_331 : i32 to vector<16xi32>
            %add3A_445 = arith.addi %add3A_444, %iota3A : vector<16xi32>
            %gather3A_446 = tpu.vector_load_idx %arg10[%add3A_443, %add3A_445] : memref<64x640xf32, #tpu.memory_space<vmem>>[vector<16xi32>, vector<16xi32>], vector<16xf32>,
            %max3A_447 = arith.constant 0.000000e+00 : f32
            %max3A_448 = vector.broadcast %max3A_447 : f32 to vector<16xf32>
            %max3A_449 = arith.maximumf %gather3A_442, %max3A_448 : vector<16xf32>
            %mul3A_450 = arith.mulf %max3A_449, %gather3A_446 : vector<16xf32>
            %jit3A_451 = arith.constant 0.000000e+00 : f32
            %broadcast_in_dim3A_452 = vector.broadcast %jit3A_451 : f32 to vector<16xf32>
            %select_n3A_453 = arith.select %and3A_344, %mul3A_450, %broadcast_in_dim3A_452 : vector<16xi1>, vector<16xf32>
            %add3A_454 = arith.addf %add3A_439, %select_n3A_453 : vector<16xf32>
            %broadcast_in_dim3A_455 = arith.constant 7 : i32
            %broadcast_in_dim3A_456 = vector.broadcast %broadcast_in_dim3A_455 : i32 to vector<16xi32>
            %gather3A_457 = tpu.vector_load_idx %arg8[%broadcast_in_dim3A_456, %min3A_350] : memref<8x64xf32, #tpu.memory_space<vmem>>[vector<16xi32>, vector<16xi32>], vector<16xf32>,
            %add3A_458 = arith.addi %broadcast_in_dim3A_318, %broadcast_in_dim3A_456 : vector<16xi32>
            %add3A_459 = vector.broadcast %mul3A_331 : i32 to vector<16xi32>
            %add3A_460 = arith.addi %add3A_459, %iota3A : vector<16xi32>
            %gather3A_461 = tpu.vector_load_idx %arg10[%add3A_458, %add3A_460] : memref<64x640xf32, #tpu.memory_space<vmem>>[vector<16xi32>, vector<16xi32>], vector<16xf32>,
            %max3A_462 = arith.constant 0.000000e+00 : f32
            %max3A_463 = vector.broadcast %max3A_462 : f32 to vector<16xf32>
            %max3A_464 = arith.maximumf %gather3A_457, %max3A_463 : vector<16xf32>
            %mul3A_465 = arith.mulf %max3A_464, %gather3A_461 : vector<16xf32>
            %jit3A_466 = arith.constant 0.000000e+00 : f32
            %broadcast_in_dim3A_467 = vector.broadcast %jit3A_466 : f32 to vector<16xf32>
            %select_n3A_468 = arith.select %and3A_344, %mul3A_465, %broadcast_in_dim3A_467 : vector<16xi1>, vector<16xf32>
            %add3A_469 = arith.addf %add3A_454, %select_n3A_468 : vector<16xf32>
            %get3A_470 = arith.index_cast %mul3A_331 : i32 to index
            %get3A_471 = tpu.vector_load %arg12[%get3A_470] {strides = array<i32>} : memref<640xf32, #tpu.memory_space<vmem>>, vector<16xf32>,
            %add3A_472 = arith.addf %get3A_471, %add3A_469 : vector<16xf32>
            %swap3A_473 = arith.index_cast %mul3A_331 : i32 to index
            %swap3A_474 = tpu.vector_load %arg12[%swap3A_473] {strides = array<i32>} : memref<640xf32, #tpu.memory_space<vmem>>, vector<16xf32>,
            tpu.vector_store %arg12[%swap3A_473], %add3A_472 {strides = array<i32>} : memref<640xf32, #tpu.memory_space<vmem>>, vector<16xf32>,
          }
          %while3A_328 = arith.constant 1 : i32
          scf.for %while3A_329 = %while3A_326 to %while3A_322 step %while3A_328  : i32 {
            %mul3A_330 = arith.constant 16 : i32
            %mul3A_331 = arith.muli %while3A_329, %mul3A_330 : i32
            %get3A = arith.index_cast %mul3A_331 : i32 to index
            %get3A_332 = tpu.vector_load %arg13[%get3A] {strides = array<i32>} : memref<640xi32, #tpu.memory_space<vmem>>, vector<16xi32>,
            %sub3A_333 = arith.constant 999936 : i32
            %sub3A_334 = vector.broadcast %sub3A_333 : i32 to vector<16xi32>
            %sub3A_335 = arith.subi %get3A_332, %sub3A_334 : vector<16xi32>
            %ge3A = arith.constant 0 : i32
            %ge3A_336 = vector.broadcast %ge3A : i32 to vector<16xi32>
            %ge3A_337 = arith.cmpi sge, %sub3A_335, %ge3A_336 : vector<16xi32>
            %lt3A = arith.constant 64 : i32
            %lt3A_338 = vector.broadcast %lt3A : i32 to vector<16xi32>
            %lt3A_339 = arith.cmpi slt, %sub3A_335, %lt3A_338 : vector<16xi32>
            %and3A_340 = arith.andi %ge3A_337, %lt3A_339 : vector<16xi1>
            %add3A_341 = vector.broadcast %mul3A_331 : i32 to vector<16xi32>
            %add3A_342 = arith.addi %add3A_341, %iota3A : vector<16xi32>
            %lt3A_343 = arith.cmpi slt, %add3A_342, %broadcast_in_dim3A_248 : vector<16xi32>
            %and3A_344 = arith.andi %and3A_340, %lt3A_343 : vector<16xi1>
            %jit3A_345 = arith.constant 0 : i32
            %jit3A_346 = arith.constant 63 : i32
            %max3A_347 = vector.broadcast %jit3A_345 : i32 to vector<16xi32>
            %max3A_348 = arith.maxsi %max3A_347, %sub3A_335 : vector<16xi32>
            %min3A_349 = vector.broadcast %jit3A_346 : i32 to vector<16xi32>
            %min3A_350 = arith.minsi %min3A_349, %max3A_348 : vector<16xi32>
            %broadcast_in_dim3A_351 = arith.constant 0 : i32
            %broadcast_in_dim3A_352 = vector.broadcast %broadcast_in_dim3A_351 : i32 to vector<16xi32>
            %gather3A = tpu.vector_load_idx %arg8[%broadcast_in_dim3A_352, %min3A_350] : memref<8x64xf32, #tpu.memory_space<vmem>>[vector<16xi32>, vector<16xi32>], vector<16xf32>,
            %add3A_353 = arith.addi %broadcast_in_dim3A_318, %broadcast_in_dim3A_352 : vector<16xi32>
            %add3A_354 = vector.broadcast %mul3A_331 : i32 to vector<16xi32>
            %add3A_355 = arith.addi %add3A_354, %iota3A : vector<16xi32>
            %gather3A_356 = tpu.vector_load_idx %arg10[%add3A_353, %add3A_355] : memref<64x640xf32, #tpu.memory_space<vmem>>[vector<16xi32>, vector<16xi32>], vector<16xf32>,
            %max3A_357 = arith.constant 0.000000e+00 : f32
            %max3A_358 = vector.broadcast %max3A_357 : f32 to vector<16xf32>
            %max3A_359 = arith.maximumf %gather3A, %max3A_358 : vector<16xf32>
            %mul3A_360 = arith.mulf %max3A_359, %gather3A_356 : vector<16xf32>
            %jit3A_361 = arith.constant 0.000000e+00 : f32
            %broadcast_in_dim3A_362 = vector.broadcast %jit3A_361 : f32 to vector<16xf32>
            %select_n3A_363 = arith.select %and3A_344, %mul3A_360, %broadcast_in_dim3A_362 : vector<16xi1>, vector<16xf32>
            %add3A_364 = arith.addf %broadcast_in_dim3A_21, %select_n3A_363 : vector<16xf32>
            %broadcast_in_dim3A_365 = arith.constant 1 : i32
            %broadcast_in_dim3A_366 = vector.broadcast %broadcast_in_dim3A_365 : i32 to vector<16xi32>
            %gather3A_367 = tpu.vector_load_idx %arg8[%broadcast_in_dim3A_366, %min3A_350] : memref<8x64xf32, #tpu.memory_space<vmem>>[vector<16xi32>, vector<16xi32>], vector<16xf32>,
            %add3A_368 = arith.addi %broadcast_in_dim3A_318, %broadcast_in_dim3A_366 : vector<16xi32>
            %add3A_369 = vector.broadcast %mul3A_331 : i32 to vector<16xi32>
            %add3A_370 = arith.addi %add3A_369, %iota3A : vector<16xi32>
            %gather3A_371 = tpu.vector_load_idx %arg10[%add3A_368, %add3A_370] : memref<64x640xf32, #tpu.memory_space<vmem>>[vector<16xi32>, vector<16xi32>], vector<16xf32>,
            %max3A_372 = arith.constant 0.000000e+00 : f32
            %max3A_373 = vector.broadcast %max3A_372 : f32 to vector<16xf32>
            %max3A_374 = arith.maximumf %gather3A_367, %max3A_373 : vector<16xf32>
            %mul3A_375 = arith.mulf %max3A_374, %gather3A_371 : vector<16xf32>
            %jit3A_376 = arith.constant 0.000000e+00 : f32
            %broadcast_in_dim3A_377 = vector.broadcast %jit3A_376 : f32 to vector<16xf32>
            %select_n3A_378 = arith.select %and3A_344, %mul3A_375, %broadcast_in_dim3A_377 : vector<16xi1>, vector<16xf32>
            %add3A_379 = arith.addf %add3A_364, %select_n3A_378 : vector<16xf32>
            %broadcast_in_dim3A_380 = arith.constant 2 : i32
            %broadcast_in_dim3A_381 = vector.broadcast %broadcast_in_dim3A_380 : i32 to vector<16xi32>
            %gather3A_382 = tpu.vector_load_idx %arg8[%broadcast_in_dim3A_381, %min3A_350] : memref<8x64xf32, #tpu.memory_space<vmem>>[vector<16xi32>, vector<16xi32>], vector<16xf32>,
            %add3A_383 = arith.addi %broadcast_in_dim3A_318, %broadcast_in_dim3A_381 : vector<16xi32>
            %add3A_384 = vector.broadcast %mul3A_331 : i32 to vector<16xi32>
            %add3A_385 = arith.addi %add3A_384, %iota3A : vector<16xi32>
            %gather3A_386 = tpu.vector_load_idx %arg10[%add3A_383, %add3A_385] : memref<64x640xf32, #tpu.memory_space<vmem>>[vector<16xi32>, vector<16xi32>], vector<16xf32>,
            %max3A_387 = arith.constant 0.000000e+00 : f32
            %max3A_388 = vector.broadcast %max3A_387 : f32 to vector<16xf32>
            %max3A_389 = arith.maximumf %gather3A_382, %max3A_388 : vector<16xf32>
            %mul3A_390 = arith.mulf %max3A_389, %gather3A_386 : vector<16xf32>
            %jit3A_391 = arith.constant 0.000000e+00 : f32
            %broadcast_in_dim3A_392 = vector.broadcast %jit3A_391 : f32 to vector<16xf32>
            %select_n3A_393 = arith.select %and3A_344, %mul3A_390, %broadcast_in_dim3A_392 : vector<16xi1>, vector<16xf32>
            %add3A_394 = arith.addf %add3A_379, %select_n3A_393 : vector<16xf32>
            %broadcast_in_dim3A_395 = arith.constant 3 : i32
            %broadcast_in_dim3A_396 = vector.broadcast %broadcast_in_dim3A_395 : i32 to vector<16xi32>
            %gather3A_397 = tpu.vector_load_idx %arg8[%broadcast_in_dim3A_396, %min3A_350] : memref<8x64xf32, #tpu.memory_space<vmem>>[vector<16xi32>, vector<16xi32>], vector<16xf32>,
            %add3A_398 = arith.addi %broadcast_in_dim3A_318, %broadcast_in_dim3A_396 : vector<16xi32>
            %add3A_399 = vector.broadcast %mul3A_331 : i32 to vector<16xi32>
            %add3A_400 = arith.addi %add3A_399, %iota3A : vector<16xi32>
            %gather3A_401 = tpu.vector_load_idx %arg10[%add3A_398, %add3A_400] : memref<64x640xf32, #tpu.memory_space<vmem>>[vector<16xi32>, vector<16xi32>], vector<16xf32>,
            %max3A_402 = arith.constant 0.000000e+00 : f32
            %max3A_403 = vector.broadcast %max3A_402 : f32 to vector<16xf32>
            %max3A_404 = arith.maximumf %gather3A_397, %max3A_403 : vector<16xf32>
            %mul3A_405 = arith.mulf %max3A_404, %gather3A_401 : vector<16xf32>
            %jit3A_406 = arith.constant 0.000000e+00 : f32
            %broadcast_in_dim3A_407 = vector.broadcast %jit3A_406 : f32 to vector<16xf32>
            %select_n3A_408 = arith.select %and3A_344, %mul3A_405, %broadcast_in_dim3A_407 : vector<16xi1>, vector<16xf32>
            %add3A_409 = arith.addf %add3A_394, %select_n3A_408 : vector<16xf32>
            %broadcast_in_dim3A_410 = arith.constant 4 : i32
            %broadcast_in_dim3A_411 = vector.broadcast %broadcast_in_dim3A_410 : i32 to vector<16xi32>
            %gather3A_412 = tpu.vector_load_idx %arg8[%broadcast_in_dim3A_411, %min3A_350] : memref<8x64xf32, #tpu.memory_space<vmem>>[vector<16xi32>, vector<16xi32>], vector<16xf32>,
            %add3A_413 = arith.addi %broadcast_in_dim3A_318, %broadcast_in_dim3A_411 : vector<16xi32>
            %add3A_414 = vector.broadcast %mul3A_331 : i32 to vector<16xi32>
            %add3A_415 = arith.addi %add3A_414, %iota3A : vector<16xi32>
            %gather3A_416 = tpu.vector_load_idx %arg10[%add3A_413, %add3A_415] : memref<64x640xf32, #tpu.memory_space<vmem>>[vector<16xi32>, vector<16xi32>], vector<16xf32>,
            %max3A_417 = arith.constant 0.000000e+00 : f32
            %max3A_418 = vector.broadcast %max3A_417 : f32 to vector<16xf32>
            %max3A_419 = arith.maximumf %gather3A_412, %max3A_418 : vector<16xf32>
            %mul3A_420 = arith.mulf %max3A_419, %gather3A_416 : vector<16xf32>
            %jit3A_421 = arith.constant 0.000000e+00 : f32
            %broadcast_in_dim3A_422 = vector.broadcast %jit3A_421 : f32 to vector<16xf32>
            %select_n3A_423 = arith.select %and3A_344, %mul3A_420, %broadcast_in_dim3A_422 : vector<16xi1>, vector<16xf32>
            %add3A_424 = arith.addf %add3A_409, %select_n3A_423 : vector<16xf32>
            %broadcast_in_dim3A_425 = arith.constant 5 : i32
            %broadcast_in_dim3A_426 = vector.broadcast %broadcast_in_dim3A_425 : i32 to vector<16xi32>
            %gather3A_427 = tpu.vector_load_idx %arg8[%broadcast_in_dim3A_426, %min3A_350] : memref<8x64xf32, #tpu.memory_space<vmem>>[vector<16xi32>, vector<16xi32>], vector<16xf32>,
            %add3A_428 = arith.addi %broadcast_in_dim3A_318, %broadcast_in_dim3A_426 : vector<16xi32>
            %add3A_429 = vector.broadcast %mul3A_331 : i32 to vector<16xi32>
            %add3A_430 = arith.addi %add3A_429, %iota3A : vector<16xi32>
            %gather3A_431 = tpu.vector_load_idx %arg10[%add3A_428, %add3A_430] : memref<64x640xf32, #tpu.memory_space<vmem>>[vector<16xi32>, vector<16xi32>], vector<16xf32>,
            %max3A_432 = arith.constant 0.000000e+00 : f32
            %max3A_433 = vector.broadcast %max3A_432 : f32 to vector<16xf32>
            %max3A_434 = arith.maximumf %gather3A_427, %max3A_433 : vector<16xf32>
            %mul3A_435 = arith.mulf %max3A_434, %gather3A_431 : vector<16xf32>
            %jit3A_436 = arith.constant 0.000000e+00 : f32
            %broadcast_in_dim3A_437 = vector.broadcast %jit3A_436 : f32 to vector<16xf32>
            %select_n3A_438 = arith.select %and3A_344, %mul3A_435, %broadcast_in_dim3A_437 : vector<16xi1>, vector<16xf32>
            %add3A_439 = arith.addf %add3A_424, %select_n3A_438 : vector<16xf32>
            %broadcast_in_dim3A_440 = arith.constant 6 : i32
            %broadcast_in_dim3A_441 = vector.broadcast %broadcast_in_dim3A_440 : i32 to vector<16xi32>
            %gather3A_442 = tpu.vector_load_idx %arg8[%broadcast_in_dim3A_441, %min3A_350] : memref<8x64xf32, #tpu.memory_space<vmem>>[vector<16xi32>, vector<16xi32>], vector<16xf32>,
            %add3A_443 = arith.addi %broadcast_in_dim3A_318, %broadcast_in_dim3A_441 : vector<16xi32>
            %add3A_444 = vector.broadcast %mul3A_331 : i32 to vector<16xi32>
            %add3A_445 = arith.addi %add3A_444, %iota3A : vector<16xi32>
            %gather3A_446 = tpu.vector_load_idx %arg10[%add3A_443, %add3A_445] : memref<64x640xf32, #tpu.memory_space<vmem>>[vector<16xi32>, vector<16xi32>], vector<16xf32>,
            %max3A_447 = arith.constant 0.000000e+00 : f32
            %max3A_448 = vector.broadcast %max3A_447 : f32 to vector<16xf32>
            %max3A_449 = arith.maximumf %gather3A_442, %max3A_448 : vector<16xf32>
            %mul3A_450 = arith.mulf %max3A_449, %gather3A_446 : vector<16xf32>
            %jit3A_451 = arith.constant 0.000000e+00 : f32
            %broadcast_in_dim3A_452 = vector.broadcast %jit3A_451 : f32 to vector<16xf32>
            %select_n3A_453 = arith.select %and3A_344, %mul3A_450, %broadcast_in_dim3A_452 : vector<16xi1>, vector<16xf32>
            %add3A_454 = arith.addf %add3A_439, %select_n3A_453 : vector<16xf32>
            %broadcast_in_dim3A_455 = arith.constant 7 : i32
            %broadcast_in_dim3A_456 = vector.broadcast %broadcast_in_dim3A_455 : i32 to vector<16xi32>
            %gather3A_457 = tpu.vector_load_idx %arg8[%broadcast_in_dim3A_456, %min3A_350] : memref<8x64xf32, #tpu.memory_space<vmem>>[vector<16xi32>, vector<16xi32>], vector<16xf32>,
            %add3A_458 = arith.addi %broadcast_in_dim3A_318, %broadcast_in_dim3A_456 : vector<16xi32>
            %add3A_459 = vector.broadcast %mul3A_331 : i32 to vector<16xi32>
            %add3A_460 = arith.addi %add3A_459, %iota3A : vector<16xi32>
            %gather3A_461 = tpu.vector_load_idx %arg10[%add3A_458, %add3A_460] : memref<64x640xf32, #tpu.memory_space<vmem>>[vector<16xi32>, vector<16xi32>], vector<16xf32>,
            %max3A_462 = arith.constant 0.000000e+00 : f32
            %max3A_463 = vector.broadcast %max3A_462 : f32 to vector<16xf32>
            %max3A_464 = arith.maximumf %gather3A_457, %max3A_463 : vector<16xf32>
            %mul3A_465 = arith.mulf %max3A_464, %gather3A_461 : vector<16xf32>
            %jit3A_466 = arith.constant 0.000000e+00 : f32
            %broadcast_in_dim3A_467 = vector.broadcast %jit3A_466 : f32 to vector<16xf32>
            %select_n3A_468 = arith.select %and3A_344, %mul3A_465, %broadcast_in_dim3A_467 : vector<16xi1>, vector<16xf32>
            %add3A_469 = arith.addf %add3A_454, %select_n3A_468 : vector<16xf32>
            %get3A_470 = arith.index_cast %mul3A_331 : i32 to index
            %get3A_471 = tpu.vector_load %arg12[%get3A_470] {strides = array<i32>} : memref<640xf32, #tpu.memory_space<vmem>>, vector<16xf32>,
            %add3A_472 = arith.addf %get3A_471, %add3A_469 : vector<16xf32>
            %swap3A_473 = arith.index_cast %mul3A_331 : i32 to index
            %swap3A_474 = tpu.vector_load %arg12[%swap3A_473] {strides = array<i32>} : memref<640xf32, #tpu.memory_space<vmem>>, vector<16xf32>,
            tpu.vector_store %arg12[%swap3A_473], %add3A_472 {strides = array<i32>} : memref<640xf32, #tpu.memory_space<vmem>>, vector<16xf32>,
          }
        }
        %scan3A_312 = arith.constant 8 : i32
      } else {
      }
      %while3A_295 = arith.constant 0 : i32
      %while3A_296 = arith.constant 0 : i32
      %while3A_297 = arith.subi %select_n3A_221, %while3A_296 : i32
      %while3A_298 = arith.addi %while3A_296, %while3A_297 : i32
      %while3A_299 = arith.constant 1 : i32
      %while3A_300 = arith.divsi %while3A_297, %while3A_299 : i32
      %while3A_301 = arith.muli %while3A_300, %while3A_299 : i32
      %while3A_302 = arith.addi %while3A_296, %while3A_301 : i32
      %while3A_303 = arith.constant 1 : i32
      scf.for %while3A_307 = %while3A_296 to %while3A_302 step %while3A_303  : i32 {
        %mul3A_308 = arith.constant 128 : i32
        %mul3A_309 = arith.muli %while3A_307, %mul3A_308 : i32
        "tpu.region"() ({
          %run_scoped3A = tpu.sem_alloc : memref<!tpu.dma_semaphore, #tpu.memory_space<semaphore_mem>>
          %dma_start3A_310 = tpu.memref_slice %arg12[%mul3A_309] : memref<640xf32, #tpu.memory_space<vmem>> -> memref<128xf32, #tpu.memory_space<vmem>>
          %dma_start3A_311 = arith.constant 0 : i32
          %dma_start3A_312 = tpu.memref_slice %arg15[%while3A_307, %dma_start3A_311] : memref<5x128xi32, #tpu.memory_space<vmem>> -> memref<1x128xi32, #tpu.memory_space<vmem>>
          %dma_start3A_313 = tpu.memref_squeeze %dma_start3A_312 : memref<1x128xi32, #tpu.memory_space<vmem>> -> memref<128xi32, #tpu.memory_space<vmem>>
          %dma_start3A_314 = arith.constant 0 : i32
          %dma_start3A_315 = tpu.memref_slice %arg21[%dma_start3A_314] : memref<16384xf32, #tpu.memory_space<vmem_shared>> -> memref<16384xf32, #tpu.memory_space<vmem_shared>>
          tpu.enqueue_indirect_dma source(%dma_start3A_310 : memref<128xf32, #tpu.memory_space<vmem>>) target(%dma_start3A_315 : memref<16384xf32, #tpu.memory_space<vmem_shared>>) offsets(%dma_start3A_313 : memref<128xi32, #tpu.memory_space<vmem>>) semaphore(%run_scoped3A : memref<!tpu.dma_semaphore, #tpu.memory_space<semaphore_mem>>) {add = true}
          %dma_wait3A = tpu.memref_slice %arg12[%mul3A_309] : memref<640xf32, #tpu.memory_space<vmem>> -> memref<128xf32, #tpu.memory_space<vmem>>
          %dma_wait3A_316 = arith.constant 0 : i32
          %dma_wait3A_317 = tpu.memref_slice %arg15[%while3A_307, %dma_wait3A_316] : memref<5x128xi32, #tpu.memory_space<vmem>> -> memref<1x128xi32, #tpu.memory_space<vmem>>
          %dma_wait3A_318 = tpu.memref_squeeze %dma_wait3A_317 : memref<1x128xi32, #tpu.memory_space<vmem>> -> memref<128xi32, #tpu.memory_space<vmem>>
          %dma_wait3A_319 = arith.constant 0 : i32
          %dma_wait3A_320 = tpu.memref_slice %arg21[%dma_wait3A_319] : memref<16384xf32, #tpu.memory_space<vmem_shared>> -> memref<16384xf32, #tpu.memory_space<vmem_shared>>
          tpu.wait_indirect_dma semaphore(%run_scoped3A : memref<!tpu.dma_semaphore, #tpu.memory_space<semaphore_mem>>) src(%dma_wait3A : memref<128xf32, #tpu.memory_space<vmem>>) dst(%dma_wait3A_320 : memref<16384xf32, #tpu.memory_space<vmem_shared>>)
          tpu.yield
        }) : () -> ()
      }
      %while3A_304 = arith.constant 1 : i32
      scf.for %while3A_307 = %while3A_302 to %while3A_298 step %while3A_304  : i32 {
        %mul3A_308 = arith.constant 128 : i32
        %mul3A_309 = arith.muli %while3A_307, %mul3A_308 : i32
        "tpu.region"() ({
          %run_scoped3A = tpu.sem_alloc : memref<!tpu.dma_semaphore, #tpu.memory_space<semaphore_mem>>
          %dma_start3A_310 = tpu.memref_slice %arg12[%mul3A_309] : memref<640xf32, #tpu.memory_space<vmem>> -> memref<128xf32, #tpu.memory_space<vmem>>
          %dma_start3A_311 = arith.constant 0 : i32
          %dma_start3A_312 = tpu.memref_slice %arg15[%while3A_307, %dma_start3A_311] : memref<5x128xi32, #tpu.memory_space<vmem>> -> memref<1x128xi32, #tpu.memory_space<vmem>>
          %dma_start3A_313 = tpu.memref_squeeze %dma_start3A_312 : memref<1x128xi32, #tpu.memory_space<vmem>> -> memref<128xi32, #tpu.memory_space<vmem>>
          %dma_start3A_314 = arith.constant 0 : i32
          %dma_start3A_315 = tpu.memref_slice %arg21[%dma_start3A_314] : memref<16384xf32, #tpu.memory_space<vmem_shared>> -> memref<16384xf32, #tpu.memory_space<vmem_shared>>
          tpu.enqueue_indirect_dma source(%dma_start3A_310 : memref<128xf32, #tpu.memory_space<vmem>>) target(%dma_start3A_315 : memref<16384xf32, #tpu.memory_space<vmem_shared>>) offsets(%dma_start3A_313 : memref<128xi32, #tpu.memory_space<vmem>>) semaphore(%run_scoped3A : memref<!tpu.dma_semaphore, #tpu.memory_space<semaphore_mem>>) {add = true}
          %dma_wait3A = tpu.memref_slice %arg12[%mul3A_309] : memref<640xf32, #tpu.memory_space<vmem>> -> memref<128xf32, #tpu.memory_space<vmem>>
          %dma_wait3A_316 = arith.constant 0 : i32
          %dma_wait3A_317 = tpu.memref_slice %arg15[%while3A_307, %dma_wait3A_316] : memref<5x128xi32, #tpu.memory_space<vmem>> -> memref<1x128xi32, #tpu.memory_space<vmem>>
          %dma_wait3A_318 = tpu.memref_squeeze %dma_wait3A_317 : memref<1x128xi32, #tpu.memory_space<vmem>> -> memref<128xi32, #tpu.memory_space<vmem>>
          %dma_wait3A_319 = arith.constant 0 : i32
          %dma_wait3A_320 = tpu.memref_slice %arg21[%dma_wait3A_319] : memref<16384xf32, #tpu.memory_space<vmem_shared>> -> memref<16384xf32, #tpu.memory_space<vmem_shared>>
          tpu.wait_indirect_dma semaphore(%run_scoped3A : memref<!tpu.dma_semaphore, #tpu.memory_space<semaphore_mem>>) src(%dma_wait3A : memref<128xf32, #tpu.memory_space<vmem>>) dst(%dma_wait3A_320 : memref<16384xf32, #tpu.memory_space<vmem_shared>>)
          tpu.yield
        }) : () -> ()
      }
      %add3A_305 = arith.constant 1 : i32
      %add3A_306 = arith.addi %while3A_38, %add3A_305 : i32
      scf.yield %add3A_306, %reduce_max3A_187 : i32, i32
    }
    %barrier3A_33 = arith.constant 0 : index
    tpu.barrier barrier_id(%barrier3A_33)
    %mul3A_34 = arith.constant 1024 : i32
    %mul3A_35 = arith.muli %arg1, %mul3A_34 : i32
    %mul3A_36 = arith.constant 1024 : i32
    %mul3A_37 = arith.muli %arg1, %mul3A_36 : i32
    "tpu.region"() ({
      %run_scoped3A = tpu.sem_alloc : memref<!tpu.dma_semaphore, #tpu.memory_space<semaphore_mem>>
      %dma_start3A = tpu.memref_slice %arg6[%arg0, %mul3A_37] : memref<2x16384xf32, #tpu.memory_space<hbm>> -> memref<1x1024xf32, #tpu.memory_space<hbm>>
      %dma_start3A_38 = tpu.memref_squeeze %dma_start3A : memref<1x1024xf32, #tpu.memory_space<hbm>> -> memref<1024xf32, #tpu.memory_space<hbm>>
      %dma_start3A_39 = tpu.memref_slice %arg21[%mul3A_35] : memref<16384xf32, #tpu.memory_space<vmem_shared>> -> memref<1024xf32, #tpu.memory_space<vmem_shared>>
      tpu.enqueue_dma source(%dma_start3A_39 : memref<1024xf32, #tpu.memory_space<vmem_shared>>) target(%dma_start3A_38 : memref<1024xf32, #tpu.memory_space<hbm>>) target_semaphore(%run_scoped3A : memref<!tpu.dma_semaphore, #tpu.memory_space<semaphore_mem>>)
      %dma_wait3A = tpu.memref_slice %arg6[%arg0, %mul3A_37] : memref<2x16384xf32, #tpu.memory_space<hbm>> -> memref<1x1024xf32, #tpu.memory_space<hbm>>
      %dma_wait3A_40 = tpu.memref_squeeze %dma_wait3A : memref<1x1024xf32, #tpu.memory_space<hbm>> -> memref<1024xf32, #tpu.memory_space<hbm>>
      %dma_wait3A_41 = tpu.memref_slice %arg21[%mul3A_35] : memref<16384xf32, #tpu.memory_space<vmem_shared>> -> memref<1024xf32, #tpu.memory_space<vmem_shared>>
      tpu.wait_dma2 semaphore(%run_scoped3A : memref<!tpu.dma_semaphore, #tpu.memory_space<semaphore_mem>>) src(%dma_wait3A_41 : memref<1024xf32, #tpu.memory_space<vmem_shared>>) dst(%dma_wait3A_40 : memref<1024xf32, #tpu.memory_space<hbm>>)
      tpu.yield
    }) : () -> ()
    return
  }
}

#map = affine_map<(d0, d1) -> (0, 0)>
#map1 = affine_map<(d0, d1) -> (0)>
module attributes {stable_mosaic.version = 14 : i64} {
  func.func @_body_merge(%arg0: i32, %arg1: i32, %arg2: memref<2x16384xf32, #tpu.memory_space<hbm>>, %arg3: memref<16384xf32, #tpu.memory_space<hbm>>, %arg4: memref<512xf32, #tpu.memory_space<vmem>>, %arg5: memref<512xf32, #tpu.memory_space<vmem>>, %arg6: memref<512xf32, #tpu.memory_space<vmem>>, %arg7: memref<!tpu.dma_semaphore, #tpu.memory_space<semaphore_mem>>) attributes {dimension_semantics = [#tpu.dimension_semantics<core_parallel>, #tpu.dimension_semantics<subcore_parallel>], iteration_bounds = array<i64: 2, 16>, scalar_prefetch = 0 : i64, scratch_operands = 4 : i64, tpu.core_type = #tpu.core_type<sc_vector_subcore>, window_params = [{transform_indices = #map}, {transform_indices = #map1}]} {
    %mul3A = arith.constant 2 : i32
    %mul3A_0 = arith.muli %arg1, %mul3A : i32
    %add3A = arith.addi %mul3A_0, %arg0 : i32
    %mul3A_1 = arith.constant 512 : i32
    %mul3A_2 = arith.muli %add3A, %mul3A_1 : i32
    %run_scoped3A = arith.constant 0 : i32
    "tpu.region"() ({
      %run_scoped3A_9 = tpu.sem_alloc : memref<!tpu.dma_semaphore, #tpu.memory_space<semaphore_mem>>
      %dma_start3A = tpu.memref_slice %arg2[%run_scoped3A, %mul3A_2] : memref<2x16384xf32, #tpu.memory_space<hbm>> -> memref<1x512xf32, #tpu.memory_space<hbm>>
      %dma_start3A_10 = tpu.memref_squeeze %dma_start3A : memref<1x512xf32, #tpu.memory_space<hbm>> -> memref<512xf32, #tpu.memory_space<hbm>>
      %dma_start3A_11 = tpu.memref_slice %arg2[%run_scoped3A, %mul3A_2] : memref<2x16384xf32, #tpu.memory_space<hbm>> -> memref<1x512xf32, #tpu.memory_space<hbm>>
      %dma_start3A_12 = tpu.memref_squeeze %dma_start3A_11 : memref<1x512xf32, #tpu.memory_space<hbm>> -> memref<512xf32, #tpu.memory_space<hbm>>
      tpu.enqueue_dma source(%dma_start3A_12 : memref<512xf32, #tpu.memory_space<hbm>>) target(%arg4 : memref<512xf32, #tpu.memory_space<vmem>>) target_semaphore(%run_scoped3A_9 : memref<!tpu.dma_semaphore, #tpu.memory_space<semaphore_mem>>)
      %dma_wait3A = tpu.memref_slice %arg2[%run_scoped3A, %mul3A_2] : memref<2x16384xf32, #tpu.memory_space<hbm>> -> memref<1x512xf32, #tpu.memory_space<hbm>>
      %dma_wait3A_13 = tpu.memref_squeeze %dma_wait3A : memref<1x512xf32, #tpu.memory_space<hbm>> -> memref<512xf32, #tpu.memory_space<hbm>>
      %dma_wait3A_14 = tpu.memref_slice %arg2[%run_scoped3A, %mul3A_2] : memref<2x16384xf32, #tpu.memory_space<hbm>> -> memref<1x512xf32, #tpu.memory_space<hbm>>
      %dma_wait3A_15 = tpu.memref_squeeze %dma_wait3A_14 : memref<1x512xf32, #tpu.memory_space<hbm>> -> memref<512xf32, #tpu.memory_space<hbm>>
      tpu.wait_dma2 semaphore(%run_scoped3A_9 : memref<!tpu.dma_semaphore, #tpu.memory_space<semaphore_mem>>) src(%dma_wait3A_15 : memref<512xf32, #tpu.memory_space<hbm>>) dst(%arg4 : memref<512xf32, #tpu.memory_space<vmem>>)
      tpu.yield
    }) : () -> ()
    %run_scoped3A_3 = arith.constant 1 : i32
    "tpu.region"() ({
      %run_scoped3A_9 = tpu.sem_alloc : memref<!tpu.dma_semaphore, #tpu.memory_space<semaphore_mem>>
      %dma_start3A = tpu.memref_slice %arg2[%run_scoped3A_3, %mul3A_2] : memref<2x16384xf32, #tpu.memory_space<hbm>> -> memref<1x512xf32, #tpu.memory_space<hbm>>
      %dma_start3A_10 = tpu.memref_squeeze %dma_start3A : memref<1x512xf32, #tpu.memory_space<hbm>> -> memref<512xf32, #tpu.memory_space<hbm>>
      %dma_start3A_11 = tpu.memref_slice %arg2[%run_scoped3A_3, %mul3A_2] : memref<2x16384xf32, #tpu.memory_space<hbm>> -> memref<1x512xf32, #tpu.memory_space<hbm>>
      %dma_start3A_12 = tpu.memref_squeeze %dma_start3A_11 : memref<1x512xf32, #tpu.memory_space<hbm>> -> memref<512xf32, #tpu.memory_space<hbm>>
      tpu.enqueue_dma source(%dma_start3A_12 : memref<512xf32, #tpu.memory_space<hbm>>) target(%arg5 : memref<512xf32, #tpu.memory_space<vmem>>) target_semaphore(%run_scoped3A_9 : memref<!tpu.dma_semaphore, #tpu.memory_space<semaphore_mem>>)
      %dma_wait3A = tpu.memref_slice %arg2[%run_scoped3A_3, %mul3A_2] : memref<2x16384xf32, #tpu.memory_space<hbm>> -> memref<1x512xf32, #tpu.memory_space<hbm>>
      %dma_wait3A_13 = tpu.memref_squeeze %dma_wait3A : memref<1x512xf32, #tpu.memory_space<hbm>> -> memref<512xf32, #tpu.memory_space<hbm>>
      %dma_wait3A_14 = tpu.memref_slice %arg2[%run_scoped3A_3, %mul3A_2] : memref<2x16384xf32, #tpu.memory_space<hbm>> -> memref<1x512xf32, #tpu.memory_space<hbm>>
      %dma_wait3A_15 = tpu.memref_squeeze %dma_wait3A_14 : memref<1x512xf32, #tpu.memory_space<hbm>> -> memref<512xf32, #tpu.memory_space<hbm>>
      tpu.wait_dma2 semaphore(%run_scoped3A_9 : memref<!tpu.dma_semaphore, #tpu.memory_space<semaphore_mem>>) src(%dma_wait3A_15 : memref<512xf32, #tpu.memory_space<hbm>>) dst(%arg5 : memref<512xf32, #tpu.memory_space<vmem>>)
      tpu.yield
    }) : () -> ()
    %scan3A = arith.constant 0 : i32
    %scan3A_4 = arith.constant 0 : i32
    %scan3A_5 = arith.constant 32 : i32
    %scan3A_6 = arith.addi %scan3A_4, %scan3A_5 : i32
    %scan3A_7 = arith.constant 1 : i32
    scf.for %scan3A_9 = %scan3A_4 to %scan3A_6 step %scan3A_7  : i32 {
      %mul3A_10 = arith.constant 16 : i32
      %mul3A_11 = arith.muli %scan3A_9, %mul3A_10 : i32
      %get3A = arith.index_cast %mul3A_11 : i32 to index
      %get3A_12 = tpu.vector_load %arg4[%get3A] {strides = array<i32>} : memref<512xf32, #tpu.memory_space<vmem>>, vector<16xf32>,
      %mul3A_13 = arith.constant 16 : i32
      %mul3A_14 = arith.muli %scan3A_9, %mul3A_13 : i32
      %get3A_15 = arith.index_cast %mul3A_14 : i32 to index
      %get3A_16 = tpu.vector_load %arg5[%get3A_15] {strides = array<i32>} : memref<512xf32, #tpu.memory_space<vmem>>, vector<16xf32>,
      %add3A_17 = arith.addf %get3A_12, %get3A_16 : vector<16xf32>
      %mul3A_18 = arith.constant 16 : i32
      %mul3A_19 = arith.muli %scan3A_9, %mul3A_18 : i32
      %swap3A = arith.index_cast %mul3A_19 : i32 to index
      %swap3A_20 = tpu.vector_load %arg6[%swap3A] {strides = array<i32>} : memref<512xf32, #tpu.memory_space<vmem>>, vector<16xf32>,
      tpu.vector_store %arg6[%swap3A], %add3A_17 {strides = array<i32>} : memref<512xf32, #tpu.memory_space<vmem>>, vector<16xf32>,
    }
    %scan3A_8 = arith.constant 32 : i32
    "tpu.region"() ({
      %run_scoped3A_9 = tpu.sem_alloc : memref<!tpu.dma_semaphore, #tpu.memory_space<semaphore_mem>>
      %dma_start3A = tpu.memref_slice %arg3[%mul3A_2] : memref<16384xf32, #tpu.memory_space<hbm>> -> memref<512xf32, #tpu.memory_space<hbm>>
      %dma_start3A_10 = tpu.memref_slice %arg3[%mul3A_2] : memref<16384xf32, #tpu.memory_space<hbm>> -> memref<512xf32, #tpu.memory_space<hbm>>
      tpu.enqueue_dma source(%arg6 : memref<512xf32, #tpu.memory_space<vmem>>) target(%dma_start3A_10 : memref<512xf32, #tpu.memory_space<hbm>>) target_semaphore(%run_scoped3A_9 : memref<!tpu.dma_semaphore, #tpu.memory_space<semaphore_mem>>)
      %dma_wait3A = tpu.memref_slice %arg3[%mul3A_2] : memref<16384xf32, #tpu.memory_space<hbm>> -> memref<512xf32, #tpu.memory_space<hbm>>
      %dma_wait3A_11 = tpu.memref_slice %arg3[%mul3A_2] : memref<16384xf32, #tpu.memory_space<hbm>> -> memref<512xf32, #tpu.memory_space<hbm>>
      tpu.wait_dma2 semaphore(%run_scoped3A_9 : memref<!tpu.dma_semaphore, #tpu.memory_space<semaphore_mem>>) src(%arg6 : memref<512xf32, #tpu.memory_space<vmem>>) dst(%dma_wait3A_11 : memref<512xf32, #tpu.memory_space<hbm>>)
      tpu.yield
    }) : () -> ()
    return
  }
}

</mosaic_0001>

<sc_bundles>
// kernel: _run.4.cloned.1.call-start
scs
__scs_entry_jumppad:
0x0: {  	(pc) =	sbr.rel $0x88, $3  }
0x1: {  	(tag) =	ssettag $0x0;
	lr =	simm.s32 $0x1  }
0x2: {  	[smem:$0x3F9D] =	sst lr;
	_ =	strace $0xD0000000  }
0x3: {  	_ = 	snop  }
0x4: {  	_ = 	snop  }
0x5: {  	_ = 	snop  }
0x6: {  	_ = 	snop  }
0x7: {  	_ = 	snop  }
__scs_overlays_trampoline_lowered:
0x8: {  	[smem:$0x3FAC] =	sst s0  }
0x9: {  	[smem:$0x3FAD] =	sst s1  }
0xa: {  	[smem:$0x3FAE] =	sst s2  }
0xb: {  	[smem:$0x3FAF] =	sst s3  }
0xc: {  	[smem:$0x3FB0] =	sst s4  }
0xd: {  	[smem:$0x3FB1] =	sst s5  }
0xe: {  	[smem:$0x3FB2] =	sst s6  }
0xf: {  	[smem:$0x3FB3] =	sst s7  }
0x10: {  	[smem:$0x3FB4] =	sst s8  }
0x11: {  	[smem:$0x3FB5] =	sst s9;
	s0 =	simm.s32 @!p0 $0x0  }
0x12: {  	s1 =	sld [smem:$0x3F9B];
	s0 =	simm.s32 @p0 $0x1  }
0x13: {  	[smem:$0x3FB6] =	sst s0;
	s0 =	simm.s32 @!p1 $0x0  }
0x14: {  	s2 =	sld [smem:$0x3F9A];
	s0 =	simm.s32 @p1 $0x1  }
0x15: {  	[smem:$0x3FB7] =	sst s0;
	s0 =	simm.s32 @!p2 $0x0  }
0x16: {  	s3 =	sld [smem:$0x3FDB];
	s0 =	simm.s32 @p2 $0x1  }
0x17: {  	s4 =	simm.s32 $0x1BF5;
	[smem:$0x3FB9] =	sst s0  }
0x18: {  	s0 =	sld [smem:$0x3F9C];
	_ =	swait.ge [sflag:s4], $0x0  }
0x19: {  	s7 =	sld [smem:$0x3F9D]  }
0x1a: {  	s8 =	sadd.s32 $0xFFFFE003, lr  }
0x1b: {  	s9 =	sadd.s32 $0xFFFFFEF7, lr;
	s5 =	simm.s32 $0xFFFFFFFF;
	p2 =	slt.u32 s8, $0xFFFFF086  }
0x1c: {  	p1 =	slt.u32 s9, $0xF7A;
	s5 =	simm.s32 @!p2 $0x0  }
0x1d: {  	s5 =	simm.s32 @p1 $0x1;
	p0 =	seq.s32 s7, s2  }
0x1e: {  	s7 =	smul.u32 @!p0 $0xF7A, s2;
	p2 =	seq.s32 @!p0 s5, $0x0  }
0x1f: {  	s9 =	smul.u32 $0xF7A, s1;
	s8 =	simm.s32 @!p0 $0x1BF5;
	p2 =	por !p2, p0  }
0x20: {  	[sflag:s8] =	ssyncset.s32 @!p0 $0xFFFFF086;
	s6 =	sadd.s32 @!p0 s3, s7;
	s7 =	simm.s32 @!p0 $0x108  }
0x21: {  	s3 =	sadd.s32 s3, s9;
	s6 =	sadd.s32 @!p0 $0x88, s6;
	s7 =	simm.s32 @p2 $0x1082  }
0x22: {  	[simem:s7], [sflag:s8] =	dma.local @!p0 [hbm:s6], $0xF7A  }
0x23: {  	s9 =	sor.u32 $0xD0000000, s2;
	s6 =	simm.s32 $0x108;
	_ =	swait.ge @!p0 [sflag:s8], $0x0  }
0x24: {  	s3 =	sadd.s32 $0x88, s3;
	s6 =	simm.s32 @!p1 $0x1082;
	[sflag:s4] =	ssyncset.s32 $0xFFFFF086  }
0x25: {  	[simem:s6], [sflag:s4] =	dma.local [hbm:s3], $0xF7A  }
0x26: {  	[smem:$0x3F9D] =	sst s1;
	(tag) =	ssettag s2;
	_ =	strace s9  }
0x27: {  	s1 =	sld [smem:$0x3FAD]  }
0x28: {  	s2 =	sld [smem:$0x3FAE]  }
0x29: {  	s4 =	sld [smem:$0x3FB0]  }
0x2a: {  	p0 =	seq.s32 s5, $0x0;
	s5 =	sld [smem:$0x3FB1]  }
0x2b: {  	s6 =	sld [smem:$0x3FB2]  }
0x2c: {  	s7 =	sld [smem:$0x3FB3]  }
0x2d: {  	s3 =	simm.s32 $0x108;
	s8 =	sld [smem:$0x3FB4]  }
0x2e: {  	s3 =	simm.s32 @!p0 $0x1082;
	s9 =	sld [smem:$0x3FB5]  }
0x2f: {  	lr =	sadd.s32 s0, s3;
	s0 =	sld [smem:$0x3FAC]  }
0x30: {  	s3 =	sld [smem:$0x3FAF]  }
0x31: {  	[smem:$0x3FB8] =	sst s10  }
0x32: {  	s10 =	sld [smem:$0x3FB6];
	_ =	sdelay $0x3  }
0x33: {  	p0 =	seq.s32 s10, $0x1;
	s10 =	sld [smem:$0x3FB8];
	_ =	sdelay $0x3  }
0x34: {  	[smem:$0x3FB8] =	sst s10  }
0x35: {  	s10 =	sld [smem:$0x3FB7];
	_ =	sdelay $0x3  }
0x36: {  	p1 =	seq.s32 s10, $0x1;
	s10 =	sld [smem:$0x3FB8];
	_ =	sdelay $0x3  }
0x37: {  	[smem:$0x3FB8] =	sst s10  }
0x38: {  	s10 =	sld [smem:$0x3FB9]  }
0x39: {  	_ = 	snop;
	(pc) =	sbr.ind lr, $3  }
0x3a: {  	_ = 	snop  }
0x3b: {  	_ = 	snop  }
0x3c: {  	p2 =	seq.s32 s10, $0x1;
	s10 =	sld [smem:$0x3FB8]  }
0x3d: {  	_ =	shalt  }
0x3e: {  	_ =	shalt  }
0x3f: {  	_ =	shalt  }
0x40: {  	_ =	shalt  }
0x41: {  	_ =	shalt  }
0x42: {  	_ =	shalt  }
0x43: {  	_ =	shalt  }
0x44: {  	_ =	shalt  }
0x45: {  	_ =	shalt  }
0x46: {  	_ =	shalt  }
0x47: {  	_ =	shalt  }
0x48: {  	_ =	shalt  }
0x49: {  	_ =	shalt  }
0x4a: {  	_ =	shalt  }
0x4b: {  	_ =	shalt  }
0x4c: {  	_ =	shalt  }
0x4d: {  	_ =	shalt  }
0x4e: {  	_ =	shalt  }
0x4f: {  	_ =	shalt  }
0x50: {  	_ =	shalt  }
0x51: {  	_ =	shalt  }
0x52: {  	_ =	shalt  }
0x53: {  	_ =	shalt  }
0x54: {  	_ =	shalt  }
0x55: {  	_ =	shalt  }
0x56: {  	_ =	shalt  }
0x57: {  	_ =	shalt  }
0x58: {  	_ =	shalt  }
0x59: {  	_ =	shalt  }
0x5a: {  	_ =	shalt  }
0x5b: {  	_ =	shalt  }
0x5c: {  	_ =	shalt  }
0x5d: {  	_ =	shalt  }
0x5e: {  	_ =	shalt  }
0x5f: {  	_ =	shalt  }
0x60: {  	_ =	shalt  }
0x61: {  	_ =	shalt  }
0x62: {  	_ =	shalt  }
0x63: {  	_ =	shalt  }
0x64: {  	_ =	shalt  }
0x65: {  	_ =	shalt  }
0x66: {  	_ =	shalt  }
0x67: {  	_ =	shalt  }
0x68: {  	_ =	shalt  }
0x69: {  	_ =	shalt  }
0x6a: {  	_ =	shalt  }
0x6b: {  	_ =	shalt  }
0x6c: {  	_ =	shalt  }
0x6d: {  	_ =	shalt  }
0x6e: {  	_ =	shalt  }
0x6f: {  	_ =	shalt  }
0x70: {  	_ =	shalt  }
0x71: {  	_ =	shalt  }
0x72: {  	_ =	shalt  }
0x73: {  	_ =	shalt  }
0x74: {  	_ =	shalt  }
0x75: {  	_ =	shalt  }
0x76: {  	_ =	shalt  }
0x77: {  	_ =	shalt  }
0x78: {  	_ =	shalt  }
0x79: {  	_ =	shalt  }
0x7a: {  	_ =	shalt  }
0x7b: {  	_ =	shalt  }
0x7c: {  	_ =	shalt  }
0x7d: {  	_ =	shalt  }
0x7e: {  	_ =	shalt  }
0x7f: {  	_ =	shalt  }
0x80: {  	_ =	shalt  }
0x81: {  	_ =	shalt  }
0x82: {  	_ =	shalt  }
0x83: {  	_ =	shalt  }
0x84: {  	_ =	shalt  }
0x85: {  	_ =	shalt  }
0x86: {  	_ =	shalt  }
0x87: {  	_ =	shalt  }
.Lfunc_end0:
.L_simem_size_0:
called_computation_lowered:
.L_overlay_start_0:
0x88: {  	s2 =	sld [smem:$0x3FD9]  }
0x89: {  	s3 =	sld [smem:$0x3FFE];
	_ =	sdelay $0x1  }
0x8a: {  	s1 =	srdreg.scid  }
0x8b: {  	s0 =	sand.u32 $0x1, s1  }
0x8c: {  	s17 =	sshll.u32 s0, $0xA;
	s2 =	sadd.s32 s3, s2  }
0x8d: {  	s2 =	sadd.s32 s2, s17  }
0x8e: {  	[smem:$0x3FC4] =	sst s2  }
0x8f: {  	_ = 	snop  }
0x90: {  	s2 =	sld [smem:$0x3FC9]  }
0x91: {  	s18 =	sld [smem:$0x3FC8]  }
0x92: {  	s4 =	sld [smem:$0x3FC6];
	(tm) =	ssettm $0x1  }
0x93: {  	s5 =	sld [smem:$0x3FFB];
	_ =	sdelay $0x3  }
0x94: {  	_ =	strace s5  }
0x95: {  	s5 =	sld [smem:$0x3FFC];
	_ =	sdelay $0x3  }
0x96: {  	_ =	strace s5  }
0x97: {  	s5 =	sld [smem:$0x3FFD];
	_ =	sdelay $0x3  }
0x98: {  	_ =	strace s5  }
0x99: {  	_ =	strace $0x8FFFFFFF  }
0x9a: {  	s19 =	sld [smem:$0x3FDB];
	_ =	sdelay $0x1  }
0x9b: {  	s6 =	simm.s32 $_scs_section_size  }
0x9c: {  	s7 =	simm.s32 $_size__tile_overlayer_lowered;
	s8 =	simm.s32 $_tile_overlayer_lowered  }
0x9d: {  	s22 =	simm.s32 $0x1BFF;
	s21 =	sshll.u32 s8, $0x1;
	s5 =	sadd.s32 s6, s19  }
0x9e: {  	s9 =	simm.s32 $0x0;
	s20 =	sshll.u32 s7, $0x1;
	s7 =	sadd.s32 s21, s5  }
0x9f: {  	[timem:s9], [sflag:s22] =	dma.local [hbm:s7], s20  }
0xa0: {  	_ =	swait.ge [sflag:s22], s20  }
0xa1: {  	s6 =	ssub.s32 $0x0, s20;
	[sflag:s22] =	ssyncset.done $0x0  }
0xa2: {  	[sflag:s22] =	ssyncadd.s32 s6;
	_ =	sdelay $0x1  }
0xa3: {  	s23 =	simm.s32 $0x1B8B  }
0xa4: {  	_ =	swait.ge [sflag:s23], $0x1  }
0xa5: {  	[sflag:s23] =	ssyncset.done $0x0  }
0xa6: {  	s25 =	simm.s32 $0x1B8E;
	s24 =	sld [smem:$0x3FFE];
	[sflag:s23] =	ssyncadd.s32 $0xFFFFFFFF  }
0xa7: {  	s26 =	simm.s32 $execute0_lowered;
	[smem:$0x3FD2] =	sst s25  }
0xa8: {  	s7 =	sshll.u32 s26, $0x1;
	_ =	strace $0x80000046;
	[dreg:$0x1] =	wrdreg $0xFFFFFFFF  }
0xa9: {  	s28 =	simm.s32 $_size_execute0_lowered;
	s5 =	sadd.s32 s5, s7;
	[dreg:$0x0] =	wrdreg $0x0  }
0xaa: {  	s7 =	sshll.u32 s28, $0x1;
	[dreg:$0x2] =	wrdreg s5  }
0xab: {  	[dreg:$0x3] =	wrdreg s7  }
0xac: {  	[dreg:$0x4] =	wrdreg $0xC0  }
0xad: {  	_ =	task [dreg:s9], $0x5FFFF  }
0xae: {  	[dreg:$0x1] =	wrdreg $0xFFFFFFFF  }
0xaf: {  	[dreg:$0x0] =	wrdreg $0x60  }
0xb0: {  	[dreg:$0x2] =	wrdreg s2  }
0xb1: {  	[dreg:$0x3] =	wrdreg s18  }
0xb2: {  	[dreg:$0x4] =	wrdreg s4  }
0xb3: {  	[dreg:$0x5] =	wrdreg s24  }
0xb4: {  	[dreg:$0x6] =	wrdreg $0x1C2000  }
0xb5: {  	[dreg:$0x7] =	wrdreg $0x9  }
0xb6: {  	_ =	task.clear_ibuf [dreg:s9], $0x8FFFF;
	_ =	strace $0x90000046  }
0xb7: {  	s29 =	simm.s32 $0x9;
	_ =	strace $0x80000048  }
0xb8: {  	_ =	swait.ge [sflag:s29], $0x1  }
0xb9: {  	[sflag:s29] =	ssyncadd.s32 $0xFFFFFFFF  }
0xba: {  	_ =	strace $0x90000048  }
0xbb: {  	_ =	sfence  }
0xbc: {  	s30 =	sld [smem:$0x0];
	_ =	sdelay $0x2  }
0xbd: {  	s31 =	sshll.u32 s1, $0xD;
	s1 =	sshrl.u32 s1, $0x2  }
0xbe: {  	s3 =	sand.u32 $0x4000, s31;
	s1 =	sadd.s32 s1, s30  }
0xbf: {  	s0 =	sor.u32 s3, s0;
	s1 =	sshll.u32 s1, $0x11  }
0xc0: {  	s0 =	sor.u32 s1, s0  }
0xc1: {  	s0 =	sadd.s32 $0x8F2B, s0  }
0xc2: {  	[sflag:s0] =	ssyncadd.remote.s32 $0x1  }
0xc3: {  	_ =	sfence.sel $0xFFFF  }
0xc4: {  	[dreg:$0x0] =	wrdreg $0xFFFFFFFF;
	(pc) =	sbr.abs _section_cstart, $3  }
0xc5: {  	[dreg:$0x1] =	wrdreg $0xFFFFFFFF  }
0xc6: {  	_ =	task.clear_ibuf [dreg:s9], $0x2FFFF;
	_ =	strace $0x9FFFFFFF  }
0xc7: {  	(tm) =	ssettm $0x7FFFFFFF  }
tec
execute0_lowered:
.L_overlay_start_1:
0x0: {  	(tag) =	ssettag $0x1  }
0x1: {  	s1 =	rddreg [dreg:$0x0]  }
0x2: {  	s2 =	rddreg [dreg:$0x1]  }
0x3: {  	s3 =	rddreg [dreg:$0x2]  }
0x4: {  	s0 =	rddreg [dreg:$0x3]  }
0x5: {  	s5 =	rddreg [dreg:$0x4];
	s6 =	simm.s32 $0x0;
	s4 =	srdreg.scid  }
0x6: {  	s14 =	stileid.u32;
	s28 =	simm.s32 $0x10400;
	s29 =	simm.s32 $0x1A800  }
0x7: {  	s30 =	simm.s32 $0xC000;
	s31 =	simm.s32 $0x80;
	[smem:$0x7FF] =	sst s6  }
0x8: {  	s4 =	sand.u32 $0x1, s4;
	s7 =	sshll.u32 s14, $0x1;
	s13 =	sshll.u32 s14, $0xA  }
0x9: {  	s16 =	sshll.u32 s14, $0x8;
	s21 =	sadd.s32 $0x10, s2;
	s22 =	sadd.s32 $0x20, s2  }
0xa: {  	s23 =	sadd.s32 $0x30, s2;
	_ =	strace $0x80000047;
	[dreg:$0xd] =	wrdreg s21  }
0xb: {  	s24 =	sadd.s32 $0x10, s1;
	s25 =	sadd.s32 $0x20, s1;
	[dreg:$0xe] =	wrdreg s22  }
0xc: {  	s26 =	sadd.s32 $0x30, s1;
	s9 =	sor.u32 s4, s7;
	[dreg:$0xf] =	wrdreg s23  }
0xd: {  	s8 =	sshll.u32 s4, $0x4;
	s4 =	ssub.s32 $0x2, s4;
	[dreg:$0x10] =	wrdreg s24  }
0xe: {  	s7 =	sadd.s32 $0x187200, s0;
	s13 =	sadd.s32 s13, s5;
	[dreg:$0x11] =	wrdreg s25  }
0xf: {  	[dreg:$0x12] =	wrdreg s26;
	s23 =	simm.s32 $0x3;
	s24 =	simm.s32 $0x1AD00  }
0x10: {  	s25 =	simm.s32 $0x1AF80;
	s26 =	simm.s32 $0x2;
	s22 =	simm.s32 $0xC400  }
0x11: {  	s11 =	smul.u32 $0x7A12, s9;
	s0 =	sadd.s32 s8, s0;
	s15 =	sshrl.u32 s4, $0x1  }
0x12: {  	[dreg:$0x7] =	wrdreg s13;
	p0 =	sne.s32 s9, $0x1F;
	s0 =	sadd.s32 s16, s0  }
0x13: {  	s9 =	simm.s32 $0x0;
	s4 =	ssub.s32 s4, s15;
	s0 =	sadd.s32 $0x800, s0  }
0x14: {  	s10 =	sand.u32 $0xFFF80, s11;
	s20 =	smax.u32 s4, $0x1;
	[dreg:$0xb] =	wrdreg s0  }
.Ltmp0:
0x15: {  	s15 =	sadd.s32 s3, s10;
	[dreg:$0xc] =	wrdreg s20;
	(pc) =	sbr.rel .LBB2_1-.Ltmp0, $4  }
0x16: {  	s12 =	sadd.s32 $0x7A12, s11;
	s17 =	sadd.s32 $0x600, s15;
	[dreg:$0x6] =	wrdreg s15  }
0x17: {  	s8 =	sshrl.u32 s11, $0x7;
	s18 =	sadd.s32 $0xC00, s15;
	[dreg:$0x8] =	wrdreg s17  }
0x18: {  	v3 =	vimm.f32 $0.0e+00;
	v4 =	vimm.s32 $0x0;
	v5 =	vlaneseq.u32;
	s10 =	simm.s32 $0x1AA80;
	s19 =	sadd.s32 $0x1200, s15;
	[dreg:$0x9] =	wrdreg s18  }
0x19: {  	v0 =	vmov s11;
	v1 =	vmov s12;
	v2 =	vmov s8;
	s0 =	simm.s32 $0x1B780;
	s15 =	simm.s32 $0x1;
	[dreg:$0xa] =	wrdreg s19  }
.LBB2_49:
0x1a: {  	s4 =	stileid.u32;
	[bflag:$0x0] =	sbarrier.arrive $0xFFFF;
	s12 =	simm.s32 $0x20  }
0x1b: {  	s13 =	simm.s32 $0x10;
	s4 =	sshll.u32 s4, $0x6;
	s9 =	rddreg [dreg:$0x7]  }
0x1c: {  	s11 =	rddreg [dreg:$0xb];
	s4 =	sor.u32 $0x1C03, s4;
	s9 =	sshrl.u32 s9, $0x3  }
0x1d: {  	[hbm:s11@s12], [sflag:s4] =	dma.strided [spmem:s9@s13], $0x80, s15, $0x10   }
0x1e: {  	_ =	swait.ge [sflag:s23], $0x80  }
0x1f: {  	s20 =	rddreg [dreg:$0x13]  }
0x20: {  	s21 =	rddreg [dreg:$0xc];
	s9 =	sadd.s32 $0x1, s20  }
0x21: {  	p1 =	sne.s32 s9, s21  }
.Ltmp1:
0x22: {  	_ = 	snop;
	(pc) =	sbr.rel @!p1 .LBB2_50-.Ltmp1, $3  }
0x23: {  	_ =	sdelay $0x1  }
0x24: {  	[sflag:s23] =	ssyncset.done $0x0  }
0x25: {  	[sflag:s23] =	ssyncadd.s32 $0xFFFFFF80  }
.LBB2_1:
0x26: {  	[dreg:$0x13] =	wrdreg s9;
	s4 =	simm.s32 $0x40;
	s9 =	simm.s32 $0x0  }
.LBB2_2:
0x27: {  	p1 =	sne.s32 s4, $0xFC0;
	[tilespmem:s9+$0x1A400] =	vst v3;
	s9 =	smov.u32 s4;
	s4 =	sadd.s32 $0x40, s4  }
.Ltmp2:
0x28: {  	(pc) =	sbr.rel @p1 .LBB2_2-.Ltmp2, $2  }
0x29: {  	_ =	sdelay $0x2  }
0x2a: {  	s9 =	sshra.s32 s9, $0x2  }
0x2b: {  	[tilespmem:s9+$0x1A400] =	vst v3;
	s4 =	rddreg [dreg:$0x7];
	s20 =	simm.s32 $0x1A400  }
0x2c: {  	[spmem:s4] =	stream.linear.scatter [tilespmem:s20], [sflag:$0x3], $0x400, $0x38;
	[tilespmem:$0x1C600] =	vst v63  }
.Ltmp3:
0x2d: {  	_ =	swait.ge [sflag:s23], $0x400;
	(pc) =	sbr.rel .LBB2_4-.Ltmp3, $4  }
0x2e: {  	[sflag:s23] =	ssyncset.done $0x0  }
0x2f: {  	[sflag:s23] =	ssyncadd.s32 $0xFFFFFC00  }
0x30: {  	s21 =	simm.s32 $0x80000000;
	[bflag:$0x0] =	sbarrier.arrive $0xFFFF  }
0x31: {  	s9 =	simm.s32 $0x0;
	s11 =	simm.s32 $0x0;
	[dreg:$0x14] =	wrdreg s21  }
.LBB2_47:
0x32: {  	[sflag:s23] =	ssyncadd.s32 $0xFFFFFF80  }
.LBB2_48:
0x33: {  	s11 =	sadd.s32 $0x1, s11  }
0x34: {  	s9 =	smul.u32 $0x280, s11  }
0x35: {  	s4 =	rddreg [dreg:$0x15]  }
0x36: {  	p1 =	slt.s32 s9, s4  }
.Ltmp4:
0x37: {  	_ = 	snop;
	(pc) =	sbr.rel @!p1 .LBB2_49-.Ltmp4, $4  }
0x38: {  	_ = 	snop  }
0x39: {  	s21 =	rddreg [dreg:$0x14]  }
0x3a: {  	s4 =	sadd.s32 $0xFFFFFD80, s21  }
0x3b: {  	[dreg:$0x14] =	wrdreg s4  }
.LBB2_4:
0x3c: {  	s4 =	rddreg [dreg:$0x6]  }
0x3d: {  	s13 =	simm.s32 $0x0;
	s17 =	rddreg [dreg:$0x8]  }
0x3e: {  	[tilespmem:s13], [sflag:$0x2] =	stream.linear.gather [hbm4b:s4+s13], $0x3000, $0x38;
	[tilespmem:$0x1C600] =	vst v63  }
0x3f: {  	s12 =	simm.s32 $0x3000;
	s18 =	rddreg [dreg:$0x9]  }
0x40: {  	[tilespmem:s12], [sflag:$0x2] =	stream.linear.gather [hbm4b:s17+s13], $0x3000, $0x38;
	[tilespmem:$0x1C600] =	vst v63  }
0x41: {  	s19 =	simm.s32 $0x6000;
	s20 =	rddreg [dreg:$0xa]  }
0x42: {  	[tilespmem:s19], [sflag:$0x2] =	stream.linear.gather [hbm4b:s18+s13], $0x3000, $0x38;
	[tilespmem:$0x1C600] =	vst v63  }
0x43: {  	s21 =	simm.s32 $0x9000;
	s4 =	simm.s32 $0x0;
	s12 =	simm.s32 $0x40  }
0x44: {  	[tilespmem:s21], [sflag:$0x2] =	stream.linear.gather [hbm4b:s20+s13], $0x3000, $0x38;
	[tilespmem:$0x1C600] =	vst v63  }
.LBB2_5:
0x45: {  	p1 =	sne.s32 s12, $0x9C0;
	[tilespmem:s4+$0x1B780] =	vst v4;
	s13 =	smov.u32 s12;
	s12 =	sadd.s32 $0x40, s12  }
.Ltmp5:
0x46: {  	[tilespmem:s4+$0x1B380] =	vst v4;
	(pc) =	sbr.rel @p1 .LBB2_5-.Ltmp5, $4  }
0x47: {  	[tilespmem:s4+$0x1AF80] =	vst v4  }
0x48: {  	[tilespmem:s4+$0x1AA80] =	vst v4  }
0x49: {  	[tilespmem:s4+$0x1AD00] =	vst v4  }
0x4a: {  	s4 =	sshra.s32 s13, $0x2  }
0x4b: {  	[tilespmem:s4+$0x1B780] =	vst v4  }
0x4c: {  	[tilespmem:s4+$0x1B380] =	vst v4  }
0x4d: {  	[tilespmem:s4+$0x1AF80] =	vst v4  }
0x4e: {  	[tilespmem:s4+$0x1AA80] =	vst v4  }
0x4f: {  	[tilespmem:s4+$0x1AD00] =	vst v4;
	s12 =	simm.s32 $0x0;
	s16 =	simm.s32 $0x1BA00  }
0x50: {  	[tilespmem:s16], [sflag:$0x1] =	stream.linear.gather [hbm4b:s2+s12], $0x80, $0x38;
	[tilespmem:$0x1C600] =	vst v63  }
0x51: {  	s17 =	rddreg [dreg:$0xd];
	s13 =	simm.s32 $0x1BB00  }
0x52: {  	[tilespmem:s13], [sflag:$0x1] =	stream.linear.gather [hbm4b:s17+s12], $0x80, $0x38;
	[tilespmem:$0x1C600] =	vst v63  }
0x53: {  	s18 =	rddreg [dreg:$0xe];
	s19 =	simm.s32 $0x1BC00  }
0x54: {  	[tilespmem:s19], [sflag:$0x1] =	stream.linear.gather [hbm4b:s18+s12], $0x80, $0x38;
	[tilespmem:$0x1C600] =	vst v63  }
0x55: {  	s20 =	rddreg [dreg:$0xf];
	s21 =	simm.s32 $0x1BD00  }
0x56: {  	[tilespmem:s21], [sflag:$0x1] =	stream.linear.gather [hbm4b:s20+s12], $0x80, $0x38;
	[tilespmem:$0x1C600] =	vst v63  }
0x57: {  	s14 =	simm.s32 $0x1BE00  }
0x58: {  	[tilespmem:s14], [sflag:$0x1] =	stream.linear.gather [hbm4b:s1+s12], $0x80, $0x38;
	[tilespmem:$0x1C600] =	vst v63  }
0x59: {  	s16 =	rddreg [dreg:$0x10];
	s17 =	simm.s32 $0x1BF00  }
0x5a: {  	[tilespmem:s17], [sflag:$0x1] =	stream.linear.gather [hbm4b:s16+s12], $0x80, $0x38;
	[tilespmem:$0x1C600] =	vst v63  }
0x5b: {  	s13 =	simm.s32 $0x0;
	s18 =	rddreg [dreg:$0x11];
	s19 =	simm.s32 $0x1C000  }
0x5c: {  	[tilespmem:s19], [sflag:$0x1] =	stream.linear.gather [hbm4b:s18+s12], $0x80, $0x38;
	[tilespmem:$0x1C600] =	vst v63  }
0x5d: {  	s20 =	rddreg [dreg:$0x12];
	s21 =	simm.s32 $0x1C100;
	s16 =	simm.s32 $0x0  }
0x5e: {  	v7 =	vmov s9;
	v6 =	vimm.s32 $0x0;
	[tilespmem:s21], [sflag:$0x1] =	stream.linear.gather [hbm4b:s20+s12], $0x80, $0x38;
	[tilespmem:$0x1C600] =	vst v63  }
.LBB2_8:
0x5f: {  	_ =	swait.ge [sflag:s15], $0x200  }
0x60: {  	s4 =	smov.u32 s16;
	[sflag:s15] =	ssyncset.done $0x0  }
0x61: {  	s16 =	sadd.s32 $0x1, s16;
	p1 =	seq.s32 s4, $0x1F;
	[sflag:s15] =	ssyncadd.s32 $0xFFFFFE00  }
0x62: {  	s17 =	sshll.u32 @!p1 s16, $0x7;
	s18 =	sshll.u32 @!p1 s16, $0x6;
	_ =	swait.ge [sflag:s15], $0x200  }
0x63: {  	s21 =	simm.s32 @!p1 $0x0;
	s17 =	sand.u32 @!p1 $0x80, s17;
	[sflag:s15] =	ssyncset.done $0x0  }
0x64: {  	s20 =	sadd.s32 @!p1 s2, s18;
	s19 =	sor.u32 @!p1 $0x1BA00, s17;
	[sflag:s15] =	ssyncadd.s32 $0xFFFFFE00  }
0x65: {  	[tilespmem:s19], [sflag:$0x1] =	stream.linear.gather @!p1 [hbm4b:s20+s21], $0x80, $0x38;
	[tilespmem:$0x1C600] =	vst v63  }
0x66: {  	s14 =	sor.u32 @!p1 $0x1BB00, s17;
	s19 =	sadd.s32 @!p1 $0x10, s20  }
0x67: {  	[tilespmem:s14], [sflag:$0x1] =	stream.linear.gather @!p1 [hbm4b:s19+s21], $0x80, $0x38;
	[tilespmem:$0x1C600] =	vst v63  }
0x68: {  	s14 =	sadd.s32 @!p1 $0x20, s20;
	s19 =	sor.u32 @!p1 $0x1BC00, s17  }
0x69: {  	[tilespmem:s19], [sflag:$0x1] =	stream.linear.gather @!p1 [hbm4b:s14+s21], $0x80, $0x38;
	[tilespmem:$0x1C600] =	vst v63  }
0x6a: {  	s14 =	sadd.s32 @!p1 $0x30, s20;
	s19 =	sor.u32 @!p1 $0x1BD00, s17  }
0x6b: {  	[tilespmem:s19], [sflag:$0x1] =	stream.linear.gather @!p1 [hbm4b:s14+s21], $0x80, $0x38;
	[tilespmem:$0x1C600] =	vst v63  }
0x6c: {  	s18 =	sadd.s32 @!p1 s1, s18;
	s14 =	sor.u32 @!p1 $0x1BE00, s17  }
0x6d: {  	[tilespmem:s14], [sflag:$0x1] =	stream.linear.gather @!p1 [hbm4b:s18+s21], $0x80, $0x38;
	[tilespmem:$0x1C600] =	vst v63  }
0x6e: {  	s19 =	sor.u32 @!p1 $0x1BF00, s17;
	s14 =	sadd.s32 @!p1 $0x10, s18  }
0x6f: {  	[tilespmem:s19], [sflag:$0x1] =	stream.linear.gather @!p1 [hbm4b:s14+s21], $0x80, $0x38;
	[tilespmem:$0x1C600] =	vst v63  }
0x70: {  	s14 =	sadd.s32 @!p1 $0x20, s18;
	s19 =	sor.u32 @!p1 $0x1C000, s17  }
0x71: {  	[tilespmem:s19], [sflag:$0x1] =	stream.linear.gather @!p1 [hbm4b:s14+s21], $0x80, $0x38;
	[tilespmem:$0x1C600] =	vst v63  }
0x72: {  	s4 =	sshll.u32 s4, $0x7;
	s17 =	sor.u32 @!p1 $0x1C100, s17;
	s14 =	sadd.s32 @!p1 $0x30, s18  }
0x73: {  	[tilespmem:s17], [sflag:$0x1] =	stream.linear.gather @!p1 [hbm4b:s14+s21], $0x80, $0x38;
	[tilespmem:$0x1C600] =	vst v63  }
0x74: {  	s20 =	sand.u32 $0x300, s12;
	s17 =	sand.u32 $0x80, s4  }
0x75: {  	s18 =	simm.s32 $0x10;
	s21 =	sand.u32 $0x70, s12;
	s4 =	sor.u32 s17, s20  }
0x76: {  	v8 =	vmov v6;
	s19 =	simm.s32 $0x0;
	s20 =	sor.u32 s21, s4;
	s4 =	simm.s32 $0x0  }
.LBB2_9:
0x77: {  	p1 =	seq.s32 s18, $0x1F0;
	v9 =	vld [tilespmem:s20+$0x1BA00]  }
0x78: {  	v10 =	vld [tilespmem:s20+$0x1BE00];
	_ =	sdelay $0x3  }
0x79: {  	vm0 =	vge.s32 v9, v0;
	vm1 =	vlt.s32 v9, v1  }
0x7a: {  	vm0 =	vmand vm0, vm1  }
0x7b: {  	v11 =	vsel vm0, $0x1, v4;
	v12 =	vmpcnt.ones.xlane vm0  }
0x7c: {  	(xrf0) =	vadd.scan.msk.s32 $0xffff, v11  }
0x7d: {  	v6 =	vadd.s32 v6, v12;
	_ =	sdelay $0x2  }
0x7e: {  	v11 =	vsel vm0, $0xFFFFFFFF, v4  }
0x7f: {  	v11 =	vsub.s32 v11, v7  }
0x80: {  	v11 =	vadd.s32 v8, v11;
	v8 =	vmov v6;
	v12, _, _ =	vpop (xrf0)  }
0x81: {  	v11 =	vadd.s32 v12, v11  }
0x82: {  	vm1 =	vlt.u32 v11, $0x280;
	vm2 =	vgt.s32 v11, $0x0  }
0x83: {  	vm0 =	vmand vm0, vm1;
	v11 =	vnsel vm2, $0x0, v11  }
0x84: {  	v11 =	vmin.u32 v11, $0x27F;
	_ =	sdelay $0x2  }
.Ltmp6:
0x85: {  	(pc) =	sbr.rel @!p1 .LBB2_9-.Ltmp6, $4  }
0x86: {  	s19 =	sadd.s32 $0x20, s19  }
0x87: {  	s14 =	sand.u32 $0x300, s19;
	s20 =	sadd.s32 s4, s13;
	s4 =	smov.u32 s18;
	[tilespmem:v11+s10+$0x0] =	vst.idx.msk vm0, v9  }
0x88: {  	s21 =	sand.u32 $0x70, s18;
	s14 =	sor.u32 s17, s14;
	v9 =	vor.u32 s20, v5;
	[tilespmem:v11+s24+$0x0] =	vst.idx.msk vm0, v10  }
0x89: {  	s18 =	sadd.s32 $0x10, s18;
	s20 =	sor.u32 s21, s14;
	[tilespmem:v11+s25+$0x0] =	vst.idx.msk vm0, v9  }
0x8a: {  	v9 =	vld [tilespmem:s20+$0x1BA00];
	_ =	sdelay $0x4  }
0x8b: {  	vm0 =	vge.s32 v9, v0;
	vm1 =	vlt.s32 v9, v1  }
0x8c: {  	vm0 =	vmand vm0, vm1  }
0x8d: {  	v10 =	vsel vm0, $0x1, v4  }
0x8e: {  	(xrf0) =	vadd.scan.msk.s32 $0xffff, v10;
	_ =	sdelay $0x3  }
0x8f: {  	v60 =	vsel vm0, $0xFFFFFFFF, v4  }
0x90: {  	v10 =	vsub.s32 v60, v7  }
0x91: {  	v8 =	vadd.s32 v8, v10;
	v61, _, _ =	vpop (xrf0)  }
0x92: {  	v8 =	vadd.s32 v61, v8  }
0x93: {  	vm15 =	vlt.u32 v8, $0x280;
	vm2 =	vgt.s32 v8, $0x0  }
0x94: {  	vm1 =	vmand vm0, vm15;
	v8 =	vnsel vm2, $0x0, v8  }
0x95: {  	v8 =	vmin.u32 v8, $0x27F  }
0x96: {  	v62 =	vld [tilespmem:s20+$0x1BE00];
	_ =	sdelay $0x3  }
0x97: {  	s4 =	sadd.s32 s4, s13;
	v11 =	vmpcnt.ones.xlane vm0;
	[tilespmem:v8+s10+$0x0] =	vst.idx.msk vm1, v9  }
0x98: {  	v63 =	vor.u32 s4, v5;
	[tilespmem:v8+s24+$0x0] =	vst.idx.msk vm1, v62  }
0x99: {  	v6 =	vadd.s32 v6, v11;
	[tilespmem:v8+s25+$0x0] =	vst.idx.msk vm1, v63  }
0x9a: {  	p1 =	seq.s32 s16, $0x20  }
.Ltmp7:
0x9b: {  	_ = 	snop;
	(pc) =	sbr.rel @!p1 .LBB2_8-.Ltmp7, $2  }
0x9c: {  	_ =	sdelay $0x2  }
0x9d: {  	s13 =	sadd.s32 $0x200, s13  }
0x9e: {  	[tilespmem:$0x1A800] =	vst v3  }
0x9f: {  	[tilespmem:$0x1A810] =	vst v3  }
0xa0: {  	[tilespmem:$0x1A820] =	vst v3  }
0xa1: {  	[tilespmem:$0x1A830] =	vst v3  }
0xa2: {  	[tilespmem:$0x1A840] =	vst v3  }
0xa3: {  	[tilespmem:$0x1A850] =	vst v3  }
0xa4: {  	[tilespmem:$0x1A860] =	vst v3  }
0xa5: {  	[tilespmem:$0x1A870] =	vst v3  }
0xa6: {  	[tilespmem:$0x1A880] =	vst v3  }
0xa7: {  	[tilespmem:$0x1A890] =	vst v3  }
0xa8: {  	[tilespmem:$0x1A8A0] =	vst v3  }
0xa9: {  	[tilespmem:$0x1A8B0] =	vst v3  }
0xaa: {  	[tilespmem:$0x1A8C0] =	vst v3  }
0xab: {  	[tilespmem:$0x1A8D0] =	vst v3  }
0xac: {  	[tilespmem:$0x1A8E0] =	vst v3  }
0xad: {  	[tilespmem:$0x1A8F0] =	vst v3  }
0xae: {  	[tilespmem:$0x1A900] =	vst v3  }
0xaf: {  	[tilespmem:$0x1A910] =	vst v3  }
0xb0: {  	[tilespmem:$0x1A920] =	vst v3  }
0xb1: {  	[tilespmem:$0x1A930] =	vst v3  }
0xb2: {  	[tilespmem:$0x1A940] =	vst v3  }
0xb3: {  	[tilespmem:$0x1A950] =	vst v3  }
0xb4: {  	[tilespmem:$0x1A960] =	vst v3  }
0xb5: {  	[tilespmem:$0x1A970] =	vst v3  }
0xb6: {  	[tilespmem:$0x1A980] =	vst v3  }
0xb7: {  	[tilespmem:$0x1A990] =	vst v3  }
0xb8: {  	[tilespmem:$0x1A9A0] =	vst v3  }
0xb9: {  	[tilespmem:$0x1A9B0] =	vst v3  }
0xba: {  	[tilespmem:$0x1A9C0] =	vst v3  }
0xbb: {  	[tilespmem:$0x1A9D0] =	vst v3  }
0xbc: {  	[tilespmem:$0x1A9E0] =	vst v3  }
0xbd: {  	[tilespmem:$0x1A9F0] =	vst v3  }
0xbe: {  	[tilespmem:$0x1AA00] =	vst v3  }
0xbf: {  	[tilespmem:$0x1AA10] =	vst v3  }
0xc0: {  	[tilespmem:$0x1AA20] =	vst v3  }
0xc1: {  	[tilespmem:$0x1AA30] =	vst v3  }
0xc2: {  	[tilespmem:$0x1AA40] =	vst v3  }
0xc3: {  	[tilespmem:$0x1AA50] =	vst v3  }
0xc4: {  	[tilespmem:$0x1AA60] =	vst v3;
	s4 =	simm.s32 $0x0  }
0xc5: {  	[tilespmem:$0x1AA70] =	vst v3;
	s16 =	simm.s32 $0x0;
	s13 =	simm.s32 $0x10;
	s12 =	simm.s32 $0x0  }
.LBB2_18:
0xc6: {  	p1 =	seq.s32 s13, $0x270;
	v7 =	vld [tilespmem:s16+$0x1AD00];
	_ =	sdelay $0x1  }
.Ltmp8:
0xc7: {  	(pc) =	sbr.rel @!p1 .LBB2_18-.Ltmp8, $4  }
0xc8: {  	s14 =	sand.u32 $0xE00, s4  }
0xc9: {  	s16 =	sand.u32 $0x70, s12;
	s12 =	smov.u32 s13;
	s14 =	sshrl.u32 s14, $0x2  }
0xca: {  	s4 =	sadd.s32 $0x40, s4;
	s14 =	sor.u32 s16, s14;
	v7 =	vshra.s32 v7, $0x1  }
0xcb: {  	s13 =	sadd.s32 $0x10, s13;
	s16 =	sshra.s32 s4, $0x2;
	[tilespmem:s14+$0x1B380] =	vst v7  }
0xcc: {  	v7 =	vld [tilespmem:s16+$0x1AD00];
	_ =	sdelay $0x2  }
0xcd: {  	s4 =	sand.u32 $0xE00, s4  }
0xce: {  	s12 =	sand.u32 $0x70, s12;
	s4 =	sshrl.u32 s4, $0x2  }
0xcf: {  	s4 =	sor.u32 s12, s4;
	v7 =	vshra.s32 v7, $0x1  }
0xd0: {  	[tilespmem:s4+$0x1B380] =	vst v7  }
0xd1: {  	v6 =	vxor.u32 $0x80000000, v6  }
0xd2: {  	(xrf0) =	vmax.scan.msk.u32 $0xffff, v6;
	_ =	sdelay $0x5  }
0xd3: {  	v6, _, _ =	vpop (xrf0)  }
0xd4: {  	(v2sf) =	vpush v6, $0xF;
	_ =	sdelay $0xe  }
0xd5: {  	s4 =	spop (v2sf)  }
0xd6: {  	s13 =	sxor.u32 $0x80000000, s4  }
0xd7: {  	[dreg:$0x15] =	wrdreg s13;
	s13 =	ssub.s32 s13, s9  }
0xd8: {  	p1 =	slt.s32 s13, $0x1  }
.Ltmp9:
0xd9: {  	s12 =	rddreg [dreg:$0x14];
	(pc) =	sbr.rel @p1 .LBB2_16-.Ltmp9, $4  }
0xda: {  	s4 =	sadd.s32 s12, s4  }
0xdb: {  	p2 =	sgt.s32 s4, $0x0  }
0xdc: {  	s4 =	simm.s32 @!p2 $0x0  }
0xdd: {  	s9 =	smin.u32 s4, $0x280  }
0xde: {  	s4 =	sadd.s32 $0x7F, s9  }
0xdf: {  	s17 =	simm.s32 $0x0;
	s20 =	simm.s32 $0x1AD00;
	s16 =	sshrl.u32 s4, $0x7  }
.LBB2_13:
0xe0: {  	s19 =	sshll.u32 s17, $0x7  }
0xe1: {  	s4 =	sadd.s32 $0x1B380, s19  }
0xe2: {  	[tilespmem:s22], [sflag:$0x1] =	stream.indirect.gather [hbm4b:s7+s31], $0x80, s4, s31, $0xb8;
	[tilespmem:$0x1C600] =	vst v63  }
0xe3: {  	_ =	swait.ge [sflag:s15], $0x4000  }
0xe4: {  	[sflag:s15] =	ssyncset.done $0x0  }
0xe5: {  	s18 =	smov.u32 s20;
	s21 =	simm.s32 $0x0;
	[sflag:s15] =	ssyncadd.s32 $0xFFFFC000  }
.LBB2_14:
0xe6: {  	v6 =	vld [tilespmem:s18+$0x0];
	_ =	sdelay $0x4  }
0xe7: {  	v7 =	vor.u32 s21, v5;
	v6 =	vshll.u32 v6, $0x6  }
0xe8: {  	v8 =	vshll.u32 v7, $0x7;
	v6 =	vand.u32 $0x40, v6  }
0xe9: {  	s4 =	sor.u32 s19, s21;
	v6 =	vor.u32 v8, v6  }
0xea: {  	v47 =	vmov s4  }
0xeb: {  	v8 =	vshll.u32 v47, $0x3  }
0xec: {  	v8 =	vand.u32 $0xFFFFFC00, v8  }
0xed: {  	v8 =	vbroadcast v8, $0x0  }
0xee: {  	v9 =	vld.idx.msk [tilespmem:v6+s22+$0x0], $0xffff  }
0xef: {  	v10 =	vor.u32 v7, v8  }
0xf0: {  	v11 =	vor.u32 $0x1, v6;
	_ =	sdelay $0x2  }
0xf1: {  	v9 =	vmax.f32 v9, $0.0e+00  }
0xf2: {  	[tilespmem:v10+s28+$0x0] =	vst.idx.msk $0xffff, v9  }
0xf3: {  	v9 =	vld.idx.msk [tilespmem:v11+s22+$0x0], $0xffff  }
0xf4: {  	v48 =	vor.u32 $0x80, v10  }
0xf5: {  	v12 =	vor.u32 $0x2, v6;
	_ =	sdelay $0x2  }
0xf6: {  	v9 =	vmax.f32 v9, $0.0e+00  }
0xf7: {  	[tilespmem:v48+s28+$0x0] =	vst.idx.msk $0xffff, v9  }
0xf8: {  	v9 =	vld.idx.msk [tilespmem:v12+s22+$0x0], $0xffff  }
0xf9: {  	v49 =	vor.u32 $0x100, v10  }
0xfa: {  	v50 =	vor.u32 $0x3, v6;
	_ =	sdelay $0x2  }
0xfb: {  	v9 =	vmax.f32 v9, $0.0e+00  }
0xfc: {  	[tilespmem:v49+s28+$0x0] =	vst.idx.msk $0xffff, v9  }
0xfd: {  	v9 =	vld.idx.msk [tilespmem:v50+s22+$0x0], $0xffff  }
0xfe: {  	v51 =	vor.u32 $0x180, v10  }
0xff: {  	v52 =	vor.u32 $0x4, v6;
	_ =	sdelay $0x2  }
0x100: {  	v9 =	vmax.f32 v9, $0.0e+00  }
0x101: {  	[tilespmem:v51+s28+$0x0] =	vst.idx.msk $0xffff, v9  }
0x102: {  	v9 =	vld.idx.msk [tilespmem:v52+s22+$0x0], $0xffff  }
0x103: {  	v53 =	vor.u32 $0x200, v10  }
0x104: {  	v54 =	vor.u32 $0x5, v6;
	_ =	sdelay $0x2  }
0x105: {  	v9 =	vmax.f32 v9, $0.0e+00  }
0x106: {  	[tilespmem:v53+s28+$0x0] =	vst.idx.msk $0xffff, v9  }
0x107: {  	v9 =	vld.idx.msk [tilespmem:v54+s22+$0x0], $0xffff  }
0x108: {  	v55 =	vor.u32 $0x280, v10  }
0x109: {  	v56 =	vor.u32 $0x6, v6;
	_ =	sdelay $0x2  }
0x10a: {  	v9 =	vmax.f32 v9, $0.0e+00  }
0x10b: {  	[tilespmem:v55+s28+$0x0] =	vst.idx.msk $0xffff, v9  }
0x10c: {  	v9 =	vld.idx.msk [tilespmem:v56+s22+$0x0], $0xffff  }
0x10d: {  	v57 =	vor.u32 $0x300, v10  }
0x10e: {  	v58 =	vor.u32 $0x7, v6;
	_ =	sdelay $0x2  }
0x10f: {  	v9 =	vmax.f32 v9, $0.0e+00  }
0x110: {  	[tilespmem:v57+s28+$0x0] =	vst.idx.msk $0xffff, v9  }
0x111: {  	v9 =	vld.idx.msk [tilespmem:v58+s22+$0x0], $0xffff  }
0x112: {  	v10 =	vor.u32 $0x380, v10  }
0x113: {  	v59 =	vor.u32 $0x8, v6;
	_ =	sdelay $0x2  }
0x114: {  	v9 =	vmax.f32 v9, $0.0e+00  }
0x115: {  	[tilespmem:v10+s28+$0x0] =	vst.idx.msk $0xffff, v9  }
0x116: {  	v7 =	vadd.s32 v7, v8;
	v9 =	vld.idx.msk [tilespmem:v59+s22+$0x0], $0xffff  }
0x117: {  	v8 =	vadd.s32 $0x1400, v7  }
0x118: {  	v60 =	vor.u32 $0x9, v6;
	_ =	sdelay $0x2  }
0x119: {  	v9 =	vmax.f32 v9, $0.0e+00  }
0x11a: {  	[tilespmem:v8+s28+$0x0] =	vst.idx.msk $0xffff, v9  }
0x11b: {  	v8 =	vld.idx.msk [tilespmem:v60+s22+$0x0], $0xffff  }
0x11c: {  	v61 =	vadd.s32 $0x1480, v7  }
0x11d: {  	v62 =	vor.u32 $0xA, v6;
	_ =	sdelay $0x2  }
0x11e: {  	v8 =	vmax.f32 v8, $0.0e+00  }
0x11f: {  	[tilespmem:v61+s28+$0x0] =	vst.idx.msk $0xffff, v8  }
0x120: {  	v8 =	vld.idx.msk [tilespmem:v62+s22+$0x0], $0xffff  }
0x121: {  	v63 =	vadd.s32 $0x1500, v7  }
0x122: {  	v12 =	vor.u32 $0xB, v6;
	_ =	sdelay $0x2  }
0x123: {  	v8 =	vmax.f32 v8, $0.0e+00  }
0x124: {  	[tilespmem:v63+s28+$0x0] =	vst.idx.msk $0xffff, v8  }
0x125: {  	v8 =	vld.idx.msk [tilespmem:v12+s22+$0x0], $0xffff  }
0x126: {  	v13 =	vadd.s32 $0x1580, v7  }
0x127: {  	v14 =	vor.u32 $0xC, v6;
	_ =	sdelay $0x2  }
0x128: {  	v8 =	vmax.f32 v8, $0.0e+00  }
0x129: {  	[tilespmem:v13+s28+$0x0] =	vst.idx.msk $0xffff, v8  }
0x12a: {  	v8 =	vld.idx.msk [tilespmem:v14+s22+$0x0], $0xffff  }
0x12b: {  	v15 =	vadd.s32 $0x1600, v7  }
0x12c: {  	v16 =	vor.u32 $0xD, v6;
	_ =	sdelay $0x2  }
0x12d: {  	v8 =	vmax.f32 v8, $0.0e+00  }
0x12e: {  	[tilespmem:v15+s28+$0x0] =	vst.idx.msk $0xffff, v8  }
0x12f: {  	v8 =	vld.idx.msk [tilespmem:v16+s22+$0x0], $0xffff  }
0x130: {  	v17 =	vadd.s32 $0x1680, v7  }
0x131: {  	v18 =	vor.u32 $0xE, v6;
	_ =	sdelay $0x2  }
0x132: {  	v8 =	vmax.f32 v8, $0.0e+00  }
0x133: {  	[tilespmem:v17+s28+$0x0] =	vst.idx.msk $0xffff, v8  }
0x134: {  	v8 =	vld.idx.msk [tilespmem:v18+s22+$0x0], $0xffff  }
0x135: {  	v19 =	vadd.s32 $0x1700, v7  }
0x136: {  	v20 =	vor.u32 $0xF, v6;
	_ =	sdelay $0x2  }
0x137: {  	v8 =	vmax.f32 v8, $0.0e+00  }
0x138: {  	[tilespmem:v19+s28+$0x0] =	vst.idx.msk $0xffff, v8  }
0x139: {  	v8 =	vld.idx.msk [tilespmem:v20+s22+$0x0], $0xffff  }
0x13a: {  	v21 =	vadd.s32 $0x1780, v7  }
0x13b: {  	v22 =	vor.u32 $0x10, v6;
	_ =	sdelay $0x2  }
0x13c: {  	v8 =	vmax.f32 v8, $0.0e+00  }
0x13d: {  	[tilespmem:v21+s28+$0x0] =	vst.idx.msk $0xffff, v8  }
0x13e: {  	v8 =	vld.idx.msk [tilespmem:v22+s22+$0x0], $0xffff  }
0x13f: {  	v23 =	vadd.s32 $0x2800, v7  }
0x140: {  	v24 =	vor.u32 $0x11, v6;
	_ =	sdelay $0x2  }
0x141: {  	v8 =	vmax.f32 v8, $0.0e+00  }
0x142: {  	[tilespmem:v23+s28+$0x0] =	vst.idx.msk $0xffff, v8  }
0x143: {  	v8 =	vld.idx.msk [tilespmem:v24+s22+$0x0], $0xffff  }
0x144: {  	v25 =	vadd.s32 $0x2880, v7  }
0x145: {  	v26 =	vor.u32 $0x12, v6;
	_ =	sdelay $0x2  }
0x146: {  	v8 =	vmax.f32 v8, $0.0e+00  }
0x147: {  	[tilespmem:v25+s28+$0x0] =	vst.idx.msk $0xffff, v8  }
0x148: {  	v8 =	vld.idx.msk [tilespmem:v26+s22+$0x0], $0xffff  }
0x149: {  	v27 =	vadd.s32 $0x2900, v7  }
0x14a: {  	v28 =	vor.u32 $0x13, v6;
	_ =	sdelay $0x2  }
0x14b: {  	v8 =	vmax.f32 v8, $0.0e+00  }
0x14c: {  	[tilespmem:v27+s28+$0x0] =	vst.idx.msk $0xffff, v8  }
0x14d: {  	v8 =	vld.idx.msk [tilespmem:v28+s22+$0x0], $0xffff  }
0x14e: {  	v29 =	vadd.s32 $0x2980, v7  }
0x14f: {  	v30 =	vor.u32 $0x14, v6;
	_ =	sdelay $0x2  }
0x150: {  	v8 =	vmax.f32 v8, $0.0e+00  }
0x151: {  	[tilespmem:v29+s28+$0x0] =	vst.idx.msk $0xffff, v8  }
0x152: {  	v8 =	vld.idx.msk [tilespmem:v30+s22+$0x0], $0xffff  }
0x153: {  	v31 =	vadd.s32 $0x2A00, v7  }
0x154: {  	v32 =	vor.u32 $0x15, v6;
	_ =	sdelay $0x2  }
0x155: {  	v8 =	vmax.f32 v8, $0.0e+00  }
0x156: {  	[tilespmem:v31+s28+$0x0] =	vst.idx.msk $0xffff, v8  }
0x157: {  	v8 =	vld.idx.msk [tilespmem:v32+s22+$0x0], $0xffff  }
0x158: {  	v33 =	vadd.s32 $0x2A80, v7  }
0x159: {  	v34 =	vor.u32 $0x16, v6;
	_ =	sdelay $0x2  }
0x15a: {  	v8 =	vmax.f32 v8, $0.0e+00  }
0x15b: {  	[tilespmem:v33+s28+$0x0] =	vst.idx.msk $0xffff, v8  }
0x15c: {  	v8 =	vld.idx.msk [tilespmem:v34+s22+$0x0], $0xffff  }
0x15d: {  	v35 =	vadd.s32 $0x2B00, v7  }
0x15e: {  	v36 =	vor.u32 $0x17, v6;
	_ =	sdelay $0x2  }
0x15f: {  	v8 =	vmax.f32 v8, $0.0e+00  }
0x160: {  	[tilespmem:v35+s28+$0x0] =	vst.idx.msk $0xffff, v8  }
0x161: {  	v8 =	vld.idx.msk [tilespmem:v36+s22+$0x0], $0xffff  }
0x162: {  	v37 =	vadd.s32 $0x2B80, v7  }
0x163: {  	v38 =	vor.u32 $0x18, v6;
	_ =	sdelay $0x2  }
0x164: {  	v8 =	vmax.f32 v8, $0.0e+00  }
0x165: {  	[tilespmem:v37+s28+$0x0] =	vst.idx.msk $0xffff, v8  }
0x166: {  	v8 =	vld.idx.msk [tilespmem:v38+s22+$0x0], $0xffff  }
0x167: {  	v39 =	vadd.s32 $0x3C00, v7  }
0x168: {  	v40 =	vor.u32 $0x19, v6;
	_ =	sdelay $0x2  }
0x169: {  	v8 =	vmax.f32 v8, $0.0e+00  }
0x16a: {  	[tilespmem:v39+s28+$0x0] =	vst.idx.msk $0xffff, v8  }
0x16b: {  	v8 =	vld.idx.msk [tilespmem:v40+s22+$0x0], $0xffff  }
0x16c: {  	v41 =	vadd.s32 $0x3C80, v7  }
0x16d: {  	v42 =	vor.u32 $0x1A, v6;
	_ =	sdelay $0x2  }
0x16e: {  	v8 =	vmax.f32 v8, $0.0e+00  }
0x16f: {  	[tilespmem:v41+s28+$0x0] =	vst.idx.msk $0xffff, v8  }
0x170: {  	v8 =	vld.idx.msk [tilespmem:v42+s22+$0x0], $0xffff  }
0x171: {  	v43 =	vadd.s32 $0x3D00, v7  }
0x172: {  	v44 =	vor.u32 $0x1B, v6;
	_ =	sdelay $0x2  }
0x173: {  	v8 =	vmax.f32 v8, $0.0e+00  }
0x174: {  	[tilespmem:v43+s28+$0x0] =	vst.idx.msk $0xffff, v8  }
0x175: {  	v8 =	vld.idx.msk [tilespmem:v44+s22+$0x0], $0xffff  }
0x176: {  	v45 =	vadd.s32 $0x3D80, v7  }
0x177: {  	v46 =	vor.u32 $0x1C, v6;
	_ =	sdelay $0x2  }
0x178: {  	v8 =	vmax.f32 v8, $0.0e+00  }
0x179: {  	[tilespmem:v45+s28+$0x0] =	vst.idx.msk $0xffff, v8  }
0x17a: {  	v8 =	vld.idx.msk [tilespmem:v46+s22+$0x0], $0xffff  }
0x17b: {  	v47 =	vadd.s32 $0x3E00, v7  }
0x17c: {  	v48 =	vor.u32 $0x1D, v6;
	_ =	sdelay $0x2  }
0x17d: {  	v8 =	vmax.f32 v8, $0.0e+00  }
0x17e: {  	[tilespmem:v47+s28+$0x0] =	vst.idx.msk $0xffff, v8  }
0x17f: {  	v8 =	vld.idx.msk [tilespmem:v48+s22+$0x0], $0xffff  }
0x180: {  	v49 =	vadd.s32 $0x3E80, v7  }
0x181: {  	v50 =	vor.u32 $0x1E, v6;
	_ =	sdelay $0x2  }
0x182: {  	v8 =	vmax.f32 v8, $0.0e+00  }
0x183: {  	[tilespmem:v49+s28+$0x0] =	vst.idx.msk $0xffff, v8  }
0x184: {  	v8 =	vld.idx.msk [tilespmem:v50+s22+$0x0], $0xffff  }
0x185: {  	v51 =	vadd.s32 $0x3F00, v7  }
0x186: {  	v52 =	vor.u32 $0x1F, v6;
	_ =	sdelay $0x2  }
0x187: {  	v8 =	vmax.f32 v8, $0.0e+00  }
0x188: {  	[tilespmem:v51+s28+$0x0] =	vst.idx.msk $0xffff, v8  }
0x189: {  	v8 =	vld.idx.msk [tilespmem:v52+s22+$0x0], $0xffff  }
0x18a: {  	v53 =	vadd.s32 $0x3F80, v7  }
0x18b: {  	v54 =	vor.u32 $0x20, v6;
	_ =	sdelay $0x2  }
0x18c: {  	v8 =	vmax.f32 v8, $0.0e+00  }
0x18d: {  	[tilespmem:v53+s28+$0x0] =	vst.idx.msk $0xffff, v8  }
0x18e: {  	v8 =	vld.idx.msk [tilespmem:v54+s22+$0x0], $0xffff  }
0x18f: {  	v55 =	vadd.s32 $0x5000, v7  }
0x190: {  	v56 =	vor.u32 $0x21, v6;
	_ =	sdelay $0x2  }
0x191: {  	v8 =	vmax.f32 v8, $0.0e+00  }
0x192: {  	[tilespmem:v55+s28+$0x0] =	vst.idx.msk $0xffff, v8  }
0x193: {  	v8 =	vld.idx.msk [tilespmem:v56+s22+$0x0], $0xffff  }
0x194: {  	v57 =	vadd.s32 $0x5080, v7  }
0x195: {  	v58 =	vor.u32 $0x22, v6;
	_ =	sdelay $0x2  }
0x196: {  	v8 =	vmax.f32 v8, $0.0e+00  }
0x197: {  	[tilespmem:v57+s28+$0x0] =	vst.idx.msk $0xffff, v8  }
0x198: {  	v8 =	vld.idx.msk [tilespmem:v58+s22+$0x0], $0xffff  }
0x199: {  	v59 =	vadd.s32 $0x5100, v7  }
0x19a: {  	v60 =	vor.u32 $0x23, v6;
	_ =	sdelay $0x2  }
0x19b: {  	v8 =	vmax.f32 v8, $0.0e+00  }
0x19c: {  	[tilespmem:v59+s28+$0x0] =	vst.idx.msk $0xffff, v8  }
0x19d: {  	v8 =	vld.idx.msk [tilespmem:v60+s22+$0x0], $0xffff  }
0x19e: {  	v61 =	vadd.s32 $0x5180, v7  }
0x19f: {  	v62 =	vor.u32 $0x24, v6;
	_ =	sdelay $0x2  }
0x1a0: {  	v8 =	vmax.f32 v8, $0.0e+00  }
0x1a1: {  	[tilespmem:v61+s28+$0x0] =	vst.idx.msk $0xffff, v8  }
0x1a2: {  	v8 =	vld.idx.msk [tilespmem:v62+s22+$0x0], $0xffff  }
0x1a3: {  	v63 =	vadd.s32 $0x5200, v7  }
0x1a4: {  	v12 =	vor.u32 $0x25, v6;
	_ =	sdelay $0x2  }
0x1a5: {  	v8 =	vmax.f32 v8, $0.0e+00  }
0x1a6: {  	[tilespmem:v63+s28+$0x0] =	vst.idx.msk $0xffff, v8  }
0x1a7: {  	v8 =	vld.idx.msk [tilespmem:v12+s22+$0x0], $0xffff  }
0x1a8: {  	v13 =	vadd.s32 $0x5280, v7  }
0x1a9: {  	v14 =	vor.u32 $0x26, v6;
	_ =	sdelay $0x2  }
0x1aa: {  	v8 =	vmax.f32 v8, $0.0e+00  }
0x1ab: {  	[tilespmem:v13+s28+$0x0] =	vst.idx.msk $0xffff, v8  }
0x1ac: {  	v8 =	vld.idx.msk [tilespmem:v14+s22+$0x0], $0xffff  }
0x1ad: {  	v15 =	vadd.s32 $0x5300, v7  }
0x1ae: {  	v16 =	vor.u32 $0x27, v6;
	_ =	sdelay $0x2  }
0x1af: {  	v8 =	vmax.f32 v8, $0.0e+00  }
0x1b0: {  	[tilespmem:v15+s28+$0x0] =	vst.idx.msk $0xffff, v8  }
0x1b1: {  	v8 =	vld.idx.msk [tilespmem:v16+s22+$0x0], $0xffff  }
0x1b2: {  	v17 =	vadd.s32 $0x5380, v7  }
0x1b3: {  	v18 =	vor.u32 $0x28, v6;
	_ =	sdelay $0x2  }
0x1b4: {  	v8 =	vmax.f32 v8, $0.0e+00  }
0x1b5: {  	[tilespmem:v17+s28+$0x0] =	vst.idx.msk $0xffff, v8  }
0x1b6: {  	v8 =	vld.idx.msk [tilespmem:v18+s22+$0x0], $0xffff  }
0x1b7: {  	v19 =	vadd.s32 $0x6400, v7  }
0x1b8: {  	v20 =	vor.u32 $0x29, v6;
	_ =	sdelay $0x2  }
0x1b9: {  	v8 =	vmax.f32 v8, $0.0e+00  }
0x1ba: {  	[tilespmem:v19+s28+$0x0] =	vst.idx.msk $0xffff, v8  }
0x1bb: {  	v8 =	vld.idx.msk [tilespmem:v20+s22+$0x0], $0xffff  }
0x1bc: {  	v21 =	vadd.s32 $0x6480, v7  }
0x1bd: {  	v22 =	vor.u32 $0x2A, v6;
	_ =	sdelay $0x2  }
0x1be: {  	v8 =	vmax.f32 v8, $0.0e+00  }
0x1bf: {  	[tilespmem:v21+s28+$0x0] =	vst.idx.msk $0xffff, v8  }
0x1c0: {  	v8 =	vld.idx.msk [tilespmem:v22+s22+$0x0], $0xffff  }
0x1c1: {  	v23 =	vadd.s32 $0x6500, v7  }
0x1c2: {  	v24 =	vor.u32 $0x2B, v6;
	_ =	sdelay $0x2  }
0x1c3: {  	v8 =	vmax.f32 v8, $0.0e+00  }
0x1c4: {  	[tilespmem:v23+s28+$0x0] =	vst.idx.msk $0xffff, v8  }
0x1c5: {  	v8 =	vld.idx.msk [tilespmem:v24+s22+$0x0], $0xffff  }
0x1c6: {  	v25 =	vadd.s32 $0x6580, v7  }
0x1c7: {  	v26 =	vor.u32 $0x2C, v6;
	_ =	sdelay $0x2  }
0x1c8: {  	v8 =	vmax.f32 v8, $0.0e+00  }
0x1c9: {  	[tilespmem:v25+s28+$0x0] =	vst.idx.msk $0xffff, v8  }
0x1ca: {  	v8 =	vld.idx.msk [tilespmem:v26+s22+$0x0], $0xffff  }
0x1cb: {  	v27 =	vadd.s32 $0x6600, v7  }
0x1cc: {  	v28 =	vor.u32 $0x2D, v6;
	_ =	sdelay $0x2  }
0x1cd: {  	v8 =	vmax.f32 v8, $0.0e+00  }
0x1ce: {  	[tilespmem:v27+s28+$0x0] =	vst.idx.msk $0xffff, v8  }
0x1cf: {  	v8 =	vld.idx.msk [tilespmem:v28+s22+$0x0], $0xffff  }
0x1d0: {  	v29 =	vadd.s32 $0x6680, v7  }
0x1d1: {  	v30 =	vor.u32 $0x2E, v6;
	_ =	sdelay $0x2  }
0x1d2: {  	v8 =	vmax.f32 v8, $0.0e+00  }
0x1d3: {  	[tilespmem:v29+s28+$0x0] =	vst.idx.msk $0xffff, v8  }
0x1d4: {  	v8 =	vld.idx.msk [tilespmem:v30+s22+$0x0], $0xffff  }
0x1d5: {  	v31 =	vadd.s32 $0x6700, v7  }
0x1d6: {  	v32 =	vor.u32 $0x2F, v6;
	_ =	sdelay $0x2  }
0x1d7: {  	v8 =	vmax.f32 v8, $0.0e+00  }
0x1d8: {  	[tilespmem:v31+s28+$0x0] =	vst.idx.msk $0xffff, v8  }
0x1d9: {  	v8 =	vld.idx.msk [tilespmem:v32+s22+$0x0], $0xffff  }
0x1da: {  	v33 =	vadd.s32 $0x6780, v7  }
0x1db: {  	v34 =	vor.u32 $0x30, v6;
	_ =	sdelay $0x2  }
0x1dc: {  	v8 =	vmax.f32 v8, $0.0e+00  }
0x1dd: {  	[tilespmem:v33+s28+$0x0] =	vst.idx.msk $0xffff, v8  }
0x1de: {  	v8 =	vld.idx.msk [tilespmem:v34+s22+$0x0], $0xffff  }
0x1df: {  	v35 =	vadd.s32 $0x7800, v7  }
0x1e0: {  	v36 =	vor.u32 $0x31, v6;
	_ =	sdelay $0x2  }
0x1e1: {  	v8 =	vmax.f32 v8, $0.0e+00  }
0x1e2: {  	[tilespmem:v35+s28+$0x0] =	vst.idx.msk $0xffff, v8  }
0x1e3: {  	v8 =	vld.idx.msk [tilespmem:v36+s22+$0x0], $0xffff  }
0x1e4: {  	v37 =	vadd.s32 $0x7880, v7  }
0x1e5: {  	v38 =	vor.u32 $0x32, v6;
	_ =	sdelay $0x2  }
0x1e6: {  	v8 =	vmax.f32 v8, $0.0e+00  }
0x1e7: {  	[tilespmem:v37+s28+$0x0] =	vst.idx.msk $0xffff, v8  }
0x1e8: {  	v8 =	vld.idx.msk [tilespmem:v38+s22+$0x0], $0xffff  }
0x1e9: {  	v39 =	vadd.s32 $0x7900, v7  }
0x1ea: {  	v40 =	vor.u32 $0x33, v6;
	_ =	sdelay $0x2  }
0x1eb: {  	v8 =	vmax.f32 v8, $0.0e+00  }
0x1ec: {  	[tilespmem:v39+s28+$0x0] =	vst.idx.msk $0xffff, v8  }
0x1ed: {  	v8 =	vld.idx.msk [tilespmem:v40+s22+$0x0], $0xffff  }
0x1ee: {  	v41 =	vadd.s32 $0x7980, v7  }
0x1ef: {  	v42 =	vor.u32 $0x34, v6;
	_ =	sdelay $0x2  }
0x1f0: {  	v8 =	vmax.f32 v8, $0.0e+00  }
0x1f1: {  	[tilespmem:v41+s28+$0x0] =	vst.idx.msk $0xffff, v8  }
0x1f2: {  	v8 =	vld.idx.msk [tilespmem:v42+s22+$0x0], $0xffff  }
0x1f3: {  	v43 =	vadd.s32 $0x7A00, v7  }
0x1f4: {  	v44 =	vor.u32 $0x35, v6;
	_ =	sdelay $0x2  }
0x1f5: {  	v8 =	vmax.f32 v8, $0.0e+00  }
0x1f6: {  	[tilespmem:v43+s28+$0x0] =	vst.idx.msk $0xffff, v8  }
0x1f7: {  	v8 =	vld.idx.msk [tilespmem:v44+s22+$0x0], $0xffff  }
0x1f8: {  	v45 =	vadd.s32 $0x7A80, v7  }
0x1f9: {  	v46 =	vor.u32 $0x36, v6;
	_ =	sdelay $0x2  }
0x1fa: {  	v8 =	vmax.f32 v8, $0.0e+00  }
0x1fb: {  	[tilespmem:v45+s28+$0x0] =	vst.idx.msk $0xffff, v8  }
0x1fc: {  	v8 =	vld.idx.msk [tilespmem:v46+s22+$0x0], $0xffff  }
0x1fd: {  	v47 =	vadd.s32 $0x7B00, v7  }
0x1fe: {  	v48 =	vor.u32 $0x37, v6;
	_ =	sdelay $0x2  }
0x1ff: {  	v8 =	vmax.f32 v8, $0.0e+00  }
0x200: {  	[tilespmem:v47+s28+$0x0] =	vst.idx.msk $0xffff, v8  }
0x201: {  	v8 =	vld.idx.msk [tilespmem:v48+s22+$0x0], $0xffff  }
0x202: {  	v49 =	vadd.s32 $0x7B80, v7  }
0x203: {  	v50 =	vor.u32 $0x38, v6;
	_ =	sdelay $0x2  }
0x204: {  	v8 =	vmax.f32 v8, $0.0e+00  }
0x205: {  	[tilespmem:v49+s28+$0x0] =	vst.idx.msk $0xffff, v8  }
0x206: {  	v8 =	vld.idx.msk [tilespmem:v50+s22+$0x0], $0xffff  }
0x207: {  	v51 =	vadd.s32 $0x8C00, v7  }
0x208: {  	v52 =	vor.u32 $0x39, v6;
	_ =	sdelay $0x2  }
0x209: {  	v8 =	vmax.f32 v8, $0.0e+00  }
0x20a: {  	[tilespmem:v51+s28+$0x0] =	vst.idx.msk $0xffff, v8  }
0x20b: {  	v8 =	vld.idx.msk [tilespmem:v52+s22+$0x0], $0xffff  }
0x20c: {  	v53 =	vadd.s32 $0x8C80, v7  }
0x20d: {  	v54 =	vor.u32 $0x3A, v6;
	_ =	sdelay $0x2  }
0x20e: {  	v8 =	vmax.f32 v8, $0.0e+00  }
0x20f: {  	[tilespmem:v53+s28+$0x0] =	vst.idx.msk $0xffff, v8  }
0x210: {  	v8 =	vld.idx.msk [tilespmem:v54+s22+$0x0], $0xffff  }
0x211: {  	v55 =	vadd.s32 $0x8D00, v7  }
0x212: {  	v56 =	vor.u32 $0x3B, v6;
	_ =	sdelay $0x2  }
0x213: {  	v8 =	vmax.f32 v8, $0.0e+00  }
0x214: {  	[tilespmem:v55+s28+$0x0] =	vst.idx.msk $0xffff, v8  }
0x215: {  	v8 =	vld.idx.msk [tilespmem:v56+s22+$0x0], $0xffff  }
0x216: {  	v57 =	vadd.s32 $0x8D80, v7  }
0x217: {  	v58 =	vor.u32 $0x3C, v6;
	_ =	sdelay $0x2  }
0x218: {  	v8 =	vmax.f32 v8, $0.0e+00  }
0x219: {  	[tilespmem:v57+s28+$0x0] =	vst.idx.msk $0xffff, v8  }
0x21a: {  	v8 =	vld.idx.msk [tilespmem:v58+s22+$0x0], $0xffff  }
0x21b: {  	v59 =	vadd.s32 $0x8E00, v7  }
0x21c: {  	v60 =	vor.u32 $0x3D, v6;
	_ =	sdelay $0x2  }
0x21d: {  	v8 =	vmax.f32 v8, $0.0e+00  }
0x21e: {  	[tilespmem:v59+s28+$0x0] =	vst.idx.msk $0xffff, v8  }
0x21f: {  	v8 =	vld.idx.msk [tilespmem:v60+s22+$0x0], $0xffff  }
0x220: {  	v61 =	vadd.s32 $0x8E80, v7  }
0x221: {  	v62 =	vor.u32 $0x3E, v6;
	_ =	sdelay $0x2  }
0x222: {  	v8 =	vmax.f32 v8, $0.0e+00  }
0x223: {  	[tilespmem:v61+s28+$0x0] =	vst.idx.msk $0xffff, v8  }
0x224: {  	v8 =	vld.idx.msk [tilespmem:v62+s22+$0x0], $0xffff  }
0x225: {  	v63 =	vadd.s32 $0x8F00, v7  }
0x226: {  	v6 =	vor.u32 $0x3F, v6;
	_ =	sdelay $0x2  }
0x227: {  	v8 =	vmax.f32 v8, $0.0e+00  }
0x228: {  	[tilespmem:v63+s28+$0x0] =	vst.idx.msk $0xffff, v8  }
0x229: {  	v6 =	vld.idx.msk [tilespmem:v6+s22+$0x0], $0xffff  }
0x22a: {  	p2 =	sne.s32 s21, $0x70;
	v7 =	vadd.s32 $0x8F80, v7  }
.Ltmp10:
0x22b: {  	_ = 	snop;
	(pc) =	sbr.rel @p2 .LBB2_14-.Ltmp10, $3  }
0x22c: {  	_ =	sdelay $0x1  }
0x22d: {  	v6 =	vmax.f32 v6, $0.0e+00  }
0x22e: {  	s18 =	sadd.s32 $0x10, s18;
	s21 =	sadd.s32 $0x10, s21;
	[tilespmem:v7+s28+$0x0] =	vst.idx.msk $0xffff, v6  }
0x22f: {  	s17 =	sadd.s32 $0x1, s17  }
0x230: {  	p2 =	seq.s32 s17, s16  }
.Ltmp11:
0x231: {  	_ = 	snop;
	(pc) =	sbr.rel @!p2 .LBB2_13-.Ltmp11, $2  }
0x232: {  	_ =	sdelay $0x2  }
0x233: {  	s20 =	sadd.s32 $0x80, s20  }
.LBB2_16:
.Ltmp12:
0x234: {  	(pc) =	sbr.rel .LBB2_21-.Ltmp12, $4  }
0x235: {  	p2 =	sgt.s32 s13, $0x0  }
0x236: {  	s13 =	simm.s32 @!p2 $0x0  }
0x237: {  	s12 =	sadd.s32 $0xF, s9;
	s4 =	smin.u32 s13, $0x280  }
0x238: {  	s16 =	simm.s32 $0x0;
	v9 =	vimm.s32 $0x0;
	s17 =	simm.s32 $0x0;
	s13 =	sshrl.u32 s12, $0x4;
	v6 =	vmov s4  }
.LBB2_23:
0x239: {  	s4 =	simm.s32 $0x0;
	v10 =	vmov v9  }
.LBB2_28:
0x23a: {  	_ =	sdelay $0x1  }
0x23b: {  	s4 =	sadd.s32 @p2 $0x10, s4;
	s12 =	simm.s32 $0x0  }
0x23c: {  	s12 =	smov.u32 @p2 s4;
	v11 =	vshra.s32 v12, $0x7  }
0x23d: {  	v63 =	vor.u32 s12, v5;
	v11 =	vsub.s32 v11, v2  }
0x23e: {  	vm1 =	vlt.s32 v63, v6;
	vm0 =	vlt.s32 v11, v8  }
0x23f: {  	vm2 =	vge.s32 v11, v7;
	vm0 =	vmand vm0, vm1  }
0x240: {  	vm0 =	vmand vm0, vm2  }
0x241: {  	v7 =	vsel vm0, $0x1, v4  }
0x242: {  	(xrf0) =	vadd.scan.msk.s32 $0xffff, v7;
	_ =	sdelay $0x4  }
0x243: {  	v7 =	vsel vm0, $0xFFFFFFFF, v4  }
0x244: {  	v7 =	vadd.s32 v7, v10;
	v8, _, _ =	vpop (xrf0)  }
0x245: {  	v7 =	vadd.s32 v8, v7  }
0x246: {  	vm15 =	vgt.s32 v7, $0x0  }
0x247: {  	v7 =	vnsel vm15, $0x0, v7  }
0x248: {  	v7 =	vmin.u32 v7, $0x27F;
	_ =	sdelay $0x2  }
0x249: {  	v8 =	vmpcnt.ones.xlane vm0;
	_ =	sdelay $0x1  }
0x24a: {  	v9 =	vadd.s32 v9, v8;
	[tilespmem:v7+s0+$0x0] =	vst.idx.msk vm0, v63  }
.LBB2_20:
0x24b: {  	s17 =	sadd.s32 $0x1, s17  }
0x24c: {  	p2 =	seq.s32 s17, $0x15  }
.Ltmp13:
0x24d: {  	_ = 	snop;
	(pc) =	sbr.rel @p2 .LBB2_29-.Ltmp13, $1  }
0x24e: {  	_ =	sdelay $0x3  }
.LBB2_21:
0x24f: {  	v7 =	vxor.u32 $0x80000000, v9  }
0x250: {  	(xrf0) =	vmax.scan.msk.u32 $0xffff, v7;
	_ =	sdelay $0x5  }
0x251: {  	v7, _, _ =	vpop (xrf0)  }
0x252: {  	(v2sf) =	vpush v7, $0xF;
	_ =	sdelay $0xc  }
.Ltmp14:
0x253: {  	_ = 	snop;
	(pc) =	sbr.rel @p1 .LBB2_20-.Ltmp14, $4  }
0x254: {  	_ = 	snop  }
0x255: {  	s4 =	spop (v2sf)  }
0x256: {  	s4 =	sxor.u32 $0x80000000, s4  }
0x257: {  	[smem:s17] =	sst s4  }
0x258: {  	p3 =	seq.s32 s13, $0x1  }
.Ltmp15:
0x259: {  	_ = 	snop;
	(pc) =	sbr.rel @p3 .LBB2_23-.Ltmp15, $4  }
0x25a: {  	s4 =	smul.u32 $0xC, s17  }
0x25b: {  	s14 =	simm.s32 $0x1AA80  }
0x25c: {  	v12 =	vld [tilespmem:s14+$0x0];
	s12 =	sadd.s32 $0xC, s4  }
0x25d: {  	p2 =	por $0x0, $0x0;
	v7 =	vmov s4;
	s4 =	sadd.s32 $0xFFFFFFFF, s13;
	v8 =	vmov s12  }
0x25e: {  	_ =	sdelay $0x2  }
0x25f: {  	v10 =	vshra.s32 v12, $0x7  }
0x260: {  	v12 =	vor.u32 s16, v5;
	v10 =	vsub.s32 v10, v2  }
0x261: {  	vm1 =	vlt.s32 v12, v6;
	vm0 =	vlt.s32 v10, v8  }
0x262: {  	vm2 =	vge.s32 v10, v7;
	vm0 =	vmand vm0, vm1  }
0x263: {  	vm0 =	vmand vm0, vm2  }
0x264: {  	v10 =	vsel vm0, $0x1, v4  }
0x265: {  	(xrf0) =	vadd.scan.msk.s32 $0xffff, v10;
	_ =	sdelay $0x4  }
0x266: {  	v10 =	vsel vm0, $0xFFFFFFFF, v4  }
0x267: {  	v10 =	vadd.s32 v10, v9;
	v11, _, _ =	vpop (xrf0)  }
0x268: {  	v10 =	vadd.s32 v11, v10  }
0x269: {  	vm15 =	vgt.s32 v10, $0x0  }
0x26a: {  	v10 =	vnsel vm15, $0x0, v10  }
0x26b: {  	v10 =	vmin.u32 v10, $0x27F;
	_ =	sdelay $0x1  }
0x26c: {  	p3 =	seq.s32 s4, $0x1  }
.Ltmp16:
0x26d: {  	_ = 	snop;
	(pc) =	sbr.rel @p3 .LBB2_25-.Ltmp16, $4  }
0x26e: {  	v11 =	vmpcnt.ones.xlane vm0  }
0x26f: {  	s18 =	simm.s32 $0x1AA90;
	[tilespmem:v10+s0+$0x0] =	vst.idx.msk vm0, v12  }
0x270: {  	v11 =	vadd.s32 v9, v11;
	v12 =	vld [tilespmem:s18+$0x0]  }
0x271: {  	s19 =	sadd.s32 $0xFFFFFFFF, s4;
	p2 =	por $0x1, $0x1;
	s4 =	simm.s32 $0x0;
	v10 =	vmov v11  }
.LBB2_26:
0x272: {  	p3 =	seq.s32 s19, $0x1;
	_ =	sdelay $0x3  }
0x273: {  	s4 =	sadd.s32 $0x10, s4;
	v9 =	vshra.s32 v12, $0x7  }
0x274: {  	v12 =	vor.u32 s4, v5;
	v9 =	vsub.s32 v9, v2  }
0x275: {  	vm1 =	vlt.s32 v12, v6;
	vm0 =	vlt.s32 v9, v8  }
0x276: {  	vm2 =	vge.s32 v9, v7;
	vm0 =	vmand vm0, vm1  }
0x277: {  	vm0 =	vmand vm0, vm2  }
0x278: {  	v9 =	vsel vm0, $0x1, v4;
	v13 =	vmpcnt.ones.xlane vm0  }
0x279: {  	(xrf0) =	vadd.scan.msk.s32 $0xffff, v9  }
0x27a: {  	v11 =	vadd.s32 v11, v13;
	_ =	sdelay $0x3  }
0x27b: {  	v9 =	vsel vm0, $0xFFFFFFFF, v4  }
0x27c: {  	v9 =	vadd.s32 v9, v10;
	v10 =	vmov v11;
	v13, _, _ =	vpop (xrf0)  }
0x27d: {  	v9 =	vadd.s32 v13, v9  }
0x27e: {  	vm1 =	vgt.s32 v9, $0x0  }
0x27f: {  	v9 =	vnsel vm1, $0x0, v9  }
0x280: {  	v9 =	vmin.u32 v9, $0x27F;
	_ =	sdelay $0x1  }
.Ltmp17:
0x281: {  	(pc) =	sbr.rel @!p3 .LBB2_26-.Ltmp17, $3  }
0x282: {  	_ =	sdelay $0x1  }
0x283: {  	s18 =	sadd.s32 $0x10, s18;
	[tilespmem:v9+s0+$0x0] =	vst.idx.msk vm0, v12  }
0x284: {  	s19 =	sadd.s32 $0xFFFFFFFF, s19;
	v12 =	vld [tilespmem:s18+$0x0]  }
.Ltmp18:
0x285: {  	(pc) =	sbr.rel .LBB2_28-.Ltmp18, $2  }
0x286: {  	_ =	sdelay $0x2  }
0x287: {  	v9 =	vmov v11  }
.LBB2_25:
.Ltmp19:
0x288: {  	(pc) =	sbr.rel .LBB2_28-.Ltmp19, $2  }
0x289: {  	_ =	sdelay $0x2  }
0x28a: {  	s4 =	simm.s32 $0x0;
	v9 =	vmov v11;
	v10 =	vmov v11  }
.LBB2_29:
0x28b: {  	v7 =	vxor.u32 $0x80000000, v9  }
0x28c: {  	(xrf0) =	vmax.scan.msk.u32 $0xffff, v7;
	_ =	sdelay $0x5  }
0x28d: {  	v7, _, _ =	vpop (xrf0)  }
0x28e: {  	(v2sf) =	vpush v7, $0xF;
	_ =	sdelay $0xc  }
.Ltmp20:
0x28f: {  	_ = 	snop;
	(pc) =	sbr.rel .LBB2_30-.Ltmp20, $4  }
0x290: {  	_ = 	snop  }
0x291: {  	s4 =	spop (v2sf)  }
0x292: {  	s4 =	sxor.u32 $0x80000000, s4  }
0x293: {  	s16 =	simm.s32 $0x0;
	[smem:$0x15] =	sst s4  }
.LBB2_33:
0x294: {  	p2 =	sgt.u32 s16, $0xA3  }
0x295: {  	s4 =	sadd.s32 @!p2 $0x4, s16  }
0x296: {  	s12 =	sand.u32 @!p2 $0xFF, s4  }
0x297: {  	s12 =	smul.u32 @!p2 $0x87, s12;
	_ =	sdelay $0x1  }
0x298: {  	s12 =	sshrl.u32 @!p2 s12, $0x8  }
0x299: {  	s14 =	ssub.s32 @!p2 s4, s12  }
0x29a: {  	s14 =	sand.u32 @!p2 $0xFE, s14  }
0x29b: {  	s14 =	sshrl.u32 @!p2 s14, $0x1  }
0x29c: {  	s12 =	sadd.s32 @!p2 s12, s14  }
0x29d: {  	s12 =	sand.u32 @!p2 $0xF0, s12  }
0x29e: {  	s12 =	sshrl.u32 @!p2 s12, $0x4  }
0x29f: {  	s14 =	smul.u32 @!p2 $0x15, s12;
	_ =	sdelay $0x1  }
0x2a0: {  	s4 =	ssub.s32 @!p2 s4, s14  }
0x2a1: {  	s4 =	smul.u32 @!p2 $0xC, s4;
	_ =	sdelay $0x1  }
0x2a2: {  	s4 =	sand.u32 @!p2 $0xFC, s4  }
0x2a3: {  	s12 =	smul.u32 @!p2 $0xF4280, s12;
	s4 =	sadd.s32 @!p2 s4, s8  }
0x2a4: {  	s14 =	smul.u32 @!p2 $0xC000, s17;
	s4 =	sshll.u32 @!p2 s4, $0x7  }
0x2a5: {  	s16 =	sadd.s32 $0x1, s16;
	s12 =	sadd.s32 @!p2 s3, s12;
	s4 =	smin.u32 @!p2 s4, $0xF3C00  }
0x2a6: {  	s14 =	sshrl.u32 @!p2 s14, $0x2;
	s4 =	sadd.s32 @!p2 s4, s12;
	s12 =	simm.s32 @!p2 $0x0  }
0x2a7: {  	[tilespmem:s14], [sflag:$0x2] =	stream.linear.gather @!p2 [hbm4b:s4+s12], $0x3000, $0x38;
	[tilespmem:$0x1C600] =	vst v63  }
0x2a8: {  	p2 =	sne.s32 s16, $0xA8  }
.Ltmp21:
0x2a9: {  	_ = 	snop;
	(pc) =	sbr.rel @!p2 .LBB2_34-.Ltmp21, $1  }
0x2aa: {  	_ =	sdelay $0x3  }
.LBB2_30:
0x2ab: {  	s4 =	smul.u32 $0x87, s16;
	_ =	sdelay $0x1  }
0x2ac: {  	s4 =	sshrl.u32 s4, $0x8  }
0x2ad: {  	s12 =	ssub.s32 s16, s4  }
0x2ae: {  	s12 =	sand.u32 $0xFE, s12  }
0x2af: {  	s12 =	sshrl.u32 s12, $0x1  }
0x2b0: {  	s21 =	sadd.s32 s4, s12  }
0x2b1: {  	s4 =	sand.u32 $0xF0, s21  }
0x2b2: {  	s4 =	sshrl.u32 s4, $0x4  }
0x2b3: {  	s4 =	smul.u32 $0x15, s4  }
0x2b4: {  	_ =	swait.ge [sflag:s26], $0x3000  }
0x2b5: {  	[sflag:s26] =	ssyncset.done $0x0;
	s4 =	ssub.s32 s16, s4  }
0x2b6: {  	[sflag:s26] =	ssyncadd.s32 $0xFFFFD000;
	s12 =	sand.u32 $0xFF, s4  }
0x2b7: {  	s19 =	sld [smem:s12+$0x0]  }
0x2b8: {  	s20 =	sld [smem:s12+$0x1];
	_ =	sdelay $0x1  }
0x2b9: {  	s17 =	sshra.s32 s19, $0x1F;
	s14 =	sand.u32 $0xF, s19  }
0x2ba: {  	p2 =	slt.s32 s19, $0x1;
	s4 =	sshrl.u32 s17, $0x1C;
	s17 =	sadd.s32 $0xF, s20  }
0x2bb: {  	p3 =	sne.s32 s14, $0x0;
	s4 =	sadd.s32 s4, s19;
	s18 =	sand.u32 $0xF, s17  }
0x2bc: {  	p2 =	por !p2, !p3;
	p6 =	slt.s32 s17, $0x1;
	s14 =	sshra.s32 s17, $0x1F  }
0x2bd: {  	p4 =	sne.s32 s18, $0x0;
	s4 =	sshra.s32 s4, $0x4;
	p2 =	por !p2, !p2  }
0x2be: {  	s18 =	simm.s32 $0x1;
	s14 =	sshrl.u32 s14, $0x1C;
	p3 =	por !p6, !p4  }
0x2bf: {  	s14 =	sadd.s32 s14, s17;
	s17 =	simm.s32 $0x1;
	p3 =	por !p3, !p3  }
0x2c0: {  	s18 =	simm.s32 @!p2 $0x0;
	s14 =	sshra.s32 s14, $0x4;
	s17 =	simm.s32 @!p3 $0x0  }
0x2c1: {  	s4 =	ssub.s32 s4, s18;
	s18 =	ssub.s32 s14, s17  }
0x2c2: {  	p2 =	sge.s32 s4, s18  }
.Ltmp22:
0x2c3: {  	_ = 	snop;
	(pc) =	sbr.rel @p2 .LBB2_33-.Ltmp22, $2  }
0x2c4: {  	_ =	sdelay $0x2  }
0x2c5: {  	s17 =	sand.u32 $0x3, s16  }
0x2c6: {  	s14 =	sshrl.u32 s21, $0x1  }
0x2c7: {  	s12 =	smul.u32 $0xC, s12;
	s14 =	sand.u32 $0x78, s14  }
0x2c8: {  	v8 =	vmov s17;
	v7 =	vmov s14  }
0x2c9: {  	v11 =	vmul.u32 $0x3000, v8;
	s12 =	sadd.s32 s8, s12;
	v7 =	vshrl.u32 v7, $0x3  }
0x2ca: {  	s14 =	sshll.u32 s4, $0x6;
	s12 =	sshll.u32 s12, $0x7;
	v12 =	vmul.u32 $0x1400, v7  }
0x2cb: {  	v8 =	vmov s20;
	s20 =	sshra.s32 s14, $0x2;
	v11 =	vbroadcast v11, $0x0;
	s21 =	smin.u32 s12, $0xF3C00;
	v7 =	vmov s19  }
0x2cc: {  	v9 =	vmov s12;
	s19 =	sadd.s32 $0x1B780, s20;
	s20 =	sshll.u32 s4, $0x4;
	v10 =	vmov s21;
	v12 =	vbroadcast v12, $0x0  }
.LBB2_32:
0x2cd: {  	v13 =	vld [tilespmem:s19+$0x0];
	_ =	sdelay $0x7  }
0x2ce: {  	v14 =	vld.idx.msk [tilespmem:v13+s10+$0x0], $0xffff;
	_ =	sdelay $0x4  }
0x2cf: {  	v15 =	vsub.s32 v14, v10  }
0x2d0: {  	vm0 =	vgt.s32 v15, $0x0  }
0x2d1: {  	v16 =	vnsel vm0, $0x0, v15  }
0x2d2: {  	v16 =	vmin.u32 v16, $0x5FF  }
0x2d3: {  	v17 =	vshll.u32 v16, $0x3  }
0x2d4: {  	v18 =	vshll.u32 v13, $0x3;
	v17 =	vand.u32 $0x3C00, v17  }
0x2d5: {  	v18 =	vand.u32 $0xFFFFFC00, v18;
	v16 =	vand.u32 $0x7F, v16;
	v17 =	vadd.s32 v11, v17  }
0x2d6: {  	v19 =	vand.u32 $0x7F, v13;
	v46 =	vadd.s32 v12, v18;
	v16 =	vor.u32 v16, v17  }
0x2d7: {  	v17 =	vor.u32 v19, v46  }
0x2d8: {  	v47 =	vor.u32 $0x80, v16  }
0x2d9: {  	v19 =	vor.u32 $0x80, v17  }
0x2da: {  	v20 =	vor.u32 $0x100, v16  }
0x2db: {  	v22 =	vor.u32 $0x100, v17;
	v21 =	vld.idx.msk [tilespmem:v16+s6+$0x0], $0xffff  }
0x2dc: {  	v24 =	vor.u32 $0x180, v16;
	v23 =	vld.idx.msk [tilespmem:v17+s28+$0x0], $0xffff  }
0x2dd: {  	v25 =	vor.u32 $0x180, v17;
	v18 =	vld.idx.msk [tilespmem:v47+s6+$0x0], $0xffff  }
0x2de: {  	v26 =	vor.u32 $0x200, v16;
	v19 =	vld.idx.msk [tilespmem:v19+s28+$0x0], $0xffff  }
0x2df: {  	v27 =	vor.u32 $0x200, v17;
	v20 =	vld.idx.msk [tilespmem:v20+s6+$0x0], $0xffff  }
0x2e0: {  	v28 =	vor.u32 $0x280, v16;
	v22 =	vld.idx.msk [tilespmem:v22+s28+$0x0], $0xffff;
	v21 =	vmax.f32 v21, $0.0e+00  }
0x2e1: {  	v49 =	vor.u32 $0x280, v17;
	v48 =	vld.idx.msk [tilespmem:v24+s6+$0x0], $0xffff;
	v21 =	vmul.f32 v23, v21  }
0x2e2: {  	v29 =	vor.u32 $0x300, v16;
	v25 =	vld.idx.msk [tilespmem:v25+s28+$0x0], $0xffff;
	v18 =	vmax.f32 v18, $0.0e+00  }
0x2e3: {  	v51 =	vor.u32 $0x300, v17;
	v50 =	vld.idx.msk [tilespmem:v26+s6+$0x0], $0xffff;
	v18 =	vmul.f32 v19, v18;
	v21 =	vadd.f32 $0.0e+00, v21  }
0x2e4: {  	v16 =	vor.u32 $0x380, v16;
	v27 =	vld.idx.msk [tilespmem:v27+s28+$0x0], $0xffff;
	v20 =	vmax.f32 v20, $0.0e+00  }
0x2e5: {  	v17 =	vor.u32 $0x380, v17;
	v52 =	vld.idx.msk [tilespmem:v28+s6+$0x0], $0xffff;
	v20 =	vmul.f32 v22, v20;
	v18 =	vadd.f32 v18, v21  }
0x2e6: {  	v54 =	vld.idx.msk [tilespmem:v49+s28+$0x0], $0xffff;
	v53 =	vmax.f32 v48, $0.0e+00  }
0x2e7: {  	v56 =	vld.idx.msk [tilespmem:v29+s6+$0x0], $0xffff;
	v55 =	vmul.f32 v25, v53;
	v18 =	vadd.f32 v20, v18  }
0x2e8: {  	v57 =	vld.idx.msk [tilespmem:v51+s28+$0x0], $0xffff;
	v19 =	vmax.f32 v50, $0.0e+00  }
0x2e9: {  	v16 =	vld.idx.msk [tilespmem:v16+s6+$0x0], $0xffff;
	v19 =	vmul.f32 v27, v19;
	v18 =	vadd.f32 v55, v18  }
0x2ea: {  	v17 =	vld.idx.msk [tilespmem:v17+s28+$0x0], $0xffff;
	v58 =	vmax.f32 v52, $0.0e+00  }
0x2eb: {  	v60 =	vor.u32 s20, v5;
	v59 =	vmul.f32 v54, v58;
	v18 =	vadd.f32 v19, v18  }
0x2ec: {  	vm14 =	vge.s32 v60, v7;
	vm1 =	vlt.s32 v60, v8;
	v61 =	vmax.f32 v56, $0.0e+00  }
0x2ed: {  	vm2 =	vge.s32 v14, v9;
	v62 =	vmul.f32 v57, v61;
	v14 =	vadd.f32 v59, v18  }
0x2ee: {  	vm15 =	vlt.s32 v15, $0x600;
	vm0 =	vmand vm14, vm1;
	v15 =	vmax.f32 v16, $0.0e+00  }
0x2ef: {  	v63 =	vld.idx.msk [tilespmem:v13+s29+$0x0], $0xffff;
	vm1 =	vmand vm2, vm15;
	v15 =	vmul.f32 v17, v15;
	v14 =	vadd.f32 v62, v14  }
0x2f0: {  	s4 =	sadd.s32 $0x1, s4;
	vm0 =	vmand vm0, vm1  }
0x2f1: {  	p2 =	slt.s32 s4, s18;
	v14 =	vadd.f32 v15, v14  }
.Ltmp23:
0x2f2: {  	_ = 	snop;
	(pc) =	sbr.rel @p2 .LBB2_32-.Ltmp23, $3  }
0x2f3: {  	v14 =	vnsel vm0, $0x0, v14  }
0x2f4: {  	v14 =	vadd.f32 v14, v63;
	_ =	sdelay $0x1  }
0x2f5: {  	s19 =	sadd.s32 $0x10, s19;
	s20 =	sadd.s32 $0x10, s20;
	[tilespmem:v13+s29+$0x0] =	vst.idx.msk vm0, v14  }
.Ltmp24:
0x2f6: {  	_ = 	snop;
	(pc) =	sbr.rel .LBB2_33-.Ltmp24, $1  }
0x2f7: {  	_ =	sdelay $0x3  }
.LBB2_34:
.Ltmp25:
0x2f8: {  	(pc) =	sbr.rel @p0 .LBB2_44-.Ltmp25, $1  }
0x2f9: {  	_ =	sdelay $0x3  }
.Ltmp26:
0x2fa: {  	(pc) =	sbr.rel .LBB2_36-.Ltmp26, $2  }
0x2fb: {  	_ =	sdelay $0x2  }
0x2fc: {  	s16 =	simm.s32 $0x0  }
.LBB2_38:
0x2fd: {  	s20 =	simm.s32 $0x0;
	s19 =	simm.s32 $0x1A800  }
.LBB2_42:
0x2fe: {  	s4 =	sadd.s32 @p2 $0x10, s20  }
0x2ff: {  	s18 =	smov.u32 @p2 s4  }
0x300: {  	v9 =	vadd.s32 $0xFFF0BE00, v7;
	v10 =	vmov s18  }
0x301: {  	vm0 =	vgt.s32 v9, $0x0;
	v10 =	vshll.u32 v10, $0x3  }
0x302: {  	v11 =	vor.u32 s18, v5;
	v9 =	vnsel vm0, $0x0, v9;
	v10 =	vand.u32 $0xFFFFFC00, v10  }
0x303: {  	v9 =	vmin.u32 v9, $0x3F;
	v12 =	vand.u32 $0x7F, v11;
	v8 =	vadd.s32 v8, v10  }
0x304: {  	v8 =	vor.u32 v12, v8  }
0x305: {  	v48 =	vor.u32 $0x80, v9  }
0x306: {  	v12 =	vor.u32 $0x80, v8  }
0x307: {  	v13 =	vor.u32 $0x100, v9  }
0x308: {  	v15 =	vor.u32 $0x100, v8;
	v14 =	vld.idx.msk [tilespmem:v9+s30+$0x0], $0xffff  }
0x309: {  	v17 =	vor.u32 $0x180, v9;
	v16 =	vld.idx.msk [tilespmem:v8+s28+$0x0], $0xffff  }
0x30a: {  	v18 =	vor.u32 $0x180, v8;
	v10 =	vld.idx.msk [tilespmem:v48+s30+$0x0], $0xffff  }
0x30b: {  	v19 =	vor.u32 $0x200, v9;
	v12 =	vld.idx.msk [tilespmem:v12+s28+$0x0], $0xffff  }
0x30c: {  	v20 =	vor.u32 $0x200, v8;
	v13 =	vld.idx.msk [tilespmem:v13+s30+$0x0], $0xffff  }
0x30d: {  	v21 =	vor.u32 $0x280, v9;
	v15 =	vld.idx.msk [tilespmem:v15+s28+$0x0], $0xffff;
	v14 =	vmax.f32 v14, $0.0e+00  }
0x30e: {  	v22 =	vor.u32 $0x280, v8;
	v17 =	vld.idx.msk [tilespmem:v17+s30+$0x0], $0xffff;
	v14 =	vmul.f32 v16, v14  }
0x30f: {  	v50 =	vor.u32 $0x300, v9;
	v49 =	vld.idx.msk [tilespmem:v18+s28+$0x0], $0xffff;
	v10 =	vmax.f32 v10, $0.0e+00  }
0x310: {  	v23 =	vor.u32 $0x300, v8;
	v19 =	vld.idx.msk [tilespmem:v19+s30+$0x0], $0xffff;
	v10 =	vmul.f32 v12, v10;
	v14 =	vadd.f32 $0.0e+00, v14  }
0x311: {  	v9 =	vor.u32 $0x380, v9;
	v51 =	vld.idx.msk [tilespmem:v20+s28+$0x0], $0xffff;
	v13 =	vmax.f32 v13, $0.0e+00  }
0x312: {  	v52 =	vld.idx.msk [tilespmem:v21+s30+$0x0], $0xffff;
	v8 =	vor.u32 $0x380, v8;
	v13 =	vmul.f32 v15, v13;
	v10 =	vadd.f32 v10, v14  }
0x313: {  	v53 =	vld.idx.msk [tilespmem:v22+s28+$0x0], $0xffff;
	v54 =	vmax.f32 v17, $0.0e+00  }
0x314: {  	v55 =	vld.idx.msk [tilespmem:v50+s30+$0x0], $0xffff;
	v56 =	vmul.f32 v49, v54;
	v10 =	vadd.f32 v13, v10  }
0x315: {  	v57 =	vld.idx.msk [tilespmem:v23+s28+$0x0], $0xffff;
	v58 =	vmax.f32 v19, $0.0e+00  }
0x316: {  	v9 =	vld.idx.msk [tilespmem:v9+s30+$0x0], $0xffff;
	v12 =	vmul.f32 v51, v58;
	v10 =	vadd.f32 v56, v10  }
0x317: {  	v59 =	vmax.f32 v52, $0.0e+00;
	v8 =	vld.idx.msk [tilespmem:v8+s28+$0x0], $0xffff  }
0x318: {  	v60 =	vmul.f32 v53, v59;
	v10 =	vadd.f32 v12, v10  }
0x319: {  	v61 =	vmax.f32 v55, $0.0e+00  }
0x31a: {  	s4 =	sadd.s32 @p2 $0x10, s19;
	v62 =	vmul.f32 v57, v61;
	v10 =	vadd.f32 v60, v10  }
0x31b: {  	s17 =	smov.u32 @p2 s4;
	v9 =	vmax.f32 v9, $0.0e+00  }
0x31c: {  	v63 =	vld [tilespmem:s17+$0x0];
	v8 =	vmul.f32 v8, v9;
	v10 =	vadd.f32 v62, v10  }
0x31d: {  	v7 =	vand.u32 $0xFFFFFFC0, v7  }
0x31e: {  	vm15 =	veq.s32 v7, $0xF4200;
	vm1 =	vlt.s32 v11, v6;
	v7 =	vadd.f32 v8, v10  }
0x31f: {  	vm0 =	vmand vm1, vm15  }
0x320: {  	v7 =	vnsel vm0, $0x0, v7  }
0x321: {  	v7 =	vadd.f32 v7, v63;
	_ =	sdelay $0x1  }
0x322: {  	[tilespmem:s17+$0x0] =	vst v7  }
.LBB2_43:
0x323: {  	s16 =	sadd.s32 $0x1, s16  }
0x324: {  	p2 =	sne.s32 s16, $0x8  }
.Ltmp27:
0x325: {  	_ = 	snop;
	(pc) =	sbr.rel @!p2 .LBB2_44-.Ltmp27, $1  }
0x326: {  	_ =	sdelay $0x3  }
.LBB2_36:
0x327: {  	s4 =	smul.u32 $0x7A1400, s16;
	_ =	sdelay $0x1  }
0x328: {  	s4 =	sshrl.u32 s4, $0x3  }
0x329: {  	s4 =	sadd.s32 s3, s4  }
.Ltmp28:
0x32a: {  	s4 =	sadd.s32 $0xF4200, s4;
	(pc) =	sbr.rel @p1 .LBB2_43-.Ltmp28, $4  }
0x32b: {  	[tilespmem:s30], [sflag:$0x3] =	stream.linear.gather [hbm4b:s4+s6], $0x400, $0x38;
	[tilespmem:$0x1C600] =	vst v63  }
0x32c: {  	_ =	swait.ge [sflag:s23], $0x400  }
0x32d: {  	[sflag:s23] =	ssyncset.done $0x0  }
0x32e: {  	[sflag:s23] =	ssyncadd.s32 $0xFFFFFC00  }
0x32f: {  	s4 =	sshll.u32 s16, $0x3  }
0x330: {  	v7 =	vmov s4  }
0x331: {  	p3 =	sne.s32 s13, $0x1;
	v7 =	vshrl.u32 v7, $0x3  }
.Ltmp29:
0x332: {  	v7 =	vmul.u32 $0x1400, v7;
	(pc) =	sbr.rel @!p3 .LBB2_38-.Ltmp29, $4  }
0x333: {  	s21 =	simm.s32 $0x1AA80  }
0x334: {  	v8 =	vbroadcast v7, $0x0;
	v7 =	vld [tilespmem:s21+$0x0]  }
0x335: {  	s17 =	simm.s32 $0x1A800  }
0x336: {  	s18 =	simm.s32 $0x0;
	p2 =	por $0x0, $0x0;
	s4 =	sadd.s32 $0xFFFFFFFF, s13  }
0x337: {  	_ =	sdelay $0x1  }
0x338: {  	v10 =	vmov s18;
	v9 =	vadd.s32 $0xFFF0BE00, v7  }
0x339: {  	v10 =	vshll.u32 v10, $0x3;
	vm0 =	vgt.s32 v9, $0x0  }
0x33a: {  	v11 =	vor.u32 s18, v5;
	v10 =	vand.u32 $0xFFFFFC00, v10;
	v9 =	vnsel vm0, $0x0, v9  }
0x33b: {  	v12 =	vand.u32 $0x7F, v11;
	v10 =	vadd.s32 v8, v10;
	v9 =	vmin.u32 v9, $0x3F  }
0x33c: {  	v10 =	vor.u32 v12, v10  }
0x33d: {  	v49 =	vor.u32 $0x80, v9  }
0x33e: {  	v13 =	vor.u32 $0x80, v10  }
0x33f: {  	v14 =	vor.u32 $0x100, v9  }
0x340: {  	v16 =	vor.u32 $0x100, v10;
	v15 =	vld.idx.msk [tilespmem:v9+s30+$0x0], $0xffff  }
0x341: {  	v18 =	vor.u32 $0x180, v9;
	v17 =	vld.idx.msk [tilespmem:v10+s28+$0x0], $0xffff  }
0x342: {  	v19 =	vor.u32 $0x180, v10;
	v12 =	vld.idx.msk [tilespmem:v49+s30+$0x0], $0xffff  }
0x343: {  	v20 =	vor.u32 $0x200, v9;
	v13 =	vld.idx.msk [tilespmem:v13+s28+$0x0], $0xffff  }
0x344: {  	v21 =	vor.u32 $0x200, v10;
	v14 =	vld.idx.msk [tilespmem:v14+s30+$0x0], $0xffff  }
0x345: {  	v22 =	vor.u32 $0x280, v9;
	v16 =	vld.idx.msk [tilespmem:v16+s28+$0x0], $0xffff;
	v15 =	vmax.f32 v15, $0.0e+00  }
0x346: {  	v23 =	vor.u32 $0x280, v10;
	v18 =	vld.idx.msk [tilespmem:v18+s30+$0x0], $0xffff;
	v15 =	vmul.f32 v17, v15  }
0x347: {  	v51 =	vor.u32 $0x300, v9;
	v50 =	vld.idx.msk [tilespmem:v19+s28+$0x0], $0xffff;
	v12 =	vmax.f32 v12, $0.0e+00  }
0x348: {  	v24 =	vor.u32 $0x300, v10;
	v20 =	vld.idx.msk [tilespmem:v20+s30+$0x0], $0xffff;
	v12 =	vmul.f32 v13, v12;
	v15 =	vadd.f32 $0.0e+00, v15  }
0x349: {  	v52 =	vld.idx.msk [tilespmem:v21+s28+$0x0], $0xffff;
	v9 =	vor.u32 $0x380, v9;
	v14 =	vmax.f32 v14, $0.0e+00  }
0x34a: {  	v10 =	vor.u32 $0x380, v10;
	v53 =	vld.idx.msk [tilespmem:v22+s30+$0x0], $0xffff;
	v14 =	vmul.f32 v16, v14;
	v12 =	vadd.f32 v12, v15  }
0x34b: {  	v54 =	vld.idx.msk [tilespmem:v23+s28+$0x0], $0xffff;
	v55 =	vmax.f32 v18, $0.0e+00  }
0x34c: {  	v56 =	vld.idx.msk [tilespmem:v51+s30+$0x0], $0xffff;
	v57 =	vmul.f32 v50, v55;
	v12 =	vadd.f32 v14, v12  }
0x34d: {  	v58 =	vld.idx.msk [tilespmem:v24+s28+$0x0], $0xffff;
	v59 =	vmax.f32 v20, $0.0e+00  }
0x34e: {  	v9 =	vld.idx.msk [tilespmem:v9+s30+$0x0], $0xffff;
	v13 =	vmul.f32 v52, v59;
	v12 =	vadd.f32 v57, v12  }
0x34f: {  	v10 =	vld.idx.msk [tilespmem:v10+s28+$0x0], $0xffff;
	v60 =	vmax.f32 v53, $0.0e+00  }
0x350: {  	v61 =	vmul.f32 v54, v60;
	v12 =	vadd.f32 v13, v12  }
0x351: {  	v62 =	vmax.f32 v56, $0.0e+00  }
0x352: {  	v63 =	vmul.f32 v58, v62;
	v12 =	vadd.f32 v61, v12  }
0x353: {  	v9 =	vmax.f32 v9, $0.0e+00  }
0x354: {  	v9 =	vmul.f32 v10, v9;
	v10 =	vld [tilespmem:s17+$0x0];
	v12 =	vadd.f32 v63, v12  }
0x355: {  	v7 =	vand.u32 $0xFFFFFFC0, v7  }
0x356: {  	vm1 =	vlt.s32 v11, v6;
	vm15 =	veq.s32 v7, $0xF4200;
	v7 =	vadd.f32 v9, v12  }
0x357: {  	vm0 =	vmand vm1, vm15  }
0x358: {  	v7 =	vnsel vm0, $0x0, v7  }
0x359: {  	p3 =	sne.s32 s4, $0x1;
	v7 =	vadd.f32 v7, v10  }
.Ltmp30:
0x35a: {  	_ = 	snop;
	(pc) =	sbr.rel @!p3 .LBB2_40-.Ltmp30, $4  }
0x35b: {  	s21 =	simm.s32 $0x1AA90;
	[tilespmem:s17+$0x0] =	vst v7  }
0x35c: {  	v7 =	vld [tilespmem:s21+$0x0]  }
0x35d: {  	s4 =	sadd.s32 $0xFFFFFFFF, s4  }
0x35e: {  	p2 =	por $0x1, $0x1;
	s20 =	simm.s32 $0x0;
	s19 =	simm.s32 $0x1A800  }
.LBB2_41:
0x35f: {  	p3 =	sne.s32 s4, $0x1;
	_ =	sdelay $0x2  }
0x360: {  	s20 =	sadd.s32 $0x10, s20  }
0x361: {  	v9 =	vadd.s32 $0xFFF0BE00, v7;
	v10 =	vmov s20  }
0x362: {  	vm0 =	vgt.s32 v9, $0x0;
	v10 =	vshll.u32 v10, $0x3  }
0x363: {  	v11 =	vor.u32 s20, v5;
	v9 =	vnsel vm0, $0x0, v9;
	v10 =	vand.u32 $0xFFFFFC00, v10  }
0x364: {  	v12 =	vand.u32 $0x7F, v11;
	v9 =	vmin.u32 v9, $0x3F;
	v10 =	vadd.s32 v8, v10  }
0x365: {  	v10 =	vor.u32 v12, v10  }
0x366: {  	v12 =	vor.u32 $0x80, v9  }
0x367: {  	v13 =	vor.u32 $0x80, v10  }
0x368: {  	v14 =	vor.u32 $0x100, v9  }
0x369: {  	v16 =	vor.u32 $0x100, v10;
	v15 =	vld.idx.msk [tilespmem:v9+s30+$0x0], $0xffff  }
0x36a: {  	v18 =	vor.u32 $0x180, v9;
	v17 =	vld.idx.msk [tilespmem:v10+s28+$0x0], $0xffff  }
0x36b: {  	v19 =	vor.u32 $0x180, v10;
	v12 =	vld.idx.msk [tilespmem:v12+s30+$0x0], $0xffff  }
0x36c: {  	v20 =	vor.u32 $0x200, v9;
	v13 =	vld.idx.msk [tilespmem:v13+s28+$0x0], $0xffff  }
0x36d: {  	v21 =	vor.u32 $0x200, v10;
	v14 =	vld.idx.msk [tilespmem:v14+s30+$0x0], $0xffff  }
0x36e: {  	v22 =	vor.u32 $0x280, v9;
	v16 =	vld.idx.msk [tilespmem:v16+s28+$0x0], $0xffff  }
0x36f: {  	v23 =	vor.u32 $0x280, v10;
	v15 =	vmax.f32 v15, $0.0e+00;
	v18 =	vld.idx.msk [tilespmem:v18+s30+$0x0], $0xffff  }
0x370: {  	v15 =	vmul.f32 v17, v15;
	v17 =	vld.idx.msk [tilespmem:v19+s28+$0x0], $0xffff;
	v19 =	vor.u32 $0x300, v9  }
0x371: {  	v24 =	vor.u32 $0x300, v10;
	v12 =	vmax.f32 v12, $0.0e+00;
	v20 =	vld.idx.msk [tilespmem:v20+s30+$0x0], $0xffff  }
0x372: {  	v9 =	vor.u32 $0x380, v9;
	v15 =	vadd.f32 $0.0e+00, v15;
	v12 =	vmul.f32 v13, v12;
	v13 =	vld.idx.msk [tilespmem:v21+s28+$0x0], $0xffff  }
0x373: {  	v10 =	vor.u32 $0x380, v10;
	v14 =	vmax.f32 v14, $0.0e+00;
	v21 =	vld.idx.msk [tilespmem:v22+s30+$0x0], $0xffff  }
0x374: {  	v12 =	vadd.f32 v12, v15;
	v14 =	vmul.f32 v16, v14;
	v15 =	vld.idx.msk [tilespmem:v23+s28+$0x0], $0xffff  }
0x375: {  	v16 =	vmax.f32 v18, $0.0e+00;
	v18 =	vld.idx.msk [tilespmem:v19+s30+$0x0], $0xffff  }
0x376: {  	v12 =	vadd.f32 v14, v12;
	v14 =	vmul.f32 v17, v16;
	v16 =	vld.idx.msk [tilespmem:v24+s28+$0x0], $0xffff  }
0x377: {  	v17 =	vmax.f32 v20, $0.0e+00;
	v9 =	vld.idx.msk [tilespmem:v9+s30+$0x0], $0xffff  }
0x378: {  	v12 =	vadd.f32 v14, v12;
	v13 =	vmul.f32 v13, v17;
	v10 =	vld.idx.msk [tilespmem:v10+s28+$0x0], $0xffff  }
0x379: {  	v14 =	vmax.f32 v21, $0.0e+00  }
0x37a: {  	v12 =	vadd.f32 v13, v12;
	v13 =	vmul.f32 v15, v14  }
0x37b: {  	v14 =	vmax.f32 v18, $0.0e+00  }
0x37c: {  	v12 =	vadd.f32 v13, v12;
	v13 =	vmul.f32 v16, v14  }
0x37d: {  	s19 =	sadd.s32 $0x10, s19;
	v9 =	vmax.f32 v9, $0.0e+00  }
0x37e: {  	v12 =	vadd.f32 v13, v12;
	v9 =	vmul.f32 v10, v9;
	v10 =	vld [tilespmem:s19+$0x0]  }
0x37f: {  	v7 =	vand.u32 $0xFFFFFFC0, v7  }
0x380: {  	vm0 =	veq.s32 v7, $0xF4200;
	vm1 =	vlt.s32 v11, v6;
	v7 =	vadd.f32 v9, v12  }
0x381: {  	vm0 =	vmand vm1, vm0  }
.Ltmp31:
0x382: {  	v7 =	vnsel vm0, $0x0, v7;
	(pc) =	sbr.rel @p3 .LBB2_41-.Ltmp31, $3  }
0x383: {  	v7 =	vadd.f32 v7, v10;
	_ =	sdelay $0x1  }
0x384: {  	s21 =	sadd.s32 $0x10, s21;
	[tilespmem:s19+$0x0] =	vst v7  }
0x385: {  	s4 =	sadd.s32 $0xFFFFFFFF, s4;
	v7 =	vld [tilespmem:s21+$0x0]  }
.Ltmp32:
0x386: {  	_ = 	snop;
	(pc) =	sbr.rel .LBB2_42-.Ltmp32, $1  }
0x387: {  	_ =	sdelay $0x3  }
.LBB2_40:
.Ltmp33:
0x388: {  	(pc) =	sbr.rel .LBB2_42-.Ltmp33, $2  }
0x389: {  	_ =	sdelay $0x2  }
0x38a: {  	s20 =	simm.s32 $0x0;
	s19 =	simm.s32 $0x1A800  }
.LBB2_44:
.Ltmp34:
0x38b: {  	(pc) =	sbr.rel @p1 .LBB2_48-.Ltmp34, $1  }
0x38c: {  	_ =	sdelay $0x3  }
0x38d: {  	s4 =	sadd.s32 $0x7F, s9  }
0x38e: {  	s12 =	sshrl.u32 s4, $0x7  }
0x38f: {  	p1 =	sne.s32 s12, $0x1  }
.Ltmp35:
0x390: {  	_ = 	snop;
	(pc) =	sbr.rel @!p1 .LBB2_47-.Ltmp35, $4  }
0x391: {  	s9 =	simm.s32 $0x1A800;
	s4 =	simm.s32 $0x1AF80  }
0x392: {  	[spmem:s5] =	stream.indirect.scatter.add.f32 [tilespmem:s9], [sflag:$0x3], $0x1, s4, s31, $0xb8;
	[tilespmem:$0x1C600] =	vst v63  }
0x393: {  	_ =	swait.ge [sflag:s23], $0x80  }
0x394: {  	s12 =	sadd.s32 $0xFFFFFFFF, s12;
	[sflag:s23] =	ssyncset.done $0x0  }
.LBB2_46:
0x395: {  	[sflag:s23] =	ssyncadd.s32 $0xFFFFFF80  }
0x396: {  	s4 =	sadd.s32 $0x80, s4;
	s9 =	sadd.s32 $0x80, s9;
	p1 =	sne.s32 s12, $0x1  }
.Ltmp36:
0x397: {  	s12 =	sadd.s32 $0xFFFFFFFF, s12;
	(pc) =	sbr.rel @p1 .LBB2_46-.Ltmp36, $4  }
0x398: {  	_ = 	snop  }
0x399: {  	[spmem:s5] =	stream.indirect.scatter.add.f32 [tilespmem:s9], [sflag:$0x3], $0x1, s4, s31, $0xb8;
	[tilespmem:$0x1C600] =	vst v63  }
0x39a: {  	_ =	swait.ge [sflag:s23], $0x80  }
0x39b: {  	[sflag:s23] =	ssyncset.done $0x0  }
.Ltmp37:
0x39c: {  	_ = 	snop;
	(pc) =	sbr.rel .LBB2_47-.Ltmp37, $1  }
0x39d: {  	_ =	sdelay $0x3  }
.LBB2_50:
0x39e: {  	_ =	sfence.sel $0x180000  }
0x39f: {  	[bflag:$0x0] =	sbarrier.arrive $0xFFFF  }
0x3a0: {  	_ =	strace $0x90000047  }
0x3a1: {  	s0 =	stileid.u32;
	[bflag:$0x2] =	sbarrier.arrive $0xFFFF  }
0x3a2: {  	p0 =	sne.s32 s0, $0x0;
	s0 =	rddreg [dreg:$0x5]  }
0x3a3: {  	s0 =	sadd.s32 @!p0 $0x100000, s0  }
0x3a4: {  	[sflag:s0] =	ssyncadd.tile.s32 @!p0 $0x1;
	_ =	shalt  }
.Lfunc_end2:
_tile_overlayer_lowered:
.L_overlay_start_2:
0x3a5: {  	(tag) =	ssettag $0x2  }
0x3a6: {  	s0 =	rddreg [dreg:$0x0];
	s2 =	stileid.u32  }
0x3a7: {  	s1 =	rddreg [dreg:$0x1];
	p0 =	sne.s32 s2, $0x0  }
0x3a8: {  	s3 =	rddreg [dreg:$0x2];
	[bflag:$0x3] =	sbarrier.arrive $0xFFFF;
	s2 =	simm.s32 @!p0 $0x1C03  }
0x3a9: {  	[timem:s3], [sflag:s2] =	dma.local @!p0 [hbm:s0], s1  }
0x3aa: {  	s0 =	simm.s32 @!p0 $0x3  }
0x3ab: {  	_ =	swait.ge @!p0 [sflag:s0], s1  }
0x3ac: {  	s1 =	ssub.s32 @!p0 $0x0, s1;
	[sflag:s0] =	ssyncset.done @!p0 $0x0  }
0x3ad: {  	[sflag:s0] =	ssyncadd.s32 @!p0 s1  }
0x3ae: {  	[bflag:$0x3] =	sbarrier.arrive $0xFFFF  }
0x3af: {  	_ =	shalt  }

// kernel: _run.7.cloned.1.call-start
scs
__scs_entry_jumppad:
0x0: {  	(pc) =	sbr.rel $0x88, $3  }
0x1: {  	(tag) =	ssettag $0x0;
	lr =	simm.s32 $0x1  }
0x2: {  	[smem:$0x3F9D] =	sst lr;
	_ =	strace $0xD0000000  }
0x3: {  	_ = 	snop  }
0x4: {  	_ = 	snop  }
0x5: {  	_ = 	snop  }
0x6: {  	_ = 	snop  }
0x7: {  	_ = 	snop  }
__scs_overlays_trampoline_lowered:
0x8: {  	[smem:$0x3FAC] =	sst s0  }
0x9: {  	[smem:$0x3FAD] =	sst s1  }
0xa: {  	[smem:$0x3FAE] =	sst s2  }
0xb: {  	[smem:$0x3FAF] =	sst s3  }
0xc: {  	[smem:$0x3FB0] =	sst s4  }
0xd: {  	[smem:$0x3FB1] =	sst s5  }
0xe: {  	[smem:$0x3FB2] =	sst s6  }
0xf: {  	[smem:$0x3FB3] =	sst s7  }
0x10: {  	[smem:$0x3FB4] =	sst s8  }
0x11: {  	[smem:$0x3FB5] =	sst s9;
	s0 =	simm.s32 @!p0 $0x0  }
0x12: {  	s1 =	sld [smem:$0x3F9B];
	s0 =	simm.s32 @p0 $0x1  }
0x13: {  	[smem:$0x3FB6] =	sst s0;
	s0 =	simm.s32 @!p1 $0x0  }
0x14: {  	s2 =	sld [smem:$0x3F9A];
	s0 =	simm.s32 @p1 $0x1  }
0x15: {  	[smem:$0x3FB7] =	sst s0;
	s0 =	simm.s32 @!p2 $0x0  }
0x16: {  	s3 =	sld [smem:$0x3FDB];
	s0 =	simm.s32 @p2 $0x1  }
0x17: {  	s4 =	simm.s32 $0x1BF5;
	[smem:$0x3FB9] =	sst s0  }
0x18: {  	s0 =	sld [smem:$0x3F9C];
	_ =	swait.ge [sflag:s4], $0x0  }
0x19: {  	s7 =	sld [smem:$0x3F9D]  }
0x1a: {  	s8 =	sadd.s32 $0xFFFFE003, lr  }
0x1b: {  	s9 =	sadd.s32 $0xFFFFFEF7, lr;
	s5 =	simm.s32 $0xFFFFFFFF;
	p2 =	slt.u32 s8, $0xFFFFF086  }
0x1c: {  	p1 =	slt.u32 s9, $0xF7A;
	s5 =	simm.s32 @!p2 $0x0  }
0x1d: {  	s5 =	simm.s32 @p1 $0x1;
	p0 =	seq.s32 s7, s2  }
0x1e: {  	s7 =	smul.u32 @!p0 $0xF7A, s2;
	p2 =	seq.s32 @!p0 s5, $0x0  }
0x1f: {  	s9 =	smul.u32 $0xF7A, s1;
	s8 =	simm.s32 @!p0 $0x1BF5;
	p2 =	por !p2, p0  }
0x20: {  	[sflag:s8] =	ssyncset.s32 @!p0 $0xFFFFF086;
	s6 =	sadd.s32 @!p0 s3, s7;
	s7 =	simm.s32 @!p0 $0x108  }
0x21: {  	s3 =	sadd.s32 s3, s9;
	s6 =	sadd.s32 @!p0 $0x88, s6;
	s7 =	simm.s32 @p2 $0x1082  }
0x22: {  	[simem:s7], [sflag:s8] =	dma.local @!p0 [hbm:s6], $0xF7A  }
0x23: {  	s9 =	sor.u32 $0xD0000000, s2;
	s6 =	simm.s32 $0x108;
	_ =	swait.ge @!p0 [sflag:s8], $0x0  }
0x24: {  	s3 =	sadd.s32 $0x88, s3;
	s6 =	simm.s32 @!p1 $0x1082;
	[sflag:s4] =	ssyncset.s32 $0xFFFFF086  }
0x25: {  	[simem:s6], [sflag:s4] =	dma.local [hbm:s3], $0xF7A  }
0x26: {  	[smem:$0x3F9D] =	sst s1;
	(tag) =	ssettag s2;
	_ =	strace s9  }
0x27: {  	s1 =	sld [smem:$0x3FAD]  }
0x28: {  	s2 =	sld [smem:$0x3FAE]  }
0x29: {  	s4 =	sld [smem:$0x3FB0]  }
0x2a: {  	p0 =	seq.s32 s5, $0x0;
	s5 =	sld [smem:$0x3FB1]  }
0x2b: {  	s6 =	sld [smem:$0x3FB2]  }
0x2c: {  	s7 =	sld [smem:$0x3FB3]  }
0x2d: {  	s3 =	simm.s32 $0x108;
	s8 =	sld [smem:$0x3FB4]  }
0x2e: {  	s3 =	simm.s32 @!p0 $0x1082;
	s9 =	sld [smem:$0x3FB5]  }
0x2f: {  	lr =	sadd.s32 s0, s3;
	s0 =	sld [smem:$0x3FAC]  }
0x30: {  	s3 =	sld [smem:$0x3FAF]  }
0x31: {  	[smem:$0x3FB8] =	sst s10  }
0x32: {  	s10 =	sld [smem:$0x3FB6];
	_ =	sdelay $0x3  }
0x33: {  	p0 =	seq.s32 s10, $0x1;
	s10 =	sld [smem:$0x3FB8];
	_ =	sdelay $0x3  }
0x34: {  	[smem:$0x3FB8] =	sst s10  }
0x35: {  	s10 =	sld [smem:$0x3FB7];
	_ =	sdelay $0x3  }
0x36: {  	p1 =	seq.s32 s10, $0x1;
	s10 =	sld [smem:$0x3FB8];
	_ =	sdelay $0x3  }
0x37: {  	[smem:$0x3FB8] =	sst s10  }
0x38: {  	s10 =	sld [smem:$0x3FB9]  }
0x39: {  	_ = 	snop;
	(pc) =	sbr.ind lr, $3  }
0x3a: {  	_ = 	snop  }
0x3b: {  	_ = 	snop  }
0x3c: {  	p2 =	seq.s32 s10, $0x1;
	s10 =	sld [smem:$0x3FB8]  }
0x3d: {  	_ =	shalt  }
0x3e: {  	_ =	shalt  }
0x3f: {  	_ =	shalt  }
0x40: {  	_ =	shalt  }
0x41: {  	_ =	shalt  }
0x42: {  	_ =	shalt  }
0x43: {  	_ =	shalt  }
0x44: {  	_ =	shalt  }
0x45: {  	_ =	shalt  }
0x46: {  	_ =	shalt  }
0x47: {  	_ =	shalt  }
0x48: {  	_ =	shalt  }
0x49: {  	_ =	shalt  }
0x4a: {  	_ =	shalt  }
0x4b: {  	_ =	shalt  }
0x4c: {  	_ =	shalt  }
0x4d: {  	_ =	shalt  }
0x4e: {  	_ =	shalt  }
0x4f: {  	_ =	shalt  }
0x50: {  	_ =	shalt  }
0x51: {  	_ =	shalt  }
0x52: {  	_ =	shalt  }
0x53: {  	_ =	shalt  }
0x54: {  	_ =	shalt  }
0x55: {  	_ =	shalt  }
0x56: {  	_ =	shalt  }
0x57: {  	_ =	shalt  }
0x58: {  	_ =	shalt  }
0x59: {  	_ =	shalt  }
0x5a: {  	_ =	shalt  }
0x5b: {  	_ =	shalt  }
0x5c: {  	_ =	shalt  }
0x5d: {  	_ =	shalt  }
0x5e: {  	_ =	shalt  }
0x5f: {  	_ =	shalt  }
0x60: {  	_ =	shalt  }
0x61: {  	_ =	shalt  }
0x62: {  	_ =	shalt  }
0x63: {  	_ =	shalt  }
0x64: {  	_ =	shalt  }
0x65: {  	_ =	shalt  }
0x66: {  	_ =	shalt  }
0x67: {  	_ =	shalt  }
0x68: {  	_ =	shalt  }
0x69: {  	_ =	shalt  }
0x6a: {  	_ =	shalt  }
0x6b: {  	_ =	shalt  }
0x6c: {  	_ =	shalt  }
0x6d: {  	_ =	shalt  }
0x6e: {  	_ =	shalt  }
0x6f: {  	_ =	shalt  }
0x70: {  	_ =	shalt  }
0x71: {  	_ =	shalt  }
0x72: {  	_ =	shalt  }
0x73: {  	_ =	shalt  }
0x74: {  	_ =	shalt  }
0x75: {  	_ =	shalt  }
0x76: {  	_ =	shalt  }
0x77: {  	_ =	shalt  }
0x78: {  	_ =	shalt  }
0x79: {  	_ =	shalt  }
0x7a: {  	_ =	shalt  }
0x7b: {  	_ =	shalt  }
0x7c: {  	_ =	shalt  }
0x7d: {  	_ =	shalt  }
0x7e: {  	_ =	shalt  }
0x7f: {  	_ =	shalt  }
0x80: {  	_ =	shalt  }
0x81: {  	_ =	shalt  }
0x82: {  	_ =	shalt  }
0x83: {  	_ =	shalt  }
0x84: {  	_ =	shalt  }
0x85: {  	_ =	shalt  }
0x86: {  	_ =	shalt  }
0x87: {  	_ =	shalt  }
.Lfunc_end0:
.L_simem_size_0:
called_computation.1_lowered:
.L_overlay_start_0:
0x88: {  	s2 =	sld [smem:$0x3FD9]  }
0x89: {  	s3 =	sld [smem:$0x3FFE];
	_ =	sdelay $0x1  }
0x8a: {  	s1 =	srdreg.scid  }
0x8b: {  	s0 =	sand.u32 $0x1, s1  }
0x8c: {  	s17 =	sshll.u32 s0, $0xA;
	s2 =	sadd.s32 s3, s2  }
0x8d: {  	s2 =	sadd.s32 s2, s17  }
0x8e: {  	[smem:$0x3FC4] =	sst s2  }
0x8f: {  	_ = 	snop  }
0x90: {  	s2 =	sld [smem:$0x3FD0];
	(tm) =	ssettm $0x1  }
0x91: {  	s18 =	sld [smem:$0x3FFB];
	_ =	sdelay $0x3  }
0x92: {  	_ =	strace s18  }
0x93: {  	s3 =	sld [smem:$0x3FFC];
	_ =	sdelay $0x3  }
0x94: {  	_ =	strace s3  }
0x95: {  	s3 =	sld [smem:$0x3FFD];
	_ =	sdelay $0x3  }
0x96: {  	_ =	strace s3  }
0x97: {  	_ =	strace $0x8FFFFFFF  }
0x98: {  	s19 =	sld [smem:$0x3FDB];
	_ =	sdelay $0x1  }
0x99: {  	s4 =	simm.s32 $_scs_section_size  }
0x9a: {  	s5 =	simm.s32 $_size__tile_overlayer_lowered;
	s6 =	simm.s32 $_tile_overlayer_lowered  }
0x9b: {  	s22 =	simm.s32 $0x1BFF;
	s21 =	sshll.u32 s6, $0x1;
	s3 =	sadd.s32 s4, s19  }
0x9c: {  	s7 =	simm.s32 $0x0;
	s20 =	sshll.u32 s5, $0x1;
	s5 =	sadd.s32 s21, s3  }
0x9d: {  	[timem:s7], [sflag:s22] =	dma.local [hbm:s5], s20  }
0x9e: {  	_ =	swait.ge [sflag:s22], s20  }
0x9f: {  	s4 =	ssub.s32 $0x0, s20;
	[sflag:s22] =	ssyncset.done $0x0  }
0xa0: {  	[sflag:s22] =	ssyncadd.s32 s4;
	_ =	sdelay $0x1  }
0xa1: {  	s23 =	simm.s32 $0x1B8B  }
0xa2: {  	_ =	swait.ge [sflag:s23], $0x1  }
0xa3: {  	[sflag:s23] =	ssyncset.done $0x0  }
0xa4: {  	s25 =	simm.s32 $0x1B8E;
	s24 =	sld [smem:$0x3FFE];
	[sflag:s23] =	ssyncadd.s32 $0xFFFFFFFF  }
0xa5: {  	s26 =	simm.s32 $execute0_lowered;
	[smem:$0x3FD2] =	sst s25  }
0xa6: {  	s5 =	sshll.u32 s26, $0x1;
	_ =	strace $0x80000049;
	[dreg:$0x1] =	wrdreg $0xFFFFFFFF  }
0xa7: {  	s28 =	simm.s32 $_size_execute0_lowered;
	s3 =	sadd.s32 s3, s5;
	[dreg:$0x0] =	wrdreg $0x0  }
0xa8: {  	s5 =	sshll.u32 s28, $0x1;
	[dreg:$0x2] =	wrdreg s3  }
0xa9: {  	[dreg:$0x3] =	wrdreg s5  }
0xaa: {  	[dreg:$0x4] =	wrdreg $0xC0  }
0xab: {  	_ =	task [dreg:s7], $0x5FFFF  }
0xac: {  	[dreg:$0x1] =	wrdreg $0xFFFFFFFF  }
0xad: {  	[dreg:$0x0] =	wrdreg $0x60  }
0xae: {  	[dreg:$0x2] =	wrdreg s24  }
0xaf: {  	[dreg:$0x3] =	wrdreg s2  }
0xb0: {  	[dreg:$0x4] =	wrdreg $0x9  }
0xb1: {  	_ =	task.clear_ibuf [dreg:s7], $0x5FFFF;
	_ =	strace $0x90000049  }
0xb2: {  	s29 =	simm.s32 $0x9;
	_ =	strace $0x8000004B  }
0xb3: {  	_ =	swait.ge [sflag:s29], $0x1  }
0xb4: {  	[sflag:s29] =	ssyncadd.s32 $0xFFFFFFFF  }
0xb5: {  	_ =	strace $0x9000004B  }
0xb6: {  	_ =	sfence  }
0xb7: {  	s30 =	sld [smem:$0x0];
	_ =	sdelay $0x2  }
0xb8: {  	s31 =	sshll.u32 s1, $0xD;
	s1 =	sshrl.u32 s1, $0x2  }
0xb9: {  	s3 =	sand.u32 $0x4000, s31;
	s1 =	sadd.s32 s1, s30  }
0xba: {  	s0 =	sor.u32 s3, s0;
	s1 =	sshll.u32 s1, $0x11  }
0xbb: {  	s0 =	sor.u32 s1, s0  }
0xbc: {  	s0 =	sadd.s32 $0x8F2B, s0  }
0xbd: {  	[sflag:s0] =	ssyncadd.remote.s32 $0x1  }
0xbe: {  	_ =	sfence.sel $0xFFFF  }
0xbf: {  	[dreg:$0x0] =	wrdreg $0xFFFFFFFF;
	(pc) =	sbr.abs _section_cstart, $3  }
0xc0: {  	[dreg:$0x1] =	wrdreg $0xFFFFFFFF  }
0xc1: {  	_ =	task.clear_ibuf [dreg:s7], $0x2FFFF;
	_ =	strace $0x9FFFFFFF  }
0xc2: {  	(tm) =	ssettm $0x7FFFFFFF  }
0xc3: {  	_ =	shalt  }
tec
execute0_lowered:
.L_overlay_start_1:
0x0: {  	(tag) =	ssettag $0x1  }
0x1: {  	s1 =	srdreg.scid;
	s3 =	rddreg [dreg:$0x0]  }
0x2: {  	s0 =	stileid.u32;
	s5 =	rddreg [dreg:$0x1]  }
0x3: {  	s2 =	simm.s32 $0x0;
	s9 =	simm.s32 $0x1;
	s10 =	simm.s32 $0x200  }
0x4: {  	s11 =	simm.s32 $0x400;
	s12 =	simm.s32 $0x0;
	s4 =	sand.u32 $0x1, s1  }
0x5: {  	s6 =	sshll.u32 s0, $0xA;
	s1 =	rddreg [dreg:$0x2];
	s7 =	sshll.u32 s4, $0x9  }
0x6: {  	[smem:$0x7FF] =	sst s2;
	s4 =	ssub.s32 $0x2, s4;
	s6 =	sor.u32 s7, s6  }
0x7: {  	_ =	strace $0x8000004A;
	s31 =	sshrl.u32 s4, $0x1;
	s7 =	sshrl.u32 s6, $0x2  }
0x8: {  	s8 =	ssub.s32 s4, s31;
	s6 =	sshrl.u32 s6, $0x3;
	s7 =	sadd.s32 s7, s3  }
0x9: {  	s5 =	sadd.s32 s5, s6;
	s6 =	smax.u32 s8, $0x1;
	s8 =	simm.s32 $0x100  }
0xa: {  	s3 =	sadd.s32 $0x800, s7;
	s4 =	sadd.s32 $0x810, s7;
	s7 =	simm.s32 $0x80  }
.LBB2_1:
0xb: {  	[tilespmem:s2], [sflag:$0x1] =	stream.strided.gather [hbm4b:s3+s7], $0x200, s8, s7, $0x38;
	[tilespmem:$0x600] =	vst v63  }
0xc: {  	_ =	swait.ge [sflag:s9], $0x200  }
0xd: {  	[sflag:s9] =	ssyncset.done $0x0  }
0xe: {  	[sflag:s9] =	ssyncadd.s32 $0xFFFFFE00  }
0xf: {  	[tilespmem:s10], [sflag:$0x1] =	stream.strided.gather [hbm4b:s4+s7], $0x200, s8, s7, $0x38;
	[tilespmem:$0x600] =	vst v63  }
0x10: {  	_ =	swait.ge [sflag:s9], $0x200  }
0x11: {  	[sflag:s9] =	ssyncset.done $0x0  }
0x12: {  	s13 =	simm.s32 $0x0;
	[sflag:s9] =	ssyncadd.s32 $0xFFFFFE00  }
0x13: {  	v0 =	vld [tilespmem:s13+$0x0]  }
0x14: {  	s14 =	simm.s32 $0x40;
	v1 =	vld [tilespmem:s13+$0x200]  }
.LBB2_2:
0x15: {  	_ = 	snop  }
0x16: {  	p0 =	sne.s32 s14, $0x7C0  }
.Ltmp0:
0x17: {  	_ = 	snop;
	(pc) =	sbr.rel @p0 .LBB2_2-.Ltmp0, $4  }
0x18: {  	_ = 	snop  }
0x19: {  	s15 =	sshra.s32 s14, $0x2;
	v2 =	vadd.f32 v1, v0  }
0x1a: {  	v0 =	vld [tilespmem:s15+$0x0]  }
0x1b: {  	s14 =	sadd.s32 $0x40, s14;
	v1 =	vld [tilespmem:s15+$0x200];
	[tilespmem:s13+$0x400] =	vst v2;
	s13 =	smov.u32 s15  }
0x1c: {  	_ =	sdelay $0x3  }
0x1d: {  	s12 =	sadd.s32 $0x1, s12;
	v0 =	vadd.f32 v1, v0  }
0x1e: {  	p0 =	sne.s32 s12, s6  }
.Ltmp1:
0x1f: {  	[tilespmem:s13+$0x400] =	vst v0;
	(pc) =	sbr.rel @p0 .LBB2_1-.Ltmp1, $4  }
0x20: {  	[hbm4b:s5+s2] =	stream.linear.scatter [tilespmem:s11], [sflag:$0x1], $0x200, $0x38;
	[tilespmem:$0x600] =	vst v63  }
0x21: {  	_ =	swait.ge [sflag:s9], $0x200  }
0x22: {  	[sflag:s9] =	ssyncset.done $0x0  }
0x23: {  	[sflag:s9] =	ssyncadd.s32 $0xFFFFFE00  }
0x24: {  	_ =	sfence.sel $0x180000  }
0x25: {  	[bflag:$0x0] =	sbarrier.arrive $0xFFFF  }
0x26: {  	p0 =	sne.s32 s0, $0x0;
	_ =	strace $0x9000004A  }
0x27: {  	s0 =	sadd.s32 @!p0 $0x100000, s1;
	[bflag:$0x2] =	sbarrier.arrive $0xFFFF  }
0x28: {  	[sflag:s0] =	ssyncadd.tile.s32 @!p0 $0x1;
	_ =	shalt  }
.Lfunc_end2:
_tile_overlayer_lowered:
.L_overlay_start_2:
0x29: {  	(tag) =	ssettag $0x2  }
0x2a: {  	s0 =	rddreg [dreg:$0x0];
	s2 =	stileid.u32  }
0x2b: {  	s1 =	rddreg [dreg:$0x1];
	p0 =	sne.s32 s2, $0x0  }
0x2c: {  	s3 =	rddreg [dreg:$0x2];
	[bflag:$0x3] =	sbarrier.arrive $0xFFFF;
	s2 =	simm.s32 @!p0 $0x1C01  }
0x2d: {  	[timem:s3], [sflag:s2] =	dma.local @!p0 [hbm:s0], s1  }
0x2e: {  	s0 =	simm.s32 @!p0 $0x1  }
0x2f: {  	_ =	swait.ge @!p0 [sflag:s0], s1  }
0x30: {  	s1 =	ssub.s32 @!p0 $0x0, s1;
	[sflag:s0] =	ssyncset.done @!p0 $0x0  }
0x31: {  	[sflag:s0] =	ssyncadd.s32 @!p0 s1  }
0x32: {  	[bflag:$0x3] =	sbarrier.arrive $0xFFFF  }
0x33: {  	_ =	shalt  }

</sc_bundles>
